<compile_context>
chip_gen: v7x
topology: tpu7x:2x2x1
jax: 0.10.2.dev20260603
libtpu: 0.0.44.dev20260713+nightly
codegen_flags: <defaults>
</compile_context>

<pallas_src>
import functools

import jax
import jax.numpy as jnp
from jax import lax
from jax.experimental import pallas as pl
from jax.experimental.pallas import tpu as pltpu
from jax.experimental.pallas import tpu_sc as plsc

N_NODES = 10000
N_EDGES = 320000
F = 128
FH = 64
NC = 2
NS = 16
L = 16

N_PAD = 10240
ROWS_PER_TILE = N_PAD // NS
CHUNK = 128
SLAB = 16


def _sc_mesh():
    return plsc.VectorSubcoreMesh(
        core_axis_name="c", subcore_axis_name="s", num_cores=NC, num_subcores=NS)


HIST_PW = 10112


def _hist_body(idx_hbm, out_hbm, idxbuf, hist):
    c = lax.axis_index("c")
    s = lax.axis_index("s")
    w = c * NS + s
    ones = jnp.ones((L,), jnp.float32)
    zeros = jnp.zeros((L,), jnp.float32)
    for a in range(4):
        row = a * (NC * NS) + w
        pltpu.sync_copy(idx_hbm.at[row], idxbuf)

        def zstep(i, _):
            hist[pl.ds(i * L, L)] = zeros
            return 0

        lax.fori_loop(0, N_PAD // L, zstep, 0)

        def step(i, _):
            iv = idxbuf[pl.ds(i * L, L)]
            plsc.addupdate_scatter(hist, [iv], ones)
            return 0

        lax.fori_loop(0, HIST_PW // L, step, 0)
        pltpu.sync_copy(hist, out_hbm.at[row])


def _histograms(idx4):
    per_w = N_EDGES // (NC * NS)
    rows = idx4.reshape(4 * NC * NS, per_w)
    rows = jnp.pad(rows, ((0, 0), (0, HIST_PW - per_w)),
                   constant_values=N_PAD - 1)
    return pl.kernel(
        _hist_body,
        out_type=jax.ShapeDtypeStruct((4 * NC * NS, N_PAD), jnp.float32),
        mesh=_sc_mesh(),
        compiler_params=pltpu.CompilerParams(needs_layout_passes=False,
                                             disable_bounds_checks=True),
        scratch_types=[
            pltpu.VMEM((HIST_PW,), jnp.int32),
            pltpu.VMEM((N_PAD,), jnp.float32),
        ],
    )(rows)


def _agg_body(n_slabs, nh, h_hbm, sd_hbm, zeros_hbm, out_hbm,
              sd_v, rows0, rows1, sp_sh, gsem0, gsem1, ssem0, ssem1):
    c = lax.axis_index("c")
    s = lax.axis_index("s")
    for hf in range(2):
        trow = (0 if nh == 1 else c * 2) + hf
        for z in range(ROWS_PER_TILE // CHUNK):
            base = s * ROWS_PER_TILE + z * CHUNK
            pltpu.sync_copy(h_hbm.at[trow].at[pl.ds(base, CHUNK)], rows1)
            pltpu.sync_copy(rows1, sp_sh.at[pl.ds(base, CHUNK)])
        pltpu.sync_copy(zeros_hbm, rows0)
        for z in range(ROWS_PER_TILE // CHUNK):
            pltpu.sync_copy(
                rows0,
                sp_sh.at[pl.ds(N_PAD + s * ROWS_PER_TILE + z * CHUNK, CHUNK)])
        plsc.subcore_barrier()

        def outer(t, _):
            pltpu.sync_copy(sd_hbm.at[c].at[s].at[t], sd_v)

            @plsc.parallel_loop(0, SLAB // 2, 1, unroll=2)
            def inner(p):
                g0 = pltpu.async_copy(sp_sh.at[sd_v.at[2 * p]], rows0, gsem0)
                g1 = pltpu.async_copy(sp_sh.at[sd_v.at[2 * p + 1]], rows1,
                                      gsem1)
                g0.wait()
                s0 = pltpu.async_copy(rows0, sp_sh.at[sd_v.at[SLAB + 2 * p]],
                                      ssem0, add=True)
                g1.wait()
                s1 = pltpu.async_copy(rows1,
                                      sp_sh.at[sd_v.at[SLAB + 2 * p + 1]],
                                      ssem1, add=True)
                s0.wait()
                s1.wait()

            return 0

        lax.fori_loop(0, n_slabs, outer, 0)
        plsc.subcore_barrier()
        pltpu.sync_copy(
            sp_sh.at[pl.ds(N_PAD + s * ROWS_PER_TILE, ROWS_PER_TILE)],
            out_hbm.at[c * 2 + hf].at[pl.ds(s * ROWS_PER_TILE, ROWS_PER_TILE)])
        plsc.subcore_barrier()


def _aggregate(hsplit, sd_slab):
    nh = hsplit.shape[0]
    hsplit = hsplit.reshape(nh * 2, N_PAD, FH)
    n_slabs = sd_slab.shape[2]
    zeros = jnp.zeros((CHUNK, FH), jnp.float32)
    out = pl.kernel(
        functools.partial(_agg_body, n_slabs, nh),
        out_type=jax.ShapeDtypeStruct((4, N_PAD, FH), jnp.float32),
        mesh=_sc_mesh(),
        compiler_params=pltpu.CompilerParams(needs_layout_passes=False,
                                             use_tc_tiling_on_sc=False,
                                             disable_bounds_checks=True),
        scratch_types=[
            pltpu.VMEM((2 * SLAB, CHUNK), jnp.int32),
            pltpu.VMEM((CHUNK, FH), jnp.float32),
            pltpu.VMEM((CHUNK, FH), jnp.float32),
            pltpu.VMEM_SHARED((2 * N_PAD, FH), jnp.float32),
            pltpu.SemaphoreType.DMA,
            pltpu.SemaphoreType.DMA,
            pltpu.SemaphoreType.DMA,
            pltpu.SemaphoreType.DMA,
        ],
    )(hsplit, sd_slab, zeros)
    return out.reshape(2, 2, N_PAD, FH)


def _slab(src, dst, n_chunks):
    def prep(idx, pad_value):
        per_tile = idx.shape[1] // NS
        idx = idx.reshape(2, NS, per_tile)
        pad = n_chunks * CHUNK - per_tile
        idx = jnp.pad(idx, ((0, 0), (0, 0), (0, pad)), constant_values=pad_value)
        return idx.reshape(2, NS, n_chunks // SLAB, SLAB, CHUNK)

    sd = jnp.stack([prep(src, 0), prep(dst + N_PAD, N_PAD + N_NODES)], axis=3)
    return sd.reshape(2, NS, n_chunks // SLAB, 2 * SLAB, CHUNK)


def _tc_a_body(x_ref, wcat_ref, deg_ref, hs_ref, norms_ref):
    B = deg_ref.shape[1]
    degs = deg_ref[...].reshape(4, NC * NS, B).sum(axis=1)
    norms = lax.rsqrt(jnp.maximum(degs, 1.0))
    norms_ref[...] = norms
    y = jnp.dot(x_ref[...], wcat_ref[...], preferred_element_type=jnp.float32)
    n0 = norms[0][:, None]
    n2 = norms[2][:, None]
    hs_ref[0, 0] = y[:, 0 * FH:1 * FH] * n0
    hs_ref[0, 1] = y[:, 1 * FH:2 * FH] * n0
    hs_ref[1, 0] = y[:, 2 * FH:3 * FH] * n2
    hs_ref[1, 1] = y[:, 3 * FH:4 * FH] * n2


def _tc_a(x, wcat, deg_flat):
    B = 2048
    return pl.pallas_call(
        _tc_a_body,
        grid=(N_PAD // B,),
        in_specs=[
            pl.BlockSpec((B, F), lambda i: (i, 0)),
            pl.BlockSpec((F, 2 * F), lambda i: (0, 0)),
            pl.BlockSpec((4 * NC * NS, B), lambda i: (0, i)),
        ],
        out_specs=[
            pl.BlockSpec((2, 2, B, FH), lambda i: (0, 0, i, 0)),
            pl.BlockSpec((4, B), lambda i: (0, i)),
        ],
        out_shape=[
            jax.ShapeDtypeStruct((2, 2, N_PAD, FH), jnp.float32),
            jax.ShapeDtypeStruct((4, N_PAD), jnp.float32),
        ],
    )(x, wcat, deg_flat)


def _tc_c_body(agg_ref, norms_ref, b1i_ref, b1b_ref, w2_ref, h2_ref):
    nd_i = norms_ref[1][:, None]
    nd_b = norms_ref[3][:, None]
    ns_i = norms_ref[0][:, None]
    agg_i = jnp.concatenate([agg_ref[0, 0], agg_ref[0, 1]], axis=-1)
    agg_b = jnp.concatenate([agg_ref[1, 0], agg_ref[1, 1]], axis=-1)
    h = (jnp.maximum(agg_i * nd_i + b1i_ref[...], 0.0)
         + jnp.maximum(agg_b * nd_b + b1b_ref[...], 0.0))
    z = jnp.dot(h, w2_ref[...], preferred_element_type=jnp.float32) * ns_i
    h2_ref[0] = z[:, :FH]
    h2_ref[1] = z[:, FH:]


def _tc_c(agg, norms, b1i, b1b, w2):
    B = 2048
    return pl.pallas_call(
        _tc_c_body,
        grid=(N_PAD // B,),
        in_specs=[
            pl.BlockSpec((2, 2, B, FH), lambda i: (0, 0, i, 0)),
            pl.BlockSpec((4, B), lambda i: (0, i)),
            pl.BlockSpec((1, F), lambda i: (0, 0)),
            pl.BlockSpec((1, F), lambda i: (0, 0)),
            pl.BlockSpec((F, F), lambda i: (0, 0)),
        ],
        out_specs=pl.BlockSpec((2, B, FH), lambda i: (0, i, 0)),
        out_shape=jax.ShapeDtypeStruct((2, N_PAD, FH), jnp.float32),
    )(agg, norms, b1i, b1b, w2)


def _tc_e_body(p_ref, norms_ref, b2_ref, out_ref):
    nd_i = norms_ref[1][:, None]
    q = p_ref[0] + p_ref[1]
    out_ref[...] = jnp.concatenate([q[0], q[1]], axis=-1) * nd_i + b2_ref[...]


def _tc_e(p, norms, b2):
    B = 2048
    return pl.pallas_call(
        _tc_e_body,
        grid=(N_PAD // B,),
        in_specs=[
            pl.BlockSpec((2, 2, B, FH), lambda i: (0, 0, i, 0)),
            pl.BlockSpec((4, B), lambda i: (0, i)),
            pl.BlockSpec((1, F), lambda i: (0, 0)),
        ],
        out_specs=pl.BlockSpec((B, F), lambda i: (i, 0)),
        out_shape=jax.ShapeDtypeStruct((N_PAD, F), jnp.float32),
    )(p, norms, b2)


def kernel(x, edge_index_interacts, edge_index_behave, W1i, b1i, W1b, b1b, W2, b2):
    si = edge_index_interacts[0].astype(jnp.int32)
    di = edge_index_interacts[1].astype(jnp.int32)
    sb = edge_index_behave[0].astype(jnp.int32)
    db = edge_index_behave[1].astype(jnp.int32)

    idx4 = jnp.stack([si, di, sb, db])
    deg_flat = _histograms(idx4)

    x_pad = jnp.pad(x, ((0, N_PAD - N_NODES), (0, 0)))
    wcat = jnp.concatenate([W1i, W1b], axis=1)
    hsplit, norms = _tc_a(x_pad, wcat, deg_flat)

    n_chunks1 = -(-(N_EDGES // NS) // CHUNK)
    n_chunks1 = -(-n_chunks1 // SLAB) * SLAB
    sd1 = _slab(jnp.stack([si, sb]), jnp.stack([di, db]), n_chunks1)
    agg1 = _aggregate(hsplit, sd1)

    h2 = _tc_c(agg1, norms, b1i.reshape(1, F), b1b.reshape(1, F), W2)

    n_chunks2 = -(-(N_EDGES // (2 * NS)) // CHUNK)
    n_chunks2 = -(-n_chunks2 // SLAB) * SLAB
    sd2 = _slab(si.reshape(2, N_EDGES // 2), di.reshape(2, N_EDGES // 2), n_chunks2)
    p2 = _aggregate(h2.reshape(1, 2, N_PAD, FH), sd2)

    return _tc_e(p2, norms, b2.reshape(1, F))[:N_NODES]

# --- scband reference (transcript-rebuilt; emitter-appended) ---
"""Pipeline reference for scband-net-gcn-15324443312398 (READ-ONLY COPY).

The authoritative reference and input builder live on the scoring server;
editing this copy changes nothing except your own understanding.
"""

import jax, jax.numpy as jnp
import numpy as np

IN_FEATS = 128
H_FEATS = 128
O_FEATS = 128
N_NODES = 10000
N_EDGES = 320000


def _glorot(key, shape):
    fan_in, fan_out = shape[0], shape[1]
    limit = np.sqrt(6.0 / (fan_in + fan_out))
    return jax.random.uniform(key, shape, jnp.float32, -limit, limit)


def setup_inputs(seed: int = 0) -> dict:
    key = jax.random.key(seed)
    ks = jax.random.split(key, 10)
    x = jax.random.normal(ks[0], (N_NODES, IN_FEATS), jnp.float32)
    ei_interacts = jax.random.randint(ks[1], (2, N_EDGES), 0, N_NODES, jnp.int64)
    ei_behave = jax.random.randint(ks[2], (2, N_EDGES), 0, N_NODES, jnp.int64)
    W1i = _glorot(ks[3], (IN_FEATS, H_FEATS))
    b1i = jnp.zeros((H_FEATS,), jnp.float32)
    W1b = _glorot(ks[4], (IN_FEATS, H_FEATS))
    b1b = jnp.zeros((H_FEATS,), jnp.float32)
    W2 = _glorot(ks[5], (H_FEATS, O_FEATS))
    b2 = jnp.zeros((O_FEATS,), jnp.float32)
    return {
        'x': x,
        'edge_index_interacts': ei_interacts,
        'edge_index_behave': ei_behave,
        'W1i': W1i, 'b1i': b1i,
        'W1b': W1b, 'b1b': b1b,
        'W2': W2, 'b2': b2,
    }


def _graph_conv(x, src, dst, W, b, n_nodes, activation=False):
    # DGL GraphConv with norm='both': D_dst^{-1/2} A D_src^{-1/2} X W + b
    ones = jnp.ones(src.shape[0], x.dtype)
    deg_out = jnp.zeros((n_nodes,), x.dtype).at[src].add(ones)
    deg_in = jnp.zeros((n_nodes,), x.dtype).at[dst].add(ones)
    norm_src = jnp.power(jnp.clip(deg_out, 1.0, None), -0.5)
    norm_dst = jnp.power(jnp.clip(deg_in, 1.0, None), -0.5)
    h = x * norm_src[:, None]
    h = h @ W  # mult W first (in_feats >= out_feats path); math identical
    agg = jnp.zeros((n_nodes, W.shape[1]), x.dtype).at[dst].add(h[src])
    out = agg * norm_dst[:, None] + b
    if activation:
        out = jax.nn.relu(out)
    return out


def reference(x, edge_index_interacts, edge_index_behave, W1i, b1i, W1b, b1b, W2, b2):
    n = x.shape[0]
    si, di = edge_index_interacts[0], edge_index_interacts[1]
    sb, db = edge_index_behave[0], edge_index_behave[1]
    # conv1: HeteroGraphConv({'interacts': GraphConv(relu), 'behave': GraphConv(relu)}, aggregate='sum')
    h_i = _graph_conv(x, si, di, W1i, b1i, n, activation=True)
    h_b = _graph_conv(x, sb, db, W1b, b1b, n, activation=True)
    h = h_i + h_b
    # conv2: HeteroGraphConv({'interacts': GraphConv}, aggregate='sum')
    out = _graph_conv(h, si, di, W2, b2, n, activation=False)
    return out

if __name__ == "__main__":
    import jax
    _d = setup_inputs()
    print(jax.jit(kernel)(*tuple(_d.values())))

</pallas_src>

<mosaic_0001>
#map = affine_map<(d0, d1) -> (0, 0)>
module attributes {stable_mosaic.version = 14 : i64} {
  func.func @_hist_body(%arg0: i32, %arg1: i32, %arg2: memref<128x10112xi32, #tpu.memory_space<hbm>>, %arg3: memref<128x10240xf32, #tpu.memory_space<hbm>>, %arg4: memref<10112xi32, #tpu.memory_space<vmem>>, %arg5: memref<10240xf32, #tpu.memory_space<vmem>>) attributes {dimension_semantics = [#tpu.dimension_semantics<core_parallel>, #tpu.dimension_semantics<subcore_parallel>], iteration_bounds = array<i64: 2, 16>, scalar_prefetch = 0 : i64, scratch_operands = 2 : i64, tpu.core_type = #tpu.core_type<sc_vector_subcore>, window_params = [{transform_indices = #map}, {transform_indices = #map}]} {
    %mul3A = arith.constant 16 : i32
    %mul3A_0 = arith.muli %arg0, %mul3A : i32
    %add3A = arith.addi %mul3A_0, %arg1 : i32
    %broadcast_in_dim3A = arith.constant 1.000000e+00 : f32
    %broadcast_in_dim3A_1 = vector.broadcast %broadcast_in_dim3A : f32 to vector<16xf32>
    %broadcast_in_dim3A_2 = arith.constant 0.000000e+00 : f32
    %broadcast_in_dim3A_3 = vector.broadcast %broadcast_in_dim3A_2 : f32 to vector<16xf32>
    %add3A_4 = arith.constant 0 : i32
    %add3A_5 = arith.addi %add3A_4, %add3A : i32
    "tpu.region"() ({
      %run_scoped3A = tpu.sem_alloc : memref<!tpu.dma_semaphore, #tpu.memory_space<semaphore_mem>>
      %dma_start3A = arith.constant 0 : i32
      %dma_start3A_67 = tpu.memref_slice %arg2[%add3A_5, %dma_start3A] : memref<128x10112xi32, #tpu.memory_space<hbm>> -> memref<1x10112xi32, #tpu.memory_space<hbm>>
      %dma_start3A_68 = tpu.memref_squeeze %dma_start3A_67 : memref<1x10112xi32, #tpu.memory_space<hbm>> -> memref<10112xi32, #tpu.memory_space<hbm>>
      %dma_start3A_69 = arith.constant 0 : i32
      %dma_start3A_70 = tpu.memref_slice %arg2[%add3A_5, %dma_start3A_69] : memref<128x10112xi32, #tpu.memory_space<hbm>> -> memref<1x10112xi32, #tpu.memory_space<hbm>>
      %dma_start3A_71 = tpu.memref_squeeze %dma_start3A_70 : memref<1x10112xi32, #tpu.memory_space<hbm>> -> memref<10112xi32, #tpu.memory_space<hbm>>
      tpu.enqueue_dma source(%dma_start3A_71 : memref<10112xi32, #tpu.memory_space<hbm>>) target(%arg4 : memref<10112xi32, #tpu.memory_space<vmem>>) target_semaphore(%run_scoped3A : memref<!tpu.dma_semaphore, #tpu.memory_space<semaphore_mem>>)
      %dma_wait3A = arith.constant 0 : i32
      %dma_wait3A_72 = tpu.memref_slice %arg2[%add3A_5, %dma_wait3A] : memref<128x10112xi32, #tpu.memory_space<hbm>> -> memref<1x10112xi32, #tpu.memory_space<hbm>>
      %dma_wait3A_73 = tpu.memref_squeeze %dma_wait3A_72 : memref<1x10112xi32, #tpu.memory_space<hbm>> -> memref<10112xi32, #tpu.memory_space<hbm>>
      %dma_wait3A_74 = arith.constant 0 : i32
      %dma_wait3A_75 = tpu.memref_slice %arg2[%add3A_5, %dma_wait3A_74] : memref<128x10112xi32, #tpu.memory_space<hbm>> -> memref<1x10112xi32, #tpu.memory_space<hbm>>
      %dma_wait3A_76 = tpu.memref_squeeze %dma_wait3A_75 : memref<1x10112xi32, #tpu.memory_space<hbm>> -> memref<10112xi32, #tpu.memory_space<hbm>>
      tpu.wait_dma2 semaphore(%run_scoped3A : memref<!tpu.dma_semaphore, #tpu.memory_space<semaphore_mem>>) src(%dma_wait3A_76 : memref<10112xi32, #tpu.memory_space<hbm>>) dst(%arg4 : memref<10112xi32, #tpu.memory_space<vmem>>)
      tpu.yield
    }) : () -> ()
    %scan3A = arith.constant 0 : i32
    %scan3A_6 = arith.constant 0 : i32
    %scan3A_7 = arith.constant 640 : i32
    %scan3A_8 = arith.addi %scan3A_6, %scan3A_7 : i32
    %scan3A_9 = arith.constant 1 : i32
    %scan3A_10 = scf.for %scan3A_67 = %scan3A_6 to %scan3A_8 step %scan3A_9 iter_args(%scan3A_68 = %scan3A) -> (i32)  : i32 {
      %mul3A_69 = arith.constant 16 : i32
      %mul3A_70 = arith.muli %scan3A_67, %mul3A_69 : i32
      %swap3A = arith.index_cast %mul3A_70 : i32 to index
      %swap3A_71 = tpu.vector_load %arg5[%swap3A] {strides = array<i32>} : memref<10240xf32, #tpu.memory_space<vmem>>, vector<16xf32>,
      tpu.vector_store %arg5[%swap3A], %broadcast_in_dim3A_3 {strides = array<i32>} : memref<10240xf32, #tpu.memory_space<vmem>>, vector<16xf32>,
      %scan3A_72 = arith.constant 0 : i32
      scf.yield %scan3A_72 : i32
    }
    %scan3A_11 = arith.constant 640 : i32
    %scan3A_12 = arith.constant 0 : i32
    %scan3A_13 = arith.constant 0 : i32
    %scan3A_14 = arith.constant 632 : i32
    %scan3A_15 = arith.addi %scan3A_13, %scan3A_14 : i32
    %scan3A_16 = arith.constant 1 : i32
    %scan3A_17 = scf.for %scan3A_67 = %scan3A_13 to %scan3A_15 step %scan3A_16 iter_args(%scan3A_68 = %scan3A_12) -> (i32)  : i32 {
      %mul3A_69 = arith.constant 16 : i32
      %mul3A_70 = arith.muli %scan3A_67, %mul3A_69 : i32
      %get3A = arith.index_cast %mul3A_70 : i32 to index
      %get3A_71 = tpu.vector_load %arg4[%get3A] {strides = array<i32>} : memref<10112xi32, #tpu.memory_space<vmem>>, vector<16xi32>,
      tpu.vector_store_idx %arg5[%get3A_71], %broadcast_in_dim3A_1 {add = true} : memref<10240xf32, #tpu.memory_space<vmem>>[vector<16xi32>], vector<16xf32>,
      %scan3A_72 = arith.constant 0 : i32
      scf.yield %scan3A_72 : i32
    }
    %scan3A_18 = arith.constant 632 : i32
    "tpu.region"() ({
      %run_scoped3A = tpu.sem_alloc : memref<!tpu.dma_semaphore, #tpu.memory_space<semaphore_mem>>
      %dma_start3A = arith.constant 0 : i32
      %dma_start3A_67 = tpu.memref_slice %arg3[%add3A_5, %dma_start3A] : memref<128x10240xf32, #tpu.memory_space<hbm>> -> memref<1x10240xf32, #tpu.memory_space<hbm>>
      %dma_start3A_68 = tpu.memref_squeeze %dma_start3A_67 : memref<1x10240xf32, #tpu.memory_space<hbm>> -> memref<10240xf32, #tpu.memory_space<hbm>>
      %dma_start3A_69 = arith.constant 0 : i32
      %dma_start3A_70 = tpu.memref_slice %arg3[%add3A_5, %dma_start3A_69] : memref<128x10240xf32, #tpu.memory_space<hbm>> -> memref<1x10240xf32, #tpu.memory_space<hbm>>
      %dma_start3A_71 = tpu.memref_squeeze %dma_start3A_70 : memref<1x10240xf32, #tpu.memory_space<hbm>> -> memref<10240xf32, #tpu.memory_space<hbm>>
      tpu.enqueue_dma source(%arg5 : memref<10240xf32, #tpu.memory_space<vmem>>) target(%dma_start3A_71 : memref<10240xf32, #tpu.memory_space<hbm>>) target_semaphore(%run_scoped3A : memref<!tpu.dma_semaphore, #tpu.memory_space<semaphore_mem>>)
      %dma_wait3A = arith.constant 0 : i32
      %dma_wait3A_72 = tpu.memref_slice %arg3[%add3A_5, %dma_wait3A] : memref<128x10240xf32, #tpu.memory_space<hbm>> -> memref<1x10240xf32, #tpu.memory_space<hbm>>
      %dma_wait3A_73 = tpu.memref_squeeze %dma_wait3A_72 : memref<1x10240xf32, #tpu.memory_space<hbm>> -> memref<10240xf32, #tpu.memory_space<hbm>>
      %dma_wait3A_74 = arith.constant 0 : i32
      %dma_wait3A_75 = tpu.memref_slice %arg3[%add3A_5, %dma_wait3A_74] : memref<128x10240xf32, #tpu.memory_space<hbm>> -> memref<1x10240xf32, #tpu.memory_space<hbm>>
      %dma_wait3A_76 = tpu.memref_squeeze %dma_wait3A_75 : memref<1x10240xf32, #tpu.memory_space<hbm>> -> memref<10240xf32, #tpu.memory_space<hbm>>
      tpu.wait_dma2 semaphore(%run_scoped3A : memref<!tpu.dma_semaphore, #tpu.memory_space<semaphore_mem>>) src(%arg5 : memref<10240xf32, #tpu.memory_space<vmem>>) dst(%dma_wait3A_76 : memref<10240xf32, #tpu.memory_space<hbm>>)
      tpu.yield
    }) : () -> ()
    %add3A_19 = arith.constant 32 : i32
    %add3A_20 = arith.addi %add3A_19, %add3A : i32
    "tpu.region"() ({
      %run_scoped3A = tpu.sem_alloc : memref<!tpu.dma_semaphore, #tpu.memory_space<semaphore_mem>>
      %dma_start3A = arith.constant 0 : i32
      %dma_start3A_67 = tpu.memref_slice %arg2[%add3A_20, %dma_start3A] : memref<128x10112xi32, #tpu.memory_space<hbm>> -> memref<1x10112xi32, #tpu.memory_space<hbm>>
      %dma_start3A_68 = tpu.memref_squeeze %dma_start3A_67 : memref<1x10112xi32, #tpu.memory_space<hbm>> -> memref<10112xi32, #tpu.memory_space<hbm>>
      %dma_start3A_69 = arith.constant 0 : i32
      %dma_start3A_70 = tpu.memref_slice %arg2[%add3A_20, %dma_start3A_69] : memref<128x10112xi32, #tpu.memory_space<hbm>> -> memref<1x10112xi32, #tpu.memory_space<hbm>>
      %dma_start3A_71 = tpu.memref_squeeze %dma_start3A_70 : memref<1x10112xi32, #tpu.memory_space<hbm>> -> memref<10112xi32, #tpu.memory_space<hbm>>
      tpu.enqueue_dma source(%dma_start3A_71 : memref<10112xi32, #tpu.memory_space<hbm>>) target(%arg4 : memref<10112xi32, #tpu.memory_space<vmem>>) target_semaphore(%run_scoped3A : memref<!tpu.dma_semaphore, #tpu.memory_space<semaphore_mem>>)
      %dma_wait3A = arith.constant 0 : i32
      %dma_wait3A_72 = tpu.memref_slice %arg2[%add3A_20, %dma_wait3A] : memref<128x10112xi32, #tpu.memory_space<hbm>> -> memref<1x10112xi32, #tpu.memory_space<hbm>>
      %dma_wait3A_73 = tpu.memref_squeeze %dma_wait3A_72 : memref<1x10112xi32, #tpu.memory_space<hbm>> -> memref<10112xi32, #tpu.memory_space<hbm>>
      %dma_wait3A_74 = arith.constant 0 : i32
      %dma_wait3A_75 = tpu.memref_slice %arg2[%add3A_20, %dma_wait3A_74] : memref<128x10112xi32, #tpu.memory_space<hbm>> -> memref<1x10112xi32, #tpu.memory_space<hbm>>
      %dma_wait3A_76 = tpu.memref_squeeze %dma_wait3A_75 : memref<1x10112xi32, #tpu.memory_space<hbm>> -> memref<10112xi32, #tpu.memory_space<hbm>>
      tpu.wait_dma2 semaphore(%run_scoped3A : memref<!tpu.dma_semaphore, #tpu.memory_space<semaphore_mem>>) src(%dma_wait3A_76 : memref<10112xi32, #tpu.memory_space<hbm>>) dst(%arg4 : memref<10112xi32, #tpu.memory_space<vmem>>)
      tpu.yield
    }) : () -> ()
    %scan3A_21 = arith.constant 0 : i32
    %scan3A_22 = arith.constant 0 : i32
    %scan3A_23 = arith.constant 640 : i32
    %scan3A_24 = arith.addi %scan3A_22, %scan3A_23 : i32
    %scan3A_25 = arith.constant 1 : i32
    %scan3A_26 = scf.for %scan3A_67 = %scan3A_22 to %scan3A_24 step %scan3A_25 iter_args(%scan3A_68 = %scan3A_21) -> (i32)  : i32 {
      %mul3A_69 = arith.constant 16 : i32
      %mul3A_70 = arith.muli %scan3A_67, %mul3A_69 : i32
      %swap3A = arith.index_cast %mul3A_70 : i32 to index
      %swap3A_71 = tpu.vector_load %arg5[%swap3A] {strides = array<i32>} : memref<10240xf32, #tpu.memory_space<vmem>>, vector<16xf32>,
      tpu.vector_store %arg5[%swap3A], %broadcast_in_dim3A_3 {strides = array<i32>} : memref<10240xf32, #tpu.memory_space<vmem>>, vector<16xf32>,
      %scan3A_72 = arith.constant 0 : i32
      scf.yield %scan3A_72 : i32
    }
    %scan3A_27 = arith.constant 640 : i32
    %scan3A_28 = arith.constant 0 : i32
    %scan3A_29 = arith.constant 0 : i32
    %scan3A_30 = arith.constant 632 : i32
    %scan3A_31 = arith.addi %scan3A_29, %scan3A_30 : i32
    %scan3A_32 = arith.constant 1 : i32
    %scan3A_33 = scf.for %scan3A_67 = %scan3A_29 to %scan3A_31 step %scan3A_32 iter_args(%scan3A_68 = %scan3A_28) -> (i32)  : i32 {
      %mul3A_69 = arith.constant 16 : i32
      %mul3A_70 = arith.muli %scan3A_67, %mul3A_69 : i32
      %get3A = arith.index_cast %mul3A_70 : i32 to index
      %get3A_71 = tpu.vector_load %arg4[%get3A] {strides = array<i32>} : memref<10112xi32, #tpu.memory_space<vmem>>, vector<16xi32>,
      tpu.vector_store_idx %arg5[%get3A_71], %broadcast_in_dim3A_1 {add = true} : memref<10240xf32, #tpu.memory_space<vmem>>[vector<16xi32>], vector<16xf32>,
      %scan3A_72 = arith.constant 0 : i32
      scf.yield %scan3A_72 : i32
    }
    %scan3A_34 = arith.constant 632 : i32
    "tpu.region"() ({
      %run_scoped3A = tpu.sem_alloc : memref<!tpu.dma_semaphore, #tpu.memory_space<semaphore_mem>>
      %dma_start3A = arith.constant 0 : i32
      %dma_start3A_67 = tpu.memref_slice %arg3[%add3A_20, %dma_start3A] : memref<128x10240xf32, #tpu.memory_space<hbm>> -> memref<1x10240xf32, #tpu.memory_space<hbm>>
      %dma_start3A_68 = tpu.memref_squeeze %dma_start3A_67 : memref<1x10240xf32, #tpu.memory_space<hbm>> -> memref<10240xf32, #tpu.memory_space<hbm>>
      %dma_start3A_69 = arith.constant 0 : i32
      %dma_start3A_70 = tpu.memref_slice %arg3[%add3A_20, %dma_start3A_69] : memref<128x10240xf32, #tpu.memory_space<hbm>> -> memref<1x10240xf32, #tpu.memory_space<hbm>>
      %dma_start3A_71 = tpu.memref_squeeze %dma_start3A_70 : memref<1x10240xf32, #tpu.memory_space<hbm>> -> memref<10240xf32, #tpu.memory_space<hbm>>
      tpu.enqueue_dma source(%arg5 : memref<10240xf32, #tpu.memory_space<vmem>>) target(%dma_start3A_71 : memref<10240xf32, #tpu.memory_space<hbm>>) target_semaphore(%run_scoped3A : memref<!tpu.dma_semaphore, #tpu.memory_space<semaphore_mem>>)
      %dma_wait3A = arith.constant 0 : i32
      %dma_wait3A_72 = tpu.memref_slice %arg3[%add3A_20, %dma_wait3A] : memref<128x10240xf32, #tpu.memory_space<hbm>> -> memref<1x10240xf32, #tpu.memory_space<hbm>>
      %dma_wait3A_73 = tpu.memref_squeeze %dma_wait3A_72 : memref<1x10240xf32, #tpu.memory_space<hbm>> -> memref<10240xf32, #tpu.memory_space<hbm>>
      %dma_wait3A_74 = arith.constant 0 : i32
      %dma_wait3A_75 = tpu.memref_slice %arg3[%add3A_20, %dma_wait3A_74] : memref<128x10240xf32, #tpu.memory_space<hbm>> -> memref<1x10240xf32, #tpu.memory_space<hbm>>
      %dma_wait3A_76 = tpu.memref_squeeze %dma_wait3A_75 : memref<1x10240xf32, #tpu.memory_space<hbm>> -> memref<10240xf32, #tpu.memory_space<hbm>>
      tpu.wait_dma2 semaphore(%run_scoped3A : memref<!tpu.dma_semaphore, #tpu.memory_space<semaphore_mem>>) src(%arg5 : memref<10240xf32, #tpu.memory_space<vmem>>) dst(%dma_wait3A_76 : memref<10240xf32, #tpu.memory_space<hbm>>)
      tpu.yield
    }) : () -> ()
    %add3A_35 = arith.constant 64 : i32
    %add3A_36 = arith.addi %add3A_35, %add3A : i32
    "tpu.region"() ({
      %run_scoped3A = tpu.sem_alloc : memref<!tpu.dma_semaphore, #tpu.memory_space<semaphore_mem>>
      %dma_start3A = arith.constant 0 : i32
      %dma_start3A_67 = tpu.memref_slice %arg2[%add3A_36, %dma_start3A] : memref<128x10112xi32, #tpu.memory_space<hbm>> -> memref<1x10112xi32, #tpu.memory_space<hbm>>
      %dma_start3A_68 = tpu.memref_squeeze %dma_start3A_67 : memref<1x10112xi32, #tpu.memory_space<hbm>> -> memref<10112xi32, #tpu.memory_space<hbm>>
      %dma_start3A_69 = arith.constant 0 : i32
      %dma_start3A_70 = tpu.memref_slice %arg2[%add3A_36, %dma_start3A_69] : memref<128x10112xi32, #tpu.memory_space<hbm>> -> memref<1x10112xi32, #tpu.memory_space<hbm>>
      %dma_start3A_71 = tpu.memref_squeeze %dma_start3A_70 : memref<1x10112xi32, #tpu.memory_space<hbm>> -> memref<10112xi32, #tpu.memory_space<hbm>>
      tpu.enqueue_dma source(%dma_start3A_71 : memref<10112xi32, #tpu.memory_space<hbm>>) target(%arg4 : memref<10112xi32, #tpu.memory_space<vmem>>) target_semaphore(%run_scoped3A : memref<!tpu.dma_semaphore, #tpu.memory_space<semaphore_mem>>)
      %dma_wait3A = arith.constant 0 : i32
      %dma_wait3A_72 = tpu.memref_slice %arg2[%add3A_36, %dma_wait3A] : memref<128x10112xi32, #tpu.memory_space<hbm>> -> memref<1x10112xi32, #tpu.memory_space<hbm>>
      %dma_wait3A_73 = tpu.memref_squeeze %dma_wait3A_72 : memref<1x10112xi32, #tpu.memory_space<hbm>> -> memref<10112xi32, #tpu.memory_space<hbm>>
      %dma_wait3A_74 = arith.constant 0 : i32
      %dma_wait3A_75 = tpu.memref_slice %arg2[%add3A_36, %dma_wait3A_74] : memref<128x10112xi32, #tpu.memory_space<hbm>> -> memref<1x10112xi32, #tpu.memory_space<hbm>>
      %dma_wait3A_76 = tpu.memref_squeeze %dma_wait3A_75 : memref<1x10112xi32, #tpu.memory_space<hbm>> -> memref<10112xi32, #tpu.memory_space<hbm>>
      tpu.wait_dma2 semaphore(%run_scoped3A : memref<!tpu.dma_semaphore, #tpu.memory_space<semaphore_mem>>) src(%dma_wait3A_76 : memref<10112xi32, #tpu.memory_space<hbm>>) dst(%arg4 : memref<10112xi32, #tpu.memory_space<vmem>>)
      tpu.yield
    }) : () -> ()
    %scan3A_37 = arith.constant 0 : i32
    %scan3A_38 = arith.constant 0 : i32
    %scan3A_39 = arith.constant 640 : i32
    %scan3A_40 = arith.addi %scan3A_38, %scan3A_39 : i32
    %scan3A_41 = arith.constant 1 : i32
    %scan3A_42 = scf.for %scan3A_67 = %scan3A_38 to %scan3A_40 step %scan3A_41 iter_args(%scan3A_68 = %scan3A_37) -> (i32)  : i32 {
      %mul3A_69 = arith.constant 16 : i32
      %mul3A_70 = arith.muli %scan3A_67, %mul3A_69 : i32
      %swap3A = arith.index_cast %mul3A_70 : i32 to index
      %swap3A_71 = tpu.vector_load %arg5[%swap3A] {strides = array<i32>} : memref<10240xf32, #tpu.memory_space<vmem>>, vector<16xf32>,
      tpu.vector_store %arg5[%swap3A], %broadcast_in_dim3A_3 {strides = array<i32>} : memref<10240xf32, #tpu.memory_space<vmem>>, vector<16xf32>,
      %scan3A_72 = arith.constant 0 : i32
      scf.yield %scan3A_72 : i32
    }
    %scan3A_43 = arith.constant 640 : i32
    %scan3A_44 = arith.constant 0 : i32
    %scan3A_45 = arith.constant 0 : i32
    %scan3A_46 = arith.constant 632 : i32
    %scan3A_47 = arith.addi %scan3A_45, %scan3A_46 : i32
    %scan3A_48 = arith.constant 1 : i32
    %scan3A_49 = scf.for %scan3A_67 = %scan3A_45 to %scan3A_47 step %scan3A_48 iter_args(%scan3A_68 = %scan3A_44) -> (i32)  : i32 {
      %mul3A_69 = arith.constant 16 : i32
      %mul3A_70 = arith.muli %scan3A_67, %mul3A_69 : i32
      %get3A = arith.index_cast %mul3A_70 : i32 to index
      %get3A_71 = tpu.vector_load %arg4[%get3A] {strides = array<i32>} : memref<10112xi32, #tpu.memory_space<vmem>>, vector<16xi32>,
      tpu.vector_store_idx %arg5[%get3A_71], %broadcast_in_dim3A_1 {add = true} : memref<10240xf32, #tpu.memory_space<vmem>>[vector<16xi32>], vector<16xf32>,
      %scan3A_72 = arith.constant 0 : i32
      scf.yield %scan3A_72 : i32
    }
    %scan3A_50 = arith.constant 632 : i32
    "tpu.region"() ({
      %run_scoped3A = tpu.sem_alloc : memref<!tpu.dma_semaphore, #tpu.memory_space<semaphore_mem>>
      %dma_start3A = arith.constant 0 : i32
      %dma_start3A_67 = tpu.memref_slice %arg3[%add3A_36, %dma_start3A] : memref<128x10240xf32, #tpu.memory_space<hbm>> -> memref<1x10240xf32, #tpu.memory_space<hbm>>
      %dma_start3A_68 = tpu.memref_squeeze %dma_start3A_67 : memref<1x10240xf32, #tpu.memory_space<hbm>> -> memref<10240xf32, #tpu.memory_space<hbm>>
      %dma_start3A_69 = arith.constant 0 : i32
      %dma_start3A_70 = tpu.memref_slice %arg3[%add3A_36, %dma_start3A_69] : memref<128x10240xf32, #tpu.memory_space<hbm>> -> memref<1x10240xf32, #tpu.memory_space<hbm>>
      %dma_start3A_71 = tpu.memref_squeeze %dma_start3A_70 : memref<1x10240xf32, #tpu.memory_space<hbm>> -> memref<10240xf32, #tpu.memory_space<hbm>>
      tpu.enqueue_dma source(%arg5 : memref<10240xf32, #tpu.memory_space<vmem>>) target(%dma_start3A_71 : memref<10240xf32, #tpu.memory_space<hbm>>) target_semaphore(%run_scoped3A : memref<!tpu.dma_semaphore, #tpu.memory_space<semaphore_mem>>)
      %dma_wait3A = arith.constant 0 : i32
      %dma_wait3A_72 = tpu.memref_slice %arg3[%add3A_36, %dma_wait3A] : memref<128x10240xf32, #tpu.memory_space<hbm>> -> memref<1x10240xf32, #tpu.memory_space<hbm>>
      %dma_wait3A_73 = tpu.memref_squeeze %dma_wait3A_72 : memref<1x10240xf32, #tpu.memory_space<hbm>> -> memref<10240xf32, #tpu.memory_space<hbm>>
      %dma_wait3A_74 = arith.constant 0 : i32
      %dma_wait3A_75 = tpu.memref_slice %arg3[%add3A_36, %dma_wait3A_74] : memref<128x10240xf32, #tpu.memory_space<hbm>> -> memref<1x10240xf32, #tpu.memory_space<hbm>>
      %dma_wait3A_76 = tpu.memref_squeeze %dma_wait3A_75 : memref<1x10240xf32, #tpu.memory_space<hbm>> -> memref<10240xf32, #tpu.memory_space<hbm>>
      tpu.wait_dma2 semaphore(%run_scoped3A : memref<!tpu.dma_semaphore, #tpu.memory_space<semaphore_mem>>) src(%arg5 : memref<10240xf32, #tpu.memory_space<vmem>>) dst(%dma_wait3A_76 : memref<10240xf32, #tpu.memory_space<hbm>>)
      tpu.yield
    }) : () -> ()
    %add3A_51 = arith.constant 96 : i32
    %add3A_52 = arith.addi %add3A_51, %add3A : i32
    "tpu.region"() ({
      %run_scoped3A = tpu.sem_alloc : memref<!tpu.dma_semaphore, #tpu.memory_space<semaphore_mem>>
      %dma_start3A = arith.constant 0 : i32
      %dma_start3A_67 = tpu.memref_slice %arg2[%add3A_52, %dma_start3A] : memref<128x10112xi32, #tpu.memory_space<hbm>> -> memref<1x10112xi32, #tpu.memory_space<hbm>>
      %dma_start3A_68 = tpu.memref_squeeze %dma_start3A_67 : memref<1x10112xi32, #tpu.memory_space<hbm>> -> memref<10112xi32, #tpu.memory_space<hbm>>
      %dma_start3A_69 = arith.constant 0 : i32
      %dma_start3A_70 = tpu.memref_slice %arg2[%add3A_52, %dma_start3A_69] : memref<128x10112xi32, #tpu.memory_space<hbm>> -> memref<1x10112xi32, #tpu.memory_space<hbm>>
      %dma_start3A_71 = tpu.memref_squeeze %dma_start3A_70 : memref<1x10112xi32, #tpu.memory_space<hbm>> -> memref<10112xi32, #tpu.memory_space<hbm>>
      tpu.enqueue_dma source(%dma_start3A_71 : memref<10112xi32, #tpu.memory_space<hbm>>) target(%arg4 : memref<10112xi32, #tpu.memory_space<vmem>>) target_semaphore(%run_scoped3A : memref<!tpu.dma_semaphore, #tpu.memory_space<semaphore_mem>>)
      %dma_wait3A = arith.constant 0 : i32
      %dma_wait3A_72 = tpu.memref_slice %arg2[%add3A_52, %dma_wait3A] : memref<128x10112xi32, #tpu.memory_space<hbm>> -> memref<1x10112xi32, #tpu.memory_space<hbm>>
      %dma_wait3A_73 = tpu.memref_squeeze %dma_wait3A_72 : memref<1x10112xi32, #tpu.memory_space<hbm>> -> memref<10112xi32, #tpu.memory_space<hbm>>
      %dma_wait3A_74 = arith.constant 0 : i32
      %dma_wait3A_75 = tpu.memref_slice %arg2[%add3A_52, %dma_wait3A_74] : memref<128x10112xi32, #tpu.memory_space<hbm>> -> memref<1x10112xi32, #tpu.memory_space<hbm>>
      %dma_wait3A_76 = tpu.memref_squeeze %dma_wait3A_75 : memref<1x10112xi32, #tpu.memory_space<hbm>> -> memref<10112xi32, #tpu.memory_space<hbm>>
      tpu.wait_dma2 semaphore(%run_scoped3A : memref<!tpu.dma_semaphore, #tpu.memory_space<semaphore_mem>>) src(%dma_wait3A_76 : memref<10112xi32, #tpu.memory_space<hbm>>) dst(%arg4 : memref<10112xi32, #tpu.memory_space<vmem>>)
      tpu.yield
    }) : () -> ()
    %scan3A_53 = arith.constant 0 : i32
    %scan3A_54 = arith.constant 0 : i32
    %scan3A_55 = arith.constant 640 : i32
    %scan3A_56 = arith.addi %scan3A_54, %scan3A_55 : i32
    %scan3A_57 = arith.constant 1 : i32
    %scan3A_58 = scf.for %scan3A_67 = %scan3A_54 to %scan3A_56 step %scan3A_57 iter_args(%scan3A_68 = %scan3A_53) -> (i32)  : i32 {
      %mul3A_69 = arith.constant 16 : i32
      %mul3A_70 = arith.muli %scan3A_67, %mul3A_69 : i32
      %swap3A = arith.index_cast %mul3A_70 : i32 to index
      %swap3A_71 = tpu.vector_load %arg5[%swap3A] {strides = array<i32>} : memref<10240xf32, #tpu.memory_space<vmem>>, vector<16xf32>,
      tpu.vector_store %arg5[%swap3A], %broadcast_in_dim3A_3 {strides = array<i32>} : memref<10240xf32, #tpu.memory_space<vmem>>, vector<16xf32>,
      %scan3A_72 = arith.constant 0 : i32
      scf.yield %scan3A_72 : i32
    }
    %scan3A_59 = arith.constant 640 : i32
    %scan3A_60 = arith.constant 0 : i32
    %scan3A_61 = arith.constant 0 : i32
    %scan3A_62 = arith.constant 632 : i32
    %scan3A_63 = arith.addi %scan3A_61, %scan3A_62 : i32
    %scan3A_64 = arith.constant 1 : i32
    %scan3A_65 = scf.for %scan3A_67 = %scan3A_61 to %scan3A_63 step %scan3A_64 iter_args(%scan3A_68 = %scan3A_60) -> (i32)  : i32 {
      %mul3A_69 = arith.constant 16 : i32
      %mul3A_70 = arith.muli %scan3A_67, %mul3A_69 : i32
      %get3A = arith.index_cast %mul3A_70 : i32 to index
      %get3A_71 = tpu.vector_load %arg4[%get3A] {strides = array<i32>} : memref<10112xi32, #tpu.memory_space<vmem>>, vector<16xi32>,
      tpu.vector_store_idx %arg5[%get3A_71], %broadcast_in_dim3A_1 {add = true} : memref<10240xf32, #tpu.memory_space<vmem>>[vector<16xi32>], vector<16xf32>,
      %scan3A_72 = arith.constant 0 : i32
      scf.yield %scan3A_72 : i32
    }
    %scan3A_66 = arith.constant 632 : i32
    "tpu.region"() ({
      %run_scoped3A = tpu.sem_alloc : memref<!tpu.dma_semaphore, #tpu.memory_space<semaphore_mem>>
      %dma_start3A = arith.constant 0 : i32
      %dma_start3A_67 = tpu.memref_slice %arg3[%add3A_52, %dma_start3A] : memref<128x10240xf32, #tpu.memory_space<hbm>> -> memref<1x10240xf32, #tpu.memory_space<hbm>>
      %dma_start3A_68 = tpu.memref_squeeze %dma_start3A_67 : memref<1x10240xf32, #tpu.memory_space<hbm>> -> memref<10240xf32, #tpu.memory_space<hbm>>
      %dma_start3A_69 = arith.constant 0 : i32
      %dma_start3A_70 = tpu.memref_slice %arg3[%add3A_52, %dma_start3A_69] : memref<128x10240xf32, #tpu.memory_space<hbm>> -> memref<1x10240xf32, #tpu.memory_space<hbm>>
      %dma_start3A_71 = tpu.memref_squeeze %dma_start3A_70 : memref<1x10240xf32, #tpu.memory_space<hbm>> -> memref<10240xf32, #tpu.memory_space<hbm>>
      tpu.enqueue_dma source(%arg5 : memref<10240xf32, #tpu.memory_space<vmem>>) target(%dma_start3A_71 : memref<10240xf32, #tpu.memory_space<hbm>>) target_semaphore(%run_scoped3A : memref<!tpu.dma_semaphore, #tpu.memory_space<semaphore_mem>>)
      %dma_wait3A = arith.constant 0 : i32
      %dma_wait3A_72 = tpu.memref_slice %arg3[%add3A_52, %dma_wait3A] : memref<128x10240xf32, #tpu.memory_space<hbm>> -> memref<1x10240xf32, #tpu.memory_space<hbm>>
      %dma_wait3A_73 = tpu.memref_squeeze %dma_wait3A_72 : memref<1x10240xf32, #tpu.memory_space<hbm>> -> memref<10240xf32, #tpu.memory_space<hbm>>
      %dma_wait3A_74 = arith.constant 0 : i32
      %dma_wait3A_75 = tpu.memref_slice %arg3[%add3A_52, %dma_wait3A_74] : memref<128x10240xf32, #tpu.memory_space<hbm>> -> memref<1x10240xf32, #tpu.memory_space<hbm>>
      %dma_wait3A_76 = tpu.memref_squeeze %dma_wait3A_75 : memref<1x10240xf32, #tpu.memory_space<hbm>> -> memref<10240xf32, #tpu.memory_space<hbm>>
      tpu.wait_dma2 semaphore(%run_scoped3A : memref<!tpu.dma_semaphore, #tpu.memory_space<semaphore_mem>>) src(%arg5 : memref<10240xf32, #tpu.memory_space<vmem>>) dst(%dma_wait3A_76 : memref<10240xf32, #tpu.memory_space<hbm>>)
      tpu.yield
    }) : () -> ()
    return
  }
}

#map = affine_map<(d0, d1) -> (0, 0, 0)>
#map1 = affine_map<(d0, d1) -> (0, 0, 0, 0, 0)>
#map2 = affine_map<(d0, d1) -> (0, 0)>
module attributes {stable_mosaic.version = 14 : i64} {
  func.func @_agg_body(%arg0: i32, %arg1: i32, %arg2: memref<4x10240x64xf32, #tpu.memory_space<hbm>>, %arg3: memref<2x16x10x32x128xi32, #tpu.memory_space<hbm>>, %arg4: memref<128x64xf32, #tpu.memory_space<hbm>>, %arg5: memref<4x10240x64xf32, #tpu.memory_space<hbm>>, %arg6: memref<32x128xi32, #tpu.memory_space<vmem>>, %arg7: memref<128x64xf32, #tpu.memory_space<vmem>>, %arg8: memref<128x64xf32, #tpu.memory_space<vmem>>, %arg9: memref<20480x64xf32, #tpu.memory_space<vmem_shared>>, %arg10: memref<!tpu.dma_semaphore, #tpu.memory_space<semaphore_mem>>, %arg11: memref<!tpu.dma_semaphore, #tpu.memory_space<semaphore_mem>>, %arg12: memref<!tpu.dma_semaphore, #tpu.memory_space<semaphore_mem>>, %arg13: memref<!tpu.dma_semaphore, #tpu.memory_space<semaphore_mem>>) attributes {dimension_semantics = [#tpu.dimension_semantics<core_parallel>, #tpu.dimension_semantics<subcore_parallel>], iteration_bounds = array<i64: 2, 16>, scalar_prefetch = 0 : i64, scratch_operands = 8 : i64, tpu.core_type = #tpu.core_type<sc_vector_subcore>, window_params = [{transform_indices = #map}, {transform_indices = #map1}, {transform_indices = #map2}, {transform_indices = #map}]} {
    %mul3A = arith.constant 2 : i32
    %mul3A_0 = arith.muli %arg0, %mul3A : i32
    %add3A = arith.constant 0 : i32
    %add3A_1 = arith.addi %mul3A_0, %add3A : i32
    %mul3A_2 = arith.constant 640 : i32
    %mul3A_3 = arith.muli %arg1, %mul3A_2 : i32
    %add3A_4 = arith.constant 0 : i32
    %add3A_5 = arith.addi %mul3A_3, %add3A_4 : i32
    "tpu.region"() ({
      %run_scoped3A = tpu.sem_alloc : memref<!tpu.dma_semaphore, #tpu.memory_space<semaphore_mem>>
      %dma_start3A = arith.constant 0 : i32
      %dma_start3A_144 = arith.constant 0 : i32
      %dma_start3A_145 = tpu.memref_slice %arg2[%add3A_1, %dma_start3A, %dma_start3A_144] : memref<4x10240x64xf32, #tpu.memory_space<hbm>> -> memref<1x10240x64xf32, #tpu.memory_space<hbm>>
      %dma_start3A_146 = tpu.memref_squeeze %dma_start3A_145 : memref<1x10240x64xf32, #tpu.memory_space<hbm>> -> memref<10240x64xf32, #tpu.memory_space<hbm>>
      %dma_start3A_147 = arith.constant 0 : i32
      %dma_start3A_148 = tpu.memref_slice %dma_start3A_146[%add3A_5, %dma_start3A_147] : memref<10240x64xf32, #tpu.memory_space<hbm>> -> memref<128x64xf32, #tpu.memory_space<hbm>>
      %dma_start3A_149 = arith.constant 0 : i32
      %dma_start3A_150 = arith.constant 0 : i32
      %dma_start3A_151 = tpu.memref_slice %arg2[%add3A_1, %dma_start3A_149, %dma_start3A_150] : memref<4x10240x64xf32, #tpu.memory_space<hbm>> -> memref<1x10240x64xf32, #tpu.memory_space<hbm>>
      %dma_start3A_152 = tpu.memref_squeeze %dma_start3A_151 : memref<1x10240x64xf32, #tpu.memory_space<hbm>> -> memref<10240x64xf32, #tpu.memory_space<hbm>>
      %dma_start3A_153 = arith.constant 0 : i32
      %dma_start3A_154 = tpu.memref_slice %dma_start3A_152[%add3A_5, %dma_start3A_153] : memref<10240x64xf32, #tpu.memory_space<hbm>> -> memref<128x64xf32, #tpu.memory_space<hbm>>
      tpu.enqueue_dma source(%dma_start3A_154 : memref<128x64xf32, #tpu.memory_space<hbm>>) target(%arg8 : memref<128x64xf32, #tpu.memory_space<vmem>>) target_semaphore(%run_scoped3A : memref<!tpu.dma_semaphore, #tpu.memory_space<semaphore_mem>>)
      %dma_wait3A = arith.constant 0 : i32
      %dma_wait3A_155 = arith.constant 0 : i32
      %dma_wait3A_156 = tpu.memref_slice %arg2[%add3A_1, %dma_wait3A, %dma_wait3A_155] : memref<4x10240x64xf32, #tpu.memory_space<hbm>> -> memref<1x10240x64xf32, #tpu.memory_space<hbm>>
      %dma_wait3A_157 = tpu.memref_squeeze %dma_wait3A_156 : memref<1x10240x64xf32, #tpu.memory_space<hbm>> -> memref<10240x64xf32, #tpu.memory_space<hbm>>
      %dma_wait3A_158 = arith.constant 0 : i32
      %dma_wait3A_159 = tpu.memref_slice %dma_wait3A_157[%add3A_5, %dma_wait3A_158] : memref<10240x64xf32, #tpu.memory_space<hbm>> -> memref<128x64xf32, #tpu.memory_space<hbm>>
      %dma_wait3A_160 = arith.constant 0 : i32
      %dma_wait3A_161 = arith.constant 0 : i32
      %dma_wait3A_162 = tpu.memref_slice %arg2[%add3A_1, %dma_wait3A_160, %dma_wait3A_161] : memref<4x10240x64xf32, #tpu.memory_space<hbm>> -> memref<1x10240x64xf32, #tpu.memory_space<hbm>>
      %dma_wait3A_163 = tpu.memref_squeeze %dma_wait3A_162 : memref<1x10240x64xf32, #tpu.memory_space<hbm>> -> memref<10240x64xf32, #tpu.memory_space<hbm>>
      %dma_wait3A_164 = arith.constant 0 : i32
      %dma_wait3A_165 = tpu.memref_slice %dma_wait3A_163[%add3A_5, %dma_wait3A_164] : memref<10240x64xf32, #tpu.memory_space<hbm>> -> memref<128x64xf32, #tpu.memory_space<hbm>>
      tpu.wait_dma2 semaphore(%run_scoped3A : memref<!tpu.dma_semaphore, #tpu.memory_space<semaphore_mem>>) src(%dma_wait3A_165 : memref<128x64xf32, #tpu.memory_space<hbm>>) dst(%arg8 : memref<128x64xf32, #tpu.memory_space<vmem>>)
      tpu.yield
    }) : () -> ()
    "tpu.region"() ({
      %run_scoped3A = tpu.sem_alloc : memref<!tpu.dma_semaphore, #tpu.memory_space<semaphore_mem>>
      %dma_start3A = arith.constant 0 : i32
      %dma_start3A_144 = tpu.memref_slice %arg9[%add3A_5, %dma_start3A] : memref<20480x64xf32, #tpu.memory_space<vmem_shared>> -> memref<128x64xf32, #tpu.memory_space<vmem_shared>>
      %dma_start3A_145 = arith.constant 0 : i32
      %dma_start3A_146 = tpu.memref_slice %arg9[%add3A_5, %dma_start3A_145] : memref<20480x64xf32, #tpu.memory_space<vmem_shared>> -> memref<128x64xf32, #tpu.memory_space<vmem_shared>>
      tpu.enqueue_dma source(%arg8 : memref<128x64xf32, #tpu.memory_space<vmem>>) target(%dma_start3A_146 : memref<128x64xf32, #tpu.memory_space<vmem_shared>>) target_semaphore(%run_scoped3A : memref<!tpu.dma_semaphore, #tpu.memory_space<semaphore_mem>>)
      %dma_wait3A = arith.constant 0 : i32
      %dma_wait3A_147 = tpu.memref_slice %arg9[%add3A_5, %dma_wait3A] : memref<20480x64xf32, #tpu.memory_space<vmem_shared>> -> memref<128x64xf32, #tpu.memory_space<vmem_shared>>
      %dma_wait3A_148 = arith.constant 0 : i32
      %dma_wait3A_149 = tpu.memref_slice %arg9[%add3A_5, %dma_wait3A_148] : memref<20480x64xf32, #tpu.memory_space<vmem_shared>> -> memref<128x64xf32, #tpu.memory_space<vmem_shared>>
      tpu.wait_dma2 semaphore(%run_scoped3A : memref<!tpu.dma_semaphore, #tpu.memory_space<semaphore_mem>>) src(%arg8 : memref<128x64xf32, #tpu.memory_space<vmem>>) dst(%dma_wait3A_149 : memref<128x64xf32, #tpu.memory_space<vmem_shared>>)
      tpu.yield
    }) : () -> ()
    %mul3A_6 = arith.constant 640 : i32
    %mul3A_7 = arith.muli %arg1, %mul3A_6 : i32
    %add3A_8 = arith.constant 128 : i32
    %add3A_9 = arith.addi %mul3A_7, %add3A_8 : i32
    "tpu.region"() ({
      %run_scoped3A = tpu.sem_alloc : memref<!tpu.dma_semaphore, #tpu.memory_space<semaphore_mem>>
      %dma_start3A = arith.constant 0 : i32
      %dma_start3A_144 = arith.constant 0 : i32
      %dma_start3A_145 = tpu.memref_slice %arg2[%add3A_1, %dma_start3A, %dma_start3A_144] : memref<4x10240x64xf32, #tpu.memory_space<hbm>> -> memref<1x10240x64xf32, #tpu.memory_space<hbm>>
      %dma_start3A_146 = tpu.memref_squeeze %dma_start3A_145 : memref<1x10240x64xf32, #tpu.memory_space<hbm>> -> memref<10240x64xf32, #tpu.memory_space<hbm>>
      %dma_start3A_147 = arith.constant 0 : i32
      %dma_start3A_148 = tpu.memref_slice %dma_start3A_146[%add3A_9, %dma_start3A_147] : memref<10240x64xf32, #tpu.memory_space<hbm>> -> memref<128x64xf32, #tpu.memory_space<hbm>>
      %dma_start3A_149 = arith.constant 0 : i32
      %dma_start3A_150 = arith.constant 0 : i32
      %dma_start3A_151 = tpu.memref_slice %arg2[%add3A_1, %dma_start3A_149, %dma_start3A_150] : memref<4x10240x64xf32, #tpu.memory_space<hbm>> -> memref<1x10240x64xf32, #tpu.memory_space<hbm>>
      %dma_start3A_152 = tpu.memref_squeeze %dma_start3A_151 : memref<1x10240x64xf32, #tpu.memory_space<hbm>> -> memref<10240x64xf32, #tpu.memory_space<hbm>>
      %dma_start3A_153 = arith.constant 0 : i32
      %dma_start3A_154 = tpu.memref_slice %dma_start3A_152[%add3A_9, %dma_start3A_153] : memref<10240x64xf32, #tpu.memory_space<hbm>> -> memref<128x64xf32, #tpu.memory_space<hbm>>
      tpu.enqueue_dma source(%dma_start3A_154 : memref<128x64xf32, #tpu.memory_space<hbm>>) target(%arg8 : memref<128x64xf32, #tpu.memory_space<vmem>>) target_semaphore(%run_scoped3A : memref<!tpu.dma_semaphore, #tpu.memory_space<semaphore_mem>>)
      %dma_wait3A = arith.constant 0 : i32
      %dma_wait3A_155 = arith.constant 0 : i32
      %dma_wait3A_156 = tpu.memref_slice %arg2[%add3A_1, %dma_wait3A, %dma_wait3A_155] : memref<4x10240x64xf32, #tpu.memory_space<hbm>> -> memref<1x10240x64xf32, #tpu.memory_space<hbm>>
      %dma_wait3A_157 = tpu.memref_squeeze %dma_wait3A_156 : memref<1x10240x64xf32, #tpu.memory_space<hbm>> -> memref<10240x64xf32, #tpu.memory_space<hbm>>
      %dma_wait3A_158 = arith.constant 0 : i32
      %dma_wait3A_159 = tpu.memref_slice %dma_wait3A_157[%add3A_9, %dma_wait3A_158] : memref<10240x64xf32, #tpu.memory_space<hbm>> -> memref<128x64xf32, #tpu.memory_space<hbm>>
      %dma_wait3A_160 = arith.constant 0 : i32
      %dma_wait3A_161 = arith.constant 0 : i32
      %dma_wait3A_162 = tpu.memref_slice %arg2[%add3A_1, %dma_wait3A_160, %dma_wait3A_161] : memref<4x10240x64xf32, #tpu.memory_space<hbm>> -> memref<1x10240x64xf32, #tpu.memory_space<hbm>>
      %dma_wait3A_163 = tpu.memref_squeeze %dma_wait3A_162 : memref<1x10240x64xf32, #tpu.memory_space<hbm>> -> memref<10240x64xf32, #tpu.memory_space<hbm>>
      %dma_wait3A_164 = arith.constant 0 : i32
      %dma_wait3A_165 = tpu.memref_slice %dma_wait3A_163[%add3A_9, %dma_wait3A_164] : memref<10240x64xf32, #tpu.memory_space<hbm>> -> memref<128x64xf32, #tpu.memory_space<hbm>>
      tpu.wait_dma2 semaphore(%run_scoped3A : memref<!tpu.dma_semaphore, #tpu.memory_space<semaphore_mem>>) src(%dma_wait3A_165 : memref<128x64xf32, #tpu.memory_space<hbm>>) dst(%arg8 : memref<128x64xf32, #tpu.memory_space<vmem>>)
      tpu.yield
    }) : () -> ()
    "tpu.region"() ({
      %run_scoped3A = tpu.sem_alloc : memref<!tpu.dma_semaphore, #tpu.memory_space<semaphore_mem>>
      %dma_start3A = arith.constant 0 : i32
      %dma_start3A_144 = tpu.memref_slice %arg9[%add3A_9, %dma_start3A] : memref<20480x64xf32, #tpu.memory_space<vmem_shared>> -> memref<128x64xf32, #tpu.memory_space<vmem_shared>>
      %dma_start3A_145 = arith.constant 0 : i32
      %dma_start3A_146 = tpu.memref_slice %arg9[%add3A_9, %dma_start3A_145] : memref<20480x64xf32, #tpu.memory_space<vmem_shared>> -> memref<128x64xf32, #tpu.memory_space<vmem_shared>>
      tpu.enqueue_dma source(%arg8 : memref<128x64xf32, #tpu.memory_space<vmem>>) target(%dma_start3A_146 : memref<128x64xf32, #tpu.memory_space<vmem_shared>>) target_semaphore(%run_scoped3A : memref<!tpu.dma_semaphore, #tpu.memory_space<semaphore_mem>>)
      %dma_wait3A = arith.constant 0 : i32
      %dma_wait3A_147 = tpu.memref_slice %arg9[%add3A_9, %dma_wait3A] : memref<20480x64xf32, #tpu.memory_space<vmem_shared>> -> memref<128x64xf32, #tpu.memory_space<vmem_shared>>
      %dma_wait3A_148 = arith.constant 0 : i32
      %dma_wait3A_149 = tpu.memref_slice %arg9[%add3A_9, %dma_wait3A_148] : memref<20480x64xf32, #tpu.memory_space<vmem_shared>> -> memref<128x64xf32, #tpu.memory_space<vmem_shared>>
      tpu.wait_dma2 semaphore(%run_scoped3A : memref<!tpu.dma_semaphore, #tpu.memory_space<semaphore_mem>>) src(%arg8 : memref<128x64xf32, #tpu.memory_space<vmem>>) dst(%dma_wait3A_149 : memref<128x64xf32, #tpu.memory_space<vmem_shared>>)
      tpu.yield
    }) : () -> ()
    %mul3A_10 = arith.constant 640 : i32
    %mul3A_11 = arith.muli %arg1, %mul3A_10 : i32
    %add3A_12 = arith.constant 256 : i32
    %add3A_13 = arith.addi %mul3A_11, %add3A_12 : i32
    "tpu.region"() ({
      %run_scoped3A = tpu.sem_alloc : memref<!tpu.dma_semaphore, #tpu.memory_space<semaphore_mem>>
      %dma_start3A = arith.constant 0 : i32
      %dma_start3A_144 = arith.constant 0 : i32
      %dma_start3A_145 = tpu.memref_slice %arg2[%add3A_1, %dma_start3A, %dma_start3A_144] : memref<4x10240x64xf32, #tpu.memory_space<hbm>> -> memref<1x10240x64xf32, #tpu.memory_space<hbm>>
      %dma_start3A_146 = tpu.memref_squeeze %dma_start3A_145 : memref<1x10240x64xf32, #tpu.memory_space<hbm>> -> memref<10240x64xf32, #tpu.memory_space<hbm>>
      %dma_start3A_147 = arith.constant 0 : i32
      %dma_start3A_148 = tpu.memref_slice %dma_start3A_146[%add3A_13, %dma_start3A_147] : memref<10240x64xf32, #tpu.memory_space<hbm>> -> memref<128x64xf32, #tpu.memory_space<hbm>>
      %dma_start3A_149 = arith.constant 0 : i32
      %dma_start3A_150 = arith.constant 0 : i32
      %dma_start3A_151 = tpu.memref_slice %arg2[%add3A_1, %dma_start3A_149, %dma_start3A_150] : memref<4x10240x64xf32, #tpu.memory_space<hbm>> -> memref<1x10240x64xf32, #tpu.memory_space<hbm>>
      %dma_start3A_152 = tpu.memref_squeeze %dma_start3A_151 : memref<1x10240x64xf32, #tpu.memory_space<hbm>> -> memref<10240x64xf32, #tpu.memory_space<hbm>>
      %dma_start3A_153 = arith.constant 0 : i32
      %dma_start3A_154 = tpu.memref_slice %dma_start3A_152[%add3A_13, %dma_start3A_153] : memref<10240x64xf32, #tpu.memory_space<hbm>> -> memref<128x64xf32, #tpu.memory_space<hbm>>
      tpu.enqueue_dma source(%dma_start3A_154 : memref<128x64xf32, #tpu.memory_space<hbm>>) target(%arg8 : memref<128x64xf32, #tpu.memory_space<vmem>>) target_semaphore(%run_scoped3A : memref<!tpu.dma_semaphore, #tpu.memory_space<semaphore_mem>>)
      %dma_wait3A = arith.constant 0 : i32
      %dma_wait3A_155 = arith.constant 0 : i32
      %dma_wait3A_156 = tpu.memref_slice %arg2[%add3A_1, %dma_wait3A, %dma_wait3A_155] : memref<4x10240x64xf32, #tpu.memory_space<hbm>> -> memref<1x10240x64xf32, #tpu.memory_space<hbm>>
      %dma_wait3A_157 = tpu.memref_squeeze %dma_wait3A_156 : memref<1x10240x64xf32, #tpu.memory_space<hbm>> -> memref<10240x64xf32, #tpu.memory_space<hbm>>
      %dma_wait3A_158 = arith.constant 0 : i32
      %dma_wait3A_159 = tpu.memref_slice %dma_wait3A_157[%add3A_13, %dma_wait3A_158] : memref<10240x64xf32, #tpu.memory_space<hbm>> -> memref<128x64xf32, #tpu.memory_space<hbm>>
      %dma_wait3A_160 = arith.constant 0 : i32
      %dma_wait3A_161 = arith.constant 0 : i32
      %dma_wait3A_162 = tpu.memref_slice %arg2[%add3A_1, %dma_wait3A_160, %dma_wait3A_161] : memref<4x10240x64xf32, #tpu.memory_space<hbm>> -> memref<1x10240x64xf32, #tpu.memory_space<hbm>>
      %dma_wait3A_163 = tpu.memref_squeeze %dma_wait3A_162 : memref<1x10240x64xf32, #tpu.memory_space<hbm>> -> memref<10240x64xf32, #tpu.memory_space<hbm>>
      %dma_wait3A_164 = arith.constant 0 : i32
      %dma_wait3A_165 = tpu.memref_slice %dma_wait3A_163[%add3A_13, %dma_wait3A_164] : memref<10240x64xf32, #tpu.memory_space<hbm>> -> memref<128x64xf32, #tpu.memory_space<hbm>>
      tpu.wait_dma2 semaphore(%run_scoped3A : memref<!tpu.dma_semaphore, #tpu.memory_space<semaphore_mem>>) src(%dma_wait3A_165 : memref<128x64xf32, #tpu.memory_space<hbm>>) dst(%arg8 : memref<128x64xf32, #tpu.memory_space<vmem>>)
      tpu.yield
    }) : () -> ()
    "tpu.region"() ({
      %run_scoped3A = tpu.sem_alloc : memref<!tpu.dma_semaphore, #tpu.memory_space<semaphore_mem>>
      %dma_start3A = arith.constant 0 : i32
      %dma_start3A_144 = tpu.memref_slice %arg9[%add3A_13, %dma_start3A] : memref<20480x64xf32, #tpu.memory_space<vmem_shared>> -> memref<128x64xf32, #tpu.memory_space<vmem_shared>>
      %dma_start3A_145 = arith.constant 0 : i32
      %dma_start3A_146 = tpu.memref_slice %arg9[%add3A_13, %dma_start3A_145] : memref<20480x64xf32, #tpu.memory_space<vmem_shared>> -> memref<128x64xf32, #tpu.memory_space<vmem_shared>>
      tpu.enqueue_dma source(%arg8 : memref<128x64xf32, #tpu.memory_space<vmem>>) target(%dma_start3A_146 : memref<128x64xf32, #tpu.memory_space<vmem_shared>>) target_semaphore(%run_scoped3A : memref<!tpu.dma_semaphore, #tpu.memory_space<semaphore_mem>>)
      %dma_wait3A = arith.constant 0 : i32
      %dma_wait3A_147 = tpu.memref_slice %arg9[%add3A_13, %dma_wait3A] : memref<20480x64xf32, #tpu.memory_space<vmem_shared>> -> memref<128x64xf32, #tpu.memory_space<vmem_shared>>
      %dma_wait3A_148 = arith.constant 0 : i32
      %dma_wait3A_149 = tpu.memref_slice %arg9[%add3A_13, %dma_wait3A_148] : memref<20480x64xf32, #tpu.memory_space<vmem_shared>> -> memref<128x64xf32, #tpu.memory_space<vmem_shared>>
      tpu.wait_dma2 semaphore(%run_scoped3A : memref<!tpu.dma_semaphore, #tpu.memory_space<semaphore_mem>>) src(%arg8 : memref<128x64xf32, #tpu.memory_space<vmem>>) dst(%dma_wait3A_149 : memref<128x64xf32, #tpu.memory_space<vmem_shared>>)
      tpu.yield
    }) : () -> ()
    %mul3A_14 = arith.constant 640 : i32
    %mul3A_15 = arith.muli %arg1, %mul3A_14 : i32
    %add3A_16 = arith.constant 384 : i32
    %add3A_17 = arith.addi %mul3A_15, %add3A_16 : i32
    "tpu.region"() ({
      %run_scoped3A = tpu.sem_alloc : memref<!tpu.dma_semaphore, #tpu.memory_space<semaphore_mem>>
      %dma_start3A = arith.constant 0 : i32
      %dma_start3A_144 = arith.constant 0 : i32
      %dma_start3A_145 = tpu.memref_slice %arg2[%add3A_1, %dma_start3A, %dma_start3A_144] : memref<4x10240x64xf32, #tpu.memory_space<hbm>> -> memref<1x10240x64xf32, #tpu.memory_space<hbm>>
      %dma_start3A_146 = tpu.memref_squeeze %dma_start3A_145 : memref<1x10240x64xf32, #tpu.memory_space<hbm>> -> memref<10240x64xf32, #tpu.memory_space<hbm>>
      %dma_start3A_147 = arith.constant 0 : i32
      %dma_start3A_148 = tpu.memref_slice %dma_start3A_146[%add3A_17, %dma_start3A_147] : memref<10240x64xf32, #tpu.memory_space<hbm>> -> memref<128x64xf32, #tpu.memory_space<hbm>>
      %dma_start3A_149 = arith.constant 0 : i32
      %dma_start3A_150 = arith.constant 0 : i32
      %dma_start3A_151 = tpu.memref_slice %arg2[%add3A_1, %dma_start3A_149, %dma_start3A_150] : memref<4x10240x64xf32, #tpu.memory_space<hbm>> -> memref<1x10240x64xf32, #tpu.memory_space<hbm>>
      %dma_start3A_152 = tpu.memref_squeeze %dma_start3A_151 : memref<1x10240x64xf32, #tpu.memory_space<hbm>> -> memref<10240x64xf32, #tpu.memory_space<hbm>>
      %dma_start3A_153 = arith.constant 0 : i32
      %dma_start3A_154 = tpu.memref_slice %dma_start3A_152[%add3A_17, %dma_start3A_153] : memref<10240x64xf32, #tpu.memory_space<hbm>> -> memref<128x64xf32, #tpu.memory_space<hbm>>
      tpu.enqueue_dma source(%dma_start3A_154 : memref<128x64xf32, #tpu.memory_space<hbm>>) target(%arg8 : memref<128x64xf32, #tpu.memory_space<vmem>>) target_semaphore(%run_scoped3A : memref<!tpu.dma_semaphore, #tpu.memory_space<semaphore_mem>>)
      %dma_wait3A = arith.constant 0 : i32
      %dma_wait3A_155 = arith.constant 0 : i32
      %dma_wait3A_156 = tpu.memref_slice %arg2[%add3A_1, %dma_wait3A, %dma_wait3A_155] : memref<4x10240x64xf32, #tpu.memory_space<hbm>> -> memref<1x10240x64xf32, #tpu.memory_space<hbm>>
      %dma_wait3A_157 = tpu.memref_squeeze %dma_wait3A_156 : memref<1x10240x64xf32, #tpu.memory_space<hbm>> -> memref<10240x64xf32, #tpu.memory_space<hbm>>
      %dma_wait3A_158 = arith.constant 0 : i32
      %dma_wait3A_159 = tpu.memref_slice %dma_wait3A_157[%add3A_17, %dma_wait3A_158] : memref<10240x64xf32, #tpu.memory_space<hbm>> -> memref<128x64xf32, #tpu.memory_space<hbm>>
      %dma_wait3A_160 = arith.constant 0 : i32
      %dma_wait3A_161 = arith.constant 0 : i32
      %dma_wait3A_162 = tpu.memref_slice %arg2[%add3A_1, %dma_wait3A_160, %dma_wait3A_161] : memref<4x10240x64xf32, #tpu.memory_space<hbm>> -> memref<1x10240x64xf32, #tpu.memory_space<hbm>>
      %dma_wait3A_163 = tpu.memref_squeeze %dma_wait3A_162 : memref<1x10240x64xf32, #tpu.memory_space<hbm>> -> memref<10240x64xf32, #tpu.memory_space<hbm>>
      %dma_wait3A_164 = arith.constant 0 : i32
      %dma_wait3A_165 = tpu.memref_slice %dma_wait3A_163[%add3A_17, %dma_wait3A_164] : memref<10240x64xf32, #tpu.memory_space<hbm>> -> memref<128x64xf32, #tpu.memory_space<hbm>>
      tpu.wait_dma2 semaphore(%run_scoped3A : memref<!tpu.dma_semaphore, #tpu.memory_space<semaphore_mem>>) src(%dma_wait3A_165 : memref<128x64xf32, #tpu.memory_space<hbm>>) dst(%arg8 : memref<128x64xf32, #tpu.memory_space<vmem>>)
      tpu.yield
    }) : () -> ()
    "tpu.region"() ({
      %run_scoped3A = tpu.sem_alloc : memref<!tpu.dma_semaphore, #tpu.memory_space<semaphore_mem>>
      %dma_start3A = arith.constant 0 : i32
      %dma_start3A_144 = tpu.memref_slice %arg9[%add3A_17, %dma_start3A] : memref<20480x64xf32, #tpu.memory_space<vmem_shared>> -> memref<128x64xf32, #tpu.memory_space<vmem_shared>>
      %dma_start3A_145 = arith.constant 0 : i32
      %dma_start3A_146 = tpu.memref_slice %arg9[%add3A_17, %dma_start3A_145] : memref<20480x64xf32, #tpu.memory_space<vmem_shared>> -> memref<128x64xf32, #tpu.memory_space<vmem_shared>>
      tpu.enqueue_dma source(%arg8 : memref<128x64xf32, #tpu.memory_space<vmem>>) target(%dma_start3A_146 : memref<128x64xf32, #tpu.memory_space<vmem_shared>>) target_semaphore(%run_scoped3A : memref<!tpu.dma_semaphore, #tpu.memory_space<semaphore_mem>>)
      %dma_wait3A = arith.constant 0 : i32
      %dma_wait3A_147 = tpu.memref_slice %arg9[%add3A_17, %dma_wait3A] : memref<20480x64xf32, #tpu.memory_space<vmem_shared>> -> memref<128x64xf32, #tpu.memory_space<vmem_shared>>
      %dma_wait3A_148 = arith.constant 0 : i32
      %dma_wait3A_149 = tpu.memref_slice %arg9[%add3A_17, %dma_wait3A_148] : memref<20480x64xf32, #tpu.memory_space<vmem_shared>> -> memref<128x64xf32, #tpu.memory_space<vmem_shared>>
      tpu.wait_dma2 semaphore(%run_scoped3A : memref<!tpu.dma_semaphore, #tpu.memory_space<semaphore_mem>>) src(%arg8 : memref<128x64xf32, #tpu.memory_space<vmem>>) dst(%dma_wait3A_149 : memref<128x64xf32, #tpu.memory_space<vmem_shared>>)
      tpu.yield
    }) : () -> ()
    %mul3A_18 = arith.constant 640 : i32
    %mul3A_19 = arith.muli %arg1, %mul3A_18 : i32
    %add3A_20 = arith.constant 512 : i32
    %add3A_21 = arith.addi %mul3A_19, %add3A_20 : i32
    "tpu.region"() ({
      %run_scoped3A = tpu.sem_alloc : memref<!tpu.dma_semaphore, #tpu.memory_space<semaphore_mem>>
      %dma_start3A = arith.constant 0 : i32
      %dma_start3A_144 = arith.constant 0 : i32
      %dma_start3A_145 = tpu.memref_slice %arg2[%add3A_1, %dma_start3A, %dma_start3A_144] : memref<4x10240x64xf32, #tpu.memory_space<hbm>> -> memref<1x10240x64xf32, #tpu.memory_space<hbm>>
      %dma_start3A_146 = tpu.memref_squeeze %dma_start3A_145 : memref<1x10240x64xf32, #tpu.memory_space<hbm>> -> memref<10240x64xf32, #tpu.memory_space<hbm>>
      %dma_start3A_147 = arith.constant 0 : i32
      %dma_start3A_148 = tpu.memref_slice %dma_start3A_146[%add3A_21, %dma_start3A_147] : memref<10240x64xf32, #tpu.memory_space<hbm>> -> memref<128x64xf32, #tpu.memory_space<hbm>>
      %dma_start3A_149 = arith.constant 0 : i32
      %dma_start3A_150 = arith.constant 0 : i32
      %dma_start3A_151 = tpu.memref_slice %arg2[%add3A_1, %dma_start3A_149, %dma_start3A_150] : memref<4x10240x64xf32, #tpu.memory_space<hbm>> -> memref<1x10240x64xf32, #tpu.memory_space<hbm>>
      %dma_start3A_152 = tpu.memref_squeeze %dma_start3A_151 : memref<1x10240x64xf32, #tpu.memory_space<hbm>> -> memref<10240x64xf32, #tpu.memory_space<hbm>>
      %dma_start3A_153 = arith.constant 0 : i32
      %dma_start3A_154 = tpu.memref_slice %dma_start3A_152[%add3A_21, %dma_start3A_153] : memref<10240x64xf32, #tpu.memory_space<hbm>> -> memref<128x64xf32, #tpu.memory_space<hbm>>
      tpu.enqueue_dma source(%dma_start3A_154 : memref<128x64xf32, #tpu.memory_space<hbm>>) target(%arg8 : memref<128x64xf32, #tpu.memory_space<vmem>>) target_semaphore(%run_scoped3A : memref<!tpu.dma_semaphore, #tpu.memory_space<semaphore_mem>>)
      %dma_wait3A = arith.constant 0 : i32
      %dma_wait3A_155 = arith.constant 0 : i32
      %dma_wait3A_156 = tpu.memref_slice %arg2[%add3A_1, %dma_wait3A, %dma_wait3A_155] : memref<4x10240x64xf32, #tpu.memory_space<hbm>> -> memref<1x10240x64xf32, #tpu.memory_space<hbm>>
      %dma_wait3A_157 = tpu.memref_squeeze %dma_wait3A_156 : memref<1x10240x64xf32, #tpu.memory_space<hbm>> -> memref<10240x64xf32, #tpu.memory_space<hbm>>
      %dma_wait3A_158 = arith.constant 0 : i32
      %dma_wait3A_159 = tpu.memref_slice %dma_wait3A_157[%add3A_21, %dma_wait3A_158] : memref<10240x64xf32, #tpu.memory_space<hbm>> -> memref<128x64xf32, #tpu.memory_space<hbm>>
      %dma_wait3A_160 = arith.constant 0 : i32
      %dma_wait3A_161 = arith.constant 0 : i32
      %dma_wait3A_162 = tpu.memref_slice %arg2[%add3A_1, %dma_wait3A_160, %dma_wait3A_161] : memref<4x10240x64xf32, #tpu.memory_space<hbm>> -> memref<1x10240x64xf32, #tpu.memory_space<hbm>>
      %dma_wait3A_163 = tpu.memref_squeeze %dma_wait3A_162 : memref<1x10240x64xf32, #tpu.memory_space<hbm>> -> memref<10240x64xf32, #tpu.memory_space<hbm>>
      %dma_wait3A_164 = arith.constant 0 : i32
      %dma_wait3A_165 = tpu.memref_slice %dma_wait3A_163[%add3A_21, %dma_wait3A_164] : memref<10240x64xf32, #tpu.memory_space<hbm>> -> memref<128x64xf32, #tpu.memory_space<hbm>>
      tpu.wait_dma2 semaphore(%run_scoped3A : memref<!tpu.dma_semaphore, #tpu.memory_space<semaphore_mem>>) src(%dma_wait3A_165 : memref<128x64xf32, #tpu.memory_space<hbm>>) dst(%arg8 : memref<128x64xf32, #tpu.memory_space<vmem>>)
      tpu.yield
    }) : () -> ()
    "tpu.region"() ({
      %run_scoped3A = tpu.sem_alloc : memref<!tpu.dma_semaphore, #tpu.memory_space<semaphore_mem>>
      %dma_start3A = arith.constant 0 : i32
      %dma_start3A_144 = tpu.memref_slice %arg9[%add3A_21, %dma_start3A] : memref<20480x64xf32, #tpu.memory_space<vmem_shared>> -> memref<128x64xf32, #tpu.memory_space<vmem_shared>>
      %dma_start3A_145 = arith.constant 0 : i32
      %dma_start3A_146 = tpu.memref_slice %arg9[%add3A_21, %dma_start3A_145] : memref<20480x64xf32, #tpu.memory_space<vmem_shared>> -> memref<128x64xf32, #tpu.memory_space<vmem_shared>>
      tpu.enqueue_dma source(%arg8 : memref<128x64xf32, #tpu.memory_space<vmem>>) target(%dma_start3A_146 : memref<128x64xf32, #tpu.memory_space<vmem_shared>>) target_semaphore(%run_scoped3A : memref<!tpu.dma_semaphore, #tpu.memory_space<semaphore_mem>>)
      %dma_wait3A = arith.constant 0 : i32
      %dma_wait3A_147 = tpu.memref_slice %arg9[%add3A_21, %dma_wait3A] : memref<20480x64xf32, #tpu.memory_space<vmem_shared>> -> memref<128x64xf32, #tpu.memory_space<vmem_shared>>
      %dma_wait3A_148 = arith.constant 0 : i32
      %dma_wait3A_149 = tpu.memref_slice %arg9[%add3A_21, %dma_wait3A_148] : memref<20480x64xf32, #tpu.memory_space<vmem_shared>> -> memref<128x64xf32, #tpu.memory_space<vmem_shared>>
      tpu.wait_dma2 semaphore(%run_scoped3A : memref<!tpu.dma_semaphore, #tpu.memory_space<semaphore_mem>>) src(%arg8 : memref<128x64xf32, #tpu.memory_space<vmem>>) dst(%dma_wait3A_149 : memref<128x64xf32, #tpu.memory_space<vmem_shared>>)
      tpu.yield
    }) : () -> ()
    "tpu.region"() ({
      %run_scoped3A = tpu.sem_alloc : memref<!tpu.dma_semaphore, #tpu.memory_space<semaphore_mem>>
      tpu.enqueue_dma source(%arg4 : memref<128x64xf32, #tpu.memory_space<hbm>>) target(%arg7 : memref<128x64xf32, #tpu.memory_space<vmem>>) target_semaphore(%run_scoped3A : memref<!tpu.dma_semaphore, #tpu.memory_space<semaphore_mem>>)
      tpu.wait_dma2 semaphore(%run_scoped3A : memref<!tpu.dma_semaphore, #tpu.memory_space<semaphore_mem>>) src(%arg4 : memref<128x64xf32, #tpu.memory_space<hbm>>) dst(%arg7 : memref<128x64xf32, #tpu.memory_space<vmem>>)
      tpu.yield
    }) : () -> ()
    %mul3A_22 = arith.constant 640 : i32
    %mul3A_23 = arith.muli %arg1, %mul3A_22 : i32
    %add3A_24 = arith.constant 10240 : i32
    %add3A_25 = arith.addi %add3A_24, %mul3A_23 : i32
    %add3A_26 = arith.constant 0 : i32
    %add3A_27 = arith.addi %add3A_25, %add3A_26 : i32
    "tpu.region"() ({
      %run_scoped3A = tpu.sem_alloc : memref<!tpu.dma_semaphore, #tpu.memory_space<semaphore_mem>>
      %dma_start3A = arith.constant 0 : i32
      %dma_start3A_144 = tpu.memref_slice %arg9[%add3A_27, %dma_start3A] : memref<20480x64xf32, #tpu.memory_space<vmem_shared>> -> memref<128x64xf32, #tpu.memory_space<vmem_shared>>
      %dma_start3A_145 = arith.constant 0 : i32
      %dma_start3A_146 = tpu.memref_slice %arg9[%add3A_27, %dma_start3A_145] : memref<20480x64xf32, #tpu.memory_space<vmem_shared>> -> memref<128x64xf32, #tpu.memory_space<vmem_shared>>
      tpu.enqueue_dma source(%arg7 : memref<128x64xf32, #tpu.memory_space<vmem>>) target(%dma_start3A_146 : memref<128x64xf32, #tpu.memory_space<vmem_shared>>) target_semaphore(%run_scoped3A : memref<!tpu.dma_semaphore, #tpu.memory_space<semaphore_mem>>)
      %dma_wait3A = arith.constant 0 : i32
      %dma_wait3A_147 = tpu.memref_slice %arg9[%add3A_27, %dma_wait3A] : memref<20480x64xf32, #tpu.memory_space<vmem_shared>> -> memref<128x64xf32, #tpu.memory_space<vmem_shared>>
      %dma_wait3A_148 = arith.constant 0 : i32
      %dma_wait3A_149 = tpu.memref_slice %arg9[%add3A_27, %dma_wait3A_148] : memref<20480x64xf32, #tpu.memory_space<vmem_shared>> -> memref<128x64xf32, #tpu.memory_space<vmem_shared>>
      tpu.wait_dma2 semaphore(%run_scoped3A : memref<!tpu.dma_semaphore, #tpu.memory_space<semaphore_mem>>) src(%arg7 : memref<128x64xf32, #tpu.memory_space<vmem>>) dst(%dma_wait3A_149 : memref<128x64xf32, #tpu.memory_space<vmem_shared>>)
      tpu.yield
    }) : () -> ()
    %mul3A_28 = arith.constant 640 : i32
    %mul3A_29 = arith.muli %arg1, %mul3A_28 : i32
    %add3A_30 = arith.constant 10240 : i32
    %add3A_31 = arith.addi %add3A_30, %mul3A_29 : i32
    %add3A_32 = arith.constant 128 : i32
    %add3A_33 = arith.addi %add3A_31, %add3A_32 : i32
    "tpu.region"() ({
      %run_scoped3A = tpu.sem_alloc : memref<!tpu.dma_semaphore, #tpu.memory_space<semaphore_mem>>
      %dma_start3A = arith.constant 0 : i32
      %dma_start3A_144 = tpu.memref_slice %arg9[%add3A_33, %dma_start3A] : memref<20480x64xf32, #tpu.memory_space<vmem_shared>> -> memref<128x64xf32, #tpu.memory_space<vmem_shared>>
      %dma_start3A_145 = arith.constant 0 : i32
      %dma_start3A_146 = tpu.memref_slice %arg9[%add3A_33, %dma_start3A_145] : memref<20480x64xf32, #tpu.memory_space<vmem_shared>> -> memref<128x64xf32, #tpu.memory_space<vmem_shared>>
      tpu.enqueue_dma source(%arg7 : memref<128x64xf32, #tpu.memory_space<vmem>>) target(%dma_start3A_146 : memref<128x64xf32, #tpu.memory_space<vmem_shared>>) target_semaphore(%run_scoped3A : memref<!tpu.dma_semaphore, #tpu.memory_space<semaphore_mem>>)
      %dma_wait3A = arith.constant 0 : i32
      %dma_wait3A_147 = tpu.memref_slice %arg9[%add3A_33, %dma_wait3A] : memref<20480x64xf32, #tpu.memory_space<vmem_shared>> -> memref<128x64xf32, #tpu.memory_space<vmem_shared>>
      %dma_wait3A_148 = arith.constant 0 : i32
      %dma_wait3A_149 = tpu.memref_slice %arg9[%add3A_33, %dma_wait3A_148] : memref<20480x64xf32, #tpu.memory_space<vmem_shared>> -> memref<128x64xf32, #tpu.memory_space<vmem_shared>>
      tpu.wait_dma2 semaphore(%run_scoped3A : memref<!tpu.dma_semaphore, #tpu.memory_space<semaphore_mem>>) src(%arg7 : memref<128x64xf32, #tpu.memory_space<vmem>>) dst(%dma_wait3A_149 : memref<128x64xf32, #tpu.memory_space<vmem_shared>>)
      tpu.yield
    }) : () -> ()
    %mul3A_34 = arith.constant 640 : i32
    %mul3A_35 = arith.muli %arg1, %mul3A_34 : i32
    %add3A_36 = arith.constant 10240 : i32
    %add3A_37 = arith.addi %add3A_36, %mul3A_35 : i32
    %add3A_38 = arith.constant 256 : i32
    %add3A_39 = arith.addi %add3A_37, %add3A_38 : i32
    "tpu.region"() ({
      %run_scoped3A = tpu.sem_alloc : memref<!tpu.dma_semaphore, #tpu.memory_space<semaphore_mem>>
      %dma_start3A = arith.constant 0 : i32
      %dma_start3A_144 = tpu.memref_slice %arg9[%add3A_39, %dma_start3A] : memref<20480x64xf32, #tpu.memory_space<vmem_shared>> -> memref<128x64xf32, #tpu.memory_space<vmem_shared>>
      %dma_start3A_145 = arith.constant 0 : i32
      %dma_start3A_146 = tpu.memref_slice %arg9[%add3A_39, %dma_start3A_145] : memref<20480x64xf32, #tpu.memory_space<vmem_shared>> -> memref<128x64xf32, #tpu.memory_space<vmem_shared>>
      tpu.enqueue_dma source(%arg7 : memref<128x64xf32, #tpu.memory_space<vmem>>) target(%dma_start3A_146 : memref<128x64xf32, #tpu.memory_space<vmem_shared>>) target_semaphore(%run_scoped3A : memref<!tpu.dma_semaphore, #tpu.memory_space<semaphore_mem>>)
      %dma_wait3A = arith.constant 0 : i32
      %dma_wait3A_147 = tpu.memref_slice %arg9[%add3A_39, %dma_wait3A] : memref<20480x64xf32, #tpu.memory_space<vmem_shared>> -> memref<128x64xf32, #tpu.memory_space<vmem_shared>>
      %dma_wait3A_148 = arith.constant 0 : i32
      %dma_wait3A_149 = tpu.memref_slice %arg9[%add3A_39, %dma_wait3A_148] : memref<20480x64xf32, #tpu.memory_space<vmem_shared>> -> memref<128x64xf32, #tpu.memory_space<vmem_shared>>
      tpu.wait_dma2 semaphore(%run_scoped3A : memref<!tpu.dma_semaphore, #tpu.memory_space<semaphore_mem>>) src(%arg7 : memref<128x64xf32, #tpu.memory_space<vmem>>) dst(%dma_wait3A_149 : memref<128x64xf32, #tpu.memory_space<vmem_shared>>)
      tpu.yield
    }) : () -> ()
    %mul3A_40 = arith.constant 640 : i32
    %mul3A_41 = arith.muli %arg1, %mul3A_40 : i32
    %add3A_42 = arith.constant 10240 : i32
    %add3A_43 = arith.addi %add3A_42, %mul3A_41 : i32
    %add3A_44 = arith.constant 384 : i32
    %add3A_45 = arith.addi %add3A_43, %add3A_44 : i32
    "tpu.region"() ({
      %run_scoped3A = tpu.sem_alloc : memref<!tpu.dma_semaphore, #tpu.memory_space<semaphore_mem>>
      %dma_start3A = arith.constant 0 : i32
      %dma_start3A_144 = tpu.memref_slice %arg9[%add3A_45, %dma_start3A] : memref<20480x64xf32, #tpu.memory_space<vmem_shared>> -> memref<128x64xf32, #tpu.memory_space<vmem_shared>>
      %dma_start3A_145 = arith.constant 0 : i32
      %dma_start3A_146 = tpu.memref_slice %arg9[%add3A_45, %dma_start3A_145] : memref<20480x64xf32, #tpu.memory_space<vmem_shared>> -> memref<128x64xf32, #tpu.memory_space<vmem_shared>>
      tpu.enqueue_dma source(%arg7 : memref<128x64xf32, #tpu.memory_space<vmem>>) target(%dma_start3A_146 : memref<128x64xf32, #tpu.memory_space<vmem_shared>>) target_semaphore(%run_scoped3A : memref<!tpu.dma_semaphore, #tpu.memory_space<semaphore_mem>>)
      %dma_wait3A = arith.constant 0 : i32
      %dma_wait3A_147 = tpu.memref_slice %arg9[%add3A_45, %dma_wait3A] : memref<20480x64xf32, #tpu.memory_space<vmem_shared>> -> memref<128x64xf32, #tpu.memory_space<vmem_shared>>
      %dma_wait3A_148 = arith.constant 0 : i32
      %dma_wait3A_149 = tpu.memref_slice %arg9[%add3A_45, %dma_wait3A_148] : memref<20480x64xf32, #tpu.memory_space<vmem_shared>> -> memref<128x64xf32, #tpu.memory_space<vmem_shared>>
      tpu.wait_dma2 semaphore(%run_scoped3A : memref<!tpu.dma_semaphore, #tpu.memory_space<semaphore_mem>>) src(%arg7 : memref<128x64xf32, #tpu.memory_space<vmem>>) dst(%dma_wait3A_149 : memref<128x64xf32, #tpu.memory_space<vmem_shared>>)
      tpu.yield
    }) : () -> ()
    %mul3A_46 = arith.constant 640 : i32
    %mul3A_47 = arith.muli %arg1, %mul3A_46 : i32
    %add3A_48 = arith.constant 10240 : i32
    %add3A_49 = arith.addi %add3A_48, %mul3A_47 : i32
    %add3A_50 = arith.constant 512 : i32
    %add3A_51 = arith.addi %add3A_49, %add3A_50 : i32
    "tpu.region"() ({
      %run_scoped3A = tpu.sem_alloc : memref<!tpu.dma_semaphore, #tpu.memory_space<semaphore_mem>>
      %dma_start3A = arith.constant 0 : i32
      %dma_start3A_144 = tpu.memref_slice %arg9[%add3A_51, %dma_start3A] : memref<20480x64xf32, #tpu.memory_space<vmem_shared>> -> memref<128x64xf32, #tpu.memory_space<vmem_shared>>
      %dma_start3A_145 = arith.constant 0 : i32
      %dma_start3A_146 = tpu.memref_slice %arg9[%add3A_51, %dma_start3A_145] : memref<20480x64xf32, #tpu.memory_space<vmem_shared>> -> memref<128x64xf32, #tpu.memory_space<vmem_shared>>
      tpu.enqueue_dma source(%arg7 : memref<128x64xf32, #tpu.memory_space<vmem>>) target(%dma_start3A_146 : memref<128x64xf32, #tpu.memory_space<vmem_shared>>) target_semaphore(%run_scoped3A : memref<!tpu.dma_semaphore, #tpu.memory_space<semaphore_mem>>)
      %dma_wait3A = arith.constant 0 : i32
      %dma_wait3A_147 = tpu.memref_slice %arg9[%add3A_51, %dma_wait3A] : memref<20480x64xf32, #tpu.memory_space<vmem_shared>> -> memref<128x64xf32, #tpu.memory_space<vmem_shared>>
      %dma_wait3A_148 = arith.constant 0 : i32
      %dma_wait3A_149 = tpu.memref_slice %arg9[%add3A_51, %dma_wait3A_148] : memref<20480x64xf32, #tpu.memory_space<vmem_shared>> -> memref<128x64xf32, #tpu.memory_space<vmem_shared>>
      tpu.wait_dma2 semaphore(%run_scoped3A : memref<!tpu.dma_semaphore, #tpu.memory_space<semaphore_mem>>) src(%arg7 : memref<128x64xf32, #tpu.memory_space<vmem>>) dst(%dma_wait3A_149 : memref<128x64xf32, #tpu.memory_space<vmem_shared>>)
      tpu.yield
    }) : () -> ()
    %barrier3A = arith.constant 0 : index
    tpu.barrier barrier_id(%barrier3A)
    %scan3A = arith.constant 0 : i32
    %scan3A_52 = arith.constant 0 : i32
    %scan3A_53 = arith.constant 10 : i32
    %scan3A_54 = arith.addi %scan3A_52, %scan3A_53 : i32
    %scan3A_55 = arith.constant 1 : i32
    %scan3A_56 = scf.for %scan3A_144 = %scan3A_52 to %scan3A_54 step %scan3A_55 iter_args(%scan3A_145 = %scan3A) -> (i32)  : i32 {
      "tpu.region"() ({
        %run_scoped3A = tpu.sem_alloc : memref<!tpu.dma_semaphore, #tpu.memory_space<semaphore_mem>>
        %dma_start3A = arith.constant 0 : i32
        %dma_start3A_149 = arith.constant 0 : i32
        %dma_start3A_150 = arith.constant 0 : i32
        %dma_start3A_151 = arith.constant 0 : i32
        %dma_start3A_152 = tpu.memref_slice %arg3[%arg0, %dma_start3A, %dma_start3A_149, %dma_start3A_150, %dma_start3A_151] : memref<2x16x10x32x128xi32, #tpu.memory_space<hbm>> -> memref<1x16x10x32x128xi32, #tpu.memory_space<hbm>>
        %dma_start3A_153 = tpu.memref_squeeze %dma_start3A_152 : memref<1x16x10x32x128xi32, #tpu.memory_space<hbm>> -> memref<16x10x32x128xi32, #tpu.memory_space<hbm>>
        %dma_start3A_154 = arith.constant 0 : i32
        %dma_start3A_155 = arith.constant 0 : i32
        %dma_start3A_156 = arith.constant 0 : i32
        %dma_start3A_157 = tpu.memref_slice %dma_start3A_153[%arg1, %dma_start3A_154, %dma_start3A_155, %dma_start3A_156] : memref<16x10x32x128xi32, #tpu.memory_space<hbm>> -> memref<1x10x32x128xi32, #tpu.memory_space<hbm>>
        %dma_start3A_158 = tpu.memref_squeeze %dma_start3A_157 : memref<1x10x32x128xi32, #tpu.memory_space<hbm>> -> memref<10x32x128xi32, #tpu.memory_space<hbm>>
        %dma_start3A_159 = arith.constant 0 : i32
        %dma_start3A_160 = arith.constant 0 : i32
        %dma_start3A_161 = tpu.memref_slice %dma_start3A_158[%scan3A_144, %dma_start3A_159, %dma_start3A_160] : memref<10x32x128xi32, #tpu.memory_space<hbm>> -> memref<1x32x128xi32, #tpu.memory_space<hbm>>
        %dma_start3A_162 = tpu.memref_squeeze %dma_start3A_161 : memref<1x32x128xi32, #tpu.memory_space<hbm>> -> memref<32x128xi32, #tpu.memory_space<hbm>>
        %dma_start3A_163 = arith.constant 0 : i32
        %dma_start3A_164 = arith.constant 0 : i32
        %dma_start3A_165 = arith.constant 0 : i32
        %dma_start3A_166 = arith.constant 0 : i32
        %dma_start3A_167 = tpu.memref_slice %arg3[%arg0, %dma_start3A_163, %dma_start3A_164, %dma_start3A_165, %dma_start3A_166] : memref<2x16x10x32x128xi32, #tpu.memory_space<hbm>> -> memref<1x16x10x32x128xi32, #tpu.memory_space<hbm>>
        %dma_start3A_168 = tpu.memref_squeeze %dma_start3A_167 : memref<1x16x10x32x128xi32, #tpu.memory_space<hbm>> -> memref<16x10x32x128xi32, #tpu.memory_space<hbm>>
        %dma_start3A_169 = arith.constant 0 : i32
        %dma_start3A_170 = arith.constant 0 : i32
        %dma_start3A_171 = arith.constant 0 : i32
        %dma_start3A_172 = tpu.memref_slice %dma_start3A_168[%arg1, %dma_start3A_169, %dma_start3A_170, %dma_start3A_171] : memref<16x10x32x128xi32, #tpu.memory_space<hbm>> -> memref<1x10x32x128xi32, #tpu.memory_space<hbm>>
        %dma_start3A_173 = tpu.memref_squeeze %dma_start3A_172 : memref<1x10x32x128xi32, #tpu.memory_space<hbm>> -> memref<10x32x128xi32, #tpu.memory_space<hbm>>
        %dma_start3A_174 = arith.constant 0 : i32
        %dma_start3A_175 = arith.constant 0 : i32
        %dma_start3A_176 = tpu.memref_slice %dma_start3A_173[%scan3A_144, %dma_start3A_174, %dma_start3A_175] : memref<10x32x128xi32, #tpu.memory_space<hbm>> -> memref<1x32x128xi32, #tpu.memory_space<hbm>>
        %dma_start3A_177 = tpu.memref_squeeze %dma_start3A_176 : memref<1x32x128xi32, #tpu.memory_space<hbm>> -> memref<32x128xi32, #tpu.memory_space<hbm>>
        tpu.enqueue_dma source(%dma_start3A_177 : memref<32x128xi32, #tpu.memory_space<hbm>>) target(%arg6 : memref<32x128xi32, #tpu.memory_space<vmem>>) target_semaphore(%run_scoped3A : memref<!tpu.dma_semaphore, #tpu.memory_space<semaphore_mem>>)
        %dma_wait3A = arith.constant 0 : i32
        %dma_wait3A_178 = arith.constant 0 : i32
        %dma_wait3A_179 = arith.constant 0 : i32
        %dma_wait3A_180 = arith.constant 0 : i32
        %dma_wait3A_181 = tpu.memref_slice %arg3[%arg0, %dma_wait3A, %dma_wait3A_178, %dma_wait3A_179, %dma_wait3A_180] : memref<2x16x10x32x128xi32, #tpu.memory_space<hbm>> -> memref<1x16x10x32x128xi32, #tpu.memory_space<hbm>>
        %dma_wait3A_182 = tpu.memref_squeeze %dma_wait3A_181 : memref<1x16x10x32x128xi32, #tpu.memory_space<hbm>> -> memref<16x10x32x128xi32, #tpu.memory_space<hbm>>
        %dma_wait3A_183 = arith.constant 0 : i32
        %dma_wait3A_184 = arith.constant 0 : i32
        %dma_wait3A_185 = arith.constant 0 : i32
        %dma_wait3A_186 = tpu.memref_slice %dma_wait3A_182[%arg1, %dma_wait3A_183, %dma_wait3A_184, %dma_wait3A_185] : memref<16x10x32x128xi32, #tpu.memory_space<hbm>> -> memref<1x10x32x128xi32, #tpu.memory_space<hbm>>
        %dma_wait3A_187 = tpu.memref_squeeze %dma_wait3A_186 : memref<1x10x32x128xi32, #tpu.memory_space<hbm>> -> memref<10x32x128xi32, #tpu.memory_space<hbm>>
        %dma_wait3A_188 = arith.constant 0 : i32
        %dma_wait3A_189 = arith.constant 0 : i32
        %dma_wait3A_190 = tpu.memref_slice %dma_wait3A_187[%scan3A_144, %dma_wait3A_188, %dma_wait3A_189] : memref<10x32x128xi32, #tpu.memory_space<hbm>> -> memref<1x32x128xi32, #tpu.memory_space<hbm>>
        %dma_wait3A_191 = tpu.memref_squeeze %dma_wait3A_190 : memref<1x32x128xi32, #tpu.memory_space<hbm>> -> memref<32x128xi32, #tpu.memory_space<hbm>>
        %dma_wait3A_192 = arith.constant 0 : i32
        %dma_wait3A_193 = arith.constant 0 : i32
        %dma_wait3A_194 = arith.constant 0 : i32
        %dma_wait3A_195 = arith.constant 0 : i32
        %dma_wait3A_196 = tpu.memref_slice %arg3[%arg0, %dma_wait3A_192, %dma_wait3A_193, %dma_wait3A_194, %dma_wait3A_195] : memref<2x16x10x32x128xi32, #tpu.memory_space<hbm>> -> memref<1x16x10x32x128xi32, #tpu.memory_space<hbm>>
        %dma_wait3A_197 = tpu.memref_squeeze %dma_wait3A_196 : memref<1x16x10x32x128xi32, #tpu.memory_space<hbm>> -> memref<16x10x32x128xi32, #tpu.memory_space<hbm>>
        %dma_wait3A_198 = arith.constant 0 : i32
        %dma_wait3A_199 = arith.constant 0 : i32
        %dma_wait3A_200 = arith.constant 0 : i32
        %dma_wait3A_201 = tpu.memref_slice %dma_wait3A_197[%arg1, %dma_wait3A_198, %dma_wait3A_199, %dma_wait3A_200] : memref<16x10x32x128xi32, #tpu.memory_space<hbm>> -> memref<1x10x32x128xi32, #tpu.memory_space<hbm>>
        %dma_wait3A_202 = tpu.memref_squeeze %dma_wait3A_201 : memref<1x10x32x128xi32, #tpu.memory_space<hbm>> -> memref<10x32x128xi32, #tpu.memory_space<hbm>>
        %dma_wait3A_203 = arith.constant 0 : i32
        %dma_wait3A_204 = arith.constant 0 : i32
        %dma_wait3A_205 = tpu.memref_slice %dma_wait3A_202[%scan3A_144, %dma_wait3A_203, %dma_wait3A_204] : memref<10x32x128xi32, #tpu.memory_space<hbm>> -> memref<1x32x128xi32, #tpu.memory_space<hbm>>
        %dma_wait3A_206 = tpu.memref_squeeze %dma_wait3A_205 : memref<1x32x128xi32, #tpu.memory_space<hbm>> -> memref<32x128xi32, #tpu.memory_space<hbm>>
        tpu.wait_dma2 semaphore(%run_scoped3A : memref<!tpu.dma_semaphore, #tpu.memory_space<semaphore_mem>>) src(%dma_wait3A_206 : memref<32x128xi32, #tpu.memory_space<hbm>>) dst(%arg6 : memref<32x128xi32, #tpu.memory_space<vmem>>)
        tpu.yield
      }) : () -> ()
      %parallel_loop3A = arith.constant 0 : i32
      %parallel_loop3A_146 = arith.constant 8 : i32
      %parallel_loop3A_147 = arith.constant 1 : i32
      scf.for %parallel_loop3A_149 = %parallel_loop3A to %parallel_loop3A_146 step %parallel_loop3A_147  : i32 {
        %parallel_loop3A_150 = arith.constant 2 : i32
        %parallel_loop3A_151 = arith.muli %parallel_loop3A_150, %parallel_loop3A_149 : i32
        %parallel_loop3A_152 = arith.constant 0 : i32
        %parallel_loop3A_153 = tpu.memref_slice %arg6[%parallel_loop3A_151, %parallel_loop3A_152] : memref<32x128xi32, #tpu.memory_space<vmem>> -> memref<1x128xi32, #tpu.memory_space<vmem>>
        %parallel_loop3A_154 = tpu.memref_squeeze %parallel_loop3A_153 : memref<1x128xi32, #tpu.memory_space<vmem>> -> memref<128xi32, #tpu.memory_space<vmem>>
        %parallel_loop3A_155 = arith.constant 0 : i32
        %parallel_loop3A_156 = arith.constant 0 : i32
        %parallel_loop3A_157 = tpu.memref_slice %arg9[%parallel_loop3A_155, %parallel_loop3A_156] : memref<20480x64xf32, #tpu.memory_space<vmem_shared>> -> memref<20480x64xf32, #tpu.memory_space<vmem_shared>>
        tpu.enqueue_indirect_dma source(%parallel_loop3A_157 : memref<20480x64xf32, #tpu.memory_space<vmem_shared>>) target(%arg7 : memref<128x64xf32, #tpu.memory_space<vmem>>) offsets(%parallel_loop3A_154 : memref<128xi32, #tpu.memory_space<vmem>>) semaphore(%arg10 : memref<!tpu.dma_semaphore, #tpu.memory_space<semaphore_mem>>)
        %parallel_loop3A_158 = arith.constant 2 : i32
        %parallel_loop3A_159 = arith.muli %parallel_loop3A_158, %parallel_loop3A_149 : i32
        %parallel_loop3A_160 = arith.constant 1 : i32
        %parallel_loop3A_161 = arith.addi %parallel_loop3A_159, %parallel_loop3A_160 : i32
        %parallel_loop3A_162 = arith.constant 0 : i32
        %parallel_loop3A_163 = tpu.memref_slice %arg6[%parallel_loop3A_161, %parallel_loop3A_162] : memref<32x128xi32, #tpu.memory_space<vmem>> -> memref<1x128xi32, #tpu.memory_space<vmem>>
        %parallel_loop3A_164 = tpu.memref_squeeze %parallel_loop3A_163 : memref<1x128xi32, #tpu.memory_space<vmem>> -> memref<128xi32, #tpu.memory_space<vmem>>
        %parallel_loop3A_165 = arith.constant 0 : i32
        %parallel_loop3A_166 = arith.constant 0 : i32
        %parallel_loop3A_167 = tpu.memref_slice %arg9[%parallel_loop3A_165, %parallel_loop3A_166] : memref<20480x64xf32, #tpu.memory_space<vmem_shared>> -> memref<20480x64xf32, #tpu.memory_space<vmem_shared>>
        tpu.enqueue_indirect_dma source(%parallel_loop3A_167 : memref<20480x64xf32, #tpu.memory_space<vmem_shared>>) target(%arg8 : memref<128x64xf32, #tpu.memory_space<vmem>>) offsets(%parallel_loop3A_164 : memref<128xi32, #tpu.memory_space<vmem>>) semaphore(%arg11 : memref<!tpu.dma_semaphore, #tpu.memory_space<semaphore_mem>>)
        %parallel_loop3A_168 = arith.constant 0 : i32
        %parallel_loop3A_169 = tpu.memref_slice %arg6[%parallel_loop3A_151, %parallel_loop3A_168] : memref<32x128xi32, #tpu.memory_space<vmem>> -> memref<1x128xi32, #tpu.memory_space<vmem>>
        %parallel_loop3A_170 = tpu.memref_squeeze %parallel_loop3A_169 : memref<1x128xi32, #tpu.memory_space<vmem>> -> memref<128xi32, #tpu.memory_space<vmem>>
        %parallel_loop3A_171 = arith.constant 0 : i32
        %parallel_loop3A_172 = arith.constant 0 : i32
        %parallel_loop3A_173 = tpu.memref_slice %arg9[%parallel_loop3A_171, %parallel_loop3A_172] : memref<20480x64xf32, #tpu.memory_space<vmem_shared>> -> memref<20480x64xf32, #tpu.memory_space<vmem_shared>>
        tpu.wait_indirect_dma semaphore(%arg10 : memref<!tpu.dma_semaphore, #tpu.memory_space<semaphore_mem>>) src(%parallel_loop3A_173 : memref<20480x64xf32, #tpu.memory_space<vmem_shared>>) dst(%arg7 : memref<128x64xf32, #tpu.memory_space<vmem>>)
        %parallel_loop3A_174 = arith.constant 2 : i32
        %parallel_loop3A_175 = arith.muli %parallel_loop3A_174, %parallel_loop3A_149 : i32
        %parallel_loop3A_176 = arith.constant 16 : i32
        %parallel_loop3A_177 = arith.addi %parallel_loop3A_176, %parallel_loop3A_175 : i32
        %parallel_loop3A_178 = arith.constant 0 : i32
        %parallel_loop3A_179 = tpu.memref_slice %arg6[%parallel_loop3A_177, %parallel_loop3A_178] : memref<32x128xi32, #tpu.memory_space<vmem>> -> memref<1x128xi32, #tpu.memory_space<vmem>>
        %parallel_loop3A_180 = tpu.memref_squeeze %parallel_loop3A_179 : memref<1x128xi32, #tpu.memory_space<vmem>> -> memref<128xi32, #tpu.memory_space<vmem>>
        %parallel_loop3A_181 = arith.constant 0 : i32
        %parallel_loop3A_182 = arith.constant 0 : i32
        %parallel_loop3A_183 = tpu.memref_slice %arg9[%parallel_loop3A_181, %parallel_loop3A_182] : memref<20480x64xf32, #tpu.memory_space<vmem_shared>> -> memref<20480x64xf32, #tpu.memory_space<vmem_shared>>
        tpu.enqueue_indirect_dma source(%arg7 : memref<128x64xf32, #tpu.memory_space<vmem>>) target(%parallel_loop3A_183 : memref<20480x64xf32, #tpu.memory_space<vmem_shared>>) offsets(%parallel_loop3A_180 : memref<128xi32, #tpu.memory_space<vmem>>) semaphore(%arg12 : memref<!tpu.dma_semaphore, #tpu.memory_space<semaphore_mem>>) {add = true}
        %parallel_loop3A_184 = arith.constant 0 : i32
        %parallel_loop3A_185 = tpu.memref_slice %arg6[%parallel_loop3A_161, %parallel_loop3A_184] : memref<32x128xi32, #tpu.memory_space<vmem>> -> memref<1x128xi32, #tpu.memory_space<vmem>>
        %parallel_loop3A_186 = tpu.memref_squeeze %parallel_loop3A_185 : memref<1x128xi32, #tpu.memory_space<vmem>> -> memref<128xi32, #tpu.memory_space<vmem>>
        %parallel_loop3A_187 = arith.constant 0 : i32
        %parallel_loop3A_188 = arith.constant 0 : i32
        %parallel_loop3A_189 = tpu.memref_slice %arg9[%parallel_loop3A_187, %parallel_loop3A_188] : memref<20480x64xf32, #tpu.memory_space<vmem_shared>> -> memref<20480x64xf32, #tpu.memory_space<vmem_shared>>
        tpu.wait_indirect_dma semaphore(%arg11 : memref<!tpu.dma_semaphore, #tpu.memory_space<semaphore_mem>>) src(%parallel_loop3A_189 : memref<20480x64xf32, #tpu.memory_space<vmem_shared>>) dst(%arg8 : memref<128x64xf32, #tpu.memory_space<vmem>>)
        %parallel_loop3A_190 = arith.constant 2 : i32
        %parallel_loop3A_191 = arith.muli %parallel_loop3A_190, %parallel_loop3A_149 : i32
        %parallel_loop3A_192 = arith.constant 16 : i32
        %parallel_loop3A_193 = arith.addi %parallel_loop3A_192, %parallel_loop3A_191 : i32
        %parallel_loop3A_194 = arith.constant 1 : i32
        %parallel_loop3A_195 = arith.addi %parallel_loop3A_193, %parallel_loop3A_194 : i32
        %parallel_loop3A_196 = arith.constant 0 : i32
        %parallel_loop3A_197 = tpu.memref_slice %arg6[%parallel_loop3A_195, %parallel_loop3A_196] : memref<32x128xi32, #tpu.memory_space<vmem>> -> memref<1x128xi32, #tpu.memory_space<vmem>>
        %parallel_loop3A_198 = tpu.memref_squeeze %parallel_loop3A_197 : memref<1x128xi32, #tpu.memory_space<vmem>> -> memref<128xi32, #tpu.memory_space<vmem>>
        %parallel_loop3A_199 = arith.constant 0 : i32
        %parallel_loop3A_200 = arith.constant 0 : i32
        %parallel_loop3A_201 = tpu.memref_slice %arg9[%parallel_loop3A_199, %parallel_loop3A_200] : memref<20480x64xf32, #tpu.memory_space<vmem_shared>> -> memref<20480x64xf32, #tpu.memory_space<vmem_shared>>
        tpu.enqueue_indirect_dma source(%arg8 : memref<128x64xf32, #tpu.memory_space<vmem>>) target(%parallel_loop3A_201 : memref<20480x64xf32, #tpu.memory_space<vmem_shared>>) offsets(%parallel_loop3A_198 : memref<128xi32, #tpu.memory_space<vmem>>) semaphore(%arg13 : memref<!tpu.dma_semaphore, #tpu.memory_space<semaphore_mem>>) {add = true}
        %parallel_loop3A_202 = arith.constant 0 : i32
        %parallel_loop3A_203 = tpu.memref_slice %arg6[%parallel_loop3A_177, %parallel_loop3A_202] : memref<32x128xi32, #tpu.memory_space<vmem>> -> memref<1x128xi32, #tpu.memory_space<vmem>>
        %parallel_loop3A_204 = tpu.memref_squeeze %parallel_loop3A_203 : memref<1x128xi32, #tpu.memory_space<vmem>> -> memref<128xi32, #tpu.memory_space<vmem>>
        %parallel_loop3A_205 = arith.constant 0 : i32
        %parallel_loop3A_206 = arith.constant 0 : i32
        %parallel_loop3A_207 = tpu.memref_slice %arg9[%parallel_loop3A_205, %parallel_loop3A_206] : memref<20480x64xf32, #tpu.memory_space<vmem_shared>> -> memref<20480x64xf32, #tpu.memory_space<vmem_shared>>
        tpu.wait_indirect_dma semaphore(%arg12 : memref<!tpu.dma_semaphore, #tpu.memory_space<semaphore_mem>>) src(%arg7 : memref<128x64xf32, #tpu.memory_space<vmem>>) dst(%parallel_loop3A_207 : memref<20480x64xf32, #tpu.memory_space<vmem_shared>>)
        %parallel_loop3A_208 = arith.constant 0 : i32
        %parallel_loop3A_209 = tpu.memref_slice %arg6[%parallel_loop3A_195, %parallel_loop3A_208] : memref<32x128xi32, #tpu.memory_space<vmem>> -> memref<1x128xi32, #tpu.memory_space<vmem>>
        %parallel_loop3A_210 = tpu.memref_squeeze %parallel_loop3A_209 : memref<1x128xi32, #tpu.memory_space<vmem>> -> memref<128xi32, #tpu.memory_space<vmem>>
        %parallel_loop3A_211 = arith.constant 0 : i32
        %parallel_loop3A_212 = arith.constant 0 : i32
        %parallel_loop3A_213 = tpu.memref_slice %arg9[%parallel_loop3A_211, %parallel_loop3A_212] : memref<20480x64xf32, #tpu.memory_space<vmem_shared>> -> memref<20480x64xf32, #tpu.memory_space<vmem_shared>>
        tpu.wait_indirect_dma semaphore(%arg13 : memref<!tpu.dma_semaphore, #tpu.memory_space<semaphore_mem>>) src(%arg8 : memref<128x64xf32, #tpu.memory_space<vmem>>) dst(%parallel_loop3A_213 : memref<20480x64xf32, #tpu.memory_space<vmem_shared>>)
      } {sc.loop_unroll_factor = 2 : i64, sc.parallel_access}
      %scan3A_148 = arith.constant 0 : i32
      scf.yield %scan3A_148 : i32
    }
    %scan3A_57 = arith.constant 10 : i32
    %barrier3A_58 = arith.constant 0 : index
    tpu.barrier barrier_id(%barrier3A_58)
    %mul3A_59 = arith.constant 640 : i32
    %mul3A_60 = arith.muli %arg1, %mul3A_59 : i32
    %add3A_61 = arith.constant 10240 : i32
    %add3A_62 = arith.addi %add3A_61, %mul3A_60 : i32
    %mul3A_63 = arith.constant 2 : i32
    %mul3A_64 = arith.muli %arg0, %mul3A_63 : i32
    %add3A_65 = arith.constant 0 : i32
    %add3A_66 = arith.addi %mul3A_64, %add3A_65 : i32
    %mul3A_67 = arith.constant 640 : i32
    %mul3A_68 = arith.muli %arg1, %mul3A_67 : i32
    "tpu.region"() ({
      %run_scoped3A = tpu.sem_alloc : memref<!tpu.dma_semaphore, #tpu.memory_space<semaphore_mem>>
      %dma_start3A = arith.constant 0 : i32
      %dma_start3A_144 = arith.constant 0 : i32
      %dma_start3A_145 = tpu.memref_slice %arg5[%add3A_66, %dma_start3A, %dma_start3A_144] : memref<4x10240x64xf32, #tpu.memory_space<hbm>> -> memref<1x10240x64xf32, #tpu.memory_space<hbm>>
      %dma_start3A_146 = tpu.memref_squeeze %dma_start3A_145 : memref<1x10240x64xf32, #tpu.memory_space<hbm>> -> memref<10240x64xf32, #tpu.memory_space<hbm>>
      %dma_start3A_147 = arith.constant 0 : i32
      %dma_start3A_148 = tpu.memref_slice %dma_start3A_146[%mul3A_68, %dma_start3A_147] : memref<10240x64xf32, #tpu.memory_space<hbm>> -> memref<640x64xf32, #tpu.memory_space<hbm>>
      %dma_start3A_149 = arith.constant 0 : i32
      %dma_start3A_150 = tpu.memref_slice %arg9[%add3A_62, %dma_start3A_149] : memref<20480x64xf32, #tpu.memory_space<vmem_shared>> -> memref<640x64xf32, #tpu.memory_space<vmem_shared>>
      tpu.enqueue_dma source(%dma_start3A_150 : memref<640x64xf32, #tpu.memory_space<vmem_shared>>) target(%dma_start3A_148 : memref<640x64xf32, #tpu.memory_space<hbm>>) target_semaphore(%run_scoped3A : memref<!tpu.dma_semaphore, #tpu.memory_space<semaphore_mem>>)
      %dma_wait3A = arith.constant 0 : i32
      %dma_wait3A_151 = arith.constant 0 : i32
      %dma_wait3A_152 = tpu.memref_slice %arg5[%add3A_66, %dma_wait3A, %dma_wait3A_151] : memref<4x10240x64xf32, #tpu.memory_space<hbm>> -> memref<1x10240x64xf32, #tpu.memory_space<hbm>>
      %dma_wait3A_153 = tpu.memref_squeeze %dma_wait3A_152 : memref<1x10240x64xf32, #tpu.memory_space<hbm>> -> memref<10240x64xf32, #tpu.memory_space<hbm>>
      %dma_wait3A_154 = arith.constant 0 : i32
      %dma_wait3A_155 = tpu.memref_slice %dma_wait3A_153[%mul3A_68, %dma_wait3A_154] : memref<10240x64xf32, #tpu.memory_space<hbm>> -> memref<640x64xf32, #tpu.memory_space<hbm>>
      %dma_wait3A_156 = arith.constant 0 : i32
      %dma_wait3A_157 = tpu.memref_slice %arg9[%add3A_62, %dma_wait3A_156] : memref<20480x64xf32, #tpu.memory_space<vmem_shared>> -> memref<640x64xf32, #tpu.memory_space<vmem_shared>>
      tpu.wait_dma2 semaphore(%run_scoped3A : memref<!tpu.dma_semaphore, #tpu.memory_space<semaphore_mem>>) src(%dma_wait3A_157 : memref<640x64xf32, #tpu.memory_space<vmem_shared>>) dst(%dma_wait3A_155 : memref<640x64xf32, #tpu.memory_space<hbm>>)
      tpu.yield
    }) : () -> ()
    %barrier3A_69 = arith.constant 0 : index
    tpu.barrier barrier_id(%barrier3A_69)
    %mul3A_70 = arith.constant 2 : i32
    %mul3A_71 = arith.muli %arg0, %mul3A_70 : i32
    %add3A_72 = arith.constant 1 : i32
    %add3A_73 = arith.addi %mul3A_71, %add3A_72 : i32
    %mul3A_74 = arith.constant 640 : i32
    %mul3A_75 = arith.muli %arg1, %mul3A_74 : i32
    %add3A_76 = arith.constant 0 : i32
    %add3A_77 = arith.addi %mul3A_75, %add3A_76 : i32
    "tpu.region"() ({
      %run_scoped3A = tpu.sem_alloc : memref<!tpu.dma_semaphore, #tpu.memory_space<semaphore_mem>>
      %dma_start3A = arith.constant 0 : i32
      %dma_start3A_144 = arith.constant 0 : i32
      %dma_start3A_145 = tpu.memref_slice %arg2[%add3A_73, %dma_start3A, %dma_start3A_144] : memref<4x10240x64xf32, #tpu.memory_space<hbm>> -> memref<1x10240x64xf32, #tpu.memory_space<hbm>>
      %dma_start3A_146 = tpu.memref_squeeze %dma_start3A_145 : memref<1x10240x64xf32, #tpu.memory_space<hbm>> -> memref<10240x64xf32, #tpu.memory_space<hbm>>
      %dma_start3A_147 = arith.constant 0 : i32
      %dma_start3A_148 = tpu.memref_slice %dma_start3A_146[%add3A_77, %dma_start3A_147] : memref<10240x64xf32, #tpu.memory_space<hbm>> -> memref<128x64xf32, #tpu.memory_space<hbm>>
      %dma_start3A_149 = arith.constant 0 : i32
      %dma_start3A_150 = arith.constant 0 : i32
      %dma_start3A_151 = tpu.memref_slice %arg2[%add3A_73, %dma_start3A_149, %dma_start3A_150] : memref<4x10240x64xf32, #tpu.memory_space<hbm>> -> memref<1x10240x64xf32, #tpu.memory_space<hbm>>
      %dma_start3A_152 = tpu.memref_squeeze %dma_start3A_151 : memref<1x10240x64xf32, #tpu.memory_space<hbm>> -> memref<10240x64xf32, #tpu.memory_space<hbm>>
      %dma_start3A_153 = arith.constant 0 : i32
      %dma_start3A_154 = tpu.memref_slice %dma_start3A_152[%add3A_77, %dma_start3A_153] : memref<10240x64xf32, #tpu.memory_space<hbm>> -> memref<128x64xf32, #tpu.memory_space<hbm>>
      tpu.enqueue_dma source(%dma_start3A_154 : memref<128x64xf32, #tpu.memory_space<hbm>>) target(%arg8 : memref<128x64xf32, #tpu.memory_space<vmem>>) target_semaphore(%run_scoped3A : memref<!tpu.dma_semaphore, #tpu.memory_space<semaphore_mem>>)
      %dma_wait3A = arith.constant 0 : i32
      %dma_wait3A_155 = arith.constant 0 : i32
      %dma_wait3A_156 = tpu.memref_slice %arg2[%add3A_73, %dma_wait3A, %dma_wait3A_155] : memref<4x10240x64xf32, #tpu.memory_space<hbm>> -> memref<1x10240x64xf32, #tpu.memory_space<hbm>>
      %dma_wait3A_157 = tpu.memref_squeeze %dma_wait3A_156 : memref<1x10240x64xf32, #tpu.memory_space<hbm>> -> memref<10240x64xf32, #tpu.memory_space<hbm>>
      %dma_wait3A_158 = arith.constant 0 : i32
      %dma_wait3A_159 = tpu.memref_slice %dma_wait3A_157[%add3A_77, %dma_wait3A_158] : memref<10240x64xf32, #tpu.memory_space<hbm>> -> memref<128x64xf32, #tpu.memory_space<hbm>>
      %dma_wait3A_160 = arith.constant 0 : i32
      %dma_wait3A_161 = arith.constant 0 : i32
      %dma_wait3A_162 = tpu.memref_slice %arg2[%add3A_73, %dma_wait3A_160, %dma_wait3A_161] : memref<4x10240x64xf32, #tpu.memory_space<hbm>> -> memref<1x10240x64xf32, #tpu.memory_space<hbm>>
      %dma_wait3A_163 = tpu.memref_squeeze %dma_wait3A_162 : memref<1x10240x64xf32, #tpu.memory_space<hbm>> -> memref<10240x64xf32, #tpu.memory_space<hbm>>
      %dma_wait3A_164 = arith.constant 0 : i32
      %dma_wait3A_165 = tpu.memref_slice %dma_wait3A_163[%add3A_77, %dma_wait3A_164] : memref<10240x64xf32, #tpu.memory_space<hbm>> -> memref<128x64xf32, #tpu.memory_space<hbm>>
      tpu.wait_dma2 semaphore(%run_scoped3A : memref<!tpu.dma_semaphore, #tpu.memory_space<semaphore_mem>>) src(%dma_wait3A_165 : memref<128x64xf32, #tpu.memory_space<hbm>>) dst(%arg8 : memref<128x64xf32, #tpu.memory_space<vmem>>)
      tpu.yield
    }) : () -> ()
    "tpu.region"() ({
      %run_scoped3A = tpu.sem_alloc : memref<!tpu.dma_semaphore, #tpu.memory_space<semaphore_mem>>
      %dma_start3A = arith.constant 0 : i32
      %dma_start3A_144 = tpu.memref_slice %arg9[%add3A_77, %dma_start3A] : memref<20480x64xf32, #tpu.memory_space<vmem_shared>> -> memref<128x64xf32, #tpu.memory_space<vmem_shared>>
      %dma_start3A_145 = arith.constant 0 : i32
      %dma_start3A_146 = tpu.memref_slice %arg9[%add3A_77, %dma_start3A_145] : memref<20480x64xf32, #tpu.memory_space<vmem_shared>> -> memref<128x64xf32, #tpu.memory_space<vmem_shared>>
      tpu.enqueue_dma source(%arg8 : memref<128x64xf32, #tpu.memory_space<vmem>>) target(%dma_start3A_146 : memref<128x64xf32, #tpu.memory_space<vmem_shared>>) target_semaphore(%run_scoped3A : memref<!tpu.dma_semaphore, #tpu.memory_space<semaphore_mem>>)
      %dma_wait3A = arith.constant 0 : i32
      %dma_wait3A_147 = tpu.memref_slice %arg9[%add3A_77, %dma_wait3A] : memref<20480x64xf32, #tpu.memory_space<vmem_shared>> -> memref<128x64xf32, #tpu.memory_space<vmem_shared>>
      %dma_wait3A_148 = arith.constant 0 : i32
      %dma_wait3A_149 = tpu.memref_slice %arg9[%add3A_77, %dma_wait3A_148] : memref<20480x64xf32, #tpu.memory_space<vmem_shared>> -> memref<128x64xf32, #tpu.memory_space<vmem_shared>>
      tpu.wait_dma2 semaphore(%run_scoped3A : memref<!tpu.dma_semaphore, #tpu.memory_space<semaphore_mem>>) src(%arg8 : memref<128x64xf32, #tpu.memory_space<vmem>>) dst(%dma_wait3A_149 : memref<128x64xf32, #tpu.memory_space<vmem_shared>>)
      tpu.yield
    }) : () -> ()
    %mul3A_78 = arith.constant 640 : i32
    %mul3A_79 = arith.muli %arg1, %mul3A_78 : i32
    %add3A_80 = arith.constant 128 : i32
    %add3A_81 = arith.addi %mul3A_79, %add3A_80 : i32
    "tpu.region"() ({
      %run_scoped3A = tpu.sem_alloc : memref<!tpu.dma_semaphore, #tpu.memory_space<semaphore_mem>>
      %dma_start3A = arith.constant 0 : i32
      %dma_start3A_144 = arith.constant 0 : i32
      %dma_start3A_145 = tpu.memref_slice %arg2[%add3A_73, %dma_start3A, %dma_start3A_144] : memref<4x10240x64xf32, #tpu.memory_space<hbm>> -> memref<1x10240x64xf32, #tpu.memory_space<hbm>>
      %dma_start3A_146 = tpu.memref_squeeze %dma_start3A_145 : memref<1x10240x64xf32, #tpu.memory_space<hbm>> -> memref<10240x64xf32, #tpu.memory_space<hbm>>
      %dma_start3A_147 = arith.constant 0 : i32
      %dma_start3A_148 = tpu.memref_slice %dma_start3A_146[%add3A_81, %dma_start3A_147] : memref<10240x64xf32, #tpu.memory_space<hbm>> -> memref<128x64xf32, #tpu.memory_space<hbm>>
      %dma_start3A_149 = arith.constant 0 : i32
      %dma_start3A_150 = arith.constant 0 : i32
      %dma_start3A_151 = tpu.memref_slice %arg2[%add3A_73, %dma_start3A_149, %dma_start3A_150] : memref<4x10240x64xf32, #tpu.memory_space<hbm>> -> memref<1x10240x64xf32, #tpu.memory_space<hbm>>
      %dma_start3A_152 = tpu.memref_squeeze %dma_start3A_151 : memref<1x10240x64xf32, #tpu.memory_space<hbm>> -> memref<10240x64xf32, #tpu.memory_space<hbm>>
      %dma_start3A_153 = arith.constant 0 : i32
      %dma_start3A_154 = tpu.memref_slice %dma_start3A_152[%add3A_81, %dma_start3A_153] : memref<10240x64xf32, #tpu.memory_space<hbm>> -> memref<128x64xf32, #tpu.memory_space<hbm>>
      tpu.enqueue_dma source(%dma_start3A_154 : memref<128x64xf32, #tpu.memory_space<hbm>>) target(%arg8 : memref<128x64xf32, #tpu.memory_space<vmem>>) target_semaphore(%run_scoped3A : memref<!tpu.dma_semaphore, #tpu.memory_space<semaphore_mem>>)
      %dma_wait3A = arith.constant 0 : i32
      %dma_wait3A_155 = arith.constant 0 : i32
      %dma_wait3A_156 = tpu.memref_slice %arg2[%add3A_73, %dma_wait3A, %dma_wait3A_155] : memref<4x10240x64xf32, #tpu.memory_space<hbm>> -> memref<1x10240x64xf32, #tpu.memory_space<hbm>>
      %dma_wait3A_157 = tpu.memref_squeeze %dma_wait3A_156 : memref<1x10240x64xf32, #tpu.memory_space<hbm>> -> memref<10240x64xf32, #tpu.memory_space<hbm>>
      %dma_wait3A_158 = arith.constant 0 : i32
      %dma_wait3A_159 = tpu.memref_slice %dma_wait3A_157[%add3A_81, %dma_wait3A_158] : memref<10240x64xf32, #tpu.memory_space<hbm>> -> memref<128x64xf32, #tpu.memory_space<hbm>>
      %dma_wait3A_160 = arith.constant 0 : i32
      %dma_wait3A_161 = arith.constant 0 : i32
      %dma_wait3A_162 = tpu.memref_slice %arg2[%add3A_73, %dma_wait3A_160, %dma_wait3A_161] : memref<4x10240x64xf32, #tpu.memory_space<hbm>> -> memref<1x10240x64xf32, #tpu.memory_space<hbm>>
      %dma_wait3A_163 = tpu.memref_squeeze %dma_wait3A_162 : memref<1x10240x64xf32, #tpu.memory_space<hbm>> -> memref<10240x64xf32, #tpu.memory_space<hbm>>
      %dma_wait3A_164 = arith.constant 0 : i32
      %dma_wait3A_165 = tpu.memref_slice %dma_wait3A_163[%add3A_81, %dma_wait3A_164] : memref<10240x64xf32, #tpu.memory_space<hbm>> -> memref<128x64xf32, #tpu.memory_space<hbm>>
      tpu.wait_dma2 semaphore(%run_scoped3A : memref<!tpu.dma_semaphore, #tpu.memory_space<semaphore_mem>>) src(%dma_wait3A_165 : memref<128x64xf32, #tpu.memory_space<hbm>>) dst(%arg8 : memref<128x64xf32, #tpu.memory_space<vmem>>)
      tpu.yield
    }) : () -> ()
    "tpu.region"() ({
      %run_scoped3A = tpu.sem_alloc : memref<!tpu.dma_semaphore, #tpu.memory_space<semaphore_mem>>
      %dma_start3A = arith.constant 0 : i32
      %dma_start3A_144 = tpu.memref_slice %arg9[%add3A_81, %dma_start3A] : memref<20480x64xf32, #tpu.memory_space<vmem_shared>> -> memref<128x64xf32, #tpu.memory_space<vmem_shared>>
      %dma_start3A_145 = arith.constant 0 : i32
      %dma_start3A_146 = tpu.memref_slice %arg9[%add3A_81, %dma_start3A_145] : memref<20480x64xf32, #tpu.memory_space<vmem_shared>> -> memref<128x64xf32, #tpu.memory_space<vmem_shared>>
      tpu.enqueue_dma source(%arg8 : memref<128x64xf32, #tpu.memory_space<vmem>>) target(%dma_start3A_146 : memref<128x64xf32, #tpu.memory_space<vmem_shared>>) target_semaphore(%run_scoped3A : memref<!tpu.dma_semaphore, #tpu.memory_space<semaphore_mem>>)
      %dma_wait3A = arith.constant 0 : i32
      %dma_wait3A_147 = tpu.memref_slice %arg9[%add3A_81, %dma_wait3A] : memref<20480x64xf32, #tpu.memory_space<vmem_shared>> -> memref<128x64xf32, #tpu.memory_space<vmem_shared>>
      %dma_wait3A_148 = arith.constant 0 : i32
      %dma_wait3A_149 = tpu.memref_slice %arg9[%add3A_81, %dma_wait3A_148] : memref<20480x64xf32, #tpu.memory_space<vmem_shared>> -> memref<128x64xf32, #tpu.memory_space<vmem_shared>>
      tpu.wait_dma2 semaphore(%run_scoped3A : memref<!tpu.dma_semaphore, #tpu.memory_space<semaphore_mem>>) src(%arg8 : memref<128x64xf32, #tpu.memory_space<vmem>>) dst(%dma_wait3A_149 : memref<128x64xf32, #tpu.memory_space<vmem_shared>>)
      tpu.yield
    }) : () -> ()
    %mul3A_82 = arith.constant 640 : i32
    %mul3A_83 = arith.muli %arg1, %mul3A_82 : i32
    %add3A_84 = arith.constant 256 : i32
    %add3A_85 = arith.addi %mul3A_83, %add3A_84 : i32
    "tpu.region"() ({
      %run_scoped3A = tpu.sem_alloc : memref<!tpu.dma_semaphore, #tpu.memory_space<semaphore_mem>>
      %dma_start3A = arith.constant 0 : i32
      %dma_start3A_144 = arith.constant 0 : i32
      %dma_start3A_145 = tpu.memref_slice %arg2[%add3A_73, %dma_start3A, %dma_start3A_144] : memref<4x10240x64xf32, #tpu.memory_space<hbm>> -> memref<1x10240x64xf32, #tpu.memory_space<hbm>>
      %dma_start3A_146 = tpu.memref_squeeze %dma_start3A_145 : memref<1x10240x64xf32, #tpu.memory_space<hbm>> -> memref<10240x64xf32, #tpu.memory_space<hbm>>
      %dma_start3A_147 = arith.constant 0 : i32
      %dma_start3A_148 = tpu.memref_slice %dma_start3A_146[%add3A_85, %dma_start3A_147] : memref<10240x64xf32, #tpu.memory_space<hbm>> -> memref<128x64xf32, #tpu.memory_space<hbm>>
      %dma_start3A_149 = arith.constant 0 : i32
      %dma_start3A_150 = arith.constant 0 : i32
      %dma_start3A_151 = tpu.memref_slice %arg2[%add3A_73, %dma_start3A_149, %dma_start3A_150] : memref<4x10240x64xf32, #tpu.memory_space<hbm>> -> memref<1x10240x64xf32, #tpu.memory_space<hbm>>
      %dma_start3A_152 = tpu.memref_squeeze %dma_start3A_151 : memref<1x10240x64xf32, #tpu.memory_space<hbm>> -> memref<10240x64xf32, #tpu.memory_space<hbm>>
      %dma_start3A_153 = arith.constant 0 : i32
      %dma_start3A_154 = tpu.memref_slice %dma_start3A_152[%add3A_85, %dma_start3A_153] : memref<10240x64xf32, #tpu.memory_space<hbm>> -> memref<128x64xf32, #tpu.memory_space<hbm>>
      tpu.enqueue_dma source(%dma_start3A_154 : memref<128x64xf32, #tpu.memory_space<hbm>>) target(%arg8 : memref<128x64xf32, #tpu.memory_space<vmem>>) target_semaphore(%run_scoped3A : memref<!tpu.dma_semaphore, #tpu.memory_space<semaphore_mem>>)
      %dma_wait3A = arith.constant 0 : i32
      %dma_wait3A_155 = arith.constant 0 : i32
      %dma_wait3A_156 = tpu.memref_slice %arg2[%add3A_73, %dma_wait3A, %dma_wait3A_155] : memref<4x10240x64xf32, #tpu.memory_space<hbm>> -> memref<1x10240x64xf32, #tpu.memory_space<hbm>>
      %dma_wait3A_157 = tpu.memref_squeeze %dma_wait3A_156 : memref<1x10240x64xf32, #tpu.memory_space<hbm>> -> memref<10240x64xf32, #tpu.memory_space<hbm>>
      %dma_wait3A_158 = arith.constant 0 : i32
      %dma_wait3A_159 = tpu.memref_slice %dma_wait3A_157[%add3A_85, %dma_wait3A_158] : memref<10240x64xf32, #tpu.memory_space<hbm>> -> memref<128x64xf32, #tpu.memory_space<hbm>>
      %dma_wait3A_160 = arith.constant 0 : i32
      %dma_wait3A_161 = arith.constant 0 : i32
      %dma_wait3A_162 = tpu.memref_slice %arg2[%add3A_73, %dma_wait3A_160, %dma_wait3A_161] : memref<4x10240x64xf32, #tpu.memory_space<hbm>> -> memref<1x10240x64xf32, #tpu.memory_space<hbm>>
      %dma_wait3A_163 = tpu.memref_squeeze %dma_wait3A_162 : memref<1x10240x64xf32, #tpu.memory_space<hbm>> -> memref<10240x64xf32, #tpu.memory_space<hbm>>
      %dma_wait3A_164 = arith.constant 0 : i32
      %dma_wait3A_165 = tpu.memref_slice %dma_wait3A_163[%add3A_85, %dma_wait3A_164] : memref<10240x64xf32, #tpu.memory_space<hbm>> -> memref<128x64xf32, #tpu.memory_space<hbm>>
      tpu.wait_dma2 semaphore(%run_scoped3A : memref<!tpu.dma_semaphore, #tpu.memory_space<semaphore_mem>>) src(%dma_wait3A_165 : memref<128x64xf32, #tpu.memory_space<hbm>>) dst(%arg8 : memref<128x64xf32, #tpu.memory_space<vmem>>)
      tpu.yield
    }) : () -> ()
    "tpu.region"() ({
      %run_scoped3A = tpu.sem_alloc : memref<!tpu.dma_semaphore, #tpu.memory_space<semaphore_mem>>
      %dma_start3A = arith.constant 0 : i32
      %dma_start3A_144 = tpu.memref_slice %arg9[%add3A_85, %dma_start3A] : memref<20480x64xf32, #tpu.memory_space<vmem_shared>> -> memref<128x64xf32, #tpu.memory_space<vmem_shared>>
      %dma_start3A_145 = arith.constant 0 : i32
      %dma_start3A_146 = tpu.memref_slice %arg9[%add3A_85, %dma_start3A_145] : memref<20480x64xf32, #tpu.memory_space<vmem_shared>> -> memref<128x64xf32, #tpu.memory_space<vmem_shared>>
      tpu.enqueue_dma source(%arg8 : memref<128x64xf32, #tpu.memory_space<vmem>>) target(%dma_start3A_146 : memref<128x64xf32, #tpu.memory_space<vmem_shared>>) target_semaphore(%run_scoped3A : memref<!tpu.dma_semaphore, #tpu.memory_space<semaphore_mem>>)
      %dma_wait3A = arith.constant 0 : i32
      %dma_wait3A_147 = tpu.memref_slice %arg9[%add3A_85, %dma_wait3A] : memref<20480x64xf32, #tpu.memory_space<vmem_shared>> -> memref<128x64xf32, #tpu.memory_space<vmem_shared>>
      %dma_wait3A_148 = arith.constant 0 : i32
      %dma_wait3A_149 = tpu.memref_slice %arg9[%add3A_85, %dma_wait3A_148] : memref<20480x64xf32, #tpu.memory_space<vmem_shared>> -> memref<128x64xf32, #tpu.memory_space<vmem_shared>>
      tpu.wait_dma2 semaphore(%run_scoped3A : memref<!tpu.dma_semaphore, #tpu.memory_space<semaphore_mem>>) src(%arg8 : memref<128x64xf32, #tpu.memory_space<vmem>>) dst(%dma_wait3A_149 : memref<128x64xf32, #tpu.memory_space<vmem_shared>>)
      tpu.yield
    }) : () -> ()
    %mul3A_86 = arith.constant 640 : i32
    %mul3A_87 = arith.muli %arg1, %mul3A_86 : i32
    %add3A_88 = arith.constant 384 : i32
    %add3A_89 = arith.addi %mul3A_87, %add3A_88 : i32
    "tpu.region"() ({
      %run_scoped3A = tpu.sem_alloc : memref<!tpu.dma_semaphore, #tpu.memory_space<semaphore_mem>>
      %dma_start3A = arith.constant 0 : i32
      %dma_start3A_144 = arith.constant 0 : i32
      %dma_start3A_145 = tpu.memref_slice %arg2[%add3A_73, %dma_start3A, %dma_start3A_144] : memref<4x10240x64xf32, #tpu.memory_space<hbm>> -> memref<1x10240x64xf32, #tpu.memory_space<hbm>>
      %dma_start3A_146 = tpu.memref_squeeze %dma_start3A_145 : memref<1x10240x64xf32, #tpu.memory_space<hbm>> -> memref<10240x64xf32, #tpu.memory_space<hbm>>
      %dma_start3A_147 = arith.constant 0 : i32
      %dma_start3A_148 = tpu.memref_slice %dma_start3A_146[%add3A_89, %dma_start3A_147] : memref<10240x64xf32, #tpu.memory_space<hbm>> -> memref<128x64xf32, #tpu.memory_space<hbm>>
      %dma_start3A_149 = arith.constant 0 : i32
      %dma_start3A_150 = arith.constant 0 : i32
      %dma_start3A_151 = tpu.memref_slice %arg2[%add3A_73, %dma_start3A_149, %dma_start3A_150] : memref<4x10240x64xf32, #tpu.memory_space<hbm>> -> memref<1x10240x64xf32, #tpu.memory_space<hbm>>
      %dma_start3A_152 = tpu.memref_squeeze %dma_start3A_151 : memref<1x10240x64xf32, #tpu.memory_space<hbm>> -> memref<10240x64xf32, #tpu.memory_space<hbm>>
      %dma_start3A_153 = arith.constant 0 : i32
      %dma_start3A_154 = tpu.memref_slice %dma_start3A_152[%add3A_89, %dma_start3A_153] : memref<10240x64xf32, #tpu.memory_space<hbm>> -> memref<128x64xf32, #tpu.memory_space<hbm>>
      tpu.enqueue_dma source(%dma_start3A_154 : memref<128x64xf32, #tpu.memory_space<hbm>>) target(%arg8 : memref<128x64xf32, #tpu.memory_space<vmem>>) target_semaphore(%run_scoped3A : memref<!tpu.dma_semaphore, #tpu.memory_space<semaphore_mem>>)
      %dma_wait3A = arith.constant 0 : i32
      %dma_wait3A_155 = arith.constant 0 : i32
      %dma_wait3A_156 = tpu.memref_slice %arg2[%add3A_73, %dma_wait3A, %dma_wait3A_155] : memref<4x10240x64xf32, #tpu.memory_space<hbm>> -> memref<1x10240x64xf32, #tpu.memory_space<hbm>>
      %dma_wait3A_157 = tpu.memref_squeeze %dma_wait3A_156 : memref<1x10240x64xf32, #tpu.memory_space<hbm>> -> memref<10240x64xf32, #tpu.memory_space<hbm>>
      %dma_wait3A_158 = arith.constant 0 : i32
      %dma_wait3A_159 = tpu.memref_slice %dma_wait3A_157[%add3A_89, %dma_wait3A_158] : memref<10240x64xf32, #tpu.memory_space<hbm>> -> memref<128x64xf32, #tpu.memory_space<hbm>>
      %dma_wait3A_160 = arith.constant 0 : i32
      %dma_wait3A_161 = arith.constant 0 : i32
      %dma_wait3A_162 = tpu.memref_slice %arg2[%add3A_73, %dma_wait3A_160, %dma_wait3A_161] : memref<4x10240x64xf32, #tpu.memory_space<hbm>> -> memref<1x10240x64xf32, #tpu.memory_space<hbm>>
      %dma_wait3A_163 = tpu.memref_squeeze %dma_wait3A_162 : memref<1x10240x64xf32, #tpu.memory_space<hbm>> -> memref<10240x64xf32, #tpu.memory_space<hbm>>
      %dma_wait3A_164 = arith.constant 0 : i32
      %dma_wait3A_165 = tpu.memref_slice %dma_wait3A_163[%add3A_89, %dma_wait3A_164] : memref<10240x64xf32, #tpu.memory_space<hbm>> -> memref<128x64xf32, #tpu.memory_space<hbm>>
      tpu.wait_dma2 semaphore(%run_scoped3A : memref<!tpu.dma_semaphore, #tpu.memory_space<semaphore_mem>>) src(%dma_wait3A_165 : memref<128x64xf32, #tpu.memory_space<hbm>>) dst(%arg8 : memref<128x64xf32, #tpu.memory_space<vmem>>)
      tpu.yield
    }) : () -> ()
    "tpu.region"() ({
      %run_scoped3A = tpu.sem_alloc : memref<!tpu.dma_semaphore, #tpu.memory_space<semaphore_mem>>
      %dma_start3A = arith.constant 0 : i32
      %dma_start3A_144 = tpu.memref_slice %arg9[%add3A_89, %dma_start3A] : memref<20480x64xf32, #tpu.memory_space<vmem_shared>> -> memref<128x64xf32, #tpu.memory_space<vmem_shared>>
      %dma_start3A_145 = arith.constant 0 : i32
      %dma_start3A_146 = tpu.memref_slice %arg9[%add3A_89, %dma_start3A_145] : memref<20480x64xf32, #tpu.memory_space<vmem_shared>> -> memref<128x64xf32, #tpu.memory_space<vmem_shared>>
      tpu.enqueue_dma source(%arg8 : memref<128x64xf32, #tpu.memory_space<vmem>>) target(%dma_start3A_146 : memref<128x64xf32, #tpu.memory_space<vmem_shared>>) target_semaphore(%run_scoped3A : memref<!tpu.dma_semaphore, #tpu.memory_space<semaphore_mem>>)
      %dma_wait3A = arith.constant 0 : i32
      %dma_wait3A_147 = tpu.memref_slice %arg9[%add3A_89, %dma_wait3A] : memref<20480x64xf32, #tpu.memory_space<vmem_shared>> -> memref<128x64xf32, #tpu.memory_space<vmem_shared>>
      %dma_wait3A_148 = arith.constant 0 : i32
      %dma_wait3A_149 = tpu.memref_slice %arg9[%add3A_89, %dma_wait3A_148] : memref<20480x64xf32, #tpu.memory_space<vmem_shared>> -> memref<128x64xf32, #tpu.memory_space<vmem_shared>>
      tpu.wait_dma2 semaphore(%run_scoped3A : memref<!tpu.dma_semaphore, #tpu.memory_space<semaphore_mem>>) src(%arg8 : memref<128x64xf32, #tpu.memory_space<vmem>>) dst(%dma_wait3A_149 : memref<128x64xf32, #tpu.memory_space<vmem_shared>>)
      tpu.yield
    }) : () -> ()
    %mul3A_90 = arith.constant 640 : i32
    %mul3A_91 = arith.muli %arg1, %mul3A_90 : i32
    %add3A_92 = arith.constant 512 : i32
    %add3A_93 = arith.addi %mul3A_91, %add3A_92 : i32
    "tpu.region"() ({
      %run_scoped3A = tpu.sem_alloc : memref<!tpu.dma_semaphore, #tpu.memory_space<semaphore_mem>>
      %dma_start3A = arith.constant 0 : i32
      %dma_start3A_144 = arith.constant 0 : i32
      %dma_start3A_145 = tpu.memref_slice %arg2[%add3A_73, %dma_start3A, %dma_start3A_144] : memref<4x10240x64xf32, #tpu.memory_space<hbm>> -> memref<1x10240x64xf32, #tpu.memory_space<hbm>>
      %dma_start3A_146 = tpu.memref_squeeze %dma_start3A_145 : memref<1x10240x64xf32, #tpu.memory_space<hbm>> -> memref<10240x64xf32, #tpu.memory_space<hbm>>
      %dma_start3A_147 = arith.constant 0 : i32
      %dma_start3A_148 = tpu.memref_slice %dma_start3A_146[%add3A_93, %dma_start3A_147] : memref<10240x64xf32, #tpu.memory_space<hbm>> -> memref<128x64xf32, #tpu.memory_space<hbm>>
      %dma_start3A_149 = arith.constant 0 : i32
      %dma_start3A_150 = arith.constant 0 : i32
      %dma_start3A_151 = tpu.memref_slice %arg2[%add3A_73, %dma_start3A_149, %dma_start3A_150] : memref<4x10240x64xf32, #tpu.memory_space<hbm>> -> memref<1x10240x64xf32, #tpu.memory_space<hbm>>
      %dma_start3A_152 = tpu.memref_squeeze %dma_start3A_151 : memref<1x10240x64xf32, #tpu.memory_space<hbm>> -> memref<10240x64xf32, #tpu.memory_space<hbm>>
      %dma_start3A_153 = arith.constant 0 : i32
      %dma_start3A_154 = tpu.memref_slice %dma_start3A_152[%add3A_93, %dma_start3A_153] : memref<10240x64xf32, #tpu.memory_space<hbm>> -> memref<128x64xf32, #tpu.memory_space<hbm>>
      tpu.enqueue_dma source(%dma_start3A_154 : memref<128x64xf32, #tpu.memory_space<hbm>>) target(%arg8 : memref<128x64xf32, #tpu.memory_space<vmem>>) target_semaphore(%run_scoped3A : memref<!tpu.dma_semaphore, #tpu.memory_space<semaphore_mem>>)
      %dma_wait3A = arith.constant 0 : i32
      %dma_wait3A_155 = arith.constant 0 : i32
      %dma_wait3A_156 = tpu.memref_slice %arg2[%add3A_73, %dma_wait3A, %dma_wait3A_155] : memref<4x10240x64xf32, #tpu.memory_space<hbm>> -> memref<1x10240x64xf32, #tpu.memory_space<hbm>>
      %dma_wait3A_157 = tpu.memref_squeeze %dma_wait3A_156 : memref<1x10240x64xf32, #tpu.memory_space<hbm>> -> memref<10240x64xf32, #tpu.memory_space<hbm>>
      %dma_wait3A_158 = arith.constant 0 : i32
      %dma_wait3A_159 = tpu.memref_slice %dma_wait3A_157[%add3A_93, %dma_wait3A_158] : memref<10240x64xf32, #tpu.memory_space<hbm>> -> memref<128x64xf32, #tpu.memory_space<hbm>>
      %dma_wait3A_160 = arith.constant 0 : i32
      %dma_wait3A_161 = arith.constant 0 : i32
      %dma_wait3A_162 = tpu.memref_slice %arg2[%add3A_73, %dma_wait3A_160, %dma_wait3A_161] : memref<4x10240x64xf32, #tpu.memory_space<hbm>> -> memref<1x10240x64xf32, #tpu.memory_space<hbm>>
      %dma_wait3A_163 = tpu.memref_squeeze %dma_wait3A_162 : memref<1x10240x64xf32, #tpu.memory_space<hbm>> -> memref<10240x64xf32, #tpu.memory_space<hbm>>
      %dma_wait3A_164 = arith.constant 0 : i32
      %dma_wait3A_165 = tpu.memref_slice %dma_wait3A_163[%add3A_93, %dma_wait3A_164] : memref<10240x64xf32, #tpu.memory_space<hbm>> -> memref<128x64xf32, #tpu.memory_space<hbm>>
      tpu.wait_dma2 semaphore(%run_scoped3A : memref<!tpu.dma_semaphore, #tpu.memory_space<semaphore_mem>>) src(%dma_wait3A_165 : memref<128x64xf32, #tpu.memory_space<hbm>>) dst(%arg8 : memref<128x64xf32, #tpu.memory_space<vmem>>)
      tpu.yield
    }) : () -> ()
    "tpu.region"() ({
      %run_scoped3A = tpu.sem_alloc : memref<!tpu.dma_semaphore, #tpu.memory_space<semaphore_mem>>
      %dma_start3A = arith.constant 0 : i32
      %dma_start3A_144 = tpu.memref_slice %arg9[%add3A_93, %dma_start3A] : memref<20480x64xf32, #tpu.memory_space<vmem_shared>> -> memref<128x64xf32, #tpu.memory_space<vmem_shared>>
      %dma_start3A_145 = arith.constant 0 : i32
      %dma_start3A_146 = tpu.memref_slice %arg9[%add3A_93, %dma_start3A_145] : memref<20480x64xf32, #tpu.memory_space<vmem_shared>> -> memref<128x64xf32, #tpu.memory_space<vmem_shared>>
      tpu.enqueue_dma source(%arg8 : memref<128x64xf32, #tpu.memory_space<vmem>>) target(%dma_start3A_146 : memref<128x64xf32, #tpu.memory_space<vmem_shared>>) target_semaphore(%run_scoped3A : memref<!tpu.dma_semaphore, #tpu.memory_space<semaphore_mem>>)
      %dma_wait3A = arith.constant 0 : i32
      %dma_wait3A_147 = tpu.memref_slice %arg9[%add3A_93, %dma_wait3A] : memref<20480x64xf32, #tpu.memory_space<vmem_shared>> -> memref<128x64xf32, #tpu.memory_space<vmem_shared>>
      %dma_wait3A_148 = arith.constant 0 : i32
      %dma_wait3A_149 = tpu.memref_slice %arg9[%add3A_93, %dma_wait3A_148] : memref<20480x64xf32, #tpu.memory_space<vmem_shared>> -> memref<128x64xf32, #tpu.memory_space<vmem_shared>>
      tpu.wait_dma2 semaphore(%run_scoped3A : memref<!tpu.dma_semaphore, #tpu.memory_space<semaphore_mem>>) src(%arg8 : memref<128x64xf32, #tpu.memory_space<vmem>>) dst(%dma_wait3A_149 : memref<128x64xf32, #tpu.memory_space<vmem_shared>>)
      tpu.yield
    }) : () -> ()
    "tpu.region"() ({
      %run_scoped3A = tpu.sem_alloc : memref<!tpu.dma_semaphore, #tpu.memory_space<semaphore_mem>>
      tpu.enqueue_dma source(%arg4 : memref<128x64xf32, #tpu.memory_space<hbm>>) target(%arg7 : memref<128x64xf32, #tpu.memory_space<vmem>>) target_semaphore(%run_scoped3A : memref<!tpu.dma_semaphore, #tpu.memory_space<semaphore_mem>>)
      tpu.wait_dma2 semaphore(%run_scoped3A : memref<!tpu.dma_semaphore, #tpu.memory_space<semaphore_mem>>) src(%arg4 : memref<128x64xf32, #tpu.memory_space<hbm>>) dst(%arg7 : memref<128x64xf32, #tpu.memory_space<vmem>>)
      tpu.yield
    }) : () -> ()
    %mul3A_94 = arith.constant 640 : i32
    %mul3A_95 = arith.muli %arg1, %mul3A_94 : i32
    %add3A_96 = arith.constant 10240 : i32
    %add3A_97 = arith.addi %add3A_96, %mul3A_95 : i32
    %add3A_98 = arith.constant 0 : i32
    %add3A_99 = arith.addi %add3A_97, %add3A_98 : i32
    "tpu.region"() ({
      %run_scoped3A = tpu.sem_alloc : memref<!tpu.dma_semaphore, #tpu.memory_space<semaphore_mem>>
      %dma_start3A = arith.constant 0 : i32
      %dma_start3A_144 = tpu.memref_slice %arg9[%add3A_99, %dma_start3A] : memref<20480x64xf32, #tpu.memory_space<vmem_shared>> -> memref<128x64xf32, #tpu.memory_space<vmem_shared>>
      %dma_start3A_145 = arith.constant 0 : i32
      %dma_start3A_146 = tpu.memref_slice %arg9[%add3A_99, %dma_start3A_145] : memref<20480x64xf32, #tpu.memory_space<vmem_shared>> -> memref<128x64xf32, #tpu.memory_space<vmem_shared>>
      tpu.enqueue_dma source(%arg7 : memref<128x64xf32, #tpu.memory_space<vmem>>) target(%dma_start3A_146 : memref<128x64xf32, #tpu.memory_space<vmem_shared>>) target_semaphore(%run_scoped3A : memref<!tpu.dma_semaphore, #tpu.memory_space<semaphore_mem>>)
      %dma_wait3A = arith.constant 0 : i32
      %dma_wait3A_147 = tpu.memref_slice %arg9[%add3A_99, %dma_wait3A] : memref<20480x64xf32, #tpu.memory_space<vmem_shared>> -> memref<128x64xf32, #tpu.memory_space<vmem_shared>>
      %dma_wait3A_148 = arith.constant 0 : i32
      %dma_wait3A_149 = tpu.memref_slice %arg9[%add3A_99, %dma_wait3A_148] : memref<20480x64xf32, #tpu.memory_space<vmem_shared>> -> memref<128x64xf32, #tpu.memory_space<vmem_shared>>
      tpu.wait_dma2 semaphore(%run_scoped3A : memref<!tpu.dma_semaphore, #tpu.memory_space<semaphore_mem>>) src(%arg7 : memref<128x64xf32, #tpu.memory_space<vmem>>) dst(%dma_wait3A_149 : memref<128x64xf32, #tpu.memory_space<vmem_shared>>)
      tpu.yield
    }) : () -> ()
    %mul3A_100 = arith.constant 640 : i32
    %mul3A_101 = arith.muli %arg1, %mul3A_100 : i32
    %add3A_102 = arith.constant 10240 : i32
    %add3A_103 = arith.addi %add3A_102, %mul3A_101 : i32
    %add3A_104 = arith.constant 128 : i32
    %add3A_105 = arith.addi %add3A_103, %add3A_104 : i32
    "tpu.region"() ({
      %run_scoped3A = tpu.sem_alloc : memref<!tpu.dma_semaphore, #tpu.memory_space<semaphore_mem>>
      %dma_start3A = arith.constant 0 : i32
      %dma_start3A_144 = tpu.memref_slice %arg9[%add3A_105, %dma_start3A] : memref<20480x64xf32, #tpu.memory_space<vmem_shared>> -> memref<128x64xf32, #tpu.memory_space<vmem_shared>>
      %dma_start3A_145 = arith.constant 0 : i32
      %dma_start3A_146 = tpu.memref_slice %arg9[%add3A_105, %dma_start3A_145] : memref<20480x64xf32, #tpu.memory_space<vmem_shared>> -> memref<128x64xf32, #tpu.memory_space<vmem_shared>>
      tpu.enqueue_dma source(%arg7 : memref<128x64xf32, #tpu.memory_space<vmem>>) target(%dma_start3A_146 : memref<128x64xf32, #tpu.memory_space<vmem_shared>>) target_semaphore(%run_scoped3A : memref<!tpu.dma_semaphore, #tpu.memory_space<semaphore_mem>>)
      %dma_wait3A = arith.constant 0 : i32
      %dma_wait3A_147 = tpu.memref_slice %arg9[%add3A_105, %dma_wait3A] : memref<20480x64xf32, #tpu.memory_space<vmem_shared>> -> memref<128x64xf32, #tpu.memory_space<vmem_shared>>
      %dma_wait3A_148 = arith.constant 0 : i32
      %dma_wait3A_149 = tpu.memref_slice %arg9[%add3A_105, %dma_wait3A_148] : memref<20480x64xf32, #tpu.memory_space<vmem_shared>> -> memref<128x64xf32, #tpu.memory_space<vmem_shared>>
      tpu.wait_dma2 semaphore(%run_scoped3A : memref<!tpu.dma_semaphore, #tpu.memory_space<semaphore_mem>>) src(%arg7 : memref<128x64xf32, #tpu.memory_space<vmem>>) dst(%dma_wait3A_149 : memref<128x64xf32, #tpu.memory_space<vmem_shared>>)
      tpu.yield
    }) : () -> ()
    %mul3A_106 = arith.constant 640 : i32
    %mul3A_107 = arith.muli %arg1, %mul3A_106 : i32
    %add3A_108 = arith.constant 10240 : i32
    %add3A_109 = arith.addi %add3A_108, %mul3A_107 : i32
    %add3A_110 = arith.constant 256 : i32
    %add3A_111 = arith.addi %add3A_109, %add3A_110 : i32
    "tpu.region"() ({
      %run_scoped3A = tpu.sem_alloc : memref<!tpu.dma_semaphore, #tpu.memory_space<semaphore_mem>>
      %dma_start3A = arith.constant 0 : i32
      %dma_start3A_144 = tpu.memref_slice %arg9[%add3A_111, %dma_start3A] : memref<20480x64xf32, #tpu.memory_space<vmem_shared>> -> memref<128x64xf32, #tpu.memory_space<vmem_shared>>
      %dma_start3A_145 = arith.constant 0 : i32
      %dma_start3A_146 = tpu.memref_slice %arg9[%add3A_111, %dma_start3A_145] : memref<20480x64xf32, #tpu.memory_space<vmem_shared>> -> memref<128x64xf32, #tpu.memory_space<vmem_shared>>
      tpu.enqueue_dma source(%arg7 : memref<128x64xf32, #tpu.memory_space<vmem>>) target(%dma_start3A_146 : memref<128x64xf32, #tpu.memory_space<vmem_shared>>) target_semaphore(%run_scoped3A : memref<!tpu.dma_semaphore, #tpu.memory_space<semaphore_mem>>)
      %dma_wait3A = arith.constant 0 : i32
      %dma_wait3A_147 = tpu.memref_slice %arg9[%add3A_111, %dma_wait3A] : memref<20480x64xf32, #tpu.memory_space<vmem_shared>> -> memref<128x64xf32, #tpu.memory_space<vmem_shared>>
      %dma_wait3A_148 = arith.constant 0 : i32
      %dma_wait3A_149 = tpu.memref_slice %arg9[%add3A_111, %dma_wait3A_148] : memref<20480x64xf32, #tpu.memory_space<vmem_shared>> -> memref<128x64xf32, #tpu.memory_space<vmem_shared>>
      tpu.wait_dma2 semaphore(%run_scoped3A : memref<!tpu.dma_semaphore, #tpu.memory_space<semaphore_mem>>) src(%arg7 : memref<128x64xf32, #tpu.memory_space<vmem>>) dst(%dma_wait3A_149 : memref<128x64xf32, #tpu.memory_space<vmem_shared>>)
      tpu.yield
    }) : () -> ()
    %mul3A_112 = arith.constant 640 : i32
    %mul3A_113 = arith.muli %arg1, %mul3A_112 : i32
    %add3A_114 = arith.constant 10240 : i32
    %add3A_115 = arith.addi %add3A_114, %mul3A_113 : i32
    %add3A_116 = arith.constant 384 : i32
    %add3A_117 = arith.addi %add3A_115, %add3A_116 : i32
    "tpu.region"() ({
      %run_scoped3A = tpu.sem_alloc : memref<!tpu.dma_semaphore, #tpu.memory_space<semaphore_mem>>
      %dma_start3A = arith.constant 0 : i32
      %dma_start3A_144 = tpu.memref_slice %arg9[%add3A_117, %dma_start3A] : memref<20480x64xf32, #tpu.memory_space<vmem_shared>> -> memref<128x64xf32, #tpu.memory_space<vmem_shared>>
      %dma_start3A_145 = arith.constant 0 : i32
      %dma_start3A_146 = tpu.memref_slice %arg9[%add3A_117, %dma_start3A_145] : memref<20480x64xf32, #tpu.memory_space<vmem_shared>> -> memref<128x64xf32, #tpu.memory_space<vmem_shared>>
      tpu.enqueue_dma source(%arg7 : memref<128x64xf32, #tpu.memory_space<vmem>>) target(%dma_start3A_146 : memref<128x64xf32, #tpu.memory_space<vmem_shared>>) target_semaphore(%run_scoped3A : memref<!tpu.dma_semaphore, #tpu.memory_space<semaphore_mem>>)
      %dma_wait3A = arith.constant 0 : i32
      %dma_wait3A_147 = tpu.memref_slice %arg9[%add3A_117, %dma_wait3A] : memref<20480x64xf32, #tpu.memory_space<vmem_shared>> -> memref<128x64xf32, #tpu.memory_space<vmem_shared>>
      %dma_wait3A_148 = arith.constant 0 : i32
      %dma_wait3A_149 = tpu.memref_slice %arg9[%add3A_117, %dma_wait3A_148] : memref<20480x64xf32, #tpu.memory_space<vmem_shared>> -> memref<128x64xf32, #tpu.memory_space<vmem_shared>>
      tpu.wait_dma2 semaphore(%run_scoped3A : memref<!tpu.dma_semaphore, #tpu.memory_space<semaphore_mem>>) src(%arg7 : memref<128x64xf32, #tpu.memory_space<vmem>>) dst(%dma_wait3A_149 : memref<128x64xf32, #tpu.memory_space<vmem_shared>>)
      tpu.yield
    }) : () -> ()
    %mul3A_118 = arith.constant 640 : i32
    %mul3A_119 = arith.muli %arg1, %mul3A_118 : i32
    %add3A_120 = arith.constant 10240 : i32
    %add3A_121 = arith.addi %add3A_120, %mul3A_119 : i32
    %add3A_122 = arith.constant 512 : i32
    %add3A_123 = arith.addi %add3A_121, %add3A_122 : i32
    "tpu.region"() ({
      %run_scoped3A = tpu.sem_alloc : memref<!tpu.dma_semaphore, #tpu.memory_space<semaphore_mem>>
      %dma_start3A = arith.constant 0 : i32
      %dma_start3A_144 = tpu.memref_slice %arg9[%add3A_123, %dma_start3A] : memref<20480x64xf32, #tpu.memory_space<vmem_shared>> -> memref<128x64xf32, #tpu.memory_space<vmem_shared>>
      %dma_start3A_145 = arith.constant 0 : i32
      %dma_start3A_146 = tpu.memref_slice %arg9[%add3A_123, %dma_start3A_145] : memref<20480x64xf32, #tpu.memory_space<vmem_shared>> -> memref<128x64xf32, #tpu.memory_space<vmem_shared>>
      tpu.enqueue_dma source(%arg7 : memref<128x64xf32, #tpu.memory_space<vmem>>) target(%dma_start3A_146 : memref<128x64xf32, #tpu.memory_space<vmem_shared>>) target_semaphore(%run_scoped3A : memref<!tpu.dma_semaphore, #tpu.memory_space<semaphore_mem>>)
      %dma_wait3A = arith.constant 0 : i32
      %dma_wait3A_147 = tpu.memref_slice %arg9[%add3A_123, %dma_wait3A] : memref<20480x64xf32, #tpu.memory_space<vmem_shared>> -> memref<128x64xf32, #tpu.memory_space<vmem_shared>>
      %dma_wait3A_148 = arith.constant 0 : i32
      %dma_wait3A_149 = tpu.memref_slice %arg9[%add3A_123, %dma_wait3A_148] : memref<20480x64xf32, #tpu.memory_space<vmem_shared>> -> memref<128x64xf32, #tpu.memory_space<vmem_shared>>
      tpu.wait_dma2 semaphore(%run_scoped3A : memref<!tpu.dma_semaphore, #tpu.memory_space<semaphore_mem>>) src(%arg7 : memref<128x64xf32, #tpu.memory_space<vmem>>) dst(%dma_wait3A_149 : memref<128x64xf32, #tpu.memory_space<vmem_shared>>)
      tpu.yield
    }) : () -> ()
    %barrier3A_124 = arith.constant 0 : index
    tpu.barrier barrier_id(%barrier3A_124)
    %scan3A_125 = arith.constant 0 : i32
    %scan3A_126 = arith.constant 0 : i32
    %scan3A_127 = arith.constant 10 : i32
    %scan3A_128 = arith.addi %scan3A_126, %scan3A_127 : i32
    %scan3A_129 = arith.constant 1 : i32
    %scan3A_130 = scf.for %scan3A_144 = %scan3A_126 to %scan3A_128 step %scan3A_129 iter_args(%scan3A_145 = %scan3A_125) -> (i32)  : i32 {
      "tpu.region"() ({
        %run_scoped3A = tpu.sem_alloc : memref<!tpu.dma_semaphore, #tpu.memory_space<semaphore_mem>>
        %dma_start3A = arith.constant 0 : i32
        %dma_start3A_149 = arith.constant 0 : i32
        %dma_start3A_150 = arith.constant 0 : i32
        %dma_start3A_151 = arith.constant 0 : i32
        %dma_start3A_152 = tpu.memref_slice %arg3[%arg0, %dma_start3A, %dma_start3A_149, %dma_start3A_150, %dma_start3A_151] : memref<2x16x10x32x128xi32, #tpu.memory_space<hbm>> -> memref<1x16x10x32x128xi32, #tpu.memory_space<hbm>>
        %dma_start3A_153 = tpu.memref_squeeze %dma_start3A_152 : memref<1x16x10x32x128xi32, #tpu.memory_space<hbm>> -> memref<16x10x32x128xi32, #tpu.memory_space<hbm>>
        %dma_start3A_154 = arith.constant 0 : i32
        %dma_start3A_155 = arith.constant 0 : i32
        %dma_start3A_156 = arith.constant 0 : i32
        %dma_start3A_157 = tpu.memref_slice %dma_start3A_153[%arg1, %dma_start3A_154, %dma_start3A_155, %dma_start3A_156] : memref<16x10x32x128xi32, #tpu.memory_space<hbm>> -> memref<1x10x32x128xi32, #tpu.memory_space<hbm>>
        %dma_start3A_158 = tpu.memref_squeeze %dma_start3A_157 : memref<1x10x32x128xi32, #tpu.memory_space<hbm>> -> memref<10x32x128xi32, #tpu.memory_space<hbm>>
        %dma_start3A_159 = arith.constant 0 : i32
        %dma_start3A_160 = arith.constant 0 : i32
        %dma_start3A_161 = tpu.memref_slice %dma_start3A_158[%scan3A_144, %dma_start3A_159, %dma_start3A_160] : memref<10x32x128xi32, #tpu.memory_space<hbm>> -> memref<1x32x128xi32, #tpu.memory_space<hbm>>
        %dma_start3A_162 = tpu.memref_squeeze %dma_start3A_161 : memref<1x32x128xi32, #tpu.memory_space<hbm>> -> memref<32x128xi32, #tpu.memory_space<hbm>>
        %dma_start3A_163 = arith.constant 0 : i32
        %dma_start3A_164 = arith.constant 0 : i32
        %dma_start3A_165 = arith.constant 0 : i32
        %dma_start3A_166 = arith.constant 0 : i32
        %dma_start3A_167 = tpu.memref_slice %arg3[%arg0, %dma_start3A_163, %dma_start3A_164, %dma_start3A_165, %dma_start3A_166] : memref<2x16x10x32x128xi32, #tpu.memory_space<hbm>> -> memref<1x16x10x32x128xi32, #tpu.memory_space<hbm>>
        %dma_start3A_168 = tpu.memref_squeeze %dma_start3A_167 : memref<1x16x10x32x128xi32, #tpu.memory_space<hbm>> -> memref<16x10x32x128xi32, #tpu.memory_space<hbm>>
        %dma_start3A_169 = arith.constant 0 : i32
        %dma_start3A_170 = arith.constant 0 : i32
        %dma_start3A_171 = arith.constant 0 : i32
        %dma_start3A_172 = tpu.memref_slice %dma_start3A_168[%arg1, %dma_start3A_169, %dma_start3A_170, %dma_start3A_171] : memref<16x10x32x128xi32, #tpu.memory_space<hbm>> -> memref<1x10x32x128xi32, #tpu.memory_space<hbm>>
        %dma_start3A_173 = tpu.memref_squeeze %dma_start3A_172 : memref<1x10x32x128xi32, #tpu.memory_space<hbm>> -> memref<10x32x128xi32, #tpu.memory_space<hbm>>
        %dma_start3A_174 = arith.constant 0 : i32
        %dma_start3A_175 = arith.constant 0 : i32
        %dma_start3A_176 = tpu.memref_slice %dma_start3A_173[%scan3A_144, %dma_start3A_174, %dma_start3A_175] : memref<10x32x128xi32, #tpu.memory_space<hbm>> -> memref<1x32x128xi32, #tpu.memory_space<hbm>>
        %dma_start3A_177 = tpu.memref_squeeze %dma_start3A_176 : memref<1x32x128xi32, #tpu.memory_space<hbm>> -> memref<32x128xi32, #tpu.memory_space<hbm>>
        tpu.enqueue_dma source(%dma_start3A_177 : memref<32x128xi32, #tpu.memory_space<hbm>>) target(%arg6 : memref<32x128xi32, #tpu.memory_space<vmem>>) target_semaphore(%run_scoped3A : memref<!tpu.dma_semaphore, #tpu.memory_space<semaphore_mem>>)
        %dma_wait3A = arith.constant 0 : i32
        %dma_wait3A_178 = arith.constant 0 : i32
        %dma_wait3A_179 = arith.constant 0 : i32
        %dma_wait3A_180 = arith.constant 0 : i32
        %dma_wait3A_181 = tpu.memref_slice %arg3[%arg0, %dma_wait3A, %dma_wait3A_178, %dma_wait3A_179, %dma_wait3A_180] : memref<2x16x10x32x128xi32, #tpu.memory_space<hbm>> -> memref<1x16x10x32x128xi32, #tpu.memory_space<hbm>>
        %dma_wait3A_182 = tpu.memref_squeeze %dma_wait3A_181 : memref<1x16x10x32x128xi32, #tpu.memory_space<hbm>> -> memref<16x10x32x128xi32, #tpu.memory_space<hbm>>
        %dma_wait3A_183 = arith.constant 0 : i32
        %dma_wait3A_184 = arith.constant 0 : i32
        %dma_wait3A_185 = arith.constant 0 : i32
        %dma_wait3A_186 = tpu.memref_slice %dma_wait3A_182[%arg1, %dma_wait3A_183, %dma_wait3A_184, %dma_wait3A_185] : memref<16x10x32x128xi32, #tpu.memory_space<hbm>> -> memref<1x10x32x128xi32, #tpu.memory_space<hbm>>
        %dma_wait3A_187 = tpu.memref_squeeze %dma_wait3A_186 : memref<1x10x32x128xi32, #tpu.memory_space<hbm>> -> memref<10x32x128xi32, #tpu.memory_space<hbm>>
        %dma_wait3A_188 = arith.constant 0 : i32
        %dma_wait3A_189 = arith.constant 0 : i32
        %dma_wait3A_190 = tpu.memref_slice %dma_wait3A_187[%scan3A_144, %dma_wait3A_188, %dma_wait3A_189] : memref<10x32x128xi32, #tpu.memory_space<hbm>> -> memref<1x32x128xi32, #tpu.memory_space<hbm>>
        %dma_wait3A_191 = tpu.memref_squeeze %dma_wait3A_190 : memref<1x32x128xi32, #tpu.memory_space<hbm>> -> memref<32x128xi32, #tpu.memory_space<hbm>>
        %dma_wait3A_192 = arith.constant 0 : i32
        %dma_wait3A_193 = arith.constant 0 : i32
        %dma_wait3A_194 = arith.constant 0 : i32
        %dma_wait3A_195 = arith.constant 0 : i32
        %dma_wait3A_196 = tpu.memref_slice %arg3[%arg0, %dma_wait3A_192, %dma_wait3A_193, %dma_wait3A_194, %dma_wait3A_195] : memref<2x16x10x32x128xi32, #tpu.memory_space<hbm>> -> memref<1x16x10x32x128xi32, #tpu.memory_space<hbm>>
        %dma_wait3A_197 = tpu.memref_squeeze %dma_wait3A_196 : memref<1x16x10x32x128xi32, #tpu.memory_space<hbm>> -> memref<16x10x32x128xi32, #tpu.memory_space<hbm>>
        %dma_wait3A_198 = arith.constant 0 : i32
        %dma_wait3A_199 = arith.constant 0 : i32
        %dma_wait3A_200 = arith.constant 0 : i32
        %dma_wait3A_201 = tpu.memref_slice %dma_wait3A_197[%arg1, %dma_wait3A_198, %dma_wait3A_199, %dma_wait3A_200] : memref<16x10x32x128xi32, #tpu.memory_space<hbm>> -> memref<1x10x32x128xi32, #tpu.memory_space<hbm>>
        %dma_wait3A_202 = tpu.memref_squeeze %dma_wait3A_201 : memref<1x10x32x128xi32, #tpu.memory_space<hbm>> -> memref<10x32x128xi32, #tpu.memory_space<hbm>>
        %dma_wait3A_203 = arith.constant 0 : i32
        %dma_wait3A_204 = arith.constant 0 : i32
        %dma_wait3A_205 = tpu.memref_slice %dma_wait3A_202[%scan3A_144, %dma_wait3A_203, %dma_wait3A_204] : memref<10x32x128xi32, #tpu.memory_space<hbm>> -> memref<1x32x128xi32, #tpu.memory_space<hbm>>
        %dma_wait3A_206 = tpu.memref_squeeze %dma_wait3A_205 : memref<1x32x128xi32, #tpu.memory_space<hbm>> -> memref<32x128xi32, #tpu.memory_space<hbm>>
        tpu.wait_dma2 semaphore(%run_scoped3A : memref<!tpu.dma_semaphore, #tpu.memory_space<semaphore_mem>>) src(%dma_wait3A_206 : memref<32x128xi32, #tpu.memory_space<hbm>>) dst(%arg6 : memref<32x128xi32, #tpu.memory_space<vmem>>)
        tpu.yield
      }) : () -> ()
      %parallel_loop3A = arith.constant 0 : i32
      %parallel_loop3A_146 = arith.constant 8 : i32
      %parallel_loop3A_147 = arith.constant 1 : i32
      scf.for %parallel_loop3A_149 = %parallel_loop3A to %parallel_loop3A_146 step %parallel_loop3A_147  : i32 {
        %parallel_loop3A_150 = arith.constant 2 : i32
        %parallel_loop3A_151 = arith.muli %parallel_loop3A_150, %parallel_loop3A_149 : i32
        %parallel_loop3A_152 = arith.constant 0 : i32
        %parallel_loop3A_153 = tpu.memref_slice %arg6[%parallel_loop3A_151, %parallel_loop3A_152] : memref<32x128xi32, #tpu.memory_space<vmem>> -> memref<1x128xi32, #tpu.memory_space<vmem>>
        %parallel_loop3A_154 = tpu.memref_squeeze %parallel_loop3A_153 : memref<1x128xi32, #tpu.memory_space<vmem>> -> memref<128xi32, #tpu.memory_space<vmem>>
        %parallel_loop3A_155 = arith.constant 0 : i32
        %parallel_loop3A_156 = arith.constant 0 : i32
        %parallel_loop3A_157 = tpu.memref_slice %arg9[%parallel_loop3A_155, %parallel_loop3A_156] : memref<20480x64xf32, #tpu.memory_space<vmem_shared>> -> memref<20480x64xf32, #tpu.memory_space<vmem_shared>>
        tpu.enqueue_indirect_dma source(%parallel_loop3A_157 : memref<20480x64xf32, #tpu.memory_space<vmem_shared>>) target(%arg7 : memref<128x64xf32, #tpu.memory_space<vmem>>) offsets(%parallel_loop3A_154 : memref<128xi32, #tpu.memory_space<vmem>>) semaphore(%arg10 : memref<!tpu.dma_semaphore, #tpu.memory_space<semaphore_mem>>)
        %parallel_loop3A_158 = arith.constant 2 : i32
        %parallel_loop3A_159 = arith.muli %parallel_loop3A_158, %parallel_loop3A_149 : i32
        %parallel_loop3A_160 = arith.constant 1 : i32
        %parallel_loop3A_161 = arith.addi %parallel_loop3A_159, %parallel_loop3A_160 : i32
        %parallel_loop3A_162 = arith.constant 0 : i32
        %parallel_loop3A_163 = tpu.memref_slice %arg6[%parallel_loop3A_161, %parallel_loop3A_162] : memref<32x128xi32, #tpu.memory_space<vmem>> -> memref<1x128xi32, #tpu.memory_space<vmem>>
        %parallel_loop3A_164 = tpu.memref_squeeze %parallel_loop3A_163 : memref<1x128xi32, #tpu.memory_space<vmem>> -> memref<128xi32, #tpu.memory_space<vmem>>
        %parallel_loop3A_165 = arith.constant 0 : i32
        %parallel_loop3A_166 = arith.constant 0 : i32
        %parallel_loop3A_167 = tpu.memref_slice %arg9[%parallel_loop3A_165, %parallel_loop3A_166] : memref<20480x64xf32, #tpu.memory_space<vmem_shared>> -> memref<20480x64xf32, #tpu.memory_space<vmem_shared>>
        tpu.enqueue_indirect_dma source(%parallel_loop3A_167 : memref<20480x64xf32, #tpu.memory_space<vmem_shared>>) target(%arg8 : memref<128x64xf32, #tpu.memory_space<vmem>>) offsets(%parallel_loop3A_164 : memref<128xi32, #tpu.memory_space<vmem>>) semaphore(%arg11 : memref<!tpu.dma_semaphore, #tpu.memory_space<semaphore_mem>>)
        %parallel_loop3A_168 = arith.constant 0 : i32
        %parallel_loop3A_169 = tpu.memref_slice %arg6[%parallel_loop3A_151, %parallel_loop3A_168] : memref<32x128xi32, #tpu.memory_space<vmem>> -> memref<1x128xi32, #tpu.memory_space<vmem>>
        %parallel_loop3A_170 = tpu.memref_squeeze %parallel_loop3A_169 : memref<1x128xi32, #tpu.memory_space<vmem>> -> memref<128xi32, #tpu.memory_space<vmem>>
        %parallel_loop3A_171 = arith.constant 0 : i32
        %parallel_loop3A_172 = arith.constant 0 : i32
        %parallel_loop3A_173 = tpu.memref_slice %arg9[%parallel_loop3A_171, %parallel_loop3A_172] : memref<20480x64xf32, #tpu.memory_space<vmem_shared>> -> memref<20480x64xf32, #tpu.memory_space<vmem_shared>>
        tpu.wait_indirect_dma semaphore(%arg10 : memref<!tpu.dma_semaphore, #tpu.memory_space<semaphore_mem>>) src(%parallel_loop3A_173 : memref<20480x64xf32, #tpu.memory_space<vmem_shared>>) dst(%arg7 : memref<128x64xf32, #tpu.memory_space<vmem>>)
        %parallel_loop3A_174 = arith.constant 2 : i32
        %parallel_loop3A_175 = arith.muli %parallel_loop3A_174, %parallel_loop3A_149 : i32
        %parallel_loop3A_176 = arith.constant 16 : i32
        %parallel_loop3A_177 = arith.addi %parallel_loop3A_176, %parallel_loop3A_175 : i32
        %parallel_loop3A_178 = arith.constant 0 : i32
        %parallel_loop3A_179 = tpu.memref_slice %arg6[%parallel_loop3A_177, %parallel_loop3A_178] : memref<32x128xi32, #tpu.memory_space<vmem>> -> memref<1x128xi32, #tpu.memory_space<vmem>>
        %parallel_loop3A_180 = tpu.memref_squeeze %parallel_loop3A_179 : memref<1x128xi32, #tpu.memory_space<vmem>> -> memref<128xi32, #tpu.memory_space<vmem>>
        %parallel_loop3A_181 = arith.constant 0 : i32
        %parallel_loop3A_182 = arith.constant 0 : i32
        %parallel_loop3A_183 = tpu.memref_slice %arg9[%parallel_loop3A_181, %parallel_loop3A_182] : memref<20480x64xf32, #tpu.memory_space<vmem_shared>> -> memref<20480x64xf32, #tpu.memory_space<vmem_shared>>
        tpu.enqueue_indirect_dma source(%arg7 : memref<128x64xf32, #tpu.memory_space<vmem>>) target(%parallel_loop3A_183 : memref<20480x64xf32, #tpu.memory_space<vmem_shared>>) offsets(%parallel_loop3A_180 : memref<128xi32, #tpu.memory_space<vmem>>) semaphore(%arg12 : memref<!tpu.dma_semaphore, #tpu.memory_space<semaphore_mem>>) {add = true}
        %parallel_loop3A_184 = arith.constant 0 : i32
        %parallel_loop3A_185 = tpu.memref_slice %arg6[%parallel_loop3A_161, %parallel_loop3A_184] : memref<32x128xi32, #tpu.memory_space<vmem>> -> memref<1x128xi32, #tpu.memory_space<vmem>>
        %parallel_loop3A_186 = tpu.memref_squeeze %parallel_loop3A_185 : memref<1x128xi32, #tpu.memory_space<vmem>> -> memref<128xi32, #tpu.memory_space<vmem>>
        %parallel_loop3A_187 = arith.constant 0 : i32
        %parallel_loop3A_188 = arith.constant 0 : i32
        %parallel_loop3A_189 = tpu.memref_slice %arg9[%parallel_loop3A_187, %parallel_loop3A_188] : memref<20480x64xf32, #tpu.memory_space<vmem_shared>> -> memref<20480x64xf32, #tpu.memory_space<vmem_shared>>
        tpu.wait_indirect_dma semaphore(%arg11 : memref<!tpu.dma_semaphore, #tpu.memory_space<semaphore_mem>>) src(%parallel_loop3A_189 : memref<20480x64xf32, #tpu.memory_space<vmem_shared>>) dst(%arg8 : memref<128x64xf32, #tpu.memory_space<vmem>>)
        %parallel_loop3A_190 = arith.constant 2 : i32
        %parallel_loop3A_191 = arith.muli %parallel_loop3A_190, %parallel_loop3A_149 : i32
        %parallel_loop3A_192 = arith.constant 16 : i32
        %parallel_loop3A_193 = arith.addi %parallel_loop3A_192, %parallel_loop3A_191 : i32
        %parallel_loop3A_194 = arith.constant 1 : i32
        %parallel_loop3A_195 = arith.addi %parallel_loop3A_193, %parallel_loop3A_194 : i32
        %parallel_loop3A_196 = arith.constant 0 : i32
        %parallel_loop3A_197 = tpu.memref_slice %arg6[%parallel_loop3A_195, %parallel_loop3A_196] : memref<32x128xi32, #tpu.memory_space<vmem>> -> memref<1x128xi32, #tpu.memory_space<vmem>>
        %parallel_loop3A_198 = tpu.memref_squeeze %parallel_loop3A_197 : memref<1x128xi32, #tpu.memory_space<vmem>> -> memref<128xi32, #tpu.memory_space<vmem>>
        %parallel_loop3A_199 = arith.constant 0 : i32
        %parallel_loop3A_200 = arith.constant 0 : i32
        %parallel_loop3A_201 = tpu.memref_slice %arg9[%parallel_loop3A_199, %parallel_loop3A_200] : memref<20480x64xf32, #tpu.memory_space<vmem_shared>> -> memref<20480x64xf32, #tpu.memory_space<vmem_shared>>
        tpu.enqueue_indirect_dma source(%arg8 : memref<128x64xf32, #tpu.memory_space<vmem>>) target(%parallel_loop3A_201 : memref<20480x64xf32, #tpu.memory_space<vmem_shared>>) offsets(%parallel_loop3A_198 : memref<128xi32, #tpu.memory_space<vmem>>) semaphore(%arg13 : memref<!tpu.dma_semaphore, #tpu.memory_space<semaphore_mem>>) {add = true}
        %parallel_loop3A_202 = arith.constant 0 : i32
        %parallel_loop3A_203 = tpu.memref_slice %arg6[%parallel_loop3A_177, %parallel_loop3A_202] : memref<32x128xi32, #tpu.memory_space<vmem>> -> memref<1x128xi32, #tpu.memory_space<vmem>>
        %parallel_loop3A_204 = tpu.memref_squeeze %parallel_loop3A_203 : memref<1x128xi32, #tpu.memory_space<vmem>> -> memref<128xi32, #tpu.memory_space<vmem>>
        %parallel_loop3A_205 = arith.constant 0 : i32
        %parallel_loop3A_206 = arith.constant 0 : i32
        %parallel_loop3A_207 = tpu.memref_slice %arg9[%parallel_loop3A_205, %parallel_loop3A_206] : memref<20480x64xf32, #tpu.memory_space<vmem_shared>> -> memref<20480x64xf32, #tpu.memory_space<vmem_shared>>
        tpu.wait_indirect_dma semaphore(%arg12 : memref<!tpu.dma_semaphore, #tpu.memory_space<semaphore_mem>>) src(%arg7 : memref<128x64xf32, #tpu.memory_space<vmem>>) dst(%parallel_loop3A_207 : memref<20480x64xf32, #tpu.memory_space<vmem_shared>>)
        %parallel_loop3A_208 = arith.constant 0 : i32
        %parallel_loop3A_209 = tpu.memref_slice %arg6[%parallel_loop3A_195, %parallel_loop3A_208] : memref<32x128xi32, #tpu.memory_space<vmem>> -> memref<1x128xi32, #tpu.memory_space<vmem>>
        %parallel_loop3A_210 = tpu.memref_squeeze %parallel_loop3A_209 : memref<1x128xi32, #tpu.memory_space<vmem>> -> memref<128xi32, #tpu.memory_space<vmem>>
        %parallel_loop3A_211 = arith.constant 0 : i32
        %parallel_loop3A_212 = arith.constant 0 : i32
        %parallel_loop3A_213 = tpu.memref_slice %arg9[%parallel_loop3A_211, %parallel_loop3A_212] : memref<20480x64xf32, #tpu.memory_space<vmem_shared>> -> memref<20480x64xf32, #tpu.memory_space<vmem_shared>>
        tpu.wait_indirect_dma semaphore(%arg13 : memref<!tpu.dma_semaphore, #tpu.memory_space<semaphore_mem>>) src(%arg8 : memref<128x64xf32, #tpu.memory_space<vmem>>) dst(%parallel_loop3A_213 : memref<20480x64xf32, #tpu.memory_space<vmem_shared>>)
      } {sc.loop_unroll_factor = 2 : i64, sc.parallel_access}
      %scan3A_148 = arith.constant 0 : i32
      scf.yield %scan3A_148 : i32
    }
    %scan3A_131 = arith.constant 10 : i32
    %barrier3A_132 = arith.constant 0 : index
    tpu.barrier barrier_id(%barrier3A_132)
    %mul3A_133 = arith.constant 640 : i32
    %mul3A_134 = arith.muli %arg1, %mul3A_133 : i32
    %add3A_135 = arith.constant 10240 : i32
    %add3A_136 = arith.addi %add3A_135, %mul3A_134 : i32
    %mul3A_137 = arith.constant 2 : i32
    %mul3A_138 = arith.muli %arg0, %mul3A_137 : i32
    %add3A_139 = arith.constant 1 : i32
    %add3A_140 = arith.addi %mul3A_138, %add3A_139 : i32
    %mul3A_141 = arith.constant 640 : i32
    %mul3A_142 = arith.muli %arg1, %mul3A_141 : i32
    "tpu.region"() ({
      %run_scoped3A = tpu.sem_alloc : memref<!tpu.dma_semaphore, #tpu.memory_space<semaphore_mem>>
      %dma_start3A = arith.constant 0 : i32
      %dma_start3A_144 = arith.constant 0 : i32
      %dma_start3A_145 = tpu.memref_slice %arg5[%add3A_140, %dma_start3A, %dma_start3A_144] : memref<4x10240x64xf32, #tpu.memory_space<hbm>> -> memref<1x10240x64xf32, #tpu.memory_space<hbm>>
      %dma_start3A_146 = tpu.memref_squeeze %dma_start3A_145 : memref<1x10240x64xf32, #tpu.memory_space<hbm>> -> memref<10240x64xf32, #tpu.memory_space<hbm>>
      %dma_start3A_147 = arith.constant 0 : i32
      %dma_start3A_148 = tpu.memref_slice %dma_start3A_146[%mul3A_142, %dma_start3A_147] : memref<10240x64xf32, #tpu.memory_space<hbm>> -> memref<640x64xf32, #tpu.memory_space<hbm>>
      %dma_start3A_149 = arith.constant 0 : i32
      %dma_start3A_150 = tpu.memref_slice %arg9[%add3A_136, %dma_start3A_149] : memref<20480x64xf32, #tpu.memory_space<vmem_shared>> -> memref<640x64xf32, #tpu.memory_space<vmem_shared>>
      tpu.enqueue_dma source(%dma_start3A_150 : memref<640x64xf32, #tpu.memory_space<vmem_shared>>) target(%dma_start3A_148 : memref<640x64xf32, #tpu.memory_space<hbm>>) target_semaphore(%run_scoped3A : memref<!tpu.dma_semaphore, #tpu.memory_space<semaphore_mem>>)
      %dma_wait3A = arith.constant 0 : i32
      %dma_wait3A_151 = arith.constant 0 : i32
      %dma_wait3A_152 = tpu.memref_slice %arg5[%add3A_140, %dma_wait3A, %dma_wait3A_151] : memref<4x10240x64xf32, #tpu.memory_space<hbm>> -> memref<1x10240x64xf32, #tpu.memory_space<hbm>>
      %dma_wait3A_153 = tpu.memref_squeeze %dma_wait3A_152 : memref<1x10240x64xf32, #tpu.memory_space<hbm>> -> memref<10240x64xf32, #tpu.memory_space<hbm>>
      %dma_wait3A_154 = arith.constant 0 : i32
      %dma_wait3A_155 = tpu.memref_slice %dma_wait3A_153[%mul3A_142, %dma_wait3A_154] : memref<10240x64xf32, #tpu.memory_space<hbm>> -> memref<640x64xf32, #tpu.memory_space<hbm>>
      %dma_wait3A_156 = arith.constant 0 : i32
      %dma_wait3A_157 = tpu.memref_slice %arg9[%add3A_136, %dma_wait3A_156] : memref<20480x64xf32, #tpu.memory_space<vmem_shared>> -> memref<640x64xf32, #tpu.memory_space<vmem_shared>>
      tpu.wait_dma2 semaphore(%run_scoped3A : memref<!tpu.dma_semaphore, #tpu.memory_space<semaphore_mem>>) src(%dma_wait3A_157 : memref<640x64xf32, #tpu.memory_space<vmem_shared>>) dst(%dma_wait3A_155 : memref<640x64xf32, #tpu.memory_space<hbm>>)
      tpu.yield
    }) : () -> ()
    %barrier3A_143 = arith.constant 0 : index
    tpu.barrier barrier_id(%barrier3A_143)
    return
  }
}

#map = affine_map<(d0, d1) -> (0, 0, 0)>
#map1 = affine_map<(d0, d1) -> (0, 0, 0, 0, 0)>
#map2 = affine_map<(d0, d1) -> (0, 0)>
module attributes {stable_mosaic.version = 14 : i64} {
  func.func @_agg_body(%arg0: i32, %arg1: i32, %arg2: memref<2x10240x64xf32, #tpu.memory_space<hbm>>, %arg3: memref<2x16x5x32x128xi32, #tpu.memory_space<hbm>>, %arg4: memref<128x64xf32, #tpu.memory_space<hbm>>, %arg5: memref<4x10240x64xf32, #tpu.memory_space<hbm>>, %arg6: memref<32x128xi32, #tpu.memory_space<vmem>>, %arg7: memref<128x64xf32, #tpu.memory_space<vmem>>, %arg8: memref<128x64xf32, #tpu.memory_space<vmem>>, %arg9: memref<20480x64xf32, #tpu.memory_space<vmem_shared>>, %arg10: memref<!tpu.dma_semaphore, #tpu.memory_space<semaphore_mem>>, %arg11: memref<!tpu.dma_semaphore, #tpu.memory_space<semaphore_mem>>, %arg12: memref<!tpu.dma_semaphore, #tpu.memory_space<semaphore_mem>>, %arg13: memref<!tpu.dma_semaphore, #tpu.memory_space<semaphore_mem>>) attributes {dimension_semantics = [#tpu.dimension_semantics<core_parallel>, #tpu.dimension_semantics<subcore_parallel>], iteration_bounds = array<i64: 2, 16>, scalar_prefetch = 0 : i64, scratch_operands = 8 : i64, tpu.core_type = #tpu.core_type<sc_vector_subcore>, window_params = [{transform_indices = #map}, {transform_indices = #map1}, {transform_indices = #map2}, {transform_indices = #map}]} {
    %mul3A = arith.constant 640 : i32
    %mul3A_0 = arith.muli %arg1, %mul3A : i32
    %add3A = arith.constant 0 : i32
    %add3A_1 = arith.addi %mul3A_0, %add3A : i32
    %run_scoped3A = arith.constant 0 : i32
    "tpu.region"() ({
      %run_scoped3A_145 = tpu.sem_alloc : memref<!tpu.dma_semaphore, #tpu.memory_space<semaphore_mem>>
      %dma_start3A = arith.constant 0 : i32
      %dma_start3A_146 = arith.constant 0 : i32
      %dma_start3A_147 = tpu.memref_slice %arg2[%run_scoped3A, %dma_start3A, %dma_start3A_146] : memref<2x10240x64xf32, #tpu.memory_space<hbm>> -> memref<1x10240x64xf32, #tpu.memory_space<hbm>>
      %dma_start3A_148 = tpu.memref_squeeze %dma_start3A_147 : memref<1x10240x64xf32, #tpu.memory_space<hbm>> -> memref<10240x64xf32, #tpu.memory_space<hbm>>
      %dma_start3A_149 = arith.constant 0 : i32
      %dma_start3A_150 = tpu.memref_slice %dma_start3A_148[%add3A_1, %dma_start3A_149] : memref<10240x64xf32, #tpu.memory_space<hbm>> -> memref<128x64xf32, #tpu.memory_space<hbm>>
      %dma_start3A_151 = arith.constant 0 : i32
      %dma_start3A_152 = arith.constant 0 : i32
      %dma_start3A_153 = tpu.memref_slice %arg2[%run_scoped3A, %dma_start3A_151, %dma_start3A_152] : memref<2x10240x64xf32, #tpu.memory_space<hbm>> -> memref<1x10240x64xf32, #tpu.memory_space<hbm>>
      %dma_start3A_154 = tpu.memref_squeeze %dma_start3A_153 : memref<1x10240x64xf32, #tpu.memory_space<hbm>> -> memref<10240x64xf32, #tpu.memory_space<hbm>>
      %dma_start3A_155 = arith.constant 0 : i32
      %dma_start3A_156 = tpu.memref_slice %dma_start3A_154[%add3A_1, %dma_start3A_155] : memref<10240x64xf32, #tpu.memory_space<hbm>> -> memref<128x64xf32, #tpu.memory_space<hbm>>
      tpu.enqueue_dma source(%dma_start3A_156 : memref<128x64xf32, #tpu.memory_space<hbm>>) target(%arg8 : memref<128x64xf32, #tpu.memory_space<vmem>>) target_semaphore(%run_scoped3A_145 : memref<!tpu.dma_semaphore, #tpu.memory_space<semaphore_mem>>)
      %dma_wait3A = arith.constant 0 : i32
      %dma_wait3A_157 = arith.constant 0 : i32
      %dma_wait3A_158 = tpu.memref_slice %arg2[%run_scoped3A, %dma_wait3A, %dma_wait3A_157] : memref<2x10240x64xf32, #tpu.memory_space<hbm>> -> memref<1x10240x64xf32, #tpu.memory_space<hbm>>
      %dma_wait3A_159 = tpu.memref_squeeze %dma_wait3A_158 : memref<1x10240x64xf32, #tpu.memory_space<hbm>> -> memref<10240x64xf32, #tpu.memory_space<hbm>>
      %dma_wait3A_160 = arith.constant 0 : i32
      %dma_wait3A_161 = tpu.memref_slice %dma_wait3A_159[%add3A_1, %dma_wait3A_160] : memref<10240x64xf32, #tpu.memory_space<hbm>> -> memref<128x64xf32, #tpu.memory_space<hbm>>
      %dma_wait3A_162 = arith.constant 0 : i32
      %dma_wait3A_163 = arith.constant 0 : i32
      %dma_wait3A_164 = tpu.memref_slice %arg2[%run_scoped3A, %dma_wait3A_162, %dma_wait3A_163] : memref<2x10240x64xf32, #tpu.memory_space<hbm>> -> memref<1x10240x64xf32, #tpu.memory_space<hbm>>
      %dma_wait3A_165 = tpu.memref_squeeze %dma_wait3A_164 : memref<1x10240x64xf32, #tpu.memory_space<hbm>> -> memref<10240x64xf32, #tpu.memory_space<hbm>>
      %dma_wait3A_166 = arith.constant 0 : i32
      %dma_wait3A_167 = tpu.memref_slice %dma_wait3A_165[%add3A_1, %dma_wait3A_166] : memref<10240x64xf32, #tpu.memory_space<hbm>> -> memref<128x64xf32, #tpu.memory_space<hbm>>
      tpu.wait_dma2 semaphore(%run_scoped3A_145 : memref<!tpu.dma_semaphore, #tpu.memory_space<semaphore_mem>>) src(%dma_wait3A_167 : memref<128x64xf32, #tpu.memory_space<hbm>>) dst(%arg8 : memref<128x64xf32, #tpu.memory_space<vmem>>)
      tpu.yield
    }) : () -> ()
    "tpu.region"() ({
      %run_scoped3A_145 = tpu.sem_alloc : memref<!tpu.dma_semaphore, #tpu.memory_space<semaphore_mem>>
      %dma_start3A = arith.constant 0 : i32
      %dma_start3A_146 = tpu.memref_slice %arg9[%add3A_1, %dma_start3A] : memref<20480x64xf32, #tpu.memory_space<vmem_shared>> -> memref<128x64xf32, #tpu.memory_space<vmem_shared>>
      %dma_start3A_147 = arith.constant 0 : i32
      %dma_start3A_148 = tpu.memref_slice %arg9[%add3A_1, %dma_start3A_147] : memref<20480x64xf32, #tpu.memory_space<vmem_shared>> -> memref<128x64xf32, #tpu.memory_space<vmem_shared>>
      tpu.enqueue_dma source(%arg8 : memref<128x64xf32, #tpu.memory_space<vmem>>) target(%dma_start3A_148 : memref<128x64xf32, #tpu.memory_space<vmem_shared>>) target_semaphore(%run_scoped3A_145 : memref<!tpu.dma_semaphore, #tpu.memory_space<semaphore_mem>>)
      %dma_wait3A = arith.constant 0 : i32
      %dma_wait3A_149 = tpu.memref_slice %arg9[%add3A_1, %dma_wait3A] : memref<20480x64xf32, #tpu.memory_space<vmem_shared>> -> memref<128x64xf32, #tpu.memory_space<vmem_shared>>
      %dma_wait3A_150 = arith.constant 0 : i32
      %dma_wait3A_151 = tpu.memref_slice %arg9[%add3A_1, %dma_wait3A_150] : memref<20480x64xf32, #tpu.memory_space<vmem_shared>> -> memref<128x64xf32, #tpu.memory_space<vmem_shared>>
      tpu.wait_dma2 semaphore(%run_scoped3A_145 : memref<!tpu.dma_semaphore, #tpu.memory_space<semaphore_mem>>) src(%arg8 : memref<128x64xf32, #tpu.memory_space<vmem>>) dst(%dma_wait3A_151 : memref<128x64xf32, #tpu.memory_space<vmem_shared>>)
      tpu.yield
    }) : () -> ()
    %mul3A_2 = arith.constant 640 : i32
    %mul3A_3 = arith.muli %arg1, %mul3A_2 : i32
    %add3A_4 = arith.constant 128 : i32
    %add3A_5 = arith.addi %mul3A_3, %add3A_4 : i32
    %run_scoped3A_6 = arith.constant 0 : i32
    "tpu.region"() ({
      %run_scoped3A_145 = tpu.sem_alloc : memref<!tpu.dma_semaphore, #tpu.memory_space<semaphore_mem>>
      %dma_start3A = arith.constant 0 : i32
      %dma_start3A_146 = arith.constant 0 : i32
      %dma_start3A_147 = tpu.memref_slice %arg2[%run_scoped3A_6, %dma_start3A, %dma_start3A_146] : memref<2x10240x64xf32, #tpu.memory_space<hbm>> -> memref<1x10240x64xf32, #tpu.memory_space<hbm>>
      %dma_start3A_148 = tpu.memref_squeeze %dma_start3A_147 : memref<1x10240x64xf32, #tpu.memory_space<hbm>> -> memref<10240x64xf32, #tpu.memory_space<hbm>>
      %dma_start3A_149 = arith.constant 0 : i32
      %dma_start3A_150 = tpu.memref_slice %dma_start3A_148[%add3A_5, %dma_start3A_149] : memref<10240x64xf32, #tpu.memory_space<hbm>> -> memref<128x64xf32, #tpu.memory_space<hbm>>
      %dma_start3A_151 = arith.constant 0 : i32
      %dma_start3A_152 = arith.constant 0 : i32
      %dma_start3A_153 = tpu.memref_slice %arg2[%run_scoped3A_6, %dma_start3A_151, %dma_start3A_152] : memref<2x10240x64xf32, #tpu.memory_space<hbm>> -> memref<1x10240x64xf32, #tpu.memory_space<hbm>>
      %dma_start3A_154 = tpu.memref_squeeze %dma_start3A_153 : memref<1x10240x64xf32, #tpu.memory_space<hbm>> -> memref<10240x64xf32, #tpu.memory_space<hbm>>
      %dma_start3A_155 = arith.constant 0 : i32
      %dma_start3A_156 = tpu.memref_slice %dma_start3A_154[%add3A_5, %dma_start3A_155] : memref<10240x64xf32, #tpu.memory_space<hbm>> -> memref<128x64xf32, #tpu.memory_space<hbm>>
      tpu.enqueue_dma source(%dma_start3A_156 : memref<128x64xf32, #tpu.memory_space<hbm>>) target(%arg8 : memref<128x64xf32, #tpu.memory_space<vmem>>) target_semaphore(%run_scoped3A_145 : memref<!tpu.dma_semaphore, #tpu.memory_space<semaphore_mem>>)
      %dma_wait3A = arith.constant 0 : i32
      %dma_wait3A_157 = arith.constant 0 : i32
      %dma_wait3A_158 = tpu.memref_slice %arg2[%run_scoped3A_6, %dma_wait3A, %dma_wait3A_157] : memref<2x10240x64xf32, #tpu.memory_space<hbm>> -> memref<1x10240x64xf32, #tpu.memory_space<hbm>>
      %dma_wait3A_159 = tpu.memref_squeeze %dma_wait3A_158 : memref<1x10240x64xf32, #tpu.memory_space<hbm>> -> memref<10240x64xf32, #tpu.memory_space<hbm>>
      %dma_wait3A_160 = arith.constant 0 : i32
      %dma_wait3A_161 = tpu.memref_slice %dma_wait3A_159[%add3A_5, %dma_wait3A_160] : memref<10240x64xf32, #tpu.memory_space<hbm>> -> memref<128x64xf32, #tpu.memory_space<hbm>>
      %dma_wait3A_162 = arith.constant 0 : i32
      %dma_wait3A_163 = arith.constant 0 : i32
      %dma_wait3A_164 = tpu.memref_slice %arg2[%run_scoped3A_6, %dma_wait3A_162, %dma_wait3A_163] : memref<2x10240x64xf32, #tpu.memory_space<hbm>> -> memref<1x10240x64xf32, #tpu.memory_space<hbm>>
      %dma_wait3A_165 = tpu.memref_squeeze %dma_wait3A_164 : memref<1x10240x64xf32, #tpu.memory_space<hbm>> -> memref<10240x64xf32, #tpu.memory_space<hbm>>
      %dma_wait3A_166 = arith.constant 0 : i32
      %dma_wait3A_167 = tpu.memref_slice %dma_wait3A_165[%add3A_5, %dma_wait3A_166] : memref<10240x64xf32, #tpu.memory_space<hbm>> -> memref<128x64xf32, #tpu.memory_space<hbm>>
      tpu.wait_dma2 semaphore(%run_scoped3A_145 : memref<!tpu.dma_semaphore, #tpu.memory_space<semaphore_mem>>) src(%dma_wait3A_167 : memref<128x64xf32, #tpu.memory_space<hbm>>) dst(%arg8 : memref<128x64xf32, #tpu.memory_space<vmem>>)
      tpu.yield
    }) : () -> ()
    "tpu.region"() ({
      %run_scoped3A_145 = tpu.sem_alloc : memref<!tpu.dma_semaphore, #tpu.memory_space<semaphore_mem>>
      %dma_start3A = arith.constant 0 : i32
      %dma_start3A_146 = tpu.memref_slice %arg9[%add3A_5, %dma_start3A] : memref<20480x64xf32, #tpu.memory_space<vmem_shared>> -> memref<128x64xf32, #tpu.memory_space<vmem_shared>>
      %dma_start3A_147 = arith.constant 0 : i32
      %dma_start3A_148 = tpu.memref_slice %arg9[%add3A_5, %dma_start3A_147] : memref<20480x64xf32, #tpu.memory_space<vmem_shared>> -> memref<128x64xf32, #tpu.memory_space<vmem_shared>>
      tpu.enqueue_dma source(%arg8 : memref<128x64xf32, #tpu.memory_space<vmem>>) target(%dma_start3A_148 : memref<128x64xf32, #tpu.memory_space<vmem_shared>>) target_semaphore(%run_scoped3A_145 : memref<!tpu.dma_semaphore, #tpu.memory_space<semaphore_mem>>)
      %dma_wait3A = arith.constant 0 : i32
      %dma_wait3A_149 = tpu.memref_slice %arg9[%add3A_5, %dma_wait3A] : memref<20480x64xf32, #tpu.memory_space<vmem_shared>> -> memref<128x64xf32, #tpu.memory_space<vmem_shared>>
      %dma_wait3A_150 = arith.constant 0 : i32
      %dma_wait3A_151 = tpu.memref_slice %arg9[%add3A_5, %dma_wait3A_150] : memref<20480x64xf32, #tpu.memory_space<vmem_shared>> -> memref<128x64xf32, #tpu.memory_space<vmem_shared>>
      tpu.wait_dma2 semaphore(%run_scoped3A_145 : memref<!tpu.dma_semaphore, #tpu.memory_space<semaphore_mem>>) src(%arg8 : memref<128x64xf32, #tpu.memory_space<vmem>>) dst(%dma_wait3A_151 : memref<128x64xf32, #tpu.memory_space<vmem_shared>>)
      tpu.yield
    }) : () -> ()
    %mul3A_7 = arith.constant 640 : i32
    %mul3A_8 = arith.muli %arg1, %mul3A_7 : i32
    %add3A_9 = arith.constant 256 : i32
    %add3A_10 = arith.addi %mul3A_8, %add3A_9 : i32
    %run_scoped3A_11 = arith.constant 0 : i32
    "tpu.region"() ({
      %run_scoped3A_145 = tpu.sem_alloc : memref<!tpu.dma_semaphore, #tpu.memory_space<semaphore_mem>>
      %dma_start3A = arith.constant 0 : i32
      %dma_start3A_146 = arith.constant 0 : i32
      %dma_start3A_147 = tpu.memref_slice %arg2[%run_scoped3A_11, %dma_start3A, %dma_start3A_146] : memref<2x10240x64xf32, #tpu.memory_space<hbm>> -> memref<1x10240x64xf32, #tpu.memory_space<hbm>>
      %dma_start3A_148 = tpu.memref_squeeze %dma_start3A_147 : memref<1x10240x64xf32, #tpu.memory_space<hbm>> -> memref<10240x64xf32, #tpu.memory_space<hbm>>
      %dma_start3A_149 = arith.constant 0 : i32
      %dma_start3A_150 = tpu.memref_slice %dma_start3A_148[%add3A_10, %dma_start3A_149] : memref<10240x64xf32, #tpu.memory_space<hbm>> -> memref<128x64xf32, #tpu.memory_space<hbm>>
      %dma_start3A_151 = arith.constant 0 : i32
      %dma_start3A_152 = arith.constant 0 : i32
      %dma_start3A_153 = tpu.memref_slice %arg2[%run_scoped3A_11, %dma_start3A_151, %dma_start3A_152] : memref<2x10240x64xf32, #tpu.memory_space<hbm>> -> memref<1x10240x64xf32, #tpu.memory_space<hbm>>
      %dma_start3A_154 = tpu.memref_squeeze %dma_start3A_153 : memref<1x10240x64xf32, #tpu.memory_space<hbm>> -> memref<10240x64xf32, #tpu.memory_space<hbm>>
      %dma_start3A_155 = arith.constant 0 : i32
      %dma_start3A_156 = tpu.memref_slice %dma_start3A_154[%add3A_10, %dma_start3A_155] : memref<10240x64xf32, #tpu.memory_space<hbm>> -> memref<128x64xf32, #tpu.memory_space<hbm>>
      tpu.enqueue_dma source(%dma_start3A_156 : memref<128x64xf32, #tpu.memory_space<hbm>>) target(%arg8 : memref<128x64xf32, #tpu.memory_space<vmem>>) target_semaphore(%run_scoped3A_145 : memref<!tpu.dma_semaphore, #tpu.memory_space<semaphore_mem>>)
      %dma_wait3A = arith.constant 0 : i32
      %dma_wait3A_157 = arith.constant 0 : i32
      %dma_wait3A_158 = tpu.memref_slice %arg2[%run_scoped3A_11, %dma_wait3A, %dma_wait3A_157] : memref<2x10240x64xf32, #tpu.memory_space<hbm>> -> memref<1x10240x64xf32, #tpu.memory_space<hbm>>
      %dma_wait3A_159 = tpu.memref_squeeze %dma_wait3A_158 : memref<1x10240x64xf32, #tpu.memory_space<hbm>> -> memref<10240x64xf32, #tpu.memory_space<hbm>>
      %dma_wait3A_160 = arith.constant 0 : i32
      %dma_wait3A_161 = tpu.memref_slice %dma_wait3A_159[%add3A_10, %dma_wait3A_160] : memref<10240x64xf32, #tpu.memory_space<hbm>> -> memref<128x64xf32, #tpu.memory_space<hbm>>
      %dma_wait3A_162 = arith.constant 0 : i32
      %dma_wait3A_163 = arith.constant 0 : i32
      %dma_wait3A_164 = tpu.memref_slice %arg2[%run_scoped3A_11, %dma_wait3A_162, %dma_wait3A_163] : memref<2x10240x64xf32, #tpu.memory_space<hbm>> -> memref<1x10240x64xf32, #tpu.memory_space<hbm>>
      %dma_wait3A_165 = tpu.memref_squeeze %dma_wait3A_164 : memref<1x10240x64xf32, #tpu.memory_space<hbm>> -> memref<10240x64xf32, #tpu.memory_space<hbm>>
      %dma_wait3A_166 = arith.constant 0 : i32
      %dma_wait3A_167 = tpu.memref_slice %dma_wait3A_165[%add3A_10, %dma_wait3A_166] : memref<10240x64xf32, #tpu.memory_space<hbm>> -> memref<128x64xf32, #tpu.memory_space<hbm>>
      tpu.wait_dma2 semaphore(%run_scoped3A_145 : memref<!tpu.dma_semaphore, #tpu.memory_space<semaphore_mem>>) src(%dma_wait3A_167 : memref<128x64xf32, #tpu.memory_space<hbm>>) dst(%arg8 : memref<128x64xf32, #tpu.memory_space<vmem>>)
      tpu.yield
    }) : () -> ()
    "tpu.region"() ({
      %run_scoped3A_145 = tpu.sem_alloc : memref<!tpu.dma_semaphore, #tpu.memory_space<semaphore_mem>>
      %dma_start3A = arith.constant 0 : i32
      %dma_start3A_146 = tpu.memref_slice %arg9[%add3A_10, %dma_start3A] : memref<20480x64xf32, #tpu.memory_space<vmem_shared>> -> memref<128x64xf32, #tpu.memory_space<vmem_shared>>
      %dma_start3A_147 = arith.constant 0 : i32
      %dma_start3A_148 = tpu.memref_slice %arg9[%add3A_10, %dma_start3A_147] : memref<20480x64xf32, #tpu.memory_space<vmem_shared>> -> memref<128x64xf32, #tpu.memory_space<vmem_shared>>
      tpu.enqueue_dma source(%arg8 : memref<128x64xf32, #tpu.memory_space<vmem>>) target(%dma_start3A_148 : memref<128x64xf32, #tpu.memory_space<vmem_shared>>) target_semaphore(%run_scoped3A_145 : memref<!tpu.dma_semaphore, #tpu.memory_space<semaphore_mem>>)
      %dma_wait3A = arith.constant 0 : i32
      %dma_wait3A_149 = tpu.memref_slice %arg9[%add3A_10, %dma_wait3A] : memref<20480x64xf32, #tpu.memory_space<vmem_shared>> -> memref<128x64xf32, #tpu.memory_space<vmem_shared>>
      %dma_wait3A_150 = arith.constant 0 : i32
      %dma_wait3A_151 = tpu.memref_slice %arg9[%add3A_10, %dma_wait3A_150] : memref<20480x64xf32, #tpu.memory_space<vmem_shared>> -> memref<128x64xf32, #tpu.memory_space<vmem_shared>>
      tpu.wait_dma2 semaphore(%run_scoped3A_145 : memref<!tpu.dma_semaphore, #tpu.memory_space<semaphore_mem>>) src(%arg8 : memref<128x64xf32, #tpu.memory_space<vmem>>) dst(%dma_wait3A_151 : memref<128x64xf32, #tpu.memory_space<vmem_shared>>)
      tpu.yield
    }) : () -> ()
    %mul3A_12 = arith.constant 640 : i32
    %mul3A_13 = arith.muli %arg1, %mul3A_12 : i32
    %add3A_14 = arith.constant 384 : i32
    %add3A_15 = arith.addi %mul3A_13, %add3A_14 : i32
    %run_scoped3A_16 = arith.constant 0 : i32
    "tpu.region"() ({
      %run_scoped3A_145 = tpu.sem_alloc : memref<!tpu.dma_semaphore, #tpu.memory_space<semaphore_mem>>
      %dma_start3A = arith.constant 0 : i32
      %dma_start3A_146 = arith.constant 0 : i32
      %dma_start3A_147 = tpu.memref_slice %arg2[%run_scoped3A_16, %dma_start3A, %dma_start3A_146] : memref<2x10240x64xf32, #tpu.memory_space<hbm>> -> memref<1x10240x64xf32, #tpu.memory_space<hbm>>
      %dma_start3A_148 = tpu.memref_squeeze %dma_start3A_147 : memref<1x10240x64xf32, #tpu.memory_space<hbm>> -> memref<10240x64xf32, #tpu.memory_space<hbm>>
      %dma_start3A_149 = arith.constant 0 : i32
      %dma_start3A_150 = tpu.memref_slice %dma_start3A_148[%add3A_15, %dma_start3A_149] : memref<10240x64xf32, #tpu.memory_space<hbm>> -> memref<128x64xf32, #tpu.memory_space<hbm>>
      %dma_start3A_151 = arith.constant 0 : i32
      %dma_start3A_152 = arith.constant 0 : i32
      %dma_start3A_153 = tpu.memref_slice %arg2[%run_scoped3A_16, %dma_start3A_151, %dma_start3A_152] : memref<2x10240x64xf32, #tpu.memory_space<hbm>> -> memref<1x10240x64xf32, #tpu.memory_space<hbm>>
      %dma_start3A_154 = tpu.memref_squeeze %dma_start3A_153 : memref<1x10240x64xf32, #tpu.memory_space<hbm>> -> memref<10240x64xf32, #tpu.memory_space<hbm>>
      %dma_start3A_155 = arith.constant 0 : i32
      %dma_start3A_156 = tpu.memref_slice %dma_start3A_154[%add3A_15, %dma_start3A_155] : memref<10240x64xf32, #tpu.memory_space<hbm>> -> memref<128x64xf32, #tpu.memory_space<hbm>>
      tpu.enqueue_dma source(%dma_start3A_156 : memref<128x64xf32, #tpu.memory_space<hbm>>) target(%arg8 : memref<128x64xf32, #tpu.memory_space<vmem>>) target_semaphore(%run_scoped3A_145 : memref<!tpu.dma_semaphore, #tpu.memory_space<semaphore_mem>>)
      %dma_wait3A = arith.constant 0 : i32
      %dma_wait3A_157 = arith.constant 0 : i32
      %dma_wait3A_158 = tpu.memref_slice %arg2[%run_scoped3A_16, %dma_wait3A, %dma_wait3A_157] : memref<2x10240x64xf32, #tpu.memory_space<hbm>> -> memref<1x10240x64xf32, #tpu.memory_space<hbm>>
      %dma_wait3A_159 = tpu.memref_squeeze %dma_wait3A_158 : memref<1x10240x64xf32, #tpu.memory_space<hbm>> -> memref<10240x64xf32, #tpu.memory_space<hbm>>
      %dma_wait3A_160 = arith.constant 0 : i32
      %dma_wait3A_161 = tpu.memref_slice %dma_wait3A_159[%add3A_15, %dma_wait3A_160] : memref<10240x64xf32, #tpu.memory_space<hbm>> -> memref<128x64xf32, #tpu.memory_space<hbm>>
      %dma_wait3A_162 = arith.constant 0 : i32
      %dma_wait3A_163 = arith.constant 0 : i32
      %dma_wait3A_164 = tpu.memref_slice %arg2[%run_scoped3A_16, %dma_wait3A_162, %dma_wait3A_163] : memref<2x10240x64xf32, #tpu.memory_space<hbm>> -> memref<1x10240x64xf32, #tpu.memory_space<hbm>>
      %dma_wait3A_165 = tpu.memref_squeeze %dma_wait3A_164 : memref<1x10240x64xf32, #tpu.memory_space<hbm>> -> memref<10240x64xf32, #tpu.memory_space<hbm>>
      %dma_wait3A_166 = arith.constant 0 : i32
      %dma_wait3A_167 = tpu.memref_slice %dma_wait3A_165[%add3A_15, %dma_wait3A_166] : memref<10240x64xf32, #tpu.memory_space<hbm>> -> memref<128x64xf32, #tpu.memory_space<hbm>>
      tpu.wait_dma2 semaphore(%run_scoped3A_145 : memref<!tpu.dma_semaphore, #tpu.memory_space<semaphore_mem>>) src(%dma_wait3A_167 : memref<128x64xf32, #tpu.memory_space<hbm>>) dst(%arg8 : memref<128x64xf32, #tpu.memory_space<vmem>>)
      tpu.yield
    }) : () -> ()
    "tpu.region"() ({
      %run_scoped3A_145 = tpu.sem_alloc : memref<!tpu.dma_semaphore, #tpu.memory_space<semaphore_mem>>
      %dma_start3A = arith.constant 0 : i32
      %dma_start3A_146 = tpu.memref_slice %arg9[%add3A_15, %dma_start3A] : memref<20480x64xf32, #tpu.memory_space<vmem_shared>> -> memref<128x64xf32, #tpu.memory_space<vmem_shared>>
      %dma_start3A_147 = arith.constant 0 : i32
      %dma_start3A_148 = tpu.memref_slice %arg9[%add3A_15, %dma_start3A_147] : memref<20480x64xf32, #tpu.memory_space<vmem_shared>> -> memref<128x64xf32, #tpu.memory_space<vmem_shared>>
      tpu.enqueue_dma source(%arg8 : memref<128x64xf32, #tpu.memory_space<vmem>>) target(%dma_start3A_148 : memref<128x64xf32, #tpu.memory_space<vmem_shared>>) target_semaphore(%run_scoped3A_145 : memref<!tpu.dma_semaphore, #tpu.memory_space<semaphore_mem>>)
      %dma_wait3A = arith.constant 0 : i32
      %dma_wait3A_149 = tpu.memref_slice %arg9[%add3A_15, %dma_wait3A] : memref<20480x64xf32, #tpu.memory_space<vmem_shared>> -> memref<128x64xf32, #tpu.memory_space<vmem_shared>>
      %dma_wait3A_150 = arith.constant 0 : i32
      %dma_wait3A_151 = tpu.memref_slice %arg9[%add3A_15, %dma_wait3A_150] : memref<20480x64xf32, #tpu.memory_space<vmem_shared>> -> memref<128x64xf32, #tpu.memory_space<vmem_shared>>
      tpu.wait_dma2 semaphore(%run_scoped3A_145 : memref<!tpu.dma_semaphore, #tpu.memory_space<semaphore_mem>>) src(%arg8 : memref<128x64xf32, #tpu.memory_space<vmem>>) dst(%dma_wait3A_151 : memref<128x64xf32, #tpu.memory_space<vmem_shared>>)
      tpu.yield
    }) : () -> ()
    %mul3A_17 = arith.constant 640 : i32
    %mul3A_18 = arith.muli %arg1, %mul3A_17 : i32
    %add3A_19 = arith.constant 512 : i32
    %add3A_20 = arith.addi %mul3A_18, %add3A_19 : i32
    %run_scoped3A_21 = arith.constant 0 : i32
    "tpu.region"() ({
      %run_scoped3A_145 = tpu.sem_alloc : memref<!tpu.dma_semaphore, #tpu.memory_space<semaphore_mem>>
      %dma_start3A = arith.constant 0 : i32
      %dma_start3A_146 = arith.constant 0 : i32
      %dma_start3A_147 = tpu.memref_slice %arg2[%run_scoped3A_21, %dma_start3A, %dma_start3A_146] : memref<2x10240x64xf32, #tpu.memory_space<hbm>> -> memref<1x10240x64xf32, #tpu.memory_space<hbm>>
      %dma_start3A_148 = tpu.memref_squeeze %dma_start3A_147 : memref<1x10240x64xf32, #tpu.memory_space<hbm>> -> memref<10240x64xf32, #tpu.memory_space<hbm>>
      %dma_start3A_149 = arith.constant 0 : i32
      %dma_start3A_150 = tpu.memref_slice %dma_start3A_148[%add3A_20, %dma_start3A_149] : memref<10240x64xf32, #tpu.memory_space<hbm>> -> memref<128x64xf32, #tpu.memory_space<hbm>>
      %dma_start3A_151 = arith.constant 0 : i32
      %dma_start3A_152 = arith.constant 0 : i32
      %dma_start3A_153 = tpu.memref_slice %arg2[%run_scoped3A_21, %dma_start3A_151, %dma_start3A_152] : memref<2x10240x64xf32, #tpu.memory_space<hbm>> -> memref<1x10240x64xf32, #tpu.memory_space<hbm>>
      %dma_start3A_154 = tpu.memref_squeeze %dma_start3A_153 : memref<1x10240x64xf32, #tpu.memory_space<hbm>> -> memref<10240x64xf32, #tpu.memory_space<hbm>>
      %dma_start3A_155 = arith.constant 0 : i32
      %dma_start3A_156 = tpu.memref_slice %dma_start3A_154[%add3A_20, %dma_start3A_155] : memref<10240x64xf32, #tpu.memory_space<hbm>> -> memref<128x64xf32, #tpu.memory_space<hbm>>
      tpu.enqueue_dma source(%dma_start3A_156 : memref<128x64xf32, #tpu.memory_space<hbm>>) target(%arg8 : memref<128x64xf32, #tpu.memory_space<vmem>>) target_semaphore(%run_scoped3A_145 : memref<!tpu.dma_semaphore, #tpu.memory_space<semaphore_mem>>)
      %dma_wait3A = arith.constant 0 : i32
      %dma_wait3A_157 = arith.constant 0 : i32
      %dma_wait3A_158 = tpu.memref_slice %arg2[%run_scoped3A_21, %dma_wait3A, %dma_wait3A_157] : memref<2x10240x64xf32, #tpu.memory_space<hbm>> -> memref<1x10240x64xf32, #tpu.memory_space<hbm>>
      %dma_wait3A_159 = tpu.memref_squeeze %dma_wait3A_158 : memref<1x10240x64xf32, #tpu.memory_space<hbm>> -> memref<10240x64xf32, #tpu.memory_space<hbm>>
      %dma_wait3A_160 = arith.constant 0 : i32
      %dma_wait3A_161 = tpu.memref_slice %dma_wait3A_159[%add3A_20, %dma_wait3A_160] : memref<10240x64xf32, #tpu.memory_space<hbm>> -> memref<128x64xf32, #tpu.memory_space<hbm>>
      %dma_wait3A_162 = arith.constant 0 : i32
      %dma_wait3A_163 = arith.constant 0 : i32
      %dma_wait3A_164 = tpu.memref_slice %arg2[%run_scoped3A_21, %dma_wait3A_162, %dma_wait3A_163] : memref<2x10240x64xf32, #tpu.memory_space<hbm>> -> memref<1x10240x64xf32, #tpu.memory_space<hbm>>
      %dma_wait3A_165 = tpu.memref_squeeze %dma_wait3A_164 : memref<1x10240x64xf32, #tpu.memory_space<hbm>> -> memref<10240x64xf32, #tpu.memory_space<hbm>>
      %dma_wait3A_166 = arith.constant 0 : i32
      %dma_wait3A_167 = tpu.memref_slice %dma_wait3A_165[%add3A_20, %dma_wait3A_166] : memref<10240x64xf32, #tpu.memory_space<hbm>> -> memref<128x64xf32, #tpu.memory_space<hbm>>
      tpu.wait_dma2 semaphore(%run_scoped3A_145 : memref<!tpu.dma_semaphore, #tpu.memory_space<semaphore_mem>>) src(%dma_wait3A_167 : memref<128x64xf32, #tpu.memory_space<hbm>>) dst(%arg8 : memref<128x64xf32, #tpu.memory_space<vmem>>)
      tpu.yield
    }) : () -> ()
    "tpu.region"() ({
      %run_scoped3A_145 = tpu.sem_alloc : memref<!tpu.dma_semaphore, #tpu.memory_space<semaphore_mem>>
      %dma_start3A = arith.constant 0 : i32
      %dma_start3A_146 = tpu.memref_slice %arg9[%add3A_20, %dma_start3A] : memref<20480x64xf32, #tpu.memory_space<vmem_shared>> -> memref<128x64xf32, #tpu.memory_space<vmem_shared>>
      %dma_start3A_147 = arith.constant 0 : i32
      %dma_start3A_148 = tpu.memref_slice %arg9[%add3A_20, %dma_start3A_147] : memref<20480x64xf32, #tpu.memory_space<vmem_shared>> -> memref<128x64xf32, #tpu.memory_space<vmem_shared>>
      tpu.enqueue_dma source(%arg8 : memref<128x64xf32, #tpu.memory_space<vmem>>) target(%dma_start3A_148 : memref<128x64xf32, #tpu.memory_space<vmem_shared>>) target_semaphore(%run_scoped3A_145 : memref<!tpu.dma_semaphore, #tpu.memory_space<semaphore_mem>>)
      %dma_wait3A = arith.constant 0 : i32
      %dma_wait3A_149 = tpu.memref_slice %arg9[%add3A_20, %dma_wait3A] : memref<20480x64xf32, #tpu.memory_space<vmem_shared>> -> memref<128x64xf32, #tpu.memory_space<vmem_shared>>
      %dma_wait3A_150 = arith.constant 0 : i32
      %dma_wait3A_151 = tpu.memref_slice %arg9[%add3A_20, %dma_wait3A_150] : memref<20480x64xf32, #tpu.memory_space<vmem_shared>> -> memref<128x64xf32, #tpu.memory_space<vmem_shared>>
      tpu.wait_dma2 semaphore(%run_scoped3A_145 : memref<!tpu.dma_semaphore, #tpu.memory_space<semaphore_mem>>) src(%arg8 : memref<128x64xf32, #tpu.memory_space<vmem>>) dst(%dma_wait3A_151 : memref<128x64xf32, #tpu.memory_space<vmem_shared>>)
      tpu.yield
    }) : () -> ()
    "tpu.region"() ({
      %run_scoped3A_145 = tpu.sem_alloc : memref<!tpu.dma_semaphore, #tpu.memory_space<semaphore_mem>>
      tpu.enqueue_dma source(%arg4 : memref<128x64xf32, #tpu.memory_space<hbm>>) target(%arg7 : memref<128x64xf32, #tpu.memory_space<vmem>>) target_semaphore(%run_scoped3A_145 : memref<!tpu.dma_semaphore, #tpu.memory_space<semaphore_mem>>)
      tpu.wait_dma2 semaphore(%run_scoped3A_145 : memref<!tpu.dma_semaphore, #tpu.memory_space<semaphore_mem>>) src(%arg4 : memref<128x64xf32, #tpu.memory_space<hbm>>) dst(%arg7 : memref<128x64xf32, #tpu.memory_space<vmem>>)
      tpu.yield
    }) : () -> ()
    %mul3A_22 = arith.constant 640 : i32
    %mul3A_23 = arith.muli %arg1, %mul3A_22 : i32
    %add3A_24 = arith.constant 10240 : i32
    %add3A_25 = arith.addi %add3A_24, %mul3A_23 : i32
    %add3A_26 = arith.constant 0 : i32
    %add3A_27 = arith.addi %add3A_25, %add3A_26 : i32
    "tpu.region"() ({
      %run_scoped3A_145 = tpu.sem_alloc : memref<!tpu.dma_semaphore, #tpu.memory_space<semaphore_mem>>
      %dma_start3A = arith.constant 0 : i32
      %dma_start3A_146 = tpu.memref_slice %arg9[%add3A_27, %dma_start3A] : memref<20480x64xf32, #tpu.memory_space<vmem_shared>> -> memref<128x64xf32, #tpu.memory_space<vmem_shared>>
      %dma_start3A_147 = arith.constant 0 : i32
      %dma_start3A_148 = tpu.memref_slice %arg9[%add3A_27, %dma_start3A_147] : memref<20480x64xf32, #tpu.memory_space<vmem_shared>> -> memref<128x64xf32, #tpu.memory_space<vmem_shared>>
      tpu.enqueue_dma source(%arg7 : memref<128x64xf32, #tpu.memory_space<vmem>>) target(%dma_start3A_148 : memref<128x64xf32, #tpu.memory_space<vmem_shared>>) target_semaphore(%run_scoped3A_145 : memref<!tpu.dma_semaphore, #tpu.memory_space<semaphore_mem>>)
      %dma_wait3A = arith.constant 0 : i32
      %dma_wait3A_149 = tpu.memref_slice %arg9[%add3A_27, %dma_wait3A] : memref<20480x64xf32, #tpu.memory_space<vmem_shared>> -> memref<128x64xf32, #tpu.memory_space<vmem_shared>>
      %dma_wait3A_150 = arith.constant 0 : i32
      %dma_wait3A_151 = tpu.memref_slice %arg9[%add3A_27, %dma_wait3A_150] : memref<20480x64xf32, #tpu.memory_space<vmem_shared>> -> memref<128x64xf32, #tpu.memory_space<vmem_shared>>
      tpu.wait_dma2 semaphore(%run_scoped3A_145 : memref<!tpu.dma_semaphore, #tpu.memory_space<semaphore_mem>>) src(%arg7 : memref<128x64xf32, #tpu.memory_space<vmem>>) dst(%dma_wait3A_151 : memref<128x64xf32, #tpu.memory_space<vmem_shared>>)
      tpu.yield
    }) : () -> ()
    %mul3A_28 = arith.constant 640 : i32
    %mul3A_29 = arith.muli %arg1, %mul3A_28 : i32
    %add3A_30 = arith.constant 10240 : i32
    %add3A_31 = arith.addi %add3A_30, %mul3A_29 : i32
    %add3A_32 = arith.constant 128 : i32
    %add3A_33 = arith.addi %add3A_31, %add3A_32 : i32
    "tpu.region"() ({
      %run_scoped3A_145 = tpu.sem_alloc : memref<!tpu.dma_semaphore, #tpu.memory_space<semaphore_mem>>
      %dma_start3A = arith.constant 0 : i32
      %dma_start3A_146 = tpu.memref_slice %arg9[%add3A_33, %dma_start3A] : memref<20480x64xf32, #tpu.memory_space<vmem_shared>> -> memref<128x64xf32, #tpu.memory_space<vmem_shared>>
      %dma_start3A_147 = arith.constant 0 : i32
      %dma_start3A_148 = tpu.memref_slice %arg9[%add3A_33, %dma_start3A_147] : memref<20480x64xf32, #tpu.memory_space<vmem_shared>> -> memref<128x64xf32, #tpu.memory_space<vmem_shared>>
      tpu.enqueue_dma source(%arg7 : memref<128x64xf32, #tpu.memory_space<vmem>>) target(%dma_start3A_148 : memref<128x64xf32, #tpu.memory_space<vmem_shared>>) target_semaphore(%run_scoped3A_145 : memref<!tpu.dma_semaphore, #tpu.memory_space<semaphore_mem>>)
      %dma_wait3A = arith.constant 0 : i32
      %dma_wait3A_149 = tpu.memref_slice %arg9[%add3A_33, %dma_wait3A] : memref<20480x64xf32, #tpu.memory_space<vmem_shared>> -> memref<128x64xf32, #tpu.memory_space<vmem_shared>>
      %dma_wait3A_150 = arith.constant 0 : i32
      %dma_wait3A_151 = tpu.memref_slice %arg9[%add3A_33, %dma_wait3A_150] : memref<20480x64xf32, #tpu.memory_space<vmem_shared>> -> memref<128x64xf32, #tpu.memory_space<vmem_shared>>
      tpu.wait_dma2 semaphore(%run_scoped3A_145 : memref<!tpu.dma_semaphore, #tpu.memory_space<semaphore_mem>>) src(%arg7 : memref<128x64xf32, #tpu.memory_space<vmem>>) dst(%dma_wait3A_151 : memref<128x64xf32, #tpu.memory_space<vmem_shared>>)
      tpu.yield
    }) : () -> ()
    %mul3A_34 = arith.constant 640 : i32
    %mul3A_35 = arith.muli %arg1, %mul3A_34 : i32
    %add3A_36 = arith.constant 10240 : i32
    %add3A_37 = arith.addi %add3A_36, %mul3A_35 : i32
    %add3A_38 = arith.constant 256 : i32
    %add3A_39 = arith.addi %add3A_37, %add3A_38 : i32
    "tpu.region"() ({
      %run_scoped3A_145 = tpu.sem_alloc : memref<!tpu.dma_semaphore, #tpu.memory_space<semaphore_mem>>
      %dma_start3A = arith.constant 0 : i32
      %dma_start3A_146 = tpu.memref_slice %arg9[%add3A_39, %dma_start3A] : memref<20480x64xf32, #tpu.memory_space<vmem_shared>> -> memref<128x64xf32, #tpu.memory_space<vmem_shared>>
      %dma_start3A_147 = arith.constant 0 : i32
      %dma_start3A_148 = tpu.memref_slice %arg9[%add3A_39, %dma_start3A_147] : memref<20480x64xf32, #tpu.memory_space<vmem_shared>> -> memref<128x64xf32, #tpu.memory_space<vmem_shared>>
      tpu.enqueue_dma source(%arg7 : memref<128x64xf32, #tpu.memory_space<vmem>>) target(%dma_start3A_148 : memref<128x64xf32, #tpu.memory_space<vmem_shared>>) target_semaphore(%run_scoped3A_145 : memref<!tpu.dma_semaphore, #tpu.memory_space<semaphore_mem>>)
      %dma_wait3A = arith.constant 0 : i32
      %dma_wait3A_149 = tpu.memref_slice %arg9[%add3A_39, %dma_wait3A] : memref<20480x64xf32, #tpu.memory_space<vmem_shared>> -> memref<128x64xf32, #tpu.memory_space<vmem_shared>>
      %dma_wait3A_150 = arith.constant 0 : i32
      %dma_wait3A_151 = tpu.memref_slice %arg9[%add3A_39, %dma_wait3A_150] : memref<20480x64xf32, #tpu.memory_space<vmem_shared>> -> memref<128x64xf32, #tpu.memory_space<vmem_shared>>
      tpu.wait_dma2 semaphore(%run_scoped3A_145 : memref<!tpu.dma_semaphore, #tpu.memory_space<semaphore_mem>>) src(%arg7 : memref<128x64xf32, #tpu.memory_space<vmem>>) dst(%dma_wait3A_151 : memref<128x64xf32, #tpu.memory_space<vmem_shared>>)
      tpu.yield
    }) : () -> ()
    %mul3A_40 = arith.constant 640 : i32
    %mul3A_41 = arith.muli %arg1, %mul3A_40 : i32
    %add3A_42 = arith.constant 10240 : i32
    %add3A_43 = arith.addi %add3A_42, %mul3A_41 : i32
    %add3A_44 = arith.constant 384 : i32
    %add3A_45 = arith.addi %add3A_43, %add3A_44 : i32
    "tpu.region"() ({
      %run_scoped3A_145 = tpu.sem_alloc : memref<!tpu.dma_semaphore, #tpu.memory_space<semaphore_mem>>
      %dma_start3A = arith.constant 0 : i32
      %dma_start3A_146 = tpu.memref_slice %arg9[%add3A_45, %dma_start3A] : memref<20480x64xf32, #tpu.memory_space<vmem_shared>> -> memref<128x64xf32, #tpu.memory_space<vmem_shared>>
      %dma_start3A_147 = arith.constant 0 : i32
      %dma_start3A_148 = tpu.memref_slice %arg9[%add3A_45, %dma_start3A_147] : memref<20480x64xf32, #tpu.memory_space<vmem_shared>> -> memref<128x64xf32, #tpu.memory_space<vmem_shared>>
      tpu.enqueue_dma source(%arg7 : memref<128x64xf32, #tpu.memory_space<vmem>>) target(%dma_start3A_148 : memref<128x64xf32, #tpu.memory_space<vmem_shared>>) target_semaphore(%run_scoped3A_145 : memref<!tpu.dma_semaphore, #tpu.memory_space<semaphore_mem>>)
      %dma_wait3A = arith.constant 0 : i32
      %dma_wait3A_149 = tpu.memref_slice %arg9[%add3A_45, %dma_wait3A] : memref<20480x64xf32, #tpu.memory_space<vmem_shared>> -> memref<128x64xf32, #tpu.memory_space<vmem_shared>>
      %dma_wait3A_150 = arith.constant 0 : i32
      %dma_wait3A_151 = tpu.memref_slice %arg9[%add3A_45, %dma_wait3A_150] : memref<20480x64xf32, #tpu.memory_space<vmem_shared>> -> memref<128x64xf32, #tpu.memory_space<vmem_shared>>
      tpu.wait_dma2 semaphore(%run_scoped3A_145 : memref<!tpu.dma_semaphore, #tpu.memory_space<semaphore_mem>>) src(%arg7 : memref<128x64xf32, #tpu.memory_space<vmem>>) dst(%dma_wait3A_151 : memref<128x64xf32, #tpu.memory_space<vmem_shared>>)
      tpu.yield
    }) : () -> ()
    %mul3A_46 = arith.constant 640 : i32
    %mul3A_47 = arith.muli %arg1, %mul3A_46 : i32
    %add3A_48 = arith.constant 10240 : i32
    %add3A_49 = arith.addi %add3A_48, %mul3A_47 : i32
    %add3A_50 = arith.constant 512 : i32
    %add3A_51 = arith.addi %add3A_49, %add3A_50 : i32
    "tpu.region"() ({
      %run_scoped3A_145 = tpu.sem_alloc : memref<!tpu.dma_semaphore, #tpu.memory_space<semaphore_mem>>
      %dma_start3A = arith.constant 0 : i32
      %dma_start3A_146 = tpu.memref_slice %arg9[%add3A_51, %dma_start3A] : memref<20480x64xf32, #tpu.memory_space<vmem_shared>> -> memref<128x64xf32, #tpu.memory_space<vmem_shared>>
      %dma_start3A_147 = arith.constant 0 : i32
      %dma_start3A_148 = tpu.memref_slice %arg9[%add3A_51, %dma_start3A_147] : memref<20480x64xf32, #tpu.memory_space<vmem_shared>> -> memref<128x64xf32, #tpu.memory_space<vmem_shared>>
      tpu.enqueue_dma source(%arg7 : memref<128x64xf32, #tpu.memory_space<vmem>>) target(%dma_start3A_148 : memref<128x64xf32, #tpu.memory_space<vmem_shared>>) target_semaphore(%run_scoped3A_145 : memref<!tpu.dma_semaphore, #tpu.memory_space<semaphore_mem>>)
      %dma_wait3A = arith.constant 0 : i32
      %dma_wait3A_149 = tpu.memref_slice %arg9[%add3A_51, %dma_wait3A] : memref<20480x64xf32, #tpu.memory_space<vmem_shared>> -> memref<128x64xf32, #tpu.memory_space<vmem_shared>>
      %dma_wait3A_150 = arith.constant 0 : i32
      %dma_wait3A_151 = tpu.memref_slice %arg9[%add3A_51, %dma_wait3A_150] : memref<20480x64xf32, #tpu.memory_space<vmem_shared>> -> memref<128x64xf32, #tpu.memory_space<vmem_shared>>
      tpu.wait_dma2 semaphore(%run_scoped3A_145 : memref<!tpu.dma_semaphore, #tpu.memory_space<semaphore_mem>>) src(%arg7 : memref<128x64xf32, #tpu.memory_space<vmem>>) dst(%dma_wait3A_151 : memref<128x64xf32, #tpu.memory_space<vmem_shared>>)
      tpu.yield
    }) : () -> ()
    %barrier3A = arith.constant 0 : index
    tpu.barrier barrier_id(%barrier3A)
    %scan3A = arith.constant 0 : i32
    %scan3A_52 = arith.constant 0 : i32
    %scan3A_53 = arith.constant 5 : i32
    %scan3A_54 = arith.addi %scan3A_52, %scan3A_53 : i32
    %scan3A_55 = arith.constant 1 : i32
    %scan3A_56 = scf.for %scan3A_145 = %scan3A_52 to %scan3A_54 step %scan3A_55 iter_args(%scan3A_146 = %scan3A) -> (i32)  : i32 {
      "tpu.region"() ({
        %run_scoped3A_150 = tpu.sem_alloc : memref<!tpu.dma_semaphore, #tpu.memory_space<semaphore_mem>>
        %dma_start3A = arith.constant 0 : i32
        %dma_start3A_151 = arith.constant 0 : i32
        %dma_start3A_152 = arith.constant 0 : i32
        %dma_start3A_153 = arith.constant 0 : i32
        %dma_start3A_154 = tpu.memref_slice %arg3[%arg0, %dma_start3A, %dma_start3A_151, %dma_start3A_152, %dma_start3A_153] : memref<2x16x5x32x128xi32, #tpu.memory_space<hbm>> -> memref<1x16x5x32x128xi32, #tpu.memory_space<hbm>>
        %dma_start3A_155 = tpu.memref_squeeze %dma_start3A_154 : memref<1x16x5x32x128xi32, #tpu.memory_space<hbm>> -> memref<16x5x32x128xi32, #tpu.memory_space<hbm>>
        %dma_start3A_156 = arith.constant 0 : i32
        %dma_start3A_157 = arith.constant 0 : i32
        %dma_start3A_158 = arith.constant 0 : i32
        %dma_start3A_159 = tpu.memref_slice %dma_start3A_155[%arg1, %dma_start3A_156, %dma_start3A_157, %dma_start3A_158] : memref<16x5x32x128xi32, #tpu.memory_space<hbm>> -> memref<1x5x32x128xi32, #tpu.memory_space<hbm>>
        %dma_start3A_160 = tpu.memref_squeeze %dma_start3A_159 : memref<1x5x32x128xi32, #tpu.memory_space<hbm>> -> memref<5x32x128xi32, #tpu.memory_space<hbm>>
        %dma_start3A_161 = arith.constant 0 : i32
        %dma_start3A_162 = arith.constant 0 : i32
        %dma_start3A_163 = tpu.memref_slice %dma_start3A_160[%scan3A_145, %dma_start3A_161, %dma_start3A_162] : memref<5x32x128xi32, #tpu.memory_space<hbm>> -> memref<1x32x128xi32, #tpu.memory_space<hbm>>
        %dma_start3A_164 = tpu.memref_squeeze %dma_start3A_163 : memref<1x32x128xi32, #tpu.memory_space<hbm>> -> memref<32x128xi32, #tpu.memory_space<hbm>>
        %dma_start3A_165 = arith.constant 0 : i32
        %dma_start3A_166 = arith.constant 0 : i32
        %dma_start3A_167 = arith.constant 0 : i32
        %dma_start3A_168 = arith.constant 0 : i32
        %dma_start3A_169 = tpu.memref_slice %arg3[%arg0, %dma_start3A_165, %dma_start3A_166, %dma_start3A_167, %dma_start3A_168] : memref<2x16x5x32x128xi32, #tpu.memory_space<hbm>> -> memref<1x16x5x32x128xi32, #tpu.memory_space<hbm>>
        %dma_start3A_170 = tpu.memref_squeeze %dma_start3A_169 : memref<1x16x5x32x128xi32, #tpu.memory_space<hbm>> -> memref<16x5x32x128xi32, #tpu.memory_space<hbm>>
        %dma_start3A_171 = arith.constant 0 : i32
        %dma_start3A_172 = arith.constant 0 : i32
        %dma_start3A_173 = arith.constant 0 : i32
        %dma_start3A_174 = tpu.memref_slice %dma_start3A_170[%arg1, %dma_start3A_171, %dma_start3A_172, %dma_start3A_173] : memref<16x5x32x128xi32, #tpu.memory_space<hbm>> -> memref<1x5x32x128xi32, #tpu.memory_space<hbm>>
        %dma_start3A_175 = tpu.memref_squeeze %dma_start3A_174 : memref<1x5x32x128xi32, #tpu.memory_space<hbm>> -> memref<5x32x128xi32, #tpu.memory_space<hbm>>
        %dma_start3A_176 = arith.constant 0 : i32
        %dma_start3A_177 = arith.constant 0 : i32
        %dma_start3A_178 = tpu.memref_slice %dma_start3A_175[%scan3A_145, %dma_start3A_176, %dma_start3A_177] : memref<5x32x128xi32, #tpu.memory_space<hbm>> -> memref<1x32x128xi32, #tpu.memory_space<hbm>>
        %dma_start3A_179 = tpu.memref_squeeze %dma_start3A_178 : memref<1x32x128xi32, #tpu.memory_space<hbm>> -> memref<32x128xi32, #tpu.memory_space<hbm>>
        tpu.enqueue_dma source(%dma_start3A_179 : memref<32x128xi32, #tpu.memory_space<hbm>>) target(%arg6 : memref<32x128xi32, #tpu.memory_space<vmem>>) target_semaphore(%run_scoped3A_150 : memref<!tpu.dma_semaphore, #tpu.memory_space<semaphore_mem>>)
        %dma_wait3A = arith.constant 0 : i32
        %dma_wait3A_180 = arith.constant 0 : i32
        %dma_wait3A_181 = arith.constant 0 : i32
        %dma_wait3A_182 = arith.constant 0 : i32
        %dma_wait3A_183 = tpu.memref_slice %arg3[%arg0, %dma_wait3A, %dma_wait3A_180, %dma_wait3A_181, %dma_wait3A_182] : memref<2x16x5x32x128xi32, #tpu.memory_space<hbm>> -> memref<1x16x5x32x128xi32, #tpu.memory_space<hbm>>
        %dma_wait3A_184 = tpu.memref_squeeze %dma_wait3A_183 : memref<1x16x5x32x128xi32, #tpu.memory_space<hbm>> -> memref<16x5x32x128xi32, #tpu.memory_space<hbm>>
        %dma_wait3A_185 = arith.constant 0 : i32
        %dma_wait3A_186 = arith.constant 0 : i32
        %dma_wait3A_187 = arith.constant 0 : i32
        %dma_wait3A_188 = tpu.memref_slice %dma_wait3A_184[%arg1, %dma_wait3A_185, %dma_wait3A_186, %dma_wait3A_187] : memref<16x5x32x128xi32, #tpu.memory_space<hbm>> -> memref<1x5x32x128xi32, #tpu.memory_space<hbm>>
        %dma_wait3A_189 = tpu.memref_squeeze %dma_wait3A_188 : memref<1x5x32x128xi32, #tpu.memory_space<hbm>> -> memref<5x32x128xi32, #tpu.memory_space<hbm>>
        %dma_wait3A_190 = arith.constant 0 : i32
        %dma_wait3A_191 = arith.constant 0 : i32
        %dma_wait3A_192 = tpu.memref_slice %dma_wait3A_189[%scan3A_145, %dma_wait3A_190, %dma_wait3A_191] : memref<5x32x128xi32, #tpu.memory_space<hbm>> -> memref<1x32x128xi32, #tpu.memory_space<hbm>>
        %dma_wait3A_193 = tpu.memref_squeeze %dma_wait3A_192 : memref<1x32x128xi32, #tpu.memory_space<hbm>> -> memref<32x128xi32, #tpu.memory_space<hbm>>
        %dma_wait3A_194 = arith.constant 0 : i32
        %dma_wait3A_195 = arith.constant 0 : i32
        %dma_wait3A_196 = arith.constant 0 : i32
        %dma_wait3A_197 = arith.constant 0 : i32
        %dma_wait3A_198 = tpu.memref_slice %arg3[%arg0, %dma_wait3A_194, %dma_wait3A_195, %dma_wait3A_196, %dma_wait3A_197] : memref<2x16x5x32x128xi32, #tpu.memory_space<hbm>> -> memref<1x16x5x32x128xi32, #tpu.memory_space<hbm>>
        %dma_wait3A_199 = tpu.memref_squeeze %dma_wait3A_198 : memref<1x16x5x32x128xi32, #tpu.memory_space<hbm>> -> memref<16x5x32x128xi32, #tpu.memory_space<hbm>>
        %dma_wait3A_200 = arith.constant 0 : i32
        %dma_wait3A_201 = arith.constant 0 : i32
        %dma_wait3A_202 = arith.constant 0 : i32
        %dma_wait3A_203 = tpu.memref_slice %dma_wait3A_199[%arg1, %dma_wait3A_200, %dma_wait3A_201, %dma_wait3A_202] : memref<16x5x32x128xi32, #tpu.memory_space<hbm>> -> memref<1x5x32x128xi32, #tpu.memory_space<hbm>>
        %dma_wait3A_204 = tpu.memref_squeeze %dma_wait3A_203 : memref<1x5x32x128xi32, #tpu.memory_space<hbm>> -> memref<5x32x128xi32, #tpu.memory_space<hbm>>
        %dma_wait3A_205 = arith.constant 0 : i32
        %dma_wait3A_206 = arith.constant 0 : i32
        %dma_wait3A_207 = tpu.memref_slice %dma_wait3A_204[%scan3A_145, %dma_wait3A_205, %dma_wait3A_206] : memref<5x32x128xi32, #tpu.memory_space<hbm>> -> memref<1x32x128xi32, #tpu.memory_space<hbm>>
        %dma_wait3A_208 = tpu.memref_squeeze %dma_wait3A_207 : memref<1x32x128xi32, #tpu.memory_space<hbm>> -> memref<32x128xi32, #tpu.memory_space<hbm>>
        tpu.wait_dma2 semaphore(%run_scoped3A_150 : memref<!tpu.dma_semaphore, #tpu.memory_space<semaphore_mem>>) src(%dma_wait3A_208 : memref<32x128xi32, #tpu.memory_space<hbm>>) dst(%arg6 : memref<32x128xi32, #tpu.memory_space<vmem>>)
        tpu.yield
      }) : () -> ()
      %parallel_loop3A = arith.constant 0 : i32
      %parallel_loop3A_147 = arith.constant 8 : i32
      %parallel_loop3A_148 = arith.constant 1 : i32
      scf.for %parallel_loop3A_150 = %parallel_loop3A to %parallel_loop3A_147 step %parallel_loop3A_148  : i32 {
        %parallel_loop3A_151 = arith.constant 2 : i32
        %parallel_loop3A_152 = arith.muli %parallel_loop3A_151, %parallel_loop3A_150 : i32
        %parallel_loop3A_153 = arith.constant 0 : i32
        %parallel_loop3A_154 = tpu.memref_slice %arg6[%parallel_loop3A_152, %parallel_loop3A_153] : memref<32x128xi32, #tpu.memory_space<vmem>> -> memref<1x128xi32, #tpu.memory_space<vmem>>
        %parallel_loop3A_155 = tpu.memref_squeeze %parallel_loop3A_154 : memref<1x128xi32, #tpu.memory_space<vmem>> -> memref<128xi32, #tpu.memory_space<vmem>>
        %parallel_loop3A_156 = arith.constant 0 : i32
        %parallel_loop3A_157 = arith.constant 0 : i32
        %parallel_loop3A_158 = tpu.memref_slice %arg9[%parallel_loop3A_156, %parallel_loop3A_157] : memref<20480x64xf32, #tpu.memory_space<vmem_shared>> -> memref<20480x64xf32, #tpu.memory_space<vmem_shared>>
        tpu.enqueue_indirect_dma source(%parallel_loop3A_158 : memref<20480x64xf32, #tpu.memory_space<vmem_shared>>) target(%arg7 : memref<128x64xf32, #tpu.memory_space<vmem>>) offsets(%parallel_loop3A_155 : memref<128xi32, #tpu.memory_space<vmem>>) semaphore(%arg10 : memref<!tpu.dma_semaphore, #tpu.memory_space<semaphore_mem>>)
        %parallel_loop3A_159 = arith.constant 2 : i32
        %parallel_loop3A_160 = arith.muli %parallel_loop3A_159, %parallel_loop3A_150 : i32
        %parallel_loop3A_161 = arith.constant 1 : i32
        %parallel_loop3A_162 = arith.addi %parallel_loop3A_160, %parallel_loop3A_161 : i32
        %parallel_loop3A_163 = arith.constant 0 : i32
        %parallel_loop3A_164 = tpu.memref_slice %arg6[%parallel_loop3A_162, %parallel_loop3A_163] : memref<32x128xi32, #tpu.memory_space<vmem>> -> memref<1x128xi32, #tpu.memory_space<vmem>>
        %parallel_loop3A_165 = tpu.memref_squeeze %parallel_loop3A_164 : memref<1x128xi32, #tpu.memory_space<vmem>> -> memref<128xi32, #tpu.memory_space<vmem>>
        %parallel_loop3A_166 = arith.constant 0 : i32
        %parallel_loop3A_167 = arith.constant 0 : i32
        %parallel_loop3A_168 = tpu.memref_slice %arg9[%parallel_loop3A_166, %parallel_loop3A_167] : memref<20480x64xf32, #tpu.memory_space<vmem_shared>> -> memref<20480x64xf32, #tpu.memory_space<vmem_shared>>
        tpu.enqueue_indirect_dma source(%parallel_loop3A_168 : memref<20480x64xf32, #tpu.memory_space<vmem_shared>>) target(%arg8 : memref<128x64xf32, #tpu.memory_space<vmem>>) offsets(%parallel_loop3A_165 : memref<128xi32, #tpu.memory_space<vmem>>) semaphore(%arg11 : memref<!tpu.dma_semaphore, #tpu.memory_space<semaphore_mem>>)
        %parallel_loop3A_169 = arith.constant 0 : i32
        %parallel_loop3A_170 = tpu.memref_slice %arg6[%parallel_loop3A_152, %parallel_loop3A_169] : memref<32x128xi32, #tpu.memory_space<vmem>> -> memref<1x128xi32, #tpu.memory_space<vmem>>
        %parallel_loop3A_171 = tpu.memref_squeeze %parallel_loop3A_170 : memref<1x128xi32, #tpu.memory_space<vmem>> -> memref<128xi32, #tpu.memory_space<vmem>>
        %parallel_loop3A_172 = arith.constant 0 : i32
        %parallel_loop3A_173 = arith.constant 0 : i32
        %parallel_loop3A_174 = tpu.memref_slice %arg9[%parallel_loop3A_172, %parallel_loop3A_173] : memref<20480x64xf32, #tpu.memory_space<vmem_shared>> -> memref<20480x64xf32, #tpu.memory_space<vmem_shared>>
        tpu.wait_indirect_dma semaphore(%arg10 : memref<!tpu.dma_semaphore, #tpu.memory_space<semaphore_mem>>) src(%parallel_loop3A_174 : memref<20480x64xf32, #tpu.memory_space<vmem_shared>>) dst(%arg7 : memref<128x64xf32, #tpu.memory_space<vmem>>)
        %parallel_loop3A_175 = arith.constant 2 : i32
        %parallel_loop3A_176 = arith.muli %parallel_loop3A_175, %parallel_loop3A_150 : i32
        %parallel_loop3A_177 = arith.constant 16 : i32
        %parallel_loop3A_178 = arith.addi %parallel_loop3A_177, %parallel_loop3A_176 : i32
        %parallel_loop3A_179 = arith.constant 0 : i32
        %parallel_loop3A_180 = tpu.memref_slice %arg6[%parallel_loop3A_178, %parallel_loop3A_179] : memref<32x128xi32, #tpu.memory_space<vmem>> -> memref<1x128xi32, #tpu.memory_space<vmem>>
        %parallel_loop3A_181 = tpu.memref_squeeze %parallel_loop3A_180 : memref<1x128xi32, #tpu.memory_space<vmem>> -> memref<128xi32, #tpu.memory_space<vmem>>
        %parallel_loop3A_182 = arith.constant 0 : i32
        %parallel_loop3A_183 = arith.constant 0 : i32
        %parallel_loop3A_184 = tpu.memref_slice %arg9[%parallel_loop3A_182, %parallel_loop3A_183] : memref<20480x64xf32, #tpu.memory_space<vmem_shared>> -> memref<20480x64xf32, #tpu.memory_space<vmem_shared>>
        tpu.enqueue_indirect_dma source(%arg7 : memref<128x64xf32, #tpu.memory_space<vmem>>) target(%parallel_loop3A_184 : memref<20480x64xf32, #tpu.memory_space<vmem_shared>>) offsets(%parallel_loop3A_181 : memref<128xi32, #tpu.memory_space<vmem>>) semaphore(%arg12 : memref<!tpu.dma_semaphore, #tpu.memory_space<semaphore_mem>>) {add = true}
        %parallel_loop3A_185 = arith.constant 0 : i32
        %parallel_loop3A_186 = tpu.memref_slice %arg6[%parallel_loop3A_162, %parallel_loop3A_185] : memref<32x128xi32, #tpu.memory_space<vmem>> -> memref<1x128xi32, #tpu.memory_space<vmem>>
        %parallel_loop3A_187 = tpu.memref_squeeze %parallel_loop3A_186 : memref<1x128xi32, #tpu.memory_space<vmem>> -> memref<128xi32, #tpu.memory_space<vmem>>
        %parallel_loop3A_188 = arith.constant 0 : i32
        %parallel_loop3A_189 = arith.constant 0 : i32
        %parallel_loop3A_190 = tpu.memref_slice %arg9[%parallel_loop3A_188, %parallel_loop3A_189] : memref<20480x64xf32, #tpu.memory_space<vmem_shared>> -> memref<20480x64xf32, #tpu.memory_space<vmem_shared>>
        tpu.wait_indirect_dma semaphore(%arg11 : memref<!tpu.dma_semaphore, #tpu.memory_space<semaphore_mem>>) src(%parallel_loop3A_190 : memref<20480x64xf32, #tpu.memory_space<vmem_shared>>) dst(%arg8 : memref<128x64xf32, #tpu.memory_space<vmem>>)
        %parallel_loop3A_191 = arith.constant 2 : i32
        %parallel_loop3A_192 = arith.muli %parallel_loop3A_191, %parallel_loop3A_150 : i32
        %parallel_loop3A_193 = arith.constant 16 : i32
        %parallel_loop3A_194 = arith.addi %parallel_loop3A_193, %parallel_loop3A_192 : i32
        %parallel_loop3A_195 = arith.constant 1 : i32
        %parallel_loop3A_196 = arith.addi %parallel_loop3A_194, %parallel_loop3A_195 : i32
        %parallel_loop3A_197 = arith.constant 0 : i32
        %parallel_loop3A_198 = tpu.memref_slice %arg6[%parallel_loop3A_196, %parallel_loop3A_197] : memref<32x128xi32, #tpu.memory_space<vmem>> -> memref<1x128xi32, #tpu.memory_space<vmem>>
        %parallel_loop3A_199 = tpu.memref_squeeze %parallel_loop3A_198 : memref<1x128xi32, #tpu.memory_space<vmem>> -> memref<128xi32, #tpu.memory_space<vmem>>
        %parallel_loop3A_200 = arith.constant 0 : i32
        %parallel_loop3A_201 = arith.constant 0 : i32
        %parallel_loop3A_202 = tpu.memref_slice %arg9[%parallel_loop3A_200, %parallel_loop3A_201] : memref<20480x64xf32, #tpu.memory_space<vmem_shared>> -> memref<20480x64xf32, #tpu.memory_space<vmem_shared>>
        tpu.enqueue_indirect_dma source(%arg8 : memref<128x64xf32, #tpu.memory_space<vmem>>) target(%parallel_loop3A_202 : memref<20480x64xf32, #tpu.memory_space<vmem_shared>>) offsets(%parallel_loop3A_199 : memref<128xi32, #tpu.memory_space<vmem>>) semaphore(%arg13 : memref<!tpu.dma_semaphore, #tpu.memory_space<semaphore_mem>>) {add = true}
        %parallel_loop3A_203 = arith.constant 0 : i32
        %parallel_loop3A_204 = tpu.memref_slice %arg6[%parallel_loop3A_178, %parallel_loop3A_203] : memref<32x128xi32, #tpu.memory_space<vmem>> -> memref<1x128xi32, #tpu.memory_space<vmem>>
        %parallel_loop3A_205 = tpu.memref_squeeze %parallel_loop3A_204 : memref<1x128xi32, #tpu.memory_space<vmem>> -> memref<128xi32, #tpu.memory_space<vmem>>
        %parallel_loop3A_206 = arith.constant 0 : i32
        %parallel_loop3A_207 = arith.constant 0 : i32
        %parallel_loop3A_208 = tpu.memref_slice %arg9[%parallel_loop3A_206, %parallel_loop3A_207] : memref<20480x64xf32, #tpu.memory_space<vmem_shared>> -> memref<20480x64xf32, #tpu.memory_space<vmem_shared>>
        tpu.wait_indirect_dma semaphore(%arg12 : memref<!tpu.dma_semaphore, #tpu.memory_space<semaphore_mem>>) src(%arg7 : memref<128x64xf32, #tpu.memory_space<vmem>>) dst(%parallel_loop3A_208 : memref<20480x64xf32, #tpu.memory_space<vmem_shared>>)
        %parallel_loop3A_209 = arith.constant 0 : i32
        %parallel_loop3A_210 = tpu.memref_slice %arg6[%parallel_loop3A_196, %parallel_loop3A_209] : memref<32x128xi32, #tpu.memory_space<vmem>> -> memref<1x128xi32, #tpu.memory_space<vmem>>
        %parallel_loop3A_211 = tpu.memref_squeeze %parallel_loop3A_210 : memref<1x128xi32, #tpu.memory_space<vmem>> -> memref<128xi32, #tpu.memory_space<vmem>>
        %parallel_loop3A_212 = arith.constant 0 : i32
        %parallel_loop3A_213 = arith.constant 0 : i32
        %parallel_loop3A_214 = tpu.memref_slice %arg9[%parallel_loop3A_212, %parallel_loop3A_213] : memref<20480x64xf32, #tpu.memory_space<vmem_shared>> -> memref<20480x64xf32, #tpu.memory_space<vmem_shared>>
        tpu.wait_indirect_dma semaphore(%arg13 : memref<!tpu.dma_semaphore, #tpu.memory_space<semaphore_mem>>) src(%arg8 : memref<128x64xf32, #tpu.memory_space<vmem>>) dst(%parallel_loop3A_214 : memref<20480x64xf32, #tpu.memory_space<vmem_shared>>)
      } {sc.loop_unroll_factor = 2 : i64, sc.parallel_access}
      %scan3A_149 = arith.constant 0 : i32
      scf.yield %scan3A_149 : i32
    }
    %scan3A_57 = arith.constant 5 : i32
    %barrier3A_58 = arith.constant 0 : index
    tpu.barrier barrier_id(%barrier3A_58)
    %mul3A_59 = arith.constant 640 : i32
    %mul3A_60 = arith.muli %arg1, %mul3A_59 : i32
    %add3A_61 = arith.constant 10240 : i32
    %add3A_62 = arith.addi %add3A_61, %mul3A_60 : i32
    %mul3A_63 = arith.constant 2 : i32
    %mul3A_64 = arith.muli %arg0, %mul3A_63 : i32
    %add3A_65 = arith.constant 0 : i32
    %add3A_66 = arith.addi %mul3A_64, %add3A_65 : i32
    %mul3A_67 = arith.constant 640 : i32
    %mul3A_68 = arith.muli %arg1, %mul3A_67 : i32
    "tpu.region"() ({
      %run_scoped3A_145 = tpu.sem_alloc : memref<!tpu.dma_semaphore, #tpu.memory_space<semaphore_mem>>
      %dma_start3A = arith.constant 0 : i32
      %dma_start3A_146 = arith.constant 0 : i32
      %dma_start3A_147 = tpu.memref_slice %arg5[%add3A_66, %dma_start3A, %dma_start3A_146] : memref<4x10240x64xf32, #tpu.memory_space<hbm>> -> memref<1x10240x64xf32, #tpu.memory_space<hbm>>
      %dma_start3A_148 = tpu.memref_squeeze %dma_start3A_147 : memref<1x10240x64xf32, #tpu.memory_space<hbm>> -> memref<10240x64xf32, #tpu.memory_space<hbm>>
      %dma_start3A_149 = arith.constant 0 : i32
      %dma_start3A_150 = tpu.memref_slice %dma_start3A_148[%mul3A_68, %dma_start3A_149] : memref<10240x64xf32, #tpu.memory_space<hbm>> -> memref<640x64xf32, #tpu.memory_space<hbm>>
      %dma_start3A_151 = arith.constant 0 : i32
      %dma_start3A_152 = tpu.memref_slice %arg9[%add3A_62, %dma_start3A_151] : memref<20480x64xf32, #tpu.memory_space<vmem_shared>> -> memref<640x64xf32, #tpu.memory_space<vmem_shared>>
      tpu.enqueue_dma source(%dma_start3A_152 : memref<640x64xf32, #tpu.memory_space<vmem_shared>>) target(%dma_start3A_150 : memref<640x64xf32, #tpu.memory_space<hbm>>) target_semaphore(%run_scoped3A_145 : memref<!tpu.dma_semaphore, #tpu.memory_space<semaphore_mem>>)
      %dma_wait3A = arith.constant 0 : i32
      %dma_wait3A_153 = arith.constant 0 : i32
      %dma_wait3A_154 = tpu.memref_slice %arg5[%add3A_66, %dma_wait3A, %dma_wait3A_153] : memref<4x10240x64xf32, #tpu.memory_space<hbm>> -> memref<1x10240x64xf32, #tpu.memory_space<hbm>>
      %dma_wait3A_155 = tpu.memref_squeeze %dma_wait3A_154 : memref<1x10240x64xf32, #tpu.memory_space<hbm>> -> memref<10240x64xf32, #tpu.memory_space<hbm>>
      %dma_wait3A_156 = arith.constant 0 : i32
      %dma_wait3A_157 = tpu.memref_slice %dma_wait3A_155[%mul3A_68, %dma_wait3A_156] : memref<10240x64xf32, #tpu.memory_space<hbm>> -> memref<640x64xf32, #tpu.memory_space<hbm>>
      %dma_wait3A_158 = arith.constant 0 : i32
      %dma_wait3A_159 = tpu.memref_slice %arg9[%add3A_62, %dma_wait3A_158] : memref<20480x64xf32, #tpu.memory_space<vmem_shared>> -> memref<640x64xf32, #tpu.memory_space<vmem_shared>>
      tpu.wait_dma2 semaphore(%run_scoped3A_145 : memref<!tpu.dma_semaphore, #tpu.memory_space<semaphore_mem>>) src(%dma_wait3A_159 : memref<640x64xf32, #tpu.memory_space<vmem_shared>>) dst(%dma_wait3A_157 : memref<640x64xf32, #tpu.memory_space<hbm>>)
      tpu.yield
    }) : () -> ()
    %barrier3A_69 = arith.constant 0 : index
    tpu.barrier barrier_id(%barrier3A_69)
    %mul3A_70 = arith.constant 640 : i32
    %mul3A_71 = arith.muli %arg1, %mul3A_70 : i32
    %add3A_72 = arith.constant 0 : i32
    %add3A_73 = arith.addi %mul3A_71, %add3A_72 : i32
    %run_scoped3A_74 = arith.constant 1 : i32
    "tpu.region"() ({
      %run_scoped3A_145 = tpu.sem_alloc : memref<!tpu.dma_semaphore, #tpu.memory_space<semaphore_mem>>
      %dma_start3A = arith.constant 0 : i32
      %dma_start3A_146 = arith.constant 0 : i32
      %dma_start3A_147 = tpu.memref_slice %arg2[%run_scoped3A_74, %dma_start3A, %dma_start3A_146] : memref<2x10240x64xf32, #tpu.memory_space<hbm>> -> memref<1x10240x64xf32, #tpu.memory_space<hbm>>
      %dma_start3A_148 = tpu.memref_squeeze %dma_start3A_147 : memref<1x10240x64xf32, #tpu.memory_space<hbm>> -> memref<10240x64xf32, #tpu.memory_space<hbm>>
      %dma_start3A_149 = arith.constant 0 : i32
      %dma_start3A_150 = tpu.memref_slice %dma_start3A_148[%add3A_73, %dma_start3A_149] : memref<10240x64xf32, #tpu.memory_space<hbm>> -> memref<128x64xf32, #tpu.memory_space<hbm>>
      %dma_start3A_151 = arith.constant 0 : i32
      %dma_start3A_152 = arith.constant 0 : i32
      %dma_start3A_153 = tpu.memref_slice %arg2[%run_scoped3A_74, %dma_start3A_151, %dma_start3A_152] : memref<2x10240x64xf32, #tpu.memory_space<hbm>> -> memref<1x10240x64xf32, #tpu.memory_space<hbm>>
      %dma_start3A_154 = tpu.memref_squeeze %dma_start3A_153 : memref<1x10240x64xf32, #tpu.memory_space<hbm>> -> memref<10240x64xf32, #tpu.memory_space<hbm>>
      %dma_start3A_155 = arith.constant 0 : i32
      %dma_start3A_156 = tpu.memref_slice %dma_start3A_154[%add3A_73, %dma_start3A_155] : memref<10240x64xf32, #tpu.memory_space<hbm>> -> memref<128x64xf32, #tpu.memory_space<hbm>>
      tpu.enqueue_dma source(%dma_start3A_156 : memref<128x64xf32, #tpu.memory_space<hbm>>) target(%arg8 : memref<128x64xf32, #tpu.memory_space<vmem>>) target_semaphore(%run_scoped3A_145 : memref<!tpu.dma_semaphore, #tpu.memory_space<semaphore_mem>>)
      %dma_wait3A = arith.constant 0 : i32
      %dma_wait3A_157 = arith.constant 0 : i32
      %dma_wait3A_158 = tpu.memref_slice %arg2[%run_scoped3A_74, %dma_wait3A, %dma_wait3A_157] : memref<2x10240x64xf32, #tpu.memory_space<hbm>> -> memref<1x10240x64xf32, #tpu.memory_space<hbm>>
      %dma_wait3A_159 = tpu.memref_squeeze %dma_wait3A_158 : memref<1x10240x64xf32, #tpu.memory_space<hbm>> -> memref<10240x64xf32, #tpu.memory_space<hbm>>
      %dma_wait3A_160 = arith.constant 0 : i32
      %dma_wait3A_161 = tpu.memref_slice %dma_wait3A_159[%add3A_73, %dma_wait3A_160] : memref<10240x64xf32, #tpu.memory_space<hbm>> -> memref<128x64xf32, #tpu.memory_space<hbm>>
      %dma_wait3A_162 = arith.constant 0 : i32
      %dma_wait3A_163 = arith.constant 0 : i32
      %dma_wait3A_164 = tpu.memref_slice %arg2[%run_scoped3A_74, %dma_wait3A_162, %dma_wait3A_163] : memref<2x10240x64xf32, #tpu.memory_space<hbm>> -> memref<1x10240x64xf32, #tpu.memory_space<hbm>>
      %dma_wait3A_165 = tpu.memref_squeeze %dma_wait3A_164 : memref<1x10240x64xf32, #tpu.memory_space<hbm>> -> memref<10240x64xf32, #tpu.memory_space<hbm>>
      %dma_wait3A_166 = arith.constant 0 : i32
      %dma_wait3A_167 = tpu.memref_slice %dma_wait3A_165[%add3A_73, %dma_wait3A_166] : memref<10240x64xf32, #tpu.memory_space<hbm>> -> memref<128x64xf32, #tpu.memory_space<hbm>>
      tpu.wait_dma2 semaphore(%run_scoped3A_145 : memref<!tpu.dma_semaphore, #tpu.memory_space<semaphore_mem>>) src(%dma_wait3A_167 : memref<128x64xf32, #tpu.memory_space<hbm>>) dst(%arg8 : memref<128x64xf32, #tpu.memory_space<vmem>>)
      tpu.yield
    }) : () -> ()
    "tpu.region"() ({
      %run_scoped3A_145 = tpu.sem_alloc : memref<!tpu.dma_semaphore, #tpu.memory_space<semaphore_mem>>
      %dma_start3A = arith.constant 0 : i32
      %dma_start3A_146 = tpu.memref_slice %arg9[%add3A_73, %dma_start3A] : memref<20480x64xf32, #tpu.memory_space<vmem_shared>> -> memref<128x64xf32, #tpu.memory_space<vmem_shared>>
      %dma_start3A_147 = arith.constant 0 : i32
      %dma_start3A_148 = tpu.memref_slice %arg9[%add3A_73, %dma_start3A_147] : memref<20480x64xf32, #tpu.memory_space<vmem_shared>> -> memref<128x64xf32, #tpu.memory_space<vmem_shared>>
      tpu.enqueue_dma source(%arg8 : memref<128x64xf32, #tpu.memory_space<vmem>>) target(%dma_start3A_148 : memref<128x64xf32, #tpu.memory_space<vmem_shared>>) target_semaphore(%run_scoped3A_145 : memref<!tpu.dma_semaphore, #tpu.memory_space<semaphore_mem>>)
      %dma_wait3A = arith.constant 0 : i32
      %dma_wait3A_149 = tpu.memref_slice %arg9[%add3A_73, %dma_wait3A] : memref<20480x64xf32, #tpu.memory_space<vmem_shared>> -> memref<128x64xf32, #tpu.memory_space<vmem_shared>>
      %dma_wait3A_150 = arith.constant 0 : i32
      %dma_wait3A_151 = tpu.memref_slice %arg9[%add3A_73, %dma_wait3A_150] : memref<20480x64xf32, #tpu.memory_space<vmem_shared>> -> memref<128x64xf32, #tpu.memory_space<vmem_shared>>
      tpu.wait_dma2 semaphore(%run_scoped3A_145 : memref<!tpu.dma_semaphore, #tpu.memory_space<semaphore_mem>>) src(%arg8 : memref<128x64xf32, #tpu.memory_space<vmem>>) dst(%dma_wait3A_151 : memref<128x64xf32, #tpu.memory_space<vmem_shared>>)
      tpu.yield
    }) : () -> ()
    %mul3A_75 = arith.constant 640 : i32
    %mul3A_76 = arith.muli %arg1, %mul3A_75 : i32
    %add3A_77 = arith.constant 128 : i32
    %add3A_78 = arith.addi %mul3A_76, %add3A_77 : i32
    %run_scoped3A_79 = arith.constant 1 : i32
    "tpu.region"() ({
      %run_scoped3A_145 = tpu.sem_alloc : memref<!tpu.dma_semaphore, #tpu.memory_space<semaphore_mem>>
      %dma_start3A = arith.constant 0 : i32
      %dma_start3A_146 = arith.constant 0 : i32
      %dma_start3A_147 = tpu.memref_slice %arg2[%run_scoped3A_79, %dma_start3A, %dma_start3A_146] : memref<2x10240x64xf32, #tpu.memory_space<hbm>> -> memref<1x10240x64xf32, #tpu.memory_space<hbm>>
      %dma_start3A_148 = tpu.memref_squeeze %dma_start3A_147 : memref<1x10240x64xf32, #tpu.memory_space<hbm>> -> memref<10240x64xf32, #tpu.memory_space<hbm>>
      %dma_start3A_149 = arith.constant 0 : i32
      %dma_start3A_150 = tpu.memref_slice %dma_start3A_148[%add3A_78, %dma_start3A_149] : memref<10240x64xf32, #tpu.memory_space<hbm>> -> memref<128x64xf32, #tpu.memory_space<hbm>>
      %dma_start3A_151 = arith.constant 0 : i32
      %dma_start3A_152 = arith.constant 0 : i32
      %dma_start3A_153 = tpu.memref_slice %arg2[%run_scoped3A_79, %dma_start3A_151, %dma_start3A_152] : memref<2x10240x64xf32, #tpu.memory_space<hbm>> -> memref<1x10240x64xf32, #tpu.memory_space<hbm>>
      %dma_start3A_154 = tpu.memref_squeeze %dma_start3A_153 : memref<1x10240x64xf32, #tpu.memory_space<hbm>> -> memref<10240x64xf32, #tpu.memory_space<hbm>>
      %dma_start3A_155 = arith.constant 0 : i32
      %dma_start3A_156 = tpu.memref_slice %dma_start3A_154[%add3A_78, %dma_start3A_155] : memref<10240x64xf32, #tpu.memory_space<hbm>> -> memref<128x64xf32, #tpu.memory_space<hbm>>
      tpu.enqueue_dma source(%dma_start3A_156 : memref<128x64xf32, #tpu.memory_space<hbm>>) target(%arg8 : memref<128x64xf32, #tpu.memory_space<vmem>>) target_semaphore(%run_scoped3A_145 : memref<!tpu.dma_semaphore, #tpu.memory_space<semaphore_mem>>)
      %dma_wait3A = arith.constant 0 : i32
      %dma_wait3A_157 = arith.constant 0 : i32
      %dma_wait3A_158 = tpu.memref_slice %arg2[%run_scoped3A_79, %dma_wait3A, %dma_wait3A_157] : memref<2x10240x64xf32, #tpu.memory_space<hbm>> -> memref<1x10240x64xf32, #tpu.memory_space<hbm>>
      %dma_wait3A_159 = tpu.memref_squeeze %dma_wait3A_158 : memref<1x10240x64xf32, #tpu.memory_space<hbm>> -> memref<10240x64xf32, #tpu.memory_space<hbm>>
      %dma_wait3A_160 = arith.constant 0 : i32
      %dma_wait3A_161 = tpu.memref_slice %dma_wait3A_159[%add3A_78, %dma_wait3A_160] : memref<10240x64xf32, #tpu.memory_space<hbm>> -> memref<128x64xf32, #tpu.memory_space<hbm>>
      %dma_wait3A_162 = arith.constant 0 : i32
      %dma_wait3A_163 = arith.constant 0 : i32
      %dma_wait3A_164 = tpu.memref_slice %arg2[%run_scoped3A_79, %dma_wait3A_162, %dma_wait3A_163] : memref<2x10240x64xf32, #tpu.memory_space<hbm>> -> memref<1x10240x64xf32, #tpu.memory_space<hbm>>
      %dma_wait3A_165 = tpu.memref_squeeze %dma_wait3A_164 : memref<1x10240x64xf32, #tpu.memory_space<hbm>> -> memref<10240x64xf32, #tpu.memory_space<hbm>>
      %dma_wait3A_166 = arith.constant 0 : i32
      %dma_wait3A_167 = tpu.memref_slice %dma_wait3A_165[%add3A_78, %dma_wait3A_166] : memref<10240x64xf32, #tpu.memory_space<hbm>> -> memref<128x64xf32, #tpu.memory_space<hbm>>
      tpu.wait_dma2 semaphore(%run_scoped3A_145 : memref<!tpu.dma_semaphore, #tpu.memory_space<semaphore_mem>>) src(%dma_wait3A_167 : memref<128x64xf32, #tpu.memory_space<hbm>>) dst(%arg8 : memref<128x64xf32, #tpu.memory_space<vmem>>)
      tpu.yield
    }) : () -> ()
    "tpu.region"() ({
      %run_scoped3A_145 = tpu.sem_alloc : memref<!tpu.dma_semaphore, #tpu.memory_space<semaphore_mem>>
      %dma_start3A = arith.constant 0 : i32
      %dma_start3A_146 = tpu.memref_slice %arg9[%add3A_78, %dma_start3A] : memref<20480x64xf32, #tpu.memory_space<vmem_shared>> -> memref<128x64xf32, #tpu.memory_space<vmem_shared>>
      %dma_start3A_147 = arith.constant 0 : i32
      %dma_start3A_148 = tpu.memref_slice %arg9[%add3A_78, %dma_start3A_147] : memref<20480x64xf32, #tpu.memory_space<vmem_shared>> -> memref<128x64xf32, #tpu.memory_space<vmem_shared>>
      tpu.enqueue_dma source(%arg8 : memref<128x64xf32, #tpu.memory_space<vmem>>) target(%dma_start3A_148 : memref<128x64xf32, #tpu.memory_space<vmem_shared>>) target_semaphore(%run_scoped3A_145 : memref<!tpu.dma_semaphore, #tpu.memory_space<semaphore_mem>>)
      %dma_wait3A = arith.constant 0 : i32
      %dma_wait3A_149 = tpu.memref_slice %arg9[%add3A_78, %dma_wait3A] : memref<20480x64xf32, #tpu.memory_space<vmem_shared>> -> memref<128x64xf32, #tpu.memory_space<vmem_shared>>
      %dma_wait3A_150 = arith.constant 0 : i32
      %dma_wait3A_151 = tpu.memref_slice %arg9[%add3A_78, %dma_wait3A_150] : memref<20480x64xf32, #tpu.memory_space<vmem_shared>> -> memref<128x64xf32, #tpu.memory_space<vmem_shared>>
      tpu.wait_dma2 semaphore(%run_scoped3A_145 : memref<!tpu.dma_semaphore, #tpu.memory_space<semaphore_mem>>) src(%arg8 : memref<128x64xf32, #tpu.memory_space<vmem>>) dst(%dma_wait3A_151 : memref<128x64xf32, #tpu.memory_space<vmem_shared>>)
      tpu.yield
    }) : () -> ()
    %mul3A_80 = arith.constant 640 : i32
    %mul3A_81 = arith.muli %arg1, %mul3A_80 : i32
    %add3A_82 = arith.constant 256 : i32
    %add3A_83 = arith.addi %mul3A_81, %add3A_82 : i32
    %run_scoped3A_84 = arith.constant 1 : i32
    "tpu.region"() ({
      %run_scoped3A_145 = tpu.sem_alloc : memref<!tpu.dma_semaphore, #tpu.memory_space<semaphore_mem>>
      %dma_start3A = arith.constant 0 : i32
      %dma_start3A_146 = arith.constant 0 : i32
      %dma_start3A_147 = tpu.memref_slice %arg2[%run_scoped3A_84, %dma_start3A, %dma_start3A_146] : memref<2x10240x64xf32, #tpu.memory_space<hbm>> -> memref<1x10240x64xf32, #tpu.memory_space<hbm>>
      %dma_start3A_148 = tpu.memref_squeeze %dma_start3A_147 : memref<1x10240x64xf32, #tpu.memory_space<hbm>> -> memref<10240x64xf32, #tpu.memory_space<hbm>>
      %dma_start3A_149 = arith.constant 0 : i32
      %dma_start3A_150 = tpu.memref_slice %dma_start3A_148[%add3A_83, %dma_start3A_149] : memref<10240x64xf32, #tpu.memory_space<hbm>> -> memref<128x64xf32, #tpu.memory_space<hbm>>
      %dma_start3A_151 = arith.constant 0 : i32
      %dma_start3A_152 = arith.constant 0 : i32
      %dma_start3A_153 = tpu.memref_slice %arg2[%run_scoped3A_84, %dma_start3A_151, %dma_start3A_152] : memref<2x10240x64xf32, #tpu.memory_space<hbm>> -> memref<1x10240x64xf32, #tpu.memory_space<hbm>>
      %dma_start3A_154 = tpu.memref_squeeze %dma_start3A_153 : memref<1x10240x64xf32, #tpu.memory_space<hbm>> -> memref<10240x64xf32, #tpu.memory_space<hbm>>
      %dma_start3A_155 = arith.constant 0 : i32
      %dma_start3A_156 = tpu.memref_slice %dma_start3A_154[%add3A_83, %dma_start3A_155] : memref<10240x64xf32, #tpu.memory_space<hbm>> -> memref<128x64xf32, #tpu.memory_space<hbm>>
      tpu.enqueue_dma source(%dma_start3A_156 : memref<128x64xf32, #tpu.memory_space<hbm>>) target(%arg8 : memref<128x64xf32, #tpu.memory_space<vmem>>) target_semaphore(%run_scoped3A_145 : memref<!tpu.dma_semaphore, #tpu.memory_space<semaphore_mem>>)
      %dma_wait3A = arith.constant 0 : i32
      %dma_wait3A_157 = arith.constant 0 : i32
      %dma_wait3A_158 = tpu.memref_slice %arg2[%run_scoped3A_84, %dma_wait3A, %dma_wait3A_157] : memref<2x10240x64xf32, #tpu.memory_space<hbm>> -> memref<1x10240x64xf32, #tpu.memory_space<hbm>>
      %dma_wait3A_159 = tpu.memref_squeeze %dma_wait3A_158 : memref<1x10240x64xf32, #tpu.memory_space<hbm>> -> memref<10240x64xf32, #tpu.memory_space<hbm>>
      %dma_wait3A_160 = arith.constant 0 : i32
      %dma_wait3A_161 = tpu.memref_slice %dma_wait3A_159[%add3A_83, %dma_wait3A_160] : memref<10240x64xf32, #tpu.memory_space<hbm>> -> memref<128x64xf32, #tpu.memory_space<hbm>>
      %dma_wait3A_162 = arith.constant 0 : i32
      %dma_wait3A_163 = arith.constant 0 : i32
      %dma_wait3A_164 = tpu.memref_slice %arg2[%run_scoped3A_84, %dma_wait3A_162, %dma_wait3A_163] : memref<2x10240x64xf32, #tpu.memory_space<hbm>> -> memref<1x10240x64xf32, #tpu.memory_space<hbm>>
      %dma_wait3A_165 = tpu.memref_squeeze %dma_wait3A_164 : memref<1x10240x64xf32, #tpu.memory_space<hbm>> -> memref<10240x64xf32, #tpu.memory_space<hbm>>
      %dma_wait3A_166 = arith.constant 0 : i32
      %dma_wait3A_167 = tpu.memref_slice %dma_wait3A_165[%add3A_83, %dma_wait3A_166] : memref<10240x64xf32, #tpu.memory_space<hbm>> -> memref<128x64xf32, #tpu.memory_space<hbm>>
      tpu.wait_dma2 semaphore(%run_scoped3A_145 : memref<!tpu.dma_semaphore, #tpu.memory_space<semaphore_mem>>) src(%dma_wait3A_167 : memref<128x64xf32, #tpu.memory_space<hbm>>) dst(%arg8 : memref<128x64xf32, #tpu.memory_space<vmem>>)
      tpu.yield
    }) : () -> ()
    "tpu.region"() ({
      %run_scoped3A_145 = tpu.sem_alloc : memref<!tpu.dma_semaphore, #tpu.memory_space<semaphore_mem>>
      %dma_start3A = arith.constant 0 : i32
      %dma_start3A_146 = tpu.memref_slice %arg9[%add3A_83, %dma_start3A] : memref<20480x64xf32, #tpu.memory_space<vmem_shared>> -> memref<128x64xf32, #tpu.memory_space<vmem_shared>>
      %dma_start3A_147 = arith.constant 0 : i32
      %dma_start3A_148 = tpu.memref_slice %arg9[%add3A_83, %dma_start3A_147] : memref<20480x64xf32, #tpu.memory_space<vmem_shared>> -> memref<128x64xf32, #tpu.memory_space<vmem_shared>>
      tpu.enqueue_dma source(%arg8 : memref<128x64xf32, #tpu.memory_space<vmem>>) target(%dma_start3A_148 : memref<128x64xf32, #tpu.memory_space<vmem_shared>>) target_semaphore(%run_scoped3A_145 : memref<!tpu.dma_semaphore, #tpu.memory_space<semaphore_mem>>)
      %dma_wait3A = arith.constant 0 : i32
      %dma_wait3A_149 = tpu.memref_slice %arg9[%add3A_83, %dma_wait3A] : memref<20480x64xf32, #tpu.memory_space<vmem_shared>> -> memref<128x64xf32, #tpu.memory_space<vmem_shared>>
      %dma_wait3A_150 = arith.constant 0 : i32
      %dma_wait3A_151 = tpu.memref_slice %arg9[%add3A_83, %dma_wait3A_150] : memref<20480x64xf32, #tpu.memory_space<vmem_shared>> -> memref<128x64xf32, #tpu.memory_space<vmem_shared>>
      tpu.wait_dma2 semaphore(%run_scoped3A_145 : memref<!tpu.dma_semaphore, #tpu.memory_space<semaphore_mem>>) src(%arg8 : memref<128x64xf32, #tpu.memory_space<vmem>>) dst(%dma_wait3A_151 : memref<128x64xf32, #tpu.memory_space<vmem_shared>>)
      tpu.yield
    }) : () -> ()
    %mul3A_85 = arith.constant 640 : i32
    %mul3A_86 = arith.muli %arg1, %mul3A_85 : i32
    %add3A_87 = arith.constant 384 : i32
    %add3A_88 = arith.addi %mul3A_86, %add3A_87 : i32
    %run_scoped3A_89 = arith.constant 1 : i32
    "tpu.region"() ({
      %run_scoped3A_145 = tpu.sem_alloc : memref<!tpu.dma_semaphore, #tpu.memory_space<semaphore_mem>>
      %dma_start3A = arith.constant 0 : i32
      %dma_start3A_146 = arith.constant 0 : i32
      %dma_start3A_147 = tpu.memref_slice %arg2[%run_scoped3A_89, %dma_start3A, %dma_start3A_146] : memref<2x10240x64xf32, #tpu.memory_space<hbm>> -> memref<1x10240x64xf32, #tpu.memory_space<hbm>>
      %dma_start3A_148 = tpu.memref_squeeze %dma_start3A_147 : memref<1x10240x64xf32, #tpu.memory_space<hbm>> -> memref<10240x64xf32, #tpu.memory_space<hbm>>
      %dma_start3A_149 = arith.constant 0 : i32
      %dma_start3A_150 = tpu.memref_slice %dma_start3A_148[%add3A_88, %dma_start3A_149] : memref<10240x64xf32, #tpu.memory_space<hbm>> -> memref<128x64xf32, #tpu.memory_space<hbm>>
      %dma_start3A_151 = arith.constant 0 : i32
      %dma_start3A_152 = arith.constant 0 : i32
      %dma_start3A_153 = tpu.memref_slice %arg2[%run_scoped3A_89, %dma_start3A_151, %dma_start3A_152] : memref<2x10240x64xf32, #tpu.memory_space<hbm>> -> memref<1x10240x64xf32, #tpu.memory_space<hbm>>
      %dma_start3A_154 = tpu.memref_squeeze %dma_start3A_153 : memref<1x10240x64xf32, #tpu.memory_space<hbm>> -> memref<10240x64xf32, #tpu.memory_space<hbm>>
      %dma_start3A_155 = arith.constant 0 : i32
      %dma_start3A_156 = tpu.memref_slice %dma_start3A_154[%add3A_88, %dma_start3A_155] : memref<10240x64xf32, #tpu.memory_space<hbm>> -> memref<128x64xf32, #tpu.memory_space<hbm>>
      tpu.enqueue_dma source(%dma_start3A_156 : memref<128x64xf32, #tpu.memory_space<hbm>>) target(%arg8 : memref<128x64xf32, #tpu.memory_space<vmem>>) target_semaphore(%run_scoped3A_145 : memref<!tpu.dma_semaphore, #tpu.memory_space<semaphore_mem>>)
      %dma_wait3A = arith.constant 0 : i32
      %dma_wait3A_157 = arith.constant 0 : i32
      %dma_wait3A_158 = tpu.memref_slice %arg2[%run_scoped3A_89, %dma_wait3A, %dma_wait3A_157] : memref<2x10240x64xf32, #tpu.memory_space<hbm>> -> memref<1x10240x64xf32, #tpu.memory_space<hbm>>
      %dma_wait3A_159 = tpu.memref_squeeze %dma_wait3A_158 : memref<1x10240x64xf32, #tpu.memory_space<hbm>> -> memref<10240x64xf32, #tpu.memory_space<hbm>>
      %dma_wait3A_160 = arith.constant 0 : i32
      %dma_wait3A_161 = tpu.memref_slice %dma_wait3A_159[%add3A_88, %dma_wait3A_160] : memref<10240x64xf32, #tpu.memory_space<hbm>> -> memref<128x64xf32, #tpu.memory_space<hbm>>
      %dma_wait3A_162 = arith.constant 0 : i32
      %dma_wait3A_163 = arith.constant 0 : i32
      %dma_wait3A_164 = tpu.memref_slice %arg2[%run_scoped3A_89, %dma_wait3A_162, %dma_wait3A_163] : memref<2x10240x64xf32, #tpu.memory_space<hbm>> -> memref<1x10240x64xf32, #tpu.memory_space<hbm>>
      %dma_wait3A_165 = tpu.memref_squeeze %dma_wait3A_164 : memref<1x10240x64xf32, #tpu.memory_space<hbm>> -> memref<10240x64xf32, #tpu.memory_space<hbm>>
      %dma_wait3A_166 = arith.constant 0 : i32
      %dma_wait3A_167 = tpu.memref_slice %dma_wait3A_165[%add3A_88, %dma_wait3A_166] : memref<10240x64xf32, #tpu.memory_space<hbm>> -> memref<128x64xf32, #tpu.memory_space<hbm>>
      tpu.wait_dma2 semaphore(%run_scoped3A_145 : memref<!tpu.dma_semaphore, #tpu.memory_space<semaphore_mem>>) src(%dma_wait3A_167 : memref<128x64xf32, #tpu.memory_space<hbm>>) dst(%arg8 : memref<128x64xf32, #tpu.memory_space<vmem>>)
      tpu.yield
    }) : () -> ()
    "tpu.region"() ({
      %run_scoped3A_145 = tpu.sem_alloc : memref<!tpu.dma_semaphore, #tpu.memory_space<semaphore_mem>>
      %dma_start3A = arith.constant 0 : i32
      %dma_start3A_146 = tpu.memref_slice %arg9[%add3A_88, %dma_start3A] : memref<20480x64xf32, #tpu.memory_space<vmem_shared>> -> memref<128x64xf32, #tpu.memory_space<vmem_shared>>
      %dma_start3A_147 = arith.constant 0 : i32
      %dma_start3A_148 = tpu.memref_slice %arg9[%add3A_88, %dma_start3A_147] : memref<20480x64xf32, #tpu.memory_space<vmem_shared>> -> memref<128x64xf32, #tpu.memory_space<vmem_shared>>
      tpu.enqueue_dma source(%arg8 : memref<128x64xf32, #tpu.memory_space<vmem>>) target(%dma_start3A_148 : memref<128x64xf32, #tpu.memory_space<vmem_shared>>) target_semaphore(%run_scoped3A_145 : memref<!tpu.dma_semaphore, #tpu.memory_space<semaphore_mem>>)
      %dma_wait3A = arith.constant 0 : i32
      %dma_wait3A_149 = tpu.memref_slice %arg9[%add3A_88, %dma_wait3A] : memref<20480x64xf32, #tpu.memory_space<vmem_shared>> -> memref<128x64xf32, #tpu.memory_space<vmem_shared>>
      %dma_wait3A_150 = arith.constant 0 : i32
      %dma_wait3A_151 = tpu.memref_slice %arg9[%add3A_88, %dma_wait3A_150] : memref<20480x64xf32, #tpu.memory_space<vmem_shared>> -> memref<128x64xf32, #tpu.memory_space<vmem_shared>>
      tpu.wait_dma2 semaphore(%run_scoped3A_145 : memref<!tpu.dma_semaphore, #tpu.memory_space<semaphore_mem>>) src(%arg8 : memref<128x64xf32, #tpu.memory_space<vmem>>) dst(%dma_wait3A_151 : memref<128x64xf32, #tpu.memory_space<vmem_shared>>)
      tpu.yield
    }) : () -> ()
    %mul3A_90 = arith.constant 640 : i32
    %mul3A_91 = arith.muli %arg1, %mul3A_90 : i32
    %add3A_92 = arith.constant 512 : i32
    %add3A_93 = arith.addi %mul3A_91, %add3A_92 : i32
    %run_scoped3A_94 = arith.constant 1 : i32
    "tpu.region"() ({
      %run_scoped3A_145 = tpu.sem_alloc : memref<!tpu.dma_semaphore, #tpu.memory_space<semaphore_mem>>
      %dma_start3A = arith.constant 0 : i32
      %dma_start3A_146 = arith.constant 0 : i32
      %dma_start3A_147 = tpu.memref_slice %arg2[%run_scoped3A_94, %dma_start3A, %dma_start3A_146] : memref<2x10240x64xf32, #tpu.memory_space<hbm>> -> memref<1x10240x64xf32, #tpu.memory_space<hbm>>
      %dma_start3A_148 = tpu.memref_squeeze %dma_start3A_147 : memref<1x10240x64xf32, #tpu.memory_space<hbm>> -> memref<10240x64xf32, #tpu.memory_space<hbm>>
      %dma_start3A_149 = arith.constant 0 : i32
      %dma_start3A_150 = tpu.memref_slice %dma_start3A_148[%add3A_93, %dma_start3A_149] : memref<10240x64xf32, #tpu.memory_space<hbm>> -> memref<128x64xf32, #tpu.memory_space<hbm>>
      %dma_start3A_151 = arith.constant 0 : i32
      %dma_start3A_152 = arith.constant 0 : i32
      %dma_start3A_153 = tpu.memref_slice %arg2[%run_scoped3A_94, %dma_start3A_151, %dma_start3A_152] : memref<2x10240x64xf32, #tpu.memory_space<hbm>> -> memref<1x10240x64xf32, #tpu.memory_space<hbm>>
      %dma_start3A_154 = tpu.memref_squeeze %dma_start3A_153 : memref<1x10240x64xf32, #tpu.memory_space<hbm>> -> memref<10240x64xf32, #tpu.memory_space<hbm>>
      %dma_start3A_155 = arith.constant 0 : i32
      %dma_start3A_156 = tpu.memref_slice %dma_start3A_154[%add3A_93, %dma_start3A_155] : memref<10240x64xf32, #tpu.memory_space<hbm>> -> memref<128x64xf32, #tpu.memory_space<hbm>>
      tpu.enqueue_dma source(%dma_start3A_156 : memref<128x64xf32, #tpu.memory_space<hbm>>) target(%arg8 : memref<128x64xf32, #tpu.memory_space<vmem>>) target_semaphore(%run_scoped3A_145 : memref<!tpu.dma_semaphore, #tpu.memory_space<semaphore_mem>>)
      %dma_wait3A = arith.constant 0 : i32
      %dma_wait3A_157 = arith.constant 0 : i32
      %dma_wait3A_158 = tpu.memref_slice %arg2[%run_scoped3A_94, %dma_wait3A, %dma_wait3A_157] : memref<2x10240x64xf32, #tpu.memory_space<hbm>> -> memref<1x10240x64xf32, #tpu.memory_space<hbm>>
      %dma_wait3A_159 = tpu.memref_squeeze %dma_wait3A_158 : memref<1x10240x64xf32, #tpu.memory_space<hbm>> -> memref<10240x64xf32, #tpu.memory_space<hbm>>
      %dma_wait3A_160 = arith.constant 0 : i32
      %dma_wait3A_161 = tpu.memref_slice %dma_wait3A_159[%add3A_93, %dma_wait3A_160] : memref<10240x64xf32, #tpu.memory_space<hbm>> -> memref<128x64xf32, #tpu.memory_space<hbm>>
      %dma_wait3A_162 = arith.constant 0 : i32
      %dma_wait3A_163 = arith.constant 0 : i32
      %dma_wait3A_164 = tpu.memref_slice %arg2[%run_scoped3A_94, %dma_wait3A_162, %dma_wait3A_163] : memref<2x10240x64xf32, #tpu.memory_space<hbm>> -> memref<1x10240x64xf32, #tpu.memory_space<hbm>>
      %dma_wait3A_165 = tpu.memref_squeeze %dma_wait3A_164 : memref<1x10240x64xf32, #tpu.memory_space<hbm>> -> memref<10240x64xf32, #tpu.memory_space<hbm>>
      %dma_wait3A_166 = arith.constant 0 : i32
      %dma_wait3A_167 = tpu.memref_slice %dma_wait3A_165[%add3A_93, %dma_wait3A_166] : memref<10240x64xf32, #tpu.memory_space<hbm>> -> memref<128x64xf32, #tpu.memory_space<hbm>>
      tpu.wait_dma2 semaphore(%run_scoped3A_145 : memref<!tpu.dma_semaphore, #tpu.memory_space<semaphore_mem>>) src(%dma_wait3A_167 : memref<128x64xf32, #tpu.memory_space<hbm>>) dst(%arg8 : memref<128x64xf32, #tpu.memory_space<vmem>>)
      tpu.yield
    }) : () -> ()
    "tpu.region"() ({
      %run_scoped3A_145 = tpu.sem_alloc : memref<!tpu.dma_semaphore, #tpu.memory_space<semaphore_mem>>
      %dma_start3A = arith.constant 0 : i32
      %dma_start3A_146 = tpu.memref_slice %arg9[%add3A_93, %dma_start3A] : memref<20480x64xf32, #tpu.memory_space<vmem_shared>> -> memref<128x64xf32, #tpu.memory_space<vmem_shared>>
      %dma_start3A_147 = arith.constant 0 : i32
      %dma_start3A_148 = tpu.memref_slice %arg9[%add3A_93, %dma_start3A_147] : memref<20480x64xf32, #tpu.memory_space<vmem_shared>> -> memref<128x64xf32, #tpu.memory_space<vmem_shared>>
      tpu.enqueue_dma source(%arg8 : memref<128x64xf32, #tpu.memory_space<vmem>>) target(%dma_start3A_148 : memref<128x64xf32, #tpu.memory_space<vmem_shared>>) target_semaphore(%run_scoped3A_145 : memref<!tpu.dma_semaphore, #tpu.memory_space<semaphore_mem>>)
      %dma_wait3A = arith.constant 0 : i32
      %dma_wait3A_149 = tpu.memref_slice %arg9[%add3A_93, %dma_wait3A] : memref<20480x64xf32, #tpu.memory_space<vmem_shared>> -> memref<128x64xf32, #tpu.memory_space<vmem_shared>>
      %dma_wait3A_150 = arith.constant 0 : i32
      %dma_wait3A_151 = tpu.memref_slice %arg9[%add3A_93, %dma_wait3A_150] : memref<20480x64xf32, #tpu.memory_space<vmem_shared>> -> memref<128x64xf32, #tpu.memory_space<vmem_shared>>
      tpu.wait_dma2 semaphore(%run_scoped3A_145 : memref<!tpu.dma_semaphore, #tpu.memory_space<semaphore_mem>>) src(%arg8 : memref<128x64xf32, #tpu.memory_space<vmem>>) dst(%dma_wait3A_151 : memref<128x64xf32, #tpu.memory_space<vmem_shared>>)
      tpu.yield
    }) : () -> ()
    "tpu.region"() ({
      %run_scoped3A_145 = tpu.sem_alloc : memref<!tpu.dma_semaphore, #tpu.memory_space<semaphore_mem>>
      tpu.enqueue_dma source(%arg4 : memref<128x64xf32, #tpu.memory_space<hbm>>) target(%arg7 : memref<128x64xf32, #tpu.memory_space<vmem>>) target_semaphore(%run_scoped3A_145 : memref<!tpu.dma_semaphore, #tpu.memory_space<semaphore_mem>>)
      tpu.wait_dma2 semaphore(%run_scoped3A_145 : memref<!tpu.dma_semaphore, #tpu.memory_space<semaphore_mem>>) src(%arg4 : memref<128x64xf32, #tpu.memory_space<hbm>>) dst(%arg7 : memref<128x64xf32, #tpu.memory_space<vmem>>)
      tpu.yield
    }) : () -> ()
    %mul3A_95 = arith.constant 640 : i32
    %mul3A_96 = arith.muli %arg1, %mul3A_95 : i32
    %add3A_97 = arith.constant 10240 : i32
    %add3A_98 = arith.addi %add3A_97, %mul3A_96 : i32
    %add3A_99 = arith.constant 0 : i32
    %add3A_100 = arith.addi %add3A_98, %add3A_99 : i32
    "tpu.region"() ({
      %run_scoped3A_145 = tpu.sem_alloc : memref<!tpu.dma_semaphore, #tpu.memory_space<semaphore_mem>>
      %dma_start3A = arith.constant 0 : i32
      %dma_start3A_146 = tpu.memref_slice %arg9[%add3A_100, %dma_start3A] : memref<20480x64xf32, #tpu.memory_space<vmem_shared>> -> memref<128x64xf32, #tpu.memory_space<vmem_shared>>
      %dma_start3A_147 = arith.constant 0 : i32
      %dma_start3A_148 = tpu.memref_slice %arg9[%add3A_100, %dma_start3A_147] : memref<20480x64xf32, #tpu.memory_space<vmem_shared>> -> memref<128x64xf32, #tpu.memory_space<vmem_shared>>
      tpu.enqueue_dma source(%arg7 : memref<128x64xf32, #tpu.memory_space<vmem>>) target(%dma_start3A_148 : memref<128x64xf32, #tpu.memory_space<vmem_shared>>) target_semaphore(%run_scoped3A_145 : memref<!tpu.dma_semaphore, #tpu.memory_space<semaphore_mem>>)
      %dma_wait3A = arith.constant 0 : i32
      %dma_wait3A_149 = tpu.memref_slice %arg9[%add3A_100, %dma_wait3A] : memref<20480x64xf32, #tpu.memory_space<vmem_shared>> -> memref<128x64xf32, #tpu.memory_space<vmem_shared>>
      %dma_wait3A_150 = arith.constant 0 : i32
      %dma_wait3A_151 = tpu.memref_slice %arg9[%add3A_100, %dma_wait3A_150] : memref<20480x64xf32, #tpu.memory_space<vmem_shared>> -> memref<128x64xf32, #tpu.memory_space<vmem_shared>>
      tpu.wait_dma2 semaphore(%run_scoped3A_145 : memref<!tpu.dma_semaphore, #tpu.memory_space<semaphore_mem>>) src(%arg7 : memref<128x64xf32, #tpu.memory_space<vmem>>) dst(%dma_wait3A_151 : memref<128x64xf32, #tpu.memory_space<vmem_shared>>)
      tpu.yield
    }) : () -> ()
    %mul3A_101 = arith.constant 640 : i32
    %mul3A_102 = arith.muli %arg1, %mul3A_101 : i32
    %add3A_103 = arith.constant 10240 : i32
    %add3A_104 = arith.addi %add3A_103, %mul3A_102 : i32
    %add3A_105 = arith.constant 128 : i32
    %add3A_106 = arith.addi %add3A_104, %add3A_105 : i32
    "tpu.region"() ({
      %run_scoped3A_145 = tpu.sem_alloc : memref<!tpu.dma_semaphore, #tpu.memory_space<semaphore_mem>>
      %dma_start3A = arith.constant 0 : i32
      %dma_start3A_146 = tpu.memref_slice %arg9[%add3A_106, %dma_start3A] : memref<20480x64xf32, #tpu.memory_space<vmem_shared>> -> memref<128x64xf32, #tpu.memory_space<vmem_shared>>
      %dma_start3A_147 = arith.constant 0 : i32
      %dma_start3A_148 = tpu.memref_slice %arg9[%add3A_106, %dma_start3A_147] : memref<20480x64xf32, #tpu.memory_space<vmem_shared>> -> memref<128x64xf32, #tpu.memory_space<vmem_shared>>
      tpu.enqueue_dma source(%arg7 : memref<128x64xf32, #tpu.memory_space<vmem>>) target(%dma_start3A_148 : memref<128x64xf32, #tpu.memory_space<vmem_shared>>) target_semaphore(%run_scoped3A_145 : memref<!tpu.dma_semaphore, #tpu.memory_space<semaphore_mem>>)
      %dma_wait3A = arith.constant 0 : i32
      %dma_wait3A_149 = tpu.memref_slice %arg9[%add3A_106, %dma_wait3A] : memref<20480x64xf32, #tpu.memory_space<vmem_shared>> -> memref<128x64xf32, #tpu.memory_space<vmem_shared>>
      %dma_wait3A_150 = arith.constant 0 : i32
      %dma_wait3A_151 = tpu.memref_slice %arg9[%add3A_106, %dma_wait3A_150] : memref<20480x64xf32, #tpu.memory_space<vmem_shared>> -> memref<128x64xf32, #tpu.memory_space<vmem_shared>>
      tpu.wait_dma2 semaphore(%run_scoped3A_145 : memref<!tpu.dma_semaphore, #tpu.memory_space<semaphore_mem>>) src(%arg7 : memref<128x64xf32, #tpu.memory_space<vmem>>) dst(%dma_wait3A_151 : memref<128x64xf32, #tpu.memory_space<vmem_shared>>)
      tpu.yield
    }) : () -> ()
    %mul3A_107 = arith.constant 640 : i32
    %mul3A_108 = arith.muli %arg1, %mul3A_107 : i32
    %add3A_109 = arith.constant 10240 : i32
    %add3A_110 = arith.addi %add3A_109, %mul3A_108 : i32
    %add3A_111 = arith.constant 256 : i32
    %add3A_112 = arith.addi %add3A_110, %add3A_111 : i32
    "tpu.region"() ({
      %run_scoped3A_145 = tpu.sem_alloc : memref<!tpu.dma_semaphore, #tpu.memory_space<semaphore_mem>>
      %dma_start3A = arith.constant 0 : i32
      %dma_start3A_146 = tpu.memref_slice %arg9[%add3A_112, %dma_start3A] : memref<20480x64xf32, #tpu.memory_space<vmem_shared>> -> memref<128x64xf32, #tpu.memory_space<vmem_shared>>
      %dma_start3A_147 = arith.constant 0 : i32
      %dma_start3A_148 = tpu.memref_slice %arg9[%add3A_112, %dma_start3A_147] : memref<20480x64xf32, #tpu.memory_space<vmem_shared>> -> memref<128x64xf32, #tpu.memory_space<vmem_shared>>
      tpu.enqueue_dma source(%arg7 : memref<128x64xf32, #tpu.memory_space<vmem>>) target(%dma_start3A_148 : memref<128x64xf32, #tpu.memory_space<vmem_shared>>) target_semaphore(%run_scoped3A_145 : memref<!tpu.dma_semaphore, #tpu.memory_space<semaphore_mem>>)
      %dma_wait3A = arith.constant 0 : i32
      %dma_wait3A_149 = tpu.memref_slice %arg9[%add3A_112, %dma_wait3A] : memref<20480x64xf32, #tpu.memory_space<vmem_shared>> -> memref<128x64xf32, #tpu.memory_space<vmem_shared>>
      %dma_wait3A_150 = arith.constant 0 : i32
      %dma_wait3A_151 = tpu.memref_slice %arg9[%add3A_112, %dma_wait3A_150] : memref<20480x64xf32, #tpu.memory_space<vmem_shared>> -> memref<128x64xf32, #tpu.memory_space<vmem_shared>>
      tpu.wait_dma2 semaphore(%run_scoped3A_145 : memref<!tpu.dma_semaphore, #tpu.memory_space<semaphore_mem>>) src(%arg7 : memref<128x64xf32, #tpu.memory_space<vmem>>) dst(%dma_wait3A_151 : memref<128x64xf32, #tpu.memory_space<vmem_shared>>)
      tpu.yield
    }) : () -> ()
    %mul3A_113 = arith.constant 640 : i32
    %mul3A_114 = arith.muli %arg1, %mul3A_113 : i32
    %add3A_115 = arith.constant 10240 : i32
    %add3A_116 = arith.addi %add3A_115, %mul3A_114 : i32
    %add3A_117 = arith.constant 384 : i32
    %add3A_118 = arith.addi %add3A_116, %add3A_117 : i32
    "tpu.region"() ({
      %run_scoped3A_145 = tpu.sem_alloc : memref<!tpu.dma_semaphore, #tpu.memory_space<semaphore_mem>>
      %dma_start3A = arith.constant 0 : i32
      %dma_start3A_146 = tpu.memref_slice %arg9[%add3A_118, %dma_start3A] : memref<20480x64xf32, #tpu.memory_space<vmem_shared>> -> memref<128x64xf32, #tpu.memory_space<vmem_shared>>
      %dma_start3A_147 = arith.constant 0 : i32
      %dma_start3A_148 = tpu.memref_slice %arg9[%add3A_118, %dma_start3A_147] : memref<20480x64xf32, #tpu.memory_space<vmem_shared>> -> memref<128x64xf32, #tpu.memory_space<vmem_shared>>
      tpu.enqueue_dma source(%arg7 : memref<128x64xf32, #tpu.memory_space<vmem>>) target(%dma_start3A_148 : memref<128x64xf32, #tpu.memory_space<vmem_shared>>) target_semaphore(%run_scoped3A_145 : memref<!tpu.dma_semaphore, #tpu.memory_space<semaphore_mem>>)
      %dma_wait3A = arith.constant 0 : i32
      %dma_wait3A_149 = tpu.memref_slice %arg9[%add3A_118, %dma_wait3A] : memref<20480x64xf32, #tpu.memory_space<vmem_shared>> -> memref<128x64xf32, #tpu.memory_space<vmem_shared>>
      %dma_wait3A_150 = arith.constant 0 : i32
      %dma_wait3A_151 = tpu.memref_slice %arg9[%add3A_118, %dma_wait3A_150] : memref<20480x64xf32, #tpu.memory_space<vmem_shared>> -> memref<128x64xf32, #tpu.memory_space<vmem_shared>>
      tpu.wait_dma2 semaphore(%run_scoped3A_145 : memref<!tpu.dma_semaphore, #tpu.memory_space<semaphore_mem>>) src(%arg7 : memref<128x64xf32, #tpu.memory_space<vmem>>) dst(%dma_wait3A_151 : memref<128x64xf32, #tpu.memory_space<vmem_shared>>)
      tpu.yield
    }) : () -> ()
    %mul3A_119 = arith.constant 640 : i32
    %mul3A_120 = arith.muli %arg1, %mul3A_119 : i32
    %add3A_121 = arith.constant 10240 : i32
    %add3A_122 = arith.addi %add3A_121, %mul3A_120 : i32
    %add3A_123 = arith.constant 512 : i32
    %add3A_124 = arith.addi %add3A_122, %add3A_123 : i32
    "tpu.region"() ({
      %run_scoped3A_145 = tpu.sem_alloc : memref<!tpu.dma_semaphore, #tpu.memory_space<semaphore_mem>>
      %dma_start3A = arith.constant 0 : i32
      %dma_start3A_146 = tpu.memref_slice %arg9[%add3A_124, %dma_start3A] : memref<20480x64xf32, #tpu.memory_space<vmem_shared>> -> memref<128x64xf32, #tpu.memory_space<vmem_shared>>
      %dma_start3A_147 = arith.constant 0 : i32
      %dma_start3A_148 = tpu.memref_slice %arg9[%add3A_124, %dma_start3A_147] : memref<20480x64xf32, #tpu.memory_space<vmem_shared>> -> memref<128x64xf32, #tpu.memory_space<vmem_shared>>
      tpu.enqueue_dma source(%arg7 : memref<128x64xf32, #tpu.memory_space<vmem>>) target(%dma_start3A_148 : memref<128x64xf32, #tpu.memory_space<vmem_shared>>) target_semaphore(%run_scoped3A_145 : memref<!tpu.dma_semaphore, #tpu.memory_space<semaphore_mem>>)
      %dma_wait3A = arith.constant 0 : i32
      %dma_wait3A_149 = tpu.memref_slice %arg9[%add3A_124, %dma_wait3A] : memref<20480x64xf32, #tpu.memory_space<vmem_shared>> -> memref<128x64xf32, #tpu.memory_space<vmem_shared>>
      %dma_wait3A_150 = arith.constant 0 : i32
      %dma_wait3A_151 = tpu.memref_slice %arg9[%add3A_124, %dma_wait3A_150] : memref<20480x64xf32, #tpu.memory_space<vmem_shared>> -> memref<128x64xf32, #tpu.memory_space<vmem_shared>>
      tpu.wait_dma2 semaphore(%run_scoped3A_145 : memref<!tpu.dma_semaphore, #tpu.memory_space<semaphore_mem>>) src(%arg7 : memref<128x64xf32, #tpu.memory_space<vmem>>) dst(%dma_wait3A_151 : memref<128x64xf32, #tpu.memory_space<vmem_shared>>)
      tpu.yield
    }) : () -> ()
    %barrier3A_125 = arith.constant 0 : index
    tpu.barrier barrier_id(%barrier3A_125)
    %scan3A_126 = arith.constant 0 : i32
    %scan3A_127 = arith.constant 0 : i32
    %scan3A_128 = arith.constant 5 : i32
    %scan3A_129 = arith.addi %scan3A_127, %scan3A_128 : i32
    %scan3A_130 = arith.constant 1 : i32
    %scan3A_131 = scf.for %scan3A_145 = %scan3A_127 to %scan3A_129 step %scan3A_130 iter_args(%scan3A_146 = %scan3A_126) -> (i32)  : i32 {
      "tpu.region"() ({
        %run_scoped3A_150 = tpu.sem_alloc : memref<!tpu.dma_semaphore, #tpu.memory_space<semaphore_mem>>
        %dma_start3A = arith.constant 0 : i32
        %dma_start3A_151 = arith.constant 0 : i32
        %dma_start3A_152 = arith.constant 0 : i32
        %dma_start3A_153 = arith.constant 0 : i32
        %dma_start3A_154 = tpu.memref_slice %arg3[%arg0, %dma_start3A, %dma_start3A_151, %dma_start3A_152, %dma_start3A_153] : memref<2x16x5x32x128xi32, #tpu.memory_space<hbm>> -> memref<1x16x5x32x128xi32, #tpu.memory_space<hbm>>
        %dma_start3A_155 = tpu.memref_squeeze %dma_start3A_154 : memref<1x16x5x32x128xi32, #tpu.memory_space<hbm>> -> memref<16x5x32x128xi32, #tpu.memory_space<hbm>>
        %dma_start3A_156 = arith.constant 0 : i32
        %dma_start3A_157 = arith.constant 0 : i32
        %dma_start3A_158 = arith.constant 0 : i32
        %dma_start3A_159 = tpu.memref_slice %dma_start3A_155[%arg1, %dma_start3A_156, %dma_start3A_157, %dma_start3A_158] : memref<16x5x32x128xi32, #tpu.memory_space<hbm>> -> memref<1x5x32x128xi32, #tpu.memory_space<hbm>>
        %dma_start3A_160 = tpu.memref_squeeze %dma_start3A_159 : memref<1x5x32x128xi32, #tpu.memory_space<hbm>> -> memref<5x32x128xi32, #tpu.memory_space<hbm>>
        %dma_start3A_161 = arith.constant 0 : i32
        %dma_start3A_162 = arith.constant 0 : i32
        %dma_start3A_163 = tpu.memref_slice %dma_start3A_160[%scan3A_145, %dma_start3A_161, %dma_start3A_162] : memref<5x32x128xi32, #tpu.memory_space<hbm>> -> memref<1x32x128xi32, #tpu.memory_space<hbm>>
        %dma_start3A_164 = tpu.memref_squeeze %dma_start3A_163 : memref<1x32x128xi32, #tpu.memory_space<hbm>> -> memref<32x128xi32, #tpu.memory_space<hbm>>
        %dma_start3A_165 = arith.constant 0 : i32
        %dma_start3A_166 = arith.constant 0 : i32
        %dma_start3A_167 = arith.constant 0 : i32
        %dma_start3A_168 = arith.constant 0 : i32
        %dma_start3A_169 = tpu.memref_slice %arg3[%arg0, %dma_start3A_165, %dma_start3A_166, %dma_start3A_167, %dma_start3A_168] : memref<2x16x5x32x128xi32, #tpu.memory_space<hbm>> -> memref<1x16x5x32x128xi32, #tpu.memory_space<hbm>>
        %dma_start3A_170 = tpu.memref_squeeze %dma_start3A_169 : memref<1x16x5x32x128xi32, #tpu.memory_space<hbm>> -> memref<16x5x32x128xi32, #tpu.memory_space<hbm>>
        %dma_start3A_171 = arith.constant 0 : i32
        %dma_start3A_172 = arith.constant 0 : i32
        %dma_start3A_173 = arith.constant 0 : i32
        %dma_start3A_174 = tpu.memref_slice %dma_start3A_170[%arg1, %dma_start3A_171, %dma_start3A_172, %dma_start3A_173] : memref<16x5x32x128xi32, #tpu.memory_space<hbm>> -> memref<1x5x32x128xi32, #tpu.memory_space<hbm>>
        %dma_start3A_175 = tpu.memref_squeeze %dma_start3A_174 : memref<1x5x32x128xi32, #tpu.memory_space<hbm>> -> memref<5x32x128xi32, #tpu.memory_space<hbm>>
        %dma_start3A_176 = arith.constant 0 : i32
        %dma_start3A_177 = arith.constant 0 : i32
        %dma_start3A_178 = tpu.memref_slice %dma_start3A_175[%scan3A_145, %dma_start3A_176, %dma_start3A_177] : memref<5x32x128xi32, #tpu.memory_space<hbm>> -> memref<1x32x128xi32, #tpu.memory_space<hbm>>
        %dma_start3A_179 = tpu.memref_squeeze %dma_start3A_178 : memref<1x32x128xi32, #tpu.memory_space<hbm>> -> memref<32x128xi32, #tpu.memory_space<hbm>>
        tpu.enqueue_dma source(%dma_start3A_179 : memref<32x128xi32, #tpu.memory_space<hbm>>) target(%arg6 : memref<32x128xi32, #tpu.memory_space<vmem>>) target_semaphore(%run_scoped3A_150 : memref<!tpu.dma_semaphore, #tpu.memory_space<semaphore_mem>>)
        %dma_wait3A = arith.constant 0 : i32
        %dma_wait3A_180 = arith.constant 0 : i32
        %dma_wait3A_181 = arith.constant 0 : i32
        %dma_wait3A_182 = arith.constant 0 : i32
        %dma_wait3A_183 = tpu.memref_slice %arg3[%arg0, %dma_wait3A, %dma_wait3A_180, %dma_wait3A_181, %dma_wait3A_182] : memref<2x16x5x32x128xi32, #tpu.memory_space<hbm>> -> memref<1x16x5x32x128xi32, #tpu.memory_space<hbm>>
        %dma_wait3A_184 = tpu.memref_squeeze %dma_wait3A_183 : memref<1x16x5x32x128xi32, #tpu.memory_space<hbm>> -> memref<16x5x32x128xi32, #tpu.memory_space<hbm>>
        %dma_wait3A_185 = arith.constant 0 : i32
        %dma_wait3A_186 = arith.constant 0 : i32
        %dma_wait3A_187 = arith.constant 0 : i32
        %dma_wait3A_188 = tpu.memref_slice %dma_wait3A_184[%arg1, %dma_wait3A_185, %dma_wait3A_186, %dma_wait3A_187] : memref<16x5x32x128xi32, #tpu.memory_space<hbm>> -> memref<1x5x32x128xi32, #tpu.memory_space<hbm>>
        %dma_wait3A_189 = tpu.memref_squeeze %dma_wait3A_188 : memref<1x5x32x128xi32, #tpu.memory_space<hbm>> -> memref<5x32x128xi32, #tpu.memory_space<hbm>>
        %dma_wait3A_190 = arith.constant 0 : i32
        %dma_wait3A_191 = arith.constant 0 : i32
        %dma_wait3A_192 = tpu.memref_slice %dma_wait3A_189[%scan3A_145, %dma_wait3A_190, %dma_wait3A_191] : memref<5x32x128xi32, #tpu.memory_space<hbm>> -> memref<1x32x128xi32, #tpu.memory_space<hbm>>
        %dma_wait3A_193 = tpu.memref_squeeze %dma_wait3A_192 : memref<1x32x128xi32, #tpu.memory_space<hbm>> -> memref<32x128xi32, #tpu.memory_space<hbm>>
        %dma_wait3A_194 = arith.constant 0 : i32
        %dma_wait3A_195 = arith.constant 0 : i32
        %dma_wait3A_196 = arith.constant 0 : i32
        %dma_wait3A_197 = arith.constant 0 : i32
        %dma_wait3A_198 = tpu.memref_slice %arg3[%arg0, %dma_wait3A_194, %dma_wait3A_195, %dma_wait3A_196, %dma_wait3A_197] : memref<2x16x5x32x128xi32, #tpu.memory_space<hbm>> -> memref<1x16x5x32x128xi32, #tpu.memory_space<hbm>>
        %dma_wait3A_199 = tpu.memref_squeeze %dma_wait3A_198 : memref<1x16x5x32x128xi32, #tpu.memory_space<hbm>> -> memref<16x5x32x128xi32, #tpu.memory_space<hbm>>
        %dma_wait3A_200 = arith.constant 0 : i32
        %dma_wait3A_201 = arith.constant 0 : i32
        %dma_wait3A_202 = arith.constant 0 : i32
        %dma_wait3A_203 = tpu.memref_slice %dma_wait3A_199[%arg1, %dma_wait3A_200, %dma_wait3A_201, %dma_wait3A_202] : memref<16x5x32x128xi32, #tpu.memory_space<hbm>> -> memref<1x5x32x128xi32, #tpu.memory_space<hbm>>
        %dma_wait3A_204 = tpu.memref_squeeze %dma_wait3A_203 : memref<1x5x32x128xi32, #tpu.memory_space<hbm>> -> memref<5x32x128xi32, #tpu.memory_space<hbm>>
        %dma_wait3A_205 = arith.constant 0 : i32
        %dma_wait3A_206 = arith.constant 0 : i32
        %dma_wait3A_207 = tpu.memref_slice %dma_wait3A_204[%scan3A_145, %dma_wait3A_205, %dma_wait3A_206] : memref<5x32x128xi32, #tpu.memory_space<hbm>> -> memref<1x32x128xi32, #tpu.memory_space<hbm>>
        %dma_wait3A_208 = tpu.memref_squeeze %dma_wait3A_207 : memref<1x32x128xi32, #tpu.memory_space<hbm>> -> memref<32x128xi32, #tpu.memory_space<hbm>>
        tpu.wait_dma2 semaphore(%run_scoped3A_150 : memref<!tpu.dma_semaphore, #tpu.memory_space<semaphore_mem>>) src(%dma_wait3A_208 : memref<32x128xi32, #tpu.memory_space<hbm>>) dst(%arg6 : memref<32x128xi32, #tpu.memory_space<vmem>>)
        tpu.yield
      }) : () -> ()
      %parallel_loop3A = arith.constant 0 : i32
      %parallel_loop3A_147 = arith.constant 8 : i32
      %parallel_loop3A_148 = arith.constant 1 : i32
      scf.for %parallel_loop3A_150 = %parallel_loop3A to %parallel_loop3A_147 step %parallel_loop3A_148  : i32 {
        %parallel_loop3A_151 = arith.constant 2 : i32
        %parallel_loop3A_152 = arith.muli %parallel_loop3A_151, %parallel_loop3A_150 : i32
        %parallel_loop3A_153 = arith.constant 0 : i32
        %parallel_loop3A_154 = tpu.memref_slice %arg6[%parallel_loop3A_152, %parallel_loop3A_153] : memref<32x128xi32, #tpu.memory_space<vmem>> -> memref<1x128xi32, #tpu.memory_space<vmem>>
        %parallel_loop3A_155 = tpu.memref_squeeze %parallel_loop3A_154 : memref<1x128xi32, #tpu.memory_space<vmem>> -> memref<128xi32, #tpu.memory_space<vmem>>
        %parallel_loop3A_156 = arith.constant 0 : i32
        %parallel_loop3A_157 = arith.constant 0 : i32
        %parallel_loop3A_158 = tpu.memref_slice %arg9[%parallel_loop3A_156, %parallel_loop3A_157] : memref<20480x64xf32, #tpu.memory_space<vmem_shared>> -> memref<20480x64xf32, #tpu.memory_space<vmem_shared>>
        tpu.enqueue_indirect_dma source(%parallel_loop3A_158 : memref<20480x64xf32, #tpu.memory_space<vmem_shared>>) target(%arg7 : memref<128x64xf32, #tpu.memory_space<vmem>>) offsets(%parallel_loop3A_155 : memref<128xi32, #tpu.memory_space<vmem>>) semaphore(%arg10 : memref<!tpu.dma_semaphore, #tpu.memory_space<semaphore_mem>>)
        %parallel_loop3A_159 = arith.constant 2 : i32
        %parallel_loop3A_160 = arith.muli %parallel_loop3A_159, %parallel_loop3A_150 : i32
        %parallel_loop3A_161 = arith.constant 1 : i32
        %parallel_loop3A_162 = arith.addi %parallel_loop3A_160, %parallel_loop3A_161 : i32
        %parallel_loop3A_163 = arith.constant 0 : i32
        %parallel_loop3A_164 = tpu.memref_slice %arg6[%parallel_loop3A_162, %parallel_loop3A_163] : memref<32x128xi32, #tpu.memory_space<vmem>> -> memref<1x128xi32, #tpu.memory_space<vmem>>
        %parallel_loop3A_165 = tpu.memref_squeeze %parallel_loop3A_164 : memref<1x128xi32, #tpu.memory_space<vmem>> -> memref<128xi32, #tpu.memory_space<vmem>>
        %parallel_loop3A_166 = arith.constant 0 : i32
        %parallel_loop3A_167 = arith.constant 0 : i32
        %parallel_loop3A_168 = tpu.memref_slice %arg9[%parallel_loop3A_166, %parallel_loop3A_167] : memref<20480x64xf32, #tpu.memory_space<vmem_shared>> -> memref<20480x64xf32, #tpu.memory_space<vmem_shared>>
        tpu.enqueue_indirect_dma source(%parallel_loop3A_168 : memref<20480x64xf32, #tpu.memory_space<vmem_shared>>) target(%arg8 : memref<128x64xf32, #tpu.memory_space<vmem>>) offsets(%parallel_loop3A_165 : memref<128xi32, #tpu.memory_space<vmem>>) semaphore(%arg11 : memref<!tpu.dma_semaphore, #tpu.memory_space<semaphore_mem>>)
        %parallel_loop3A_169 = arith.constant 0 : i32
        %parallel_loop3A_170 = tpu.memref_slice %arg6[%parallel_loop3A_152, %parallel_loop3A_169] : memref<32x128xi32, #tpu.memory_space<vmem>> -> memref<1x128xi32, #tpu.memory_space<vmem>>
        %parallel_loop3A_171 = tpu.memref_squeeze %parallel_loop3A_170 : memref<1x128xi32, #tpu.memory_space<vmem>> -> memref<128xi32, #tpu.memory_space<vmem>>
        %parallel_loop3A_172 = arith.constant 0 : i32
        %parallel_loop3A_173 = arith.constant 0 : i32
        %parallel_loop3A_174 = tpu.memref_slice %arg9[%parallel_loop3A_172, %parallel_loop3A_173] : memref<20480x64xf32, #tpu.memory_space<vmem_shared>> -> memref<20480x64xf32, #tpu.memory_space<vmem_shared>>
        tpu.wait_indirect_dma semaphore(%arg10 : memref<!tpu.dma_semaphore, #tpu.memory_space<semaphore_mem>>) src(%parallel_loop3A_174 : memref<20480x64xf32, #tpu.memory_space<vmem_shared>>) dst(%arg7 : memref<128x64xf32, #tpu.memory_space<vmem>>)
        %parallel_loop3A_175 = arith.constant 2 : i32
        %parallel_loop3A_176 = arith.muli %parallel_loop3A_175, %parallel_loop3A_150 : i32
        %parallel_loop3A_177 = arith.constant 16 : i32
        %parallel_loop3A_178 = arith.addi %parallel_loop3A_177, %parallel_loop3A_176 : i32
        %parallel_loop3A_179 = arith.constant 0 : i32
        %parallel_loop3A_180 = tpu.memref_slice %arg6[%parallel_loop3A_178, %parallel_loop3A_179] : memref<32x128xi32, #tpu.memory_space<vmem>> -> memref<1x128xi32, #tpu.memory_space<vmem>>
        %parallel_loop3A_181 = tpu.memref_squeeze %parallel_loop3A_180 : memref<1x128xi32, #tpu.memory_space<vmem>> -> memref<128xi32, #tpu.memory_space<vmem>>
        %parallel_loop3A_182 = arith.constant 0 : i32
        %parallel_loop3A_183 = arith.constant 0 : i32
        %parallel_loop3A_184 = tpu.memref_slice %arg9[%parallel_loop3A_182, %parallel_loop3A_183] : memref<20480x64xf32, #tpu.memory_space<vmem_shared>> -> memref<20480x64xf32, #tpu.memory_space<vmem_shared>>
        tpu.enqueue_indirect_dma source(%arg7 : memref<128x64xf32, #tpu.memory_space<vmem>>) target(%parallel_loop3A_184 : memref<20480x64xf32, #tpu.memory_space<vmem_shared>>) offsets(%parallel_loop3A_181 : memref<128xi32, #tpu.memory_space<vmem>>) semaphore(%arg12 : memref<!tpu.dma_semaphore, #tpu.memory_space<semaphore_mem>>) {add = true}
        %parallel_loop3A_185 = arith.constant 0 : i32
        %parallel_loop3A_186 = tpu.memref_slice %arg6[%parallel_loop3A_162, %parallel_loop3A_185] : memref<32x128xi32, #tpu.memory_space<vmem>> -> memref<1x128xi32, #tpu.memory_space<vmem>>
        %parallel_loop3A_187 = tpu.memref_squeeze %parallel_loop3A_186 : memref<1x128xi32, #tpu.memory_space<vmem>> -> memref<128xi32, #tpu.memory_space<vmem>>
        %parallel_loop3A_188 = arith.constant 0 : i32
        %parallel_loop3A_189 = arith.constant 0 : i32
        %parallel_loop3A_190 = tpu.memref_slice %arg9[%parallel_loop3A_188, %parallel_loop3A_189] : memref<20480x64xf32, #tpu.memory_space<vmem_shared>> -> memref<20480x64xf32, #tpu.memory_space<vmem_shared>>
        tpu.wait_indirect_dma semaphore(%arg11 : memref<!tpu.dma_semaphore, #tpu.memory_space<semaphore_mem>>) src(%parallel_loop3A_190 : memref<20480x64xf32, #tpu.memory_space<vmem_shared>>) dst(%arg8 : memref<128x64xf32, #tpu.memory_space<vmem>>)
        %parallel_loop3A_191 = arith.constant 2 : i32
        %parallel_loop3A_192 = arith.muli %parallel_loop3A_191, %parallel_loop3A_150 : i32
        %parallel_loop3A_193 = arith.constant 16 : i32
        %parallel_loop3A_194 = arith.addi %parallel_loop3A_193, %parallel_loop3A_192 : i32
        %parallel_loop3A_195 = arith.constant 1 : i32
        %parallel_loop3A_196 = arith.addi %parallel_loop3A_194, %parallel_loop3A_195 : i32
        %parallel_loop3A_197 = arith.constant 0 : i32
        %parallel_loop3A_198 = tpu.memref_slice %arg6[%parallel_loop3A_196, %parallel_loop3A_197] : memref<32x128xi32, #tpu.memory_space<vmem>> -> memref<1x128xi32, #tpu.memory_space<vmem>>
        %parallel_loop3A_199 = tpu.memref_squeeze %parallel_loop3A_198 : memref<1x128xi32, #tpu.memory_space<vmem>> -> memref<128xi32, #tpu.memory_space<vmem>>
        %parallel_loop3A_200 = arith.constant 0 : i32
        %parallel_loop3A_201 = arith.constant 0 : i32
        %parallel_loop3A_202 = tpu.memref_slice %arg9[%parallel_loop3A_200, %parallel_loop3A_201] : memref<20480x64xf32, #tpu.memory_space<vmem_shared>> -> memref<20480x64xf32, #tpu.memory_space<vmem_shared>>
        tpu.enqueue_indirect_dma source(%arg8 : memref<128x64xf32, #tpu.memory_space<vmem>>) target(%parallel_loop3A_202 : memref<20480x64xf32, #tpu.memory_space<vmem_shared>>) offsets(%parallel_loop3A_199 : memref<128xi32, #tpu.memory_space<vmem>>) semaphore(%arg13 : memref<!tpu.dma_semaphore, #tpu.memory_space<semaphore_mem>>) {add = true}
        %parallel_loop3A_203 = arith.constant 0 : i32
        %parallel_loop3A_204 = tpu.memref_slice %arg6[%parallel_loop3A_178, %parallel_loop3A_203] : memref<32x128xi32, #tpu.memory_space<vmem>> -> memref<1x128xi32, #tpu.memory_space<vmem>>
        %parallel_loop3A_205 = tpu.memref_squeeze %parallel_loop3A_204 : memref<1x128xi32, #tpu.memory_space<vmem>> -> memref<128xi32, #tpu.memory_space<vmem>>
        %parallel_loop3A_206 = arith.constant 0 : i32
        %parallel_loop3A_207 = arith.constant 0 : i32
        %parallel_loop3A_208 = tpu.memref_slice %arg9[%parallel_loop3A_206, %parallel_loop3A_207] : memref<20480x64xf32, #tpu.memory_space<vmem_shared>> -> memref<20480x64xf32, #tpu.memory_space<vmem_shared>>
        tpu.wait_indirect_dma semaphore(%arg12 : memref<!tpu.dma_semaphore, #tpu.memory_space<semaphore_mem>>) src(%arg7 : memref<128x64xf32, #tpu.memory_space<vmem>>) dst(%parallel_loop3A_208 : memref<20480x64xf32, #tpu.memory_space<vmem_shared>>)
        %parallel_loop3A_209 = arith.constant 0 : i32
        %parallel_loop3A_210 = tpu.memref_slice %arg6[%parallel_loop3A_196, %parallel_loop3A_209] : memref<32x128xi32, #tpu.memory_space<vmem>> -> memref<1x128xi32, #tpu.memory_space<vmem>>
        %parallel_loop3A_211 = tpu.memref_squeeze %parallel_loop3A_210 : memref<1x128xi32, #tpu.memory_space<vmem>> -> memref<128xi32, #tpu.memory_space<vmem>>
        %parallel_loop3A_212 = arith.constant 0 : i32
        %parallel_loop3A_213 = arith.constant 0 : i32
        %parallel_loop3A_214 = tpu.memref_slice %arg9[%parallel_loop3A_212, %parallel_loop3A_213] : memref<20480x64xf32, #tpu.memory_space<vmem_shared>> -> memref<20480x64xf32, #tpu.memory_space<vmem_shared>>
        tpu.wait_indirect_dma semaphore(%arg13 : memref<!tpu.dma_semaphore, #tpu.memory_space<semaphore_mem>>) src(%arg8 : memref<128x64xf32, #tpu.memory_space<vmem>>) dst(%parallel_loop3A_214 : memref<20480x64xf32, #tpu.memory_space<vmem_shared>>)
      } {sc.loop_unroll_factor = 2 : i64, sc.parallel_access}
      %scan3A_149 = arith.constant 0 : i32
      scf.yield %scan3A_149 : i32
    }
    %scan3A_132 = arith.constant 5 : i32
    %barrier3A_133 = arith.constant 0 : index
    tpu.barrier barrier_id(%barrier3A_133)
    %mul3A_134 = arith.constant 640 : i32
    %mul3A_135 = arith.muli %arg1, %mul3A_134 : i32
    %add3A_136 = arith.constant 10240 : i32
    %add3A_137 = arith.addi %add3A_136, %mul3A_135 : i32
    %mul3A_138 = arith.constant 2 : i32
    %mul3A_139 = arith.muli %arg0, %mul3A_138 : i32
    %add3A_140 = arith.constant 1 : i32
    %add3A_141 = arith.addi %mul3A_139, %add3A_140 : i32
    %mul3A_142 = arith.constant 640 : i32
    %mul3A_143 = arith.muli %arg1, %mul3A_142 : i32
    "tpu.region"() ({
      %run_scoped3A_145 = tpu.sem_alloc : memref<!tpu.dma_semaphore, #tpu.memory_space<semaphore_mem>>
      %dma_start3A = arith.constant 0 : i32
      %dma_start3A_146 = arith.constant 0 : i32
      %dma_start3A_147 = tpu.memref_slice %arg5[%add3A_141, %dma_start3A, %dma_start3A_146] : memref<4x10240x64xf32, #tpu.memory_space<hbm>> -> memref<1x10240x64xf32, #tpu.memory_space<hbm>>
      %dma_start3A_148 = tpu.memref_squeeze %dma_start3A_147 : memref<1x10240x64xf32, #tpu.memory_space<hbm>> -> memref<10240x64xf32, #tpu.memory_space<hbm>>
      %dma_start3A_149 = arith.constant 0 : i32
      %dma_start3A_150 = tpu.memref_slice %dma_start3A_148[%mul3A_143, %dma_start3A_149] : memref<10240x64xf32, #tpu.memory_space<hbm>> -> memref<640x64xf32, #tpu.memory_space<hbm>>
      %dma_start3A_151 = arith.constant 0 : i32
      %dma_start3A_152 = tpu.memref_slice %arg9[%add3A_137, %dma_start3A_151] : memref<20480x64xf32, #tpu.memory_space<vmem_shared>> -> memref<640x64xf32, #tpu.memory_space<vmem_shared>>
      tpu.enqueue_dma source(%dma_start3A_152 : memref<640x64xf32, #tpu.memory_space<vmem_shared>>) target(%dma_start3A_150 : memref<640x64xf32, #tpu.memory_space<hbm>>) target_semaphore(%run_scoped3A_145 : memref<!tpu.dma_semaphore, #tpu.memory_space<semaphore_mem>>)
      %dma_wait3A = arith.constant 0 : i32
      %dma_wait3A_153 = arith.constant 0 : i32
      %dma_wait3A_154 = tpu.memref_slice %arg5[%add3A_141, %dma_wait3A, %dma_wait3A_153] : memref<4x10240x64xf32, #tpu.memory_space<hbm>> -> memref<1x10240x64xf32, #tpu.memory_space<hbm>>
      %dma_wait3A_155 = tpu.memref_squeeze %dma_wait3A_154 : memref<1x10240x64xf32, #tpu.memory_space<hbm>> -> memref<10240x64xf32, #tpu.memory_space<hbm>>
      %dma_wait3A_156 = arith.constant 0 : i32
      %dma_wait3A_157 = tpu.memref_slice %dma_wait3A_155[%mul3A_143, %dma_wait3A_156] : memref<10240x64xf32, #tpu.memory_space<hbm>> -> memref<640x64xf32, #tpu.memory_space<hbm>>
      %dma_wait3A_158 = arith.constant 0 : i32
      %dma_wait3A_159 = tpu.memref_slice %arg9[%add3A_137, %dma_wait3A_158] : memref<20480x64xf32, #tpu.memory_space<vmem_shared>> -> memref<640x64xf32, #tpu.memory_space<vmem_shared>>
      tpu.wait_dma2 semaphore(%run_scoped3A_145 : memref<!tpu.dma_semaphore, #tpu.memory_space<semaphore_mem>>) src(%dma_wait3A_159 : memref<640x64xf32, #tpu.memory_space<vmem_shared>>) dst(%dma_wait3A_157 : memref<640x64xf32, #tpu.memory_space<hbm>>)
      tpu.yield
    }) : () -> ()
    %barrier3A_144 = arith.constant 0 : index
    tpu.barrier barrier_id(%barrier3A_144)
    return
  }
}

module attributes {stable_mosaic.version = 14 : i64} {
  func.func @_tc_a_body(%arg0: i32, %arg1: memref<2048x128xf32, #tpu.memory_space<vmem>>, %arg2: memref<128x256xf32, #tpu.memory_space<vmem>>, %arg3: memref<128x2048xf32, #tpu.memory_space<vmem>>, %arg4: memref<2x2x2048x64xf32, #tpu.memory_space<vmem>>, %arg5: memref<4x2048xf32, #tpu.memory_space<vmem>>) attributes {dimension_semantics = [#tpu.dimension_semantics<arbitrary>], iteration_bounds = array<i64: 5>, scalar_prefetch = 0 : i64, scratch_operands = 0 : i64, tpu.core_type = #tpu.core_type<tc>, window_params = [{transform_indices = @transform_0, window_bounds = array<i64: 2048, 128>}, {pipeline_mode = #tpu.pipeline_mode<synchronous>, transform_indices = @transform_1, window_bounds = array<i64: 128, 256>}, {transform_indices = @transform_2, window_bounds = array<i64: 128, 2048>}, {transform_indices = @transform_3, window_bounds = array<i64: 2, 2, 2048, 64>}, {transform_indices = @transform_4, window_bounds = array<i64: 4, 2048>}]} {
    %get3A = arith.constant 0 : index
    %get3A_0 = arith.constant 0 : index
    %get3A_1 = vector.load %arg3[%get3A, %get3A_0] : memref<128x2048xf32, #tpu.memory_space<vmem>>, vector<128x2048xf32>
    %reshape3A = vector.shape_cast %get3A_1 : vector<128x2048xf32> to vector<4x32x2048xf32>
    %reduce_sum3A = arith.constant dense<0.000000e+00> : vector<4x2048xf32>
    %reduce_sum3A_2 = vector.multi_reduction <add>, %reshape3A, %reduce_sum3A [1] : vector<4x32x2048xf32> to vector<4x2048xf32>
    %max3A = arith.constant 1.000000e+00 : f32
    %max3A_3 = vector.broadcast %max3A : f32 to vector<4x2048xf32>
    %max3A_4 = arith.maximumf %reduce_sum3A_2, %max3A_3 : vector<4x2048xf32>
    %rsqrt3A = math.rsqrt %max3A_4 : vector<4x2048xf32>
    %swap3A = arith.constant 0 : index
    %swap3A_5 = arith.constant 0 : index
    %swap3A_6 = vector.load %arg5[%swap3A, %swap3A_5] : memref<4x2048xf32, #tpu.memory_space<vmem>>, vector<4x2048xf32>
    tpu.vector_store %arg5[%swap3A, %swap3A_5], %rsqrt3A {strides = array<i32>} : memref<4x2048xf32, #tpu.memory_space<vmem>>, vector<4x2048xf32>,
    %get3A_7 = arith.constant 0 : index
    %get3A_8 = arith.constant 0 : index
    %get3A_9 = vector.load %arg1[%get3A_7, %get3A_8] : memref<2048x128xf32, #tpu.memory_space<vmem>>, vector<2048x128xf32>
    %get3A_10 = arith.constant 0 : index
    %get3A_11 = arith.constant 0 : index
    %get3A_12 = vector.load %arg2[%get3A_10, %get3A_11] : memref<128x256xf32, #tpu.memory_space<vmem>>, vector<128x256xf32>
    %dot_general3A = arith.constant dense<0.000000e+00> : vector<2048x256xf32>
    %dot_general3A_13 = tpu.matmul %get3A_9, %get3A_12, %dot_general3A {dimension_numbers = #tpu.dot_dimension_numbers<[1], [0], [0], [1], [0, 0, 1, 1], [], []>, transpose_lhs_hint = false} : vector<2048x128xf32>, vector<128x256xf32>, vector<2048x256xf32> -> vector<2048x256xf32>
    %slice3A = vector.extract_strided_slice %rsqrt3A {offsets = [0, 0], sizes = [1, 2048], strides = [1, 1]} : vector<4x2048xf32> to vector<1x2048xf32>
    %squeeze3A = vector.shape_cast %slice3A : vector<1x2048xf32> to vector<2048xf32>
    %broadcast_in_dim3A = vector.shape_cast %squeeze3A : vector<2048xf32> to vector<2048x1xf32>
    %slice3A_14 = vector.extract_strided_slice %rsqrt3A {offsets = [2, 0], sizes = [1, 2048], strides = [1, 1]} : vector<4x2048xf32> to vector<1x2048xf32>
    %squeeze3A_15 = vector.shape_cast %slice3A_14 : vector<1x2048xf32> to vector<2048xf32>
    %broadcast_in_dim3A_16 = vector.shape_cast %squeeze3A_15 : vector<2048xf32> to vector<2048x1xf32>
    %slice3A_17 = vector.extract_strided_slice %dot_general3A_13 {offsets = [0, 0], sizes = [2048, 64], strides = [1, 1]} : vector<2048x256xf32> to vector<2048x64xf32>
    %mul3A = vector.broadcast %broadcast_in_dim3A : vector<2048x1xf32> to vector<2048x64xf32>
    %mul3A_18 = arith.mulf %slice3A_17, %mul3A : vector<2048x64xf32>
    %swap3A_19 = arith.constant 0 : index
    %swap3A_20 = arith.constant 0 : index
    %swap3A_21 = arith.constant 0 : index
    %swap3A_22 = arith.constant 0 : index
    %swap3A_23 = vector.load %arg4[%swap3A_19, %swap3A_20, %swap3A_21, %swap3A_22] : memref<2x2x2048x64xf32, #tpu.memory_space<vmem>>, vector<1x1x2048x64xf32>
    %swap3A_24 = vector.shape_cast %swap3A_23 : vector<1x1x2048x64xf32> to vector<2048x64xf32>
    %swap3A_25 = vector.shape_cast %mul3A_18 : vector<2048x64xf32> to vector<1x1x2048x64xf32>
    tpu.vector_store %arg4[%swap3A_19, %swap3A_20, %swap3A_21, %swap3A_22], %swap3A_25 {strides = array<i32>} : memref<2x2x2048x64xf32, #tpu.memory_space<vmem>>, vector<1x1x2048x64xf32>,
    %slice3A_26 = vector.extract_strided_slice %dot_general3A_13 {offsets = [0, 64], sizes = [2048, 64], strides = [1, 1]} : vector<2048x256xf32> to vector<2048x64xf32>
    %mul3A_27 = vector.broadcast %broadcast_in_dim3A : vector<2048x1xf32> to vector<2048x64xf32>
    %mul3A_28 = arith.mulf %slice3A_26, %mul3A_27 : vector<2048x64xf32>
    %swap3A_29 = arith.constant 0 : index
    %swap3A_30 = arith.constant 1 : index
    %swap3A_31 = arith.constant 0 : index
    %swap3A_32 = arith.constant 0 : index
    %swap3A_33 = vector.load %arg4[%swap3A_29, %swap3A_30, %swap3A_31, %swap3A_32] : memref<2x2x2048x64xf32, #tpu.memory_space<vmem>>, vector<1x1x2048x64xf32>
    %swap3A_34 = vector.shape_cast %swap3A_33 : vector<1x1x2048x64xf32> to vector<2048x64xf32>
    %swap3A_35 = vector.shape_cast %mul3A_28 : vector<2048x64xf32> to vector<1x1x2048x64xf32>
    tpu.vector_store %arg4[%swap3A_29, %swap3A_30, %swap3A_31, %swap3A_32], %swap3A_35 {strides = array<i32>} : memref<2x2x2048x64xf32, #tpu.memory_space<vmem>>, vector<1x1x2048x64xf32>,
    %slice3A_36 = vector.extract_strided_slice %dot_general3A_13 {offsets = [0, 128], sizes = [2048, 64], strides = [1, 1]} : vector<2048x256xf32> to vector<2048x64xf32>
    %mul3A_37 = vector.broadcast %broadcast_in_dim3A_16 : vector<2048x1xf32> to vector<2048x64xf32>
    %mul3A_38 = arith.mulf %slice3A_36, %mul3A_37 : vector<2048x64xf32>
    %swap3A_39 = arith.constant 1 : index
    %swap3A_40 = arith.constant 0 : index
    %swap3A_41 = arith.constant 0 : index
    %swap3A_42 = arith.constant 0 : index
    %swap3A_43 = vector.load %arg4[%swap3A_39, %swap3A_40, %swap3A_41, %swap3A_42] : memref<2x2x2048x64xf32, #tpu.memory_space<vmem>>, vector<1x1x2048x64xf32>
    %swap3A_44 = vector.shape_cast %swap3A_43 : vector<1x1x2048x64xf32> to vector<2048x64xf32>
    %swap3A_45 = vector.shape_cast %mul3A_38 : vector<2048x64xf32> to vector<1x1x2048x64xf32>
    tpu.vector_store %arg4[%swap3A_39, %swap3A_40, %swap3A_41, %swap3A_42], %swap3A_45 {strides = array<i32>} : memref<2x2x2048x64xf32, #tpu.memory_space<vmem>>, vector<1x1x2048x64xf32>,
    %slice3A_46 = vector.extract_strided_slice %dot_general3A_13 {offsets = [0, 192], sizes = [2048, 64], strides = [1, 1]} : vector<2048x256xf32> to vector<2048x64xf32>
    %mul3A_47 = vector.broadcast %broadcast_in_dim3A_16 : vector<2048x1xf32> to vector<2048x64xf32>
    %mul3A_48 = arith.mulf %slice3A_46, %mul3A_47 : vector<2048x64xf32>
    %swap3A_49 = arith.constant 1 : index
    %swap3A_50 = arith.constant 1 : index
    %swap3A_51 = arith.constant 0 : index
    %swap3A_52 = arith.constant 0 : index
    %swap3A_53 = vector.load %arg4[%swap3A_49, %swap3A_50, %swap3A_51, %swap3A_52] : memref<2x2x2048x64xf32, #tpu.memory_space<vmem>>, vector<1x1x2048x64xf32>
    %swap3A_54 = vector.shape_cast %swap3A_53 : vector<1x1x2048x64xf32> to vector<2048x64xf32>
    %swap3A_55 = vector.shape_cast %mul3A_48 : vector<2048x64xf32> to vector<1x1x2048x64xf32>
    tpu.vector_store %arg4[%swap3A_49, %swap3A_50, %swap3A_51, %swap3A_52], %swap3A_55 {strides = array<i32>} : memref<2x2x2048x64xf32, #tpu.memory_space<vmem>>, vector<1x1x2048x64xf32>,
    return
  }
  func.func @transform_0(%arg0: i32) -> (i32, i32) {
    %c0_i32 = arith.constant 0 : i32
    %c0_i32_0 = arith.constant 0 : i32
    return %arg0, %c0_i32 : i32, i32
  }
  func.func @transform_1(%arg0: i32) -> (i32, i32) {
    %c0_i32 = arith.constant 0 : i32
    %c0_i32_0 = arith.constant 0 : i32
    %c0_i32_1 = arith.constant 0 : i32
    return %c0_i32, %c0_i32_0 : i32, i32
  }
  func.func @transform_2(%arg0: i32) -> (i32, i32) {
    %c0_i32 = arith.constant 0 : i32
    %c0_i32_0 = arith.constant 0 : i32
    return %c0_i32, %arg0 : i32, i32
  }
  func.func @transform_3(%arg0: i32) -> (i32, i32, i32, i32) {
    %c0_i32 = arith.constant 0 : i32
    %c0_i32_0 = arith.constant 0 : i32
    %c0_i32_1 = arith.constant 0 : i32
    %c0_i32_2 = arith.constant 0 : i32
    return %c0_i32, %c0_i32_0, %arg0, %c0_i32_1 : i32, i32, i32, i32
  }
  func.func @transform_4(%arg0: i32) -> (i32, i32) {
    %c0_i32 = arith.constant 0 : i32
    %c0_i32_0 = arith.constant 0 : i32
    return %c0_i32, %arg0 : i32, i32
  }
}

module attributes {stable_mosaic.version = 14 : i64} {
  func.func @_tc_c_body(%arg0: i32, %arg1: memref<2x2x2048x64xf32, #tpu.memory_space<vmem>>, %arg2: memref<4x2048xf32, #tpu.memory_space<vmem>>, %arg3: memref<1x128xf32, #tpu.memory_space<vmem>>, %arg4: memref<1x128xf32, #tpu.memory_space<vmem>>, %arg5: memref<128x128xf32, #tpu.memory_space<vmem>>, %arg6: memref<2x2048x64xf32, #tpu.memory_space<vmem>>) attributes {dimension_semantics = [#tpu.dimension_semantics<arbitrary>], iteration_bounds = array<i64: 5>, scalar_prefetch = 0 : i64, scratch_operands = 0 : i64, tpu.core_type = #tpu.core_type<tc>, window_params = [{transform_indices = @transform_0, window_bounds = array<i64: 2, 2, 2048, 64>}, {transform_indices = @transform_1, window_bounds = array<i64: 4, 2048>}, {pipeline_mode = #tpu.pipeline_mode<synchronous>, transform_indices = @transform_2, window_bounds = array<i64: 1, 128>}, {pipeline_mode = #tpu.pipeline_mode<synchronous>, transform_indices = @transform_3, window_bounds = array<i64: 1, 128>}, {pipeline_mode = #tpu.pipeline_mode<synchronous>, transform_indices = @transform_4, window_bounds = array<i64: 128, 128>}, {transform_indices = @transform_5, window_bounds = array<i64: 2, 2048, 64>}]} {
    %get3A = arith.constant 1 : index
    %get3A_0 = arith.constant 0 : index
    %get3A_1 = vector.load %arg2[%get3A, %get3A_0] : memref<4x2048xf32, #tpu.memory_space<vmem>>, vector<1x2048xf32>
    %get3A_2 = vector.shape_cast %get3A_1 : vector<1x2048xf32> to vector<2048xf32>
    %broadcast_in_dim3A = vector.shape_cast %get3A_2 : vector<2048xf32> to vector<2048x1xf32>
    %get3A_3 = arith.constant 3 : index
    %get3A_4 = arith.constant 0 : index
    %get3A_5 = vector.load %arg2[%get3A_3, %get3A_4] : memref<4x2048xf32, #tpu.memory_space<vmem>>, vector<1x2048xf32>
    %get3A_6 = vector.shape_cast %get3A_5 : vector<1x2048xf32> to vector<2048xf32>
    %broadcast_in_dim3A_7 = vector.shape_cast %get3A_6 : vector<2048xf32> to vector<2048x1xf32>
    %get3A_8 = arith.constant 0 : index
    %get3A_9 = arith.constant 0 : index
    %get3A_10 = vector.load %arg2[%get3A_8, %get3A_9] : memref<4x2048xf32, #tpu.memory_space<vmem>>, vector<1x2048xf32>
    %get3A_11 = vector.shape_cast %get3A_10 : vector<1x2048xf32> to vector<2048xf32>
    %broadcast_in_dim3A_12 = vector.shape_cast %get3A_11 : vector<2048xf32> to vector<2048x1xf32>
    %get3A_13 = arith.constant 0 : index
    %get3A_14 = arith.constant 0 : index
    %get3A_15 = arith.constant 0 : index
    %get3A_16 = arith.constant 0 : index
    %get3A_17 = vector.load %arg1[%get3A_13, %get3A_14, %get3A_15, %get3A_16] : memref<2x2x2048x64xf32, #tpu.memory_space<vmem>>, vector<1x1x2048x64xf32>
    %get3A_18 = vector.shape_cast %get3A_17 : vector<1x1x2048x64xf32> to vector<2048x64xf32>
    %get3A_19 = arith.constant 0 : index
    %get3A_20 = arith.constant 1 : index
    %get3A_21 = arith.constant 0 : index
    %get3A_22 = arith.constant 0 : index
    %get3A_23 = vector.load %arg1[%get3A_19, %get3A_20, %get3A_21, %get3A_22] : memref<2x2x2048x64xf32, #tpu.memory_space<vmem>>, vector<1x1x2048x64xf32>
    %get3A_24 = vector.shape_cast %get3A_23 : vector<1x1x2048x64xf32> to vector<2048x64xf32>
    %concatenate3A = tpu.concatenate %get3A_18, %get3A_24 in 1 : vector<2048x64xf32>, vector<2048x64xf32> -> vector<2048x128xf32>
    %get3A_25 = arith.constant 1 : index
    %get3A_26 = arith.constant 0 : index
    %get3A_27 = arith.constant 0 : index
    %get3A_28 = arith.constant 0 : index
    %get3A_29 = vector.load %arg1[%get3A_25, %get3A_26, %get3A_27, %get3A_28] : memref<2x2x2048x64xf32, #tpu.memory_space<vmem>>, vector<1x1x2048x64xf32>
    %get3A_30 = vector.shape_cast %get3A_29 : vector<1x1x2048x64xf32> to vector<2048x64xf32>
    %get3A_31 = arith.constant 1 : index
    %get3A_32 = arith.constant 1 : index
    %get3A_33 = arith.constant 0 : index
    %get3A_34 = arith.constant 0 : index
    %get3A_35 = vector.load %arg1[%get3A_31, %get3A_32, %get3A_33, %get3A_34] : memref<2x2x2048x64xf32, #tpu.memory_space<vmem>>, vector<1x1x2048x64xf32>
    %get3A_36 = vector.shape_cast %get3A_35 : vector<1x1x2048x64xf32> to vector<2048x64xf32>
    %concatenate3A_37 = tpu.concatenate %get3A_30, %get3A_36 in 1 : vector<2048x64xf32>, vector<2048x64xf32> -> vector<2048x128xf32>
    %mul3A = vector.broadcast %broadcast_in_dim3A : vector<2048x1xf32> to vector<2048x128xf32>
    %mul3A_38 = arith.mulf %concatenate3A, %mul3A : vector<2048x128xf32>
    %get3A_39 = arith.constant 0 : index
    %get3A_40 = arith.constant 0 : index
    %get3A_41 = vector.load %arg3[%get3A_39, %get3A_40] : memref<1x128xf32, #tpu.memory_space<vmem>>, vector<1x128xf32>
    %add3A = vector.broadcast %get3A_41 : vector<1x128xf32> to vector<2048x128xf32>
    %add3A_42 = arith.addf %mul3A_38, %add3A : vector<2048x128xf32>
    %max3A = arith.constant 0.000000e+00 : f32
    %max3A_43 = vector.broadcast %max3A : f32 to vector<2048x128xf32>
    %max3A_44 = arith.maximumf %add3A_42, %max3A_43 : vector<2048x128xf32>
    %mul3A_45 = vector.broadcast %broadcast_in_dim3A_7 : vector<2048x1xf32> to vector<2048x128xf32>
    %mul3A_46 = arith.mulf %concatenate3A_37, %mul3A_45 : vector<2048x128xf32>
    %get3A_47 = arith.constant 0 : index
    %get3A_48 = arith.constant 0 : index
    %get3A_49 = vector.load %arg4[%get3A_47, %get3A_48] : memref<1x128xf32, #tpu.memory_space<vmem>>, vector<1x128xf32>
    %add3A_50 = vector.broadcast %get3A_49 : vector<1x128xf32> to vector<2048x128xf32>
    %add3A_51 = arith.addf %mul3A_46, %add3A_50 : vector<2048x128xf32>
    %max3A_52 = arith.constant 0.000000e+00 : f32
    %max3A_53 = vector.broadcast %max3A_52 : f32 to vector<2048x128xf32>
    %max3A_54 = arith.maximumf %add3A_51, %max3A_53 : vector<2048x128xf32>
    %add3A_55 = arith.addf %max3A_44, %max3A_54 : vector<2048x128xf32>
    %get3A_56 = arith.constant 0 : index
    %get3A_57 = arith.constant 0 : index
    %get3A_58 = vector.load %arg5[%get3A_56, %get3A_57] : memref<128x128xf32, #tpu.memory_space<vmem>>, vector<128x128xf32>
    %dot_general3A = arith.constant dense<0.000000e+00> : vector<2048x128xf32>
    %dot_general3A_59 = tpu.matmul %add3A_55, %get3A_58, %dot_general3A {dimension_numbers = #tpu.dot_dimension_numbers<[1], [0], [0], [1], [0, 0, 1, 1], [], []>, transpose_lhs_hint = false} : vector<2048x128xf32>, vector<128x128xf32>, vector<2048x128xf32> -> vector<2048x128xf32>
    %mul3A_60 = vector.broadcast %broadcast_in_dim3A_12 : vector<2048x1xf32> to vector<2048x128xf32>
    %mul3A_61 = arith.mulf %dot_general3A_59, %mul3A_60 : vector<2048x128xf32>
    %slice3A = vector.extract_strided_slice %mul3A_61 {offsets = [0, 0], sizes = [2048, 64], strides = [1, 1]} : vector<2048x128xf32> to vector<2048x64xf32>
    %swap3A = arith.constant 0 : index
    %swap3A_62 = arith.constant 0 : index
    %swap3A_63 = arith.constant 0 : index
    %swap3A_64 = vector.load %arg6[%swap3A, %swap3A_62, %swap3A_63] : memref<2x2048x64xf32, #tpu.memory_space<vmem>>, vector<1x2048x64xf32>
    %swap3A_65 = vector.shape_cast %swap3A_64 : vector<1x2048x64xf32> to vector<2048x64xf32>
    %swap3A_66 = vector.shape_cast %slice3A : vector<2048x64xf32> to vector<1x2048x64xf32>
    tpu.vector_store %arg6[%swap3A, %swap3A_62, %swap3A_63], %swap3A_66 {strides = array<i32>} : memref<2x2048x64xf32, #tpu.memory_space<vmem>>, vector<1x2048x64xf32>,
    %slice3A_67 = vector.extract_strided_slice %mul3A_61 {offsets = [0, 64], sizes = [2048, 64], strides = [1, 1]} : vector<2048x128xf32> to vector<2048x64xf32>
    %swap3A_68 = arith.constant 1 : index
    %swap3A_69 = arith.constant 0 : index
    %swap3A_70 = arith.constant 0 : index
    %swap3A_71 = vector.load %arg6[%swap3A_68, %swap3A_69, %swap3A_70] : memref<2x2048x64xf32, #tpu.memory_space<vmem>>, vector<1x2048x64xf32>
    %swap3A_72 = vector.shape_cast %swap3A_71 : vector<1x2048x64xf32> to vector<2048x64xf32>
    %swap3A_73 = vector.shape_cast %slice3A_67 : vector<2048x64xf32> to vector<1x2048x64xf32>
    tpu.vector_store %arg6[%swap3A_68, %swap3A_69, %swap3A_70], %swap3A_73 {strides = array<i32>} : memref<2x2048x64xf32, #tpu.memory_space<vmem>>, vector<1x2048x64xf32>,
    return
  }
  func.func @transform_0(%arg0: i32) -> (i32, i32, i32, i32) {
    %c0_i32 = arith.constant 0 : i32
    %c0_i32_0 = arith.constant 0 : i32
    %c0_i32_1 = arith.constant 0 : i32
    %c0_i32_2 = arith.constant 0 : i32
    return %c0_i32, %c0_i32_0, %arg0, %c0_i32_1 : i32, i32, i32, i32
  }
  func.func @transform_1(%arg0: i32) -> (i32, i32) {
    %c0_i32 = arith.constant 0 : i32
    %c0_i32_0 = arith.constant 0 : i32
    return %c0_i32, %arg0 : i32, i32
  }
  func.func @transform_2(%arg0: i32) -> (i32, i32) {
    %c0_i32 = arith.constant 0 : i32
    %c0_i32_0 = arith.constant 0 : i32
    %c0_i32_1 = arith.constant 0 : i32
    return %c0_i32, %c0_i32_0 : i32, i32
  }
  func.func @transform_3(%arg0: i32) -> (i32, i32) {
    %c0_i32 = arith.constant 0 : i32
    %c0_i32_0 = arith.constant 0 : i32
    %c0_i32_1 = arith.constant 0 : i32
    return %c0_i32, %c0_i32_0 : i32, i32
  }
  func.func @transform_4(%arg0: i32) -> (i32, i32) {
    %c0_i32 = arith.constant 0 : i32
    %c0_i32_0 = arith.constant 0 : i32
    %c0_i32_1 = arith.constant 0 : i32
    return %c0_i32, %c0_i32_0 : i32, i32
  }
  func.func @transform_5(%arg0: i32) -> (i32, i32, i32) {
    %c0_i32 = arith.constant 0 : i32
    %c0_i32_0 = arith.constant 0 : i32
    %c0_i32_1 = arith.constant 0 : i32
    return %c0_i32, %arg0, %c0_i32_0 : i32, i32, i32
  }
}

module attributes {stable_mosaic.version = 14 : i64} {
  func.func @_tc_e_body(%arg0: i32, %arg1: memref<2x2x2048x64xf32, #tpu.memory_space<vmem>>, %arg2: memref<4x2048xf32, #tpu.memory_space<vmem>>, %arg3: memref<1x128xf32, #tpu.memory_space<vmem>>, %arg4: memref<2048x128xf32, #tpu.memory_space<vmem>>) attributes {dimension_semantics = [#tpu.dimension_semantics<arbitrary>], iteration_bounds = array<i64: 5>, scalar_prefetch = 0 : i64, scratch_operands = 0 : i64, tpu.core_type = #tpu.core_type<tc>, window_params = [{transform_indices = @transform_0, window_bounds = array<i64: 2, 2, 2048, 64>}, {transform_indices = @transform_1, window_bounds = array<i64: 4, 2048>}, {pipeline_mode = #tpu.pipeline_mode<synchronous>, transform_indices = @transform_2, window_bounds = array<i64: 1, 128>}, {transform_indices = @transform_3, window_bounds = array<i64: 2048, 128>}]} {
    %get3A = arith.constant 1 : index
    %get3A_0 = arith.constant 0 : index
    %get3A_1 = vector.load %arg2[%get3A, %get3A_0] : memref<4x2048xf32, #tpu.memory_space<vmem>>, vector<1x2048xf32>
    %get3A_2 = vector.shape_cast %get3A_1 : vector<1x2048xf32> to vector<2048xf32>
    %broadcast_in_dim3A = vector.shape_cast %get3A_2 : vector<2048xf32> to vector<2048x1xf32>
    %get3A_3 = arith.constant 0 : index
    %get3A_4 = arith.constant 0 : index
    %get3A_5 = arith.constant 0 : index
    %get3A_6 = arith.constant 0 : index
    %get3A_7 = vector.load %arg1[%get3A_3, %get3A_4, %get3A_5, %get3A_6] : memref<2x2x2048x64xf32, #tpu.memory_space<vmem>>, vector<1x2x2048x64xf32>
    %get3A_8 = vector.shape_cast %get3A_7 : vector<1x2x2048x64xf32> to vector<2x2048x64xf32>
    %get3A_9 = arith.constant 1 : index
    %get3A_10 = arith.constant 0 : index
    %get3A_11 = arith.constant 0 : index
    %get3A_12 = arith.constant 0 : index
    %get3A_13 = vector.load %arg1[%get3A_9, %get3A_10, %get3A_11, %get3A_12] : memref<2x2x2048x64xf32, #tpu.memory_space<vmem>>, vector<1x2x2048x64xf32>
    %get3A_14 = vector.shape_cast %get3A_13 : vector<1x2x2048x64xf32> to vector<2x2048x64xf32>
    %add3A = arith.addf %get3A_8, %get3A_14 : vector<2x2048x64xf32>
    %slice3A = vector.extract_strided_slice %add3A {offsets = [0, 0, 0], sizes = [1, 2048, 64], strides = [1, 1, 1]} : vector<2x2048x64xf32> to vector<1x2048x64xf32>
    %squeeze3A = vector.shape_cast %slice3A : vector<1x2048x64xf32> to vector<2048x64xf32>
    %slice3A_15 = vector.extract_strided_slice %add3A {offsets = [1, 0, 0], sizes = [1, 2048, 64], strides = [1, 1, 1]} : vector<2x2048x64xf32> to vector<1x2048x64xf32>
    %squeeze3A_16 = vector.shape_cast %slice3A_15 : vector<1x2048x64xf32> to vector<2048x64xf32>
    %concatenate3A = tpu.concatenate %squeeze3A, %squeeze3A_16 in 1 : vector<2048x64xf32>, vector<2048x64xf32> -> vector<2048x128xf32>
    %mul3A = vector.broadcast %broadcast_in_dim3A : vector<2048x1xf32> to vector<2048x128xf32>
    %mul3A_17 = arith.mulf %concatenate3A, %mul3A : vector<2048x128xf32>
    %get3A_18 = arith.constant 0 : index
    %get3A_19 = arith.constant 0 : index
    %get3A_20 = vector.load %arg3[%get3A_18, %get3A_19] : memref<1x128xf32, #tpu.memory_space<vmem>>, vector<1x128xf32>
    %add3A_21 = vector.broadcast %get3A_20 : vector<1x128xf32> to vector<2048x128xf32>
    %add3A_22 = arith.addf %mul3A_17, %add3A_21 : vector<2048x128xf32>
    %swap3A = arith.constant 0 : index
    %swap3A_23 = arith.constant 0 : index
    %swap3A_24 = vector.load %arg4[%swap3A, %swap3A_23] : memref<2048x128xf32, #tpu.memory_space<vmem>>, vector<2048x128xf32>
    tpu.vector_store %arg4[%swap3A, %swap3A_23], %add3A_22 {strides = array<i32>} : memref<2048x128xf32, #tpu.memory_space<vmem>>, vector<2048x128xf32>,
    return
  }
  func.func @transform_0(%arg0: i32) -> (i32, i32, i32, i32) {
    %c0_i32 = arith.constant 0 : i32
    %c0_i32_0 = arith.constant 0 : i32
    %c0_i32_1 = arith.constant 0 : i32
    %c0_i32_2 = arith.constant 0 : i32
    return %c0_i32, %c0_i32_0, %arg0, %c0_i32_1 : i32, i32, i32, i32
  }
  func.func @transform_1(%arg0: i32) -> (i32, i32) {
    %c0_i32 = arith.constant 0 : i32
    %c0_i32_0 = arith.constant 0 : i32
    return %c0_i32, %arg0 : i32, i32
  }
  func.func @transform_2(%arg0: i32) -> (i32, i32) {
    %c0_i32 = arith.constant 0 : i32
    %c0_i32_0 = arith.constant 0 : i32
    %c0_i32_1 = arith.constant 0 : i32
    return %c0_i32, %c0_i32_0 : i32, i32
  }
  func.func @transform_3(%arg0: i32) -> (i32, i32) {
    %c0_i32 = arith.constant 0 : i32
    %c0_i32_0 = arith.constant 0 : i32
    return %arg0, %c0_i32 : i32, i32
  }
}

</mosaic_0001>

<sc_bundles>
// kernel: kernel.11.cloned.1.call-start
scs
__scs_entry_jumppad:
0x0: {  	(pc) =	sbr.rel $0x88, $3  }
0x1: {  	(tag) =	ssettag $0x0;
	lr =	simm.s32 $0x1  }
0x2: {  	[smem:$0x3F98] =	sst lr;
	_ =	strace $0xD0000000  }
0x3: {  	_ = 	snop  }
0x4: {  	_ = 	snop  }
0x5: {  	_ = 	snop  }
0x6: {  	_ = 	snop  }
0x7: {  	_ = 	snop  }
__scs_overlays_trampoline_lowered:
0x8: {  	[smem:$0x3FA7] =	sst s0  }
0x9: {  	[smem:$0x3FA8] =	sst s1  }
0xa: {  	[smem:$0x3FA9] =	sst s2  }
0xb: {  	[smem:$0x3FAA] =	sst s3  }
0xc: {  	[smem:$0x3FAB] =	sst s4  }
0xd: {  	[smem:$0x3FAC] =	sst s5  }
0xe: {  	[smem:$0x3FAD] =	sst s6  }
0xf: {  	[smem:$0x3FAE] =	sst s7  }
0x10: {  	[smem:$0x3FAF] =	sst s8  }
0x11: {  	[smem:$0x3FB0] =	sst s9;
	s0 =	simm.s32 @!p0 $0x0  }
0x12: {  	s1 =	sld [smem:$0x3F96];
	s0 =	simm.s32 @p0 $0x1  }
0x13: {  	[smem:$0x3FB1] =	sst s0;
	s0 =	simm.s32 @!p1 $0x0  }
0x14: {  	s2 =	sld [smem:$0x3F95];
	s0 =	simm.s32 @p1 $0x1  }
0x15: {  	[smem:$0x3FB2] =	sst s0;
	s0 =	simm.s32 @!p2 $0x0  }
0x16: {  	s3 =	sld [smem:$0x3FDB];
	s0 =	simm.s32 @p2 $0x1  }
0x17: {  	s4 =	simm.s32 $0x1BF5;
	[smem:$0x3FB4] =	sst s0  }
0x18: {  	s0 =	sld [smem:$0x3F97];
	_ =	swait.ge [sflag:s4], $0x0  }
0x19: {  	s7 =	sld [smem:$0x3F98]  }
0x1a: {  	s8 =	sadd.s32 $0xFFFFE003, lr  }
0x1b: {  	s9 =	sadd.s32 $0xFFFFFEF7, lr;
	s5 =	simm.s32 $0xFFFFFFFF;
	p2 =	slt.u32 s8, $0xFFFFF086  }
0x1c: {  	p1 =	slt.u32 s9, $0xF7A;
	s5 =	simm.s32 @!p2 $0x0  }
0x1d: {  	s5 =	simm.s32 @p1 $0x1;
	p0 =	seq.s32 s7, s2  }
0x1e: {  	s7 =	smul.u32 @!p0 $0xF7A, s2;
	p2 =	seq.s32 @!p0 s5, $0x0  }
0x1f: {  	s9 =	smul.u32 $0xF7A, s1;
	s8 =	simm.s32 @!p0 $0x1BF5;
	p2 =	por !p2, p0  }
0x20: {  	[sflag:s8] =	ssyncset.s32 @!p0 $0xFFFFF086;
	s6 =	sadd.s32 @!p0 s3, s7;
	s7 =	simm.s32 @!p0 $0x108  }
0x21: {  	s3 =	sadd.s32 s3, s9;
	s6 =	sadd.s32 @!p0 $0x88, s6;
	s7 =	simm.s32 @p2 $0x1082  }
0x22: {  	[simem:s7], [sflag:s8] =	dma.local @!p0 [hbm:s6], $0xF7A  }
0x23: {  	s9 =	sor.u32 $0xD0000000, s2;
	s6 =	simm.s32 $0x108;
	_ =	swait.ge @!p0 [sflag:s8], $0x0  }
0x24: {  	s3 =	sadd.s32 $0x88, s3;
	s6 =	simm.s32 @!p1 $0x1082;
	[sflag:s4] =	ssyncset.s32 $0xFFFFF086  }
0x25: {  	[simem:s6], [sflag:s4] =	dma.local [hbm:s3], $0xF7A  }
0x26: {  	[smem:$0x3F98] =	sst s1;
	(tag) =	ssettag s2;
	_ =	strace s9  }
0x27: {  	s1 =	sld [smem:$0x3FA8]  }
0x28: {  	s2 =	sld [smem:$0x3FA9]  }
0x29: {  	s4 =	sld [smem:$0x3FAB]  }
0x2a: {  	p0 =	seq.s32 s5, $0x0;
	s5 =	sld [smem:$0x3FAC]  }
0x2b: {  	s6 =	sld [smem:$0x3FAD]  }
0x2c: {  	s7 =	sld [smem:$0x3FAE]  }
0x2d: {  	s3 =	simm.s32 $0x108;
	s8 =	sld [smem:$0x3FAF]  }
0x2e: {  	s3 =	simm.s32 @!p0 $0x1082;
	s9 =	sld [smem:$0x3FB0]  }
0x2f: {  	lr =	sadd.s32 s0, s3;
	s0 =	sld [smem:$0x3FA7]  }
0x30: {  	s3 =	sld [smem:$0x3FAA]  }
0x31: {  	[smem:$0x3FB3] =	sst s10  }
0x32: {  	s10 =	sld [smem:$0x3FB1];
	_ =	sdelay $0x3  }
0x33: {  	p0 =	seq.s32 s10, $0x1;
	s10 =	sld [smem:$0x3FB3];
	_ =	sdelay $0x3  }
0x34: {  	[smem:$0x3FB3] =	sst s10  }
0x35: {  	s10 =	sld [smem:$0x3FB2];
	_ =	sdelay $0x3  }
0x36: {  	p1 =	seq.s32 s10, $0x1;
	s10 =	sld [smem:$0x3FB3];
	_ =	sdelay $0x3  }
0x37: {  	[smem:$0x3FB3] =	sst s10  }
0x38: {  	s10 =	sld [smem:$0x3FB4]  }
0x39: {  	_ = 	snop;
	(pc) =	sbr.ind lr, $3  }
0x3a: {  	_ = 	snop  }
0x3b: {  	_ = 	snop  }
0x3c: {  	p2 =	seq.s32 s10, $0x1;
	s10 =	sld [smem:$0x3FB3]  }
0x3d: {  	_ =	shalt  }
0x3e: {  	_ =	shalt  }
0x3f: {  	_ =	shalt  }
0x40: {  	_ =	shalt  }
0x41: {  	_ =	shalt  }
0x42: {  	_ =	shalt  }
0x43: {  	_ =	shalt  }
0x44: {  	_ =	shalt  }
0x45: {  	_ =	shalt  }
0x46: {  	_ =	shalt  }
0x47: {  	_ =	shalt  }
0x48: {  	_ =	shalt  }
0x49: {  	_ =	shalt  }
0x4a: {  	_ =	shalt  }
0x4b: {  	_ =	shalt  }
0x4c: {  	_ =	shalt  }
0x4d: {  	_ =	shalt  }
0x4e: {  	_ =	shalt  }
0x4f: {  	_ =	shalt  }
0x50: {  	_ =	shalt  }
0x51: {  	_ =	shalt  }
0x52: {  	_ =	shalt  }
0x53: {  	_ =	shalt  }
0x54: {  	_ =	shalt  }
0x55: {  	_ =	shalt  }
0x56: {  	_ =	shalt  }
0x57: {  	_ =	shalt  }
0x58: {  	_ =	shalt  }
0x59: {  	_ =	shalt  }
0x5a: {  	_ =	shalt  }
0x5b: {  	_ =	shalt  }
0x5c: {  	_ =	shalt  }
0x5d: {  	_ =	shalt  }
0x5e: {  	_ =	shalt  }
0x5f: {  	_ =	shalt  }
0x60: {  	_ =	shalt  }
0x61: {  	_ =	shalt  }
0x62: {  	_ =	shalt  }
0x63: {  	_ =	shalt  }
0x64: {  	_ =	shalt  }
0x65: {  	_ =	shalt  }
0x66: {  	_ =	shalt  }
0x67: {  	_ =	shalt  }
0x68: {  	_ =	shalt  }
0x69: {  	_ =	shalt  }
0x6a: {  	_ =	shalt  }
0x6b: {  	_ =	shalt  }
0x6c: {  	_ =	shalt  }
0x6d: {  	_ =	shalt  }
0x6e: {  	_ =	shalt  }
0x6f: {  	_ =	shalt  }
0x70: {  	_ =	shalt  }
0x71: {  	_ =	shalt  }
0x72: {  	_ =	shalt  }
0x73: {  	_ =	shalt  }
0x74: {  	_ =	shalt  }
0x75: {  	_ =	shalt  }
0x76: {  	_ =	shalt  }
0x77: {  	_ =	shalt  }
0x78: {  	_ =	shalt  }
0x79: {  	_ =	shalt  }
0x7a: {  	_ =	shalt  }
0x7b: {  	_ =	shalt  }
0x7c: {  	_ =	shalt  }
0x7d: {  	_ =	shalt  }
0x7e: {  	_ =	shalt  }
0x7f: {  	_ =	shalt  }
0x80: {  	_ =	shalt  }
0x81: {  	_ =	shalt  }
0x82: {  	_ =	shalt  }
0x83: {  	_ =	shalt  }
0x84: {  	_ =	shalt  }
0x85: {  	_ =	shalt  }
0x86: {  	_ =	shalt  }
0x87: {  	_ =	shalt  }
.Lfunc_end0:
.L_simem_size_0:
called_computation.1_lowered:
.L_overlay_start_0:
0x88: {  	s2 =	sld [smem:$0x3FD9]  }
0x89: {  	s3 =	sld [smem:$0x3FFE];
	_ =	sdelay $0x1  }
0x8a: {  	s1 =	srdreg.scid  }
0x8b: {  	s0 =	sand.u32 $0x1, s1  }
0x8c: {  	s16 =	sshll.u32 s0, $0xA;
	s2 =	sadd.s32 s3, s2  }
0x8d: {  	s2 =	sadd.s32 s2, s16  }
0x8e: {  	[smem:$0x3FBF] =	sst s2  }
0x8f: {  	_ = 	snop  }
0x90: {  	(tm) =	ssettm $0x1  }
0x91: {  	s17 =	sld [smem:$0x3FFB];
	_ =	sdelay $0x3  }
0x92: {  	_ =	strace s17  }
0x93: {  	s2 =	sld [smem:$0x3FFC];
	_ =	sdelay $0x3  }
0x94: {  	_ =	strace s2  }
0x95: {  	s2 =	sld [smem:$0x3FFD];
	_ =	sdelay $0x3  }
0x96: {  	_ =	strace s2  }
0x97: {  	_ =	strace $0x8FFFFFFF  }
0x98: {  	s18 =	sld [smem:$0x3FDB];
	_ =	sdelay $0x1  }
0x99: {  	s19 =	simm.s32 $_scs_section_size  }
0x9a: {  	s4 =	simm.s32 $_size__tile_overlayer_lowered;
	s5 =	simm.s32 $_tile_overlayer_lowered  }
0x9b: {  	s22 =	simm.s32 $0x1BFF;
	s21 =	sshll.u32 s5, $0x1;
	s2 =	sadd.s32 s19, s18  }
0x9c: {  	s6 =	simm.s32 $0x0;
	s20 =	sshll.u32 s4, $0x1;
	s4 =	sadd.s32 s21, s2  }
0x9d: {  	[timem:s6], [sflag:s22] =	dma.local [hbm:s4], s20  }
0x9e: {  	_ =	swait.ge [sflag:s22], s20  }
0x9f: {  	s3 =	ssub.s32 $0x0, s20;
	[sflag:s22] =	ssyncset.done $0x0  }
0xa0: {  	[sflag:s22] =	ssyncadd.s32 s3;
	_ =	sdelay $0x1  }
0xa1: {  	s23 =	simm.s32 $0x1B8B  }
0xa2: {  	_ =	swait.ge [sflag:s23], $0x1  }
0xa3: {  	[sflag:s23] =	ssyncset.done $0x0  }
0xa4: {  	s25 =	simm.s32 $0x1B8E;
	s24 =	sld [smem:$0x3FFE];
	[sflag:s23] =	ssyncadd.s32 $0xFFFFFFFF  }
0xa5: {  	s26 =	simm.s32 $execute0_lowered;
	[smem:$0x3FD2] =	sst s25  }
0xa6: {  	s4 =	sshll.u32 s26, $0x1;
	_ =	strace $0x80000049;
	[dreg:$0x1] =	wrdreg $0xFFFFFFFF  }
0xa7: {  	s28 =	simm.s32 $_size_execute0_lowered;
	s2 =	sadd.s32 s2, s4;
	[dreg:$0x0] =	wrdreg $0x0  }
0xa8: {  	s4 =	sshll.u32 s28, $0x1;
	[dreg:$0x2] =	wrdreg s2  }
0xa9: {  	[dreg:$0x3] =	wrdreg s4  }
0xaa: {  	[dreg:$0x4] =	wrdreg $0xC0  }
0xab: {  	_ =	task [dreg:s6], $0x5FFFF  }
0xac: {  	[dreg:$0x1] =	wrdreg $0xFFFFFFFF  }
0xad: {  	[dreg:$0x0] =	wrdreg $0x60  }
0xae: {  	[dreg:$0x2] =	wrdreg s24  }
0xaf: {  	[dreg:$0x3] =	wrdreg $0x50000  }
0xb0: {  	[dreg:$0x4] =	wrdreg $0x9  }
0xb1: {  	_ =	task.clear_ibuf [dreg:s6], $0x5FFFF;
	_ =	strace $0x90000049  }
0xb2: {  	s29 =	simm.s32 $0x9;
	_ =	strace $0x8000004B  }
0xb3: {  	_ =	swait.ge [sflag:s29], $0x1  }
0xb4: {  	[sflag:s29] =	ssyncadd.s32 $0xFFFFFFFF  }
0xb5: {  	_ =	strace $0x9000004B  }
0xb6: {  	_ =	sfence  }
0xb7: {  	s30 =	sld [smem:$0x0];
	_ =	sdelay $0x2  }
0xb8: {  	s31 =	sshll.u32 s1, $0xD;
	s1 =	sshrl.u32 s1, $0x2  }
0xb9: {  	s3 =	sand.u32 $0x4000, s31;
	s1 =	sadd.s32 s1, s30  }
0xba: {  	s0 =	sor.u32 s3, s0;
	s1 =	sshll.u32 s1, $0x11  }
0xbb: {  	s0 =	sor.u32 s1, s0  }
0xbc: {  	s0 =	sadd.s32 $0x8F2B, s0  }
0xbd: {  	[sflag:s0] =	ssyncadd.remote.s32 $0x1  }
0xbe: {  	_ =	sfence.sel $0xFFFF  }
0xbf: {  	[dreg:$0x0] =	wrdreg $0xFFFFFFFF;
	(pc) =	sbr.abs _section_cstart, $3  }
0xc0: {  	[dreg:$0x1] =	wrdreg $0xFFFFFFFF  }
0xc1: {  	_ =	task.clear_ibuf [dreg:s6], $0x2FFFF;
	_ =	strace $0x9FFFFFFF  }
0xc2: {  	(tm) =	ssettm $0x7FFFFFFF  }
0xc3: {  	_ =	shalt  }
tec
execute0_lowered:
.L_overlay_start_1:
0x0: {  	(tag) =	ssettag $0x1  }
0x1: {  	s0 =	rddreg [dreg:$0x0]  }
0x2: {  	s1 =	rddreg [dreg:$0x1];
	s15 =	stileid.u32  }
0x3: {  	s3 =	srdreg.scid;
	s2 =	simm.s32 $0x0;
	s9 =	smul.u32 $0xA000, s15  }
0x4: {  	s31 =	simm.s32 $0x3000;
	s3 =	sand.u32 $0x1, s3;
	s16 =	smul.u32 $0x28000, s15  }
0x5: {  	[smem:$0x7FF] =	sst s2;
	s6 =	sadd.s32 $0x118E00, s0;
	s4 =	smul.u32 $0x14000, s3  }
0x6: {  	s30 =	sadd.s32 $0x1600, s0;
	s5 =	smul.u32 $0x28000, s3;
	s7 =	ssub.s32 $0x2, s3  }
0x7: {  	_ =	strace $0x8000004A;
	s3 =	smul.u32 $0x140000, s3;
	s10 =	sshrl.u32 s7, $0x1  }
0x8: {  	s11 =	sadd.s32 $0x2000, s9;
	s13 =	sadd.s32 $0x4000, s9;
	s20 =	sadd.s32 $0x6000, s9  }
0x9: {  	s23 =	sadd.s32 $0x8000, s9;
	s26 =	sshrl.u32 s16, $0x2;
	s16 =	simm.s32 $0x4  }
0xa: {  	s8 =	sadd.s32 s4, s0;
	s0 =	sadd.s32 $0x78E00, s0;
	s12 =	sadd.s32 s6, s5  }
0xb: {  	s4 =	sshrl.u32 s9, $0x3;
	s10 =	ssub.s32 s7, s10;
	s7 =	sadd.s32 s9, s1  }
0xc: {  	s14 =	sshrl.u32 s11, $0x3;
	s18 =	sshrl.u32 s13, $0x3;
	s11 =	sadd.s32 s11, s1  }
0xd: {  	s13 =	sadd.s32 s13, s1;
	s3 =	sshrl.u32 s3, $0x3;
	[dreg:$0x5] =	wrdreg s14  }
0xe: {  	s21 =	sshrl.u32 s20, $0x3;
	s25 =	sshrl.u32 s23, $0x3;
	[dreg:$0x8] =	wrdreg s11  }
0xf: {  	s9 =	simm.s32 $0x1;
	s17 =	sadd.s32 s4, s12;
	[dreg:$0x7] =	wrdreg s18  }
0x10: {  	s14 =	sadd.s32 s14, s12;
	s19 =	sadd.s32 s18, s12;
	[dreg:$0xa] =	wrdreg s21  }
0x11: {  	s3 =	sadd.s32 $0x14000, s3;
	s5 =	sadd.s32 s0, s5;
	[dreg:$0xc] =	wrdreg s25  }
0x12: {  	s22 =	sadd.s32 s21, s12;
	s24 =	sadd.s32 $0x50E00, s8;
	[dreg:$0x3] =	wrdreg s4  }
0x13: {  	s8 =	sadd.s32 s25, s12;
	s21 =	sadd.s32 s23, s1;
	[dreg:$0x4] =	wrdreg s17  }
0x14: {  	s28 =	smax.u32 s10, $0x1;
	s12 =	simm.s32 $0x2;
	[dreg:$0x6] =	wrdreg s14  }
0x15: {  	s10 =	simm.s32 $0x0;
	[dreg:$0x9] =	wrdreg s19;
	s17 =	smul.u32 $0x1400, s15  }
0x16: {  	s15 =	sadd.s32 s6, s3;
	s0 =	sadd.s32 s0, s3;
	[dreg:$0xb] =	wrdreg s22  }
0x17: {  	s19 =	sadd.s32 s20, s1;
	[dreg:$0xd] =	wrdreg s8;
	s6 =	sadd.s32 s26, s1  }
0x18: {  	[dreg:$0xe] =	wrdreg s28;
	s29 =	sadd.s32 s4, s5;
	s3 =	simm.s32 $0x1000  }
0x19: {  	s8 =	simm.s32 $0x3;
	s22 =	sadd.s32 $0xA0000, s6;
	s23 =	sadd.s32 $0xA2000, s6  }
0x1a: {  	s25 =	sadd.s32 $0xA6000, s6;
	s26 =	sadd.s32 $0xA8000, s6;
	[dreg:$0xf] =	wrdreg s29  }
0x1b: {  	s0 =	sadd.s32 s4, s0;
	s17 =	sadd.s32 s17, s24;
	s24 =	sadd.s32 $0xA4000, s6  }
0x1c: {  	[dreg:$0x10] =	wrdreg s0;
	s0 =	simm.s32 $0x5;
	s6 =	simm.s32 $0x80  }
.LBB2_1:
0x1d: {  	s4 =	rddreg [dreg:$0x4]  }
0x1e: {  	[tilespmem:s31], [sflag:$0x5] =	stream.linear.gather [hbm4b:s4+s2], $0x2000, $0x38;
	[tilespmem:$0x19000] =	vst v63  }
0x1f: {  	_ =	swait.ge [sflag:s0], $0x2000  }
0x20: {  	[sflag:s0] =	ssyncset.done $0x0  }
0x21: {  	[sflag:s0] =	ssyncadd.s32 $0xFFFFE000  }
0x22: {  	[spmem:s7] =	stream.linear.scatter [tilespmem:s31], [sflag:$0x5], $0x2000, $0x38;
	[tilespmem:$0x19000] =	vst v63  }
0x23: {  	_ =	swait.ge [sflag:s0], $0x2000  }
0x24: {  	[sflag:s0] =	ssyncset.done $0x0  }
0x25: {  	s14 =	rddreg [dreg:$0x6];
	[sflag:s0] =	ssyncadd.s32 $0xFFFFE000  }
0x26: {  	[tilespmem:s31], [sflag:$0x5] =	stream.linear.gather [hbm4b:s14+s2], $0x2000, $0x38;
	[tilespmem:$0x19000] =	vst v63  }
0x27: {  	_ =	swait.ge [sflag:s0], $0x2000  }
0x28: {  	[sflag:s0] =	ssyncset.done $0x0  }
0x29: {  	s18 =	rddreg [dreg:$0x8];
	[sflag:s0] =	ssyncadd.s32 $0xFFFFE000  }
0x2a: {  	[spmem:s18] =	stream.linear.scatter [tilespmem:s31], [sflag:$0x5], $0x2000, $0x38;
	[tilespmem:$0x19000] =	vst v63  }
0x2b: {  	_ =	swait.ge [sflag:s0], $0x2000  }
0x2c: {  	[sflag:s0] =	ssyncset.done $0x0  }
0x2d: {  	s20 =	rddreg [dreg:$0x9];
	[sflag:s0] =	ssyncadd.s32 $0xFFFFE000  }
0x2e: {  	[tilespmem:s31], [sflag:$0x5] =	stream.linear.gather [hbm4b:s20+s2], $0x2000, $0x38;
	[tilespmem:$0x19000] =	vst v63  }
0x2f: {  	_ =	swait.ge [sflag:s0], $0x2000  }
0x30: {  	[sflag:s0] =	ssyncset.done $0x0  }
0x31: {  	[sflag:s0] =	ssyncadd.s32 $0xFFFFE000  }
0x32: {  	[spmem:s13] =	stream.linear.scatter [tilespmem:s31], [sflag:$0x5], $0x2000, $0x38;
	[tilespmem:$0x19000] =	vst v63  }
0x33: {  	_ =	swait.ge [sflag:s0], $0x2000  }
0x34: {  	[sflag:s0] =	ssyncset.done $0x0  }
0x35: {  	s28 =	rddreg [dreg:$0xb];
	[sflag:s0] =	ssyncadd.s32 $0xFFFFE000  }
0x36: {  	[tilespmem:s31], [sflag:$0x5] =	stream.linear.gather [hbm4b:s28+s2], $0x2000, $0x38;
	[tilespmem:$0x19000] =	vst v63  }
0x37: {  	_ =	swait.ge [sflag:s0], $0x2000  }
0x38: {  	[sflag:s0] =	ssyncset.done $0x0  }
0x39: {  	[sflag:s0] =	ssyncadd.s32 $0xFFFFE000  }
0x3a: {  	[spmem:s19] =	stream.linear.scatter [tilespmem:s31], [sflag:$0x5], $0x2000, $0x38;
	[tilespmem:$0x19000] =	vst v63  }
0x3b: {  	_ =	swait.ge [sflag:s0], $0x2000  }
0x3c: {  	[sflag:s0] =	ssyncset.done $0x0  }
0x3d: {  	s29 =	rddreg [dreg:$0xd];
	[sflag:s0] =	ssyncadd.s32 $0xFFFFE000  }
0x3e: {  	[tilespmem:s31], [sflag:$0x5] =	stream.linear.gather [hbm4b:s29+s2], $0x2000, $0x38;
	[tilespmem:$0x19000] =	vst v63  }
0x3f: {  	_ =	swait.ge [sflag:s0], $0x2000  }
0x40: {  	[sflag:s0] =	ssyncset.done $0x0  }
0x41: {  	[sflag:s0] =	ssyncadd.s32 $0xFFFFE000  }
0x42: {  	[spmem:s21] =	stream.linear.scatter [tilespmem:s31], [sflag:$0x5], $0x2000, $0x38;
	[tilespmem:$0x19000] =	vst v63  }
0x43: {  	_ =	swait.ge [sflag:s0], $0x2000  }
0x44: {  	[sflag:s0] =	ssyncset.done $0x0  }
0x45: {  	[sflag:s0] =	ssyncadd.s32 $0xFFFFE000  }
0x46: {  	[tilespmem:s3], [sflag:$0x5] =	stream.linear.gather [hbm4b:s30+s2], $0x2000, $0x38;
	[tilespmem:$0x19000] =	vst v63  }
0x47: {  	_ =	swait.ge [sflag:s0], $0x2000  }
0x48: {  	[sflag:s0] =	ssyncset.done $0x0  }
0x49: {  	[sflag:s0] =	ssyncadd.s32 $0xFFFFE000  }
0x4a: {  	[spmem:s22] =	stream.linear.scatter [tilespmem:s3], [sflag:$0x5], $0x2000, $0x38;
	[tilespmem:$0x19000] =	vst v63  }
0x4b: {  	_ =	swait.ge [sflag:s0], $0x2000  }
0x4c: {  	[sflag:s0] =	ssyncset.done $0x0  }
0x4d: {  	[sflag:s0] =	ssyncadd.s32 $0xFFFFE000  }
0x4e: {  	[spmem:s23] =	stream.linear.scatter [tilespmem:s3], [sflag:$0x5], $0x2000, $0x38;
	[tilespmem:$0x19000] =	vst v63  }
0x4f: {  	_ =	swait.ge [sflag:s0], $0x2000  }
0x50: {  	[sflag:s0] =	ssyncset.done $0x0  }
0x51: {  	[sflag:s0] =	ssyncadd.s32 $0xFFFFE000  }
0x52: {  	[spmem:s24] =	stream.linear.scatter [tilespmem:s3], [sflag:$0x5], $0x2000, $0x38;
	[tilespmem:$0x19000] =	vst v63  }
0x53: {  	_ =	swait.ge [sflag:s0], $0x2000  }
0x54: {  	[sflag:s0] =	ssyncset.done $0x0  }
0x55: {  	[sflag:s0] =	ssyncadd.s32 $0xFFFFE000  }
0x56: {  	[spmem:s25] =	stream.linear.scatter [tilespmem:s3], [sflag:$0x5], $0x2000, $0x38;
	[tilespmem:$0x19000] =	vst v63  }
0x57: {  	_ =	swait.ge [sflag:s0], $0x2000  }
0x58: {  	[sflag:s0] =	ssyncset.done $0x0  }
0x59: {  	[sflag:s0] =	ssyncadd.s32 $0xFFFFE000  }
0x5a: {  	[spmem:s26] =	stream.linear.scatter [tilespmem:s3], [sflag:$0x5], $0x2000, $0x38;
	[tilespmem:$0x19000] =	vst v63  }
0x5b: {  	_ =	swait.ge [sflag:s0], $0x2000  }
0x5c: {  	[sflag:s0] =	ssyncset.done $0x0  }
0x5d: {  	[sflag:s0] =	ssyncadd.s32 $0xFFFFE000  }
0x5e: {  	s14 =	simm.s32 $0x0;
	[bflag:$0x0] =	sbarrier.arrive $0xFFFF  }
.LBB2_2:
0x5f: {  	s5 =	sshll.u32 s14, $0x9  }
0x60: {  	s5 =	sadd.s32 s5, s17  }
0x61: {  	[tilespmem:s2], [sflag:$0x5] =	stream.linear.gather [hbm4b:s5+s2], $0x1000, $0x38;
	[tilespmem:$0x19000] =	vst v63  }
0x62: {  	_ =	swait.ge [sflag:s0], $0x1000  }
0x63: {  	[sflag:s0] =	ssyncset.done $0x0  }
0x64: {  	s20 =	simm.s32 $0x0;
	[sflag:s0] =	ssyncadd.s32 $0xFFFFF000  }
0x65: {  	[tilespmem:s3], [sflag:$0x1] =	stream.indirect.gather [spmem:s1], $0x40, s20, s6, $0xb8;
	[tilespmem:$0x19000] =	vst v63  }
0x66: {  	s4 =	simm.s32 $0x80  }
0x67: {  	[tilespmem:s31], [sflag:$0x2] =	stream.indirect.gather [spmem:s1], $0x40, s4, s6, $0xb8;
	[tilespmem:$0x19000] =	vst v63  }
0x68: {  	_ =	swait.ge [sflag:s9], $0x2000  }
0x69: {  	[sflag:s9] =	ssyncset.done $0x0  }
0x6a: {  	s11 =	simm.s32 $0x800;
	[sflag:s9] =	ssyncadd.s32 $0xFFFFE000  }
0x6b: {  	[spmem:s1] =	stream.indirect.scatter.add.f32 [tilespmem:s3], [sflag:$0x3], $0x40, s11, s6, $0xb8;
	[tilespmem:$0x19000] =	vst v63  }
0x6c: {  	_ =	swait.ge [sflag:s12], $0x2000  }
0x6d: {  	[sflag:s12] =	ssyncset.done $0x0  }
0x6e: {  	s18 =	simm.s32 $0x880;
	[sflag:s12] =	ssyncadd.s32 $0xFFFFE000  }
0x6f: {  	[spmem:s1] =	stream.indirect.scatter.add.f32 [tilespmem:s31], [sflag:$0x4], $0x40, s18, s6, $0xb8;
	[tilespmem:$0x19000] =	vst v63  }
0x70: {  	_ =	swait.ge [sflag:s8], $0x2000  }
0x71: {  	[sflag:s8] =	ssyncset.done $0x0  }
0x72: {  	[sflag:s8] =	ssyncadd.s32 $0xFFFFE000  }
0x73: {  	_ =	swait.ge [sflag:s16], $0x2000  }
0x74: {  	[sflag:s16] =	ssyncset.done $0x0  }
0x75: {  	s20 =	simm.s32 $0x100;
	[sflag:s16] =	ssyncadd.s32 $0xFFFFE000  }
0x76: {  	[tilespmem:s3], [sflag:$0x1] =	stream.indirect.gather [spmem:s1], $0x40, s20, s6, $0xb8;
	[tilespmem:$0x19000] =	vst v63  }
0x77: {  	s4 =	simm.s32 $0x180  }
0x78: {  	[tilespmem:s31], [sflag:$0x2] =	stream.indirect.gather [spmem:s1], $0x40, s4, s6, $0xb8;
	[tilespmem:$0x19000] =	vst v63  }
0x79: {  	_ =	swait.ge [sflag:s9], $0x2000  }
0x7a: {  	[sflag:s9] =	ssyncset.done $0x0  }
0x7b: {  	s11 =	simm.s32 $0x900;
	[sflag:s9] =	ssyncadd.s32 $0xFFFFE000  }
0x7c: {  	[spmem:s1] =	stream.indirect.scatter.add.f32 [tilespmem:s3], [sflag:$0x3], $0x40, s11, s6, $0xb8;
	[tilespmem:$0x19000] =	vst v63  }
0x7d: {  	_ =	swait.ge [sflag:s12], $0x2000  }
0x7e: {  	[sflag:s12] =	ssyncset.done $0x0  }
0x7f: {  	s18 =	simm.s32 $0x980;
	[sflag:s12] =	ssyncadd.s32 $0xFFFFE000  }
0x80: {  	[spmem:s1] =	stream.indirect.scatter.add.f32 [tilespmem:s31], [sflag:$0x4], $0x40, s18, s6, $0xb8;
	[tilespmem:$0x19000] =	vst v63  }
0x81: {  	_ =	swait.ge [sflag:s8], $0x2000  }
0x82: {  	[sflag:s8] =	ssyncset.done $0x0  }
0x83: {  	[sflag:s8] =	ssyncadd.s32 $0xFFFFE000  }
0x84: {  	s29 =	simm.s32 $0x280;
	s20 =	simm.s32 $0x200;
	_ =	swait.ge [sflag:s16], $0x2000  }
0x85: {  	[tilespmem:s3], [sflag:$0x1] =	stream.indirect.gather [spmem:s1], $0x40, s20, s6, $0xb8;
	[tilespmem:$0x19000] =	vst v63  }
0x86: {  	s28 =	simm.s32 $0x2;
	s18 =	simm.s32 $0xD80;
	s20 =	simm.s32 $0xB80  }
.LBB2_3:
0x87: {  	s5 =	sadd.s32 $0xFFFFF700, s18;
	s28 =	sadd.s32 $0x2, s28;
	[sflag:s16] =	ssyncset.done $0x0  }
0x88: {  	[tilespmem:s31], [sflag:$0x2] =	stream.indirect.gather [spmem:s1], $0x40, s29, s6, $0xb8;
	[tilespmem:$0x19000] =	vst v63  }
0x89: {  	p0 =	slt.u32 s28, $0x6;
	s29 =	smov.u32 s5;
	_ =	swait.ge [sflag:s9], $0x2000  }
0x8a: {  	[sflag:s9] =	ssyncset.done $0x0  }
0x8b: {  	s5 =	sadd.s32 $0xFFFFFE80, s20;
	[sflag:s9] =	ssyncadd.s32 $0xFFFFE000  }
0x8c: {  	[spmem:s1] =	stream.indirect.scatter.add.f32 [tilespmem:s3], [sflag:$0x3], $0x40, s5, s6, $0xb8;
	[tilespmem:$0x19000] =	vst v63  }
0x8d: {  	_ =	swait.ge [sflag:s12], $0x2000  }
0x8e: {  	[sflag:s12] =	ssyncset.done $0x0  }
0x8f: {  	s5 =	sadd.s32 $0xFFFFFF00, s20;
	[sflag:s12] =	ssyncadd.s32 $0xFFFFE000  }
0x90: {  	[spmem:s1] =	stream.indirect.scatter.add.f32 [tilespmem:s31], [sflag:$0x4], $0x40, s5, s6, $0xb8;
	[tilespmem:$0x19000] =	vst v63  }
0x91: {  	_ =	swait.ge [sflag:s8], $0x2000  }
0x92: {  	[sflag:s8] =	ssyncset.done $0x0  }
0x93: {  	[sflag:s8] =	ssyncadd.s32 $0xFFFFE000  }
0x94: {  	_ =	swait.ge [sflag:s16], $0x2000  }
0x95: {  	[sflag:s16] =	ssyncset.done $0x0  }
0x96: {  	s5 =	sadd.s32 $0xFFFFF780, s20;
	[sflag:s16] =	ssyncadd.s32 $0xFFFFE000  }
0x97: {  	[tilespmem:s3], [sflag:$0x1] =	stream.indirect.gather [spmem:s1], $0x40, s5, s6, $0xb8;
	[tilespmem:$0x19000] =	vst v63  }
0x98: {  	s5 =	sadd.s32 $0xFFFFF800, s20;
	[sflag:s16] =	ssyncadd.s32 $0xFFFFE000  }
0x99: {  	[tilespmem:s31], [sflag:$0x2] =	stream.indirect.gather [spmem:s1], $0x40, s5, s6, $0xb8;
	[tilespmem:$0x19000] =	vst v63  }
0x9a: {  	_ =	swait.ge [sflag:s9], $0x2000  }
0x9b: {  	[sflag:s9] =	ssyncset.done $0x0  }
0x9c: {  	s5 =	sadd.s32 $0xFFFFFF80, s20;
	[sflag:s9] =	ssyncadd.s32 $0xFFFFE000  }
0x9d: {  	[spmem:s1] =	stream.indirect.scatter.add.f32 [tilespmem:s3], [sflag:$0x3], $0x40, s5, s6, $0xb8;
	[tilespmem:$0x19000] =	vst v63  }
0x9e: {  	_ =	swait.ge [sflag:s12], $0x2000  }
0x9f: {  	[sflag:s12] =	ssyncset.done $0x0  }
0xa0: {  	[sflag:s12] =	ssyncadd.s32 $0xFFFFE000  }
0xa1: {  	[spmem:s1] =	stream.indirect.scatter.add.f32 [tilespmem:s31], [sflag:$0x4], $0x40, s20, s6, $0xb8;
	[tilespmem:$0x19000] =	vst v63  }
.Ltmp0:
0xa2: {  	s20 =	smov.u32 s18;
	_ =	swait.ge [sflag:s8], $0x2000;
	(pc) =	sbr.rel @p0 .LBB2_3-.Ltmp0, $4  }
0xa3: {  	[sflag:s8] =	ssyncset.done $0x0  }
0xa4: {  	[sflag:s8] =	ssyncadd.s32 $0xFFFFE000  }
0xa5: {  	s18 =	sadd.s32 $0x200, s18;
	s5 =	sadd.s32 $0xFFFFF680, s20;
	_ =	swait.ge [sflag:s16], $0x2000  }
0xa6: {  	[tilespmem:s3], [sflag:$0x1] =	stream.indirect.gather [spmem:s1], $0x40, s5, s6, $0xb8;
	[tilespmem:$0x19000] =	vst v63  }
0xa7: {  	[sflag:s16] =	ssyncset.done $0x0  }
0xa8: {  	[tilespmem:s31], [sflag:$0x2] =	stream.indirect.gather [spmem:s1], $0x40, s29, s6, $0xb8;
	[tilespmem:$0x19000] =	vst v63  }
0xa9: {  	_ =	swait.ge [sflag:s9], $0x2000  }
0xaa: {  	[sflag:s9] =	ssyncset.done $0x0  }
0xab: {  	s5 =	sadd.s32 $0xFFFFFE80, s20;
	[sflag:s9] =	ssyncadd.s32 $0xFFFFE000  }
0xac: {  	[spmem:s1] =	stream.indirect.scatter.add.f32 [tilespmem:s3], [sflag:$0x3], $0x40, s5, s6, $0xb8;
	[tilespmem:$0x19000] =	vst v63  }
0xad: {  	_ =	swait.ge [sflag:s12], $0x2000  }
0xae: {  	[sflag:s12] =	ssyncset.done $0x0  }
0xaf: {  	s11 =	sadd.s32 $0xFFFFFF00, s20;
	[sflag:s12] =	ssyncadd.s32 $0xFFFFE000  }
0xb0: {  	[spmem:s1] =	stream.indirect.scatter.add.f32 [tilespmem:s31], [sflag:$0x4], $0x40, s11, s6, $0xb8;
	[tilespmem:$0x19000] =	vst v63  }
0xb1: {  	_ =	swait.ge [sflag:s8], $0x2000  }
0xb2: {  	[sflag:s8] =	ssyncset.done $0x0  }
0xb3: {  	[sflag:s8] =	ssyncadd.s32 $0xFFFFE000  }
0xb4: {  	_ =	swait.ge [sflag:s16], $0x2000  }
0xb5: {  	[sflag:s16] =	ssyncset.done $0x0  }
0xb6: {  	s18 =	sadd.s32 $0xFFFFF780, s20;
	[sflag:s16] =	ssyncadd.s32 $0xFFFFE000  }
0xb7: {  	[tilespmem:s3], [sflag:$0x1] =	stream.indirect.gather [spmem:s1], $0x40, s18, s6, $0xb8;
	[tilespmem:$0x19000] =	vst v63  }
0xb8: {  	s28 =	sadd.s32 $0xFFFFF800, s20;
	[sflag:s16] =	ssyncadd.s32 $0xFFFFE000  }
0xb9: {  	[tilespmem:s31], [sflag:$0x2] =	stream.indirect.gather [spmem:s1], $0x40, s28, s6, $0xb8;
	[tilespmem:$0x19000] =	vst v63  }
0xba: {  	_ =	swait.ge [sflag:s9], $0x2000  }
0xbb: {  	[sflag:s9] =	ssyncset.done $0x0  }
0xbc: {  	s29 =	sadd.s32 $0xFFFFFF80, s20;
	[sflag:s9] =	ssyncadd.s32 $0xFFFFE000  }
0xbd: {  	[spmem:s1] =	stream.indirect.scatter.add.f32 [tilespmem:s3], [sflag:$0x3], $0x40, s29, s6, $0xb8;
	[tilespmem:$0x19000] =	vst v63  }
0xbe: {  	_ =	swait.ge [sflag:s12], $0x2000  }
0xbf: {  	[sflag:s12] =	ssyncset.done $0x0  }
0xc0: {  	s14 =	sadd.s32 $0x1, s14;
	[sflag:s12] =	ssyncadd.s32 $0xFFFFE000  }
0xc1: {  	[spmem:s1] =	stream.indirect.scatter.add.f32 [tilespmem:s31], [sflag:$0x4], $0x40, s20, s6, $0xb8;
	[tilespmem:$0x19000] =	vst v63  }
0xc2: {  	p0 =	sne.s32 s14, $0xA;
	_ =	swait.ge [sflag:s8], $0x2000  }
.Ltmp1:
0xc3: {  	[sflag:s8] =	ssyncset.done $0x0;
	(pc) =	sbr.rel @p0 .LBB2_2-.Ltmp1, $4  }
0xc4: {  	[sflag:s8] =	ssyncadd.s32 $0xFFFFE000  }
0xc5: {  	_ =	swait.ge [sflag:s16], $0x2000  }
0xc6: {  	[sflag:s16] =	ssyncset.done $0x0  }
0xc7: {  	[sflag:s16] =	ssyncadd.s32 $0xFFFFE000  }
0xc8: {  	s4 =	stileid.u32  }
0xc9: {  	[bflag:$0x0] =	sbarrier.arrive $0xFFFF;
	s5 =	sshll.u32 s4, $0x6  }
0xca: {  	s14 =	sshrl.u32 s22, $0x3;
	s18 =	rddreg [dreg:$0xf];
	s20 =	sor.u32 $0x1C05, s5  }
0xcb: {  	[hbm:s18], [sflag:s20] =	dma.local [spmem:s14], $0x1400  }
0xcc: {  	_ =	swait.ge [sflag:s0], $0x1400  }
0xcd: {  	[sflag:s0] =	ssyncset.done $0x0  }
0xce: {  	[sflag:s0] =	ssyncadd.s32 $0xFFFFEC00  }
0xcf: {  	[bflag:$0x0] =	sbarrier.arrive $0xFFFF  }
0xd0: {  	s29 =	rddreg [dreg:$0x3]  }
0xd1: {  	s28 =	simm.s32 $0x0;
	s4 =	sadd.s32 s29, s15  }
0xd2: {  	[tilespmem:s31], [sflag:$0x5] =	stream.linear.gather [hbm4b:s4+s28], $0x2000, $0x38;
	[tilespmem:$0x19000] =	vst v63  }
0xd3: {  	_ =	swait.ge [sflag:s0], $0x2000  }
0xd4: {  	[sflag:s0] =	ssyncset.done $0x0  }
0xd5: {  	[sflag:s0] =	ssyncadd.s32 $0xFFFFE000  }
0xd6: {  	[spmem:s7] =	stream.linear.scatter [tilespmem:s31], [sflag:$0x5], $0x2000, $0x38;
	[tilespmem:$0x19000] =	vst v63  }
0xd7: {  	_ =	swait.ge [sflag:s0], $0x2000  }
0xd8: {  	[sflag:s0] =	ssyncset.done $0x0;
	s5 =	rddreg [dreg:$0x5]  }
0xd9: {  	s11 =	smov.u32 s7;
	[sflag:s0] =	ssyncadd.s32 $0xFFFFE000;
	s7 =	sadd.s32 s5, s15  }
0xda: {  	[tilespmem:s31], [sflag:$0x5] =	stream.linear.gather [hbm4b:s7+s28], $0x2000, $0x38;
	[tilespmem:$0x19000] =	vst v63  }
0xdb: {  	_ =	swait.ge [sflag:s0], $0x2000  }
0xdc: {  	[sflag:s0] =	ssyncset.done $0x0  }
0xdd: {  	s18 =	rddreg [dreg:$0x8];
	[sflag:s0] =	ssyncadd.s32 $0xFFFFE000  }
0xde: {  	[spmem:s18] =	stream.linear.scatter [tilespmem:s31], [sflag:$0x5], $0x2000, $0x38;
	[tilespmem:$0x19000] =	vst v63  }
0xdf: {  	_ =	swait.ge [sflag:s0], $0x2000  }
0xe0: {  	[sflag:s0] =	ssyncset.done $0x0;
	s29 =	rddreg [dreg:$0x7]  }
0xe1: {  	[sflag:s0] =	ssyncadd.s32 $0xFFFFE000;
	s4 =	sadd.s32 s29, s15  }
0xe2: {  	[tilespmem:s31], [sflag:$0x5] =	stream.linear.gather [hbm4b:s4+s28], $0x2000, $0x38;
	[tilespmem:$0x19000] =	vst v63  }
0xe3: {  	_ =	swait.ge [sflag:s0], $0x2000  }
0xe4: {  	[sflag:s0] =	ssyncset.done $0x0  }
0xe5: {  	[sflag:s0] =	ssyncadd.s32 $0xFFFFE000  }
0xe6: {  	[spmem:s13] =	stream.linear.scatter [tilespmem:s31], [sflag:$0x5], $0x2000, $0x38;
	[tilespmem:$0x19000] =	vst v63  }
0xe7: {  	_ =	swait.ge [sflag:s0], $0x2000  }
0xe8: {  	[sflag:s0] =	ssyncset.done $0x0;
	s5 =	rddreg [dreg:$0xa]  }
0xe9: {  	[sflag:s0] =	ssyncadd.s32 $0xFFFFE000;
	s7 =	sadd.s32 s5, s15  }
0xea: {  	[tilespmem:s31], [sflag:$0x5] =	stream.linear.gather [hbm4b:s7+s28], $0x2000, $0x38;
	[tilespmem:$0x19000] =	vst v63  }
0xeb: {  	_ =	swait.ge [sflag:s0], $0x2000  }
0xec: {  	[sflag:s0] =	ssyncset.done $0x0  }
0xed: {  	[sflag:s0] =	ssyncadd.s32 $0xFFFFE000  }
0xee: {  	[spmem:s19] =	stream.linear.scatter [tilespmem:s31], [sflag:$0x5], $0x2000, $0x38;
	[tilespmem:$0x19000] =	vst v63  }
0xef: {  	_ =	swait.ge [sflag:s0], $0x2000  }
0xf0: {  	[sflag:s0] =	ssyncset.done $0x0;
	s18 =	rddreg [dreg:$0xc]  }
0xf1: {  	[sflag:s0] =	ssyncadd.s32 $0xFFFFE000;
	s29 =	sadd.s32 s18, s15  }
0xf2: {  	[tilespmem:s31], [sflag:$0x5] =	stream.linear.gather [hbm4b:s29+s28], $0x2000, $0x38;
	[tilespmem:$0x19000] =	vst v63  }
0xf3: {  	_ =	swait.ge [sflag:s0], $0x2000  }
0xf4: {  	[sflag:s0] =	ssyncset.done $0x0  }
0xf5: {  	[sflag:s0] =	ssyncadd.s32 $0xFFFFE000  }
0xf6: {  	[spmem:s21] =	stream.linear.scatter [tilespmem:s31], [sflag:$0x5], $0x2000, $0x38;
	[tilespmem:$0x19000] =	vst v63  }
0xf7: {  	_ =	swait.ge [sflag:s0], $0x2000  }
0xf8: {  	[sflag:s0] =	ssyncset.done $0x0  }
0xf9: {  	[sflag:s0] =	ssyncadd.s32 $0xFFFFE000  }
0xfa: {  	[tilespmem:s3], [sflag:$0x5] =	stream.linear.gather [hbm4b:s30+s28], $0x2000, $0x38;
	[tilespmem:$0x19000] =	vst v63  }
0xfb: {  	_ =	swait.ge [sflag:s0], $0x2000  }
0xfc: {  	[sflag:s0] =	ssyncset.done $0x0  }
0xfd: {  	[sflag:s0] =	ssyncadd.s32 $0xFFFFE000  }
0xfe: {  	[spmem:s22] =	stream.linear.scatter [tilespmem:s3], [sflag:$0x5], $0x2000, $0x38;
	[tilespmem:$0x19000] =	vst v63  }
0xff: {  	_ =	swait.ge [sflag:s0], $0x2000  }
0x100: {  	[sflag:s0] =	ssyncset.done $0x0  }
0x101: {  	[sflag:s0] =	ssyncadd.s32 $0xFFFFE000  }
0x102: {  	[spmem:s23] =	stream.linear.scatter [tilespmem:s3], [sflag:$0x5], $0x2000, $0x38;
	[tilespmem:$0x19000] =	vst v63  }
0x103: {  	_ =	swait.ge [sflag:s0], $0x2000  }
0x104: {  	[sflag:s0] =	ssyncset.done $0x0  }
0x105: {  	[sflag:s0] =	ssyncadd.s32 $0xFFFFE000  }
0x106: {  	[spmem:s24] =	stream.linear.scatter [tilespmem:s3], [sflag:$0x5], $0x2000, $0x38;
	[tilespmem:$0x19000] =	vst v63  }
0x107: {  	_ =	swait.ge [sflag:s0], $0x2000  }
0x108: {  	[sflag:s0] =	ssyncset.done $0x0  }
0x109: {  	[sflag:s0] =	ssyncadd.s32 $0xFFFFE000  }
0x10a: {  	[spmem:s25] =	stream.linear.scatter [tilespmem:s3], [sflag:$0x5], $0x2000, $0x38;
	[tilespmem:$0x19000] =	vst v63  }
0x10b: {  	_ =	swait.ge [sflag:s0], $0x2000  }
0x10c: {  	[sflag:s0] =	ssyncset.done $0x0  }
0x10d: {  	[sflag:s0] =	ssyncadd.s32 $0xFFFFE000  }
0x10e: {  	[spmem:s26] =	stream.linear.scatter [tilespmem:s3], [sflag:$0x5], $0x2000, $0x38;
	[tilespmem:$0x19000] =	vst v63  }
0x10f: {  	_ =	swait.ge [sflag:s0], $0x2000  }
0x110: {  	[sflag:s0] =	ssyncset.done $0x0  }
0x111: {  	[sflag:s0] =	ssyncadd.s32 $0xFFFFE000  }
0x112: {  	s7 =	smov.u32 s30;
	[bflag:$0x0] =	sbarrier.arrive $0xFFFF  }
.LBB2_6:
0x113: {  	s5 =	sshll.u32 s28, $0x9  }
0x114: {  	s5 =	sadd.s32 s5, s17  }
0x115: {  	[tilespmem:s2], [sflag:$0x5] =	stream.linear.gather [hbm4b:s5+s2], $0x1000, $0x38;
	[tilespmem:$0x19000] =	vst v63  }
0x116: {  	_ =	swait.ge [sflag:s0], $0x1000  }
0x117: {  	[sflag:s0] =	ssyncset.done $0x0  }
0x118: {  	s18 =	simm.s32 $0x0;
	[sflag:s0] =	ssyncadd.s32 $0xFFFFF000  }
0x119: {  	[tilespmem:s3], [sflag:$0x1] =	stream.indirect.gather [spmem:s1], $0x40, s18, s6, $0xb8;
	[tilespmem:$0x19000] =	vst v63  }
0x11a: {  	s4 =	simm.s32 $0x80  }
0x11b: {  	[tilespmem:s31], [sflag:$0x2] =	stream.indirect.gather [spmem:s1], $0x40, s4, s6, $0xb8;
	[tilespmem:$0x19000] =	vst v63  }
0x11c: {  	_ =	swait.ge [sflag:s9], $0x2000  }
0x11d: {  	[sflag:s9] =	ssyncset.done $0x0  }
0x11e: {  	s18 =	simm.s32 $0x800;
	[sflag:s9] =	ssyncadd.s32 $0xFFFFE000  }
0x11f: {  	[spmem:s1] =	stream.indirect.scatter.add.f32 [tilespmem:s3], [sflag:$0x3], $0x40, s18, s6, $0xb8;
	[tilespmem:$0x19000] =	vst v63  }
0x120: {  	_ =	swait.ge [sflag:s12], $0x2000  }
0x121: {  	[sflag:s12] =	ssyncset.done $0x0  }
0x122: {  	s4 =	simm.s32 $0x880;
	[sflag:s12] =	ssyncadd.s32 $0xFFFFE000  }
0x123: {  	[spmem:s1] =	stream.indirect.scatter.add.f32 [tilespmem:s31], [sflag:$0x4], $0x40, s4, s6, $0xb8;
	[tilespmem:$0x19000] =	vst v63  }
0x124: {  	_ =	swait.ge [sflag:s8], $0x2000  }
0x125: {  	[sflag:s8] =	ssyncset.done $0x0  }
0x126: {  	[sflag:s8] =	ssyncadd.s32 $0xFFFFE000  }
0x127: {  	_ =	swait.ge [sflag:s16], $0x2000  }
0x128: {  	[sflag:s16] =	ssyncset.done $0x0  }
0x129: {  	s18 =	simm.s32 $0x100;
	[sflag:s16] =	ssyncadd.s32 $0xFFFFE000  }
0x12a: {  	[tilespmem:s3], [sflag:$0x1] =	stream.indirect.gather [spmem:s1], $0x40, s18, s6, $0xb8;
	[tilespmem:$0x19000] =	vst v63  }
0x12b: {  	s4 =	simm.s32 $0x180  }
0x12c: {  	[tilespmem:s31], [sflag:$0x2] =	stream.indirect.gather [spmem:s1], $0x40, s4, s6, $0xb8;
	[tilespmem:$0x19000] =	vst v63  }
0x12d: {  	_ =	swait.ge [sflag:s9], $0x2000  }
0x12e: {  	[sflag:s9] =	ssyncset.done $0x0  }
0x12f: {  	s18 =	simm.s32 $0x900;
	[sflag:s9] =	ssyncadd.s32 $0xFFFFE000  }
0x130: {  	[spmem:s1] =	stream.indirect.scatter.add.f32 [tilespmem:s3], [sflag:$0x3], $0x40, s18, s6, $0xb8;
	[tilespmem:$0x19000] =	vst v63  }
0x131: {  	_ =	swait.ge [sflag:s12], $0x2000  }
0x132: {  	[sflag:s12] =	ssyncset.done $0x0  }
0x133: {  	s4 =	simm.s32 $0x980;
	[sflag:s12] =	ssyncadd.s32 $0xFFFFE000  }
0x134: {  	[spmem:s1] =	stream.indirect.scatter.add.f32 [tilespmem:s31], [sflag:$0x4], $0x40, s4, s6, $0xb8;
	[tilespmem:$0x19000] =	vst v63  }
0x135: {  	_ =	swait.ge [sflag:s8], $0x2000  }
0x136: {  	[sflag:s8] =	ssyncset.done $0x0  }
0x137: {  	[sflag:s8] =	ssyncadd.s32 $0xFFFFE000  }
0x138: {  	s29 =	simm.s32 $0xB80;
	s18 =	simm.s32 $0x200;
	_ =	swait.ge [sflag:s16], $0x2000  }
0x139: {  	[tilespmem:s3], [sflag:$0x1] =	stream.indirect.gather [spmem:s1], $0x40, s18, s6, $0xb8;
	[tilespmem:$0x19000] =	vst v63  }
0x13a: {  	s30 =	simm.s32 $0x2;
	s5 =	simm.s32 $0xD80;
	s18 =	simm.s32 $0x280  }
.LBB2_7:
0x13b: {  	s4 =	sadd.s32 $0xFFFFF700, s5;
	s30 =	sadd.s32 $0x2, s30;
	[sflag:s16] =	ssyncset.done $0x0  }
0x13c: {  	[tilespmem:s31], [sflag:$0x2] =	stream.indirect.gather [spmem:s1], $0x40, s18, s6, $0xb8;
	[tilespmem:$0x19000] =	vst v63  }
0x13d: {  	p0 =	slt.u32 s30, $0x6;
	s18 =	smov.u32 s4;
	_ =	swait.ge [sflag:s9], $0x2000  }
0x13e: {  	[sflag:s9] =	ssyncset.done $0x0  }
0x13f: {  	s4 =	sadd.s32 $0xFFFFFE80, s29;
	[sflag:s9] =	ssyncadd.s32 $0xFFFFE000  }
0x140: {  	[spmem:s1] =	stream.indirect.scatter.add.f32 [tilespmem:s3], [sflag:$0x3], $0x40, s4, s6, $0xb8;
	[tilespmem:$0x19000] =	vst v63  }
0x141: {  	_ =	swait.ge [sflag:s12], $0x2000  }
0x142: {  	[sflag:s12] =	ssyncset.done $0x0  }
0x143: {  	s4 =	sadd.s32 $0xFFFFFF00, s29;
	[sflag:s12] =	ssyncadd.s32 $0xFFFFE000  }
0x144: {  	[spmem:s1] =	stream.indirect.scatter.add.f32 [tilespmem:s31], [sflag:$0x4], $0x40, s4, s6, $0xb8;
	[tilespmem:$0x19000] =	vst v63  }
0x145: {  	_ =	swait.ge [sflag:s8], $0x2000  }
0x146: {  	[sflag:s8] =	ssyncset.done $0x0  }
0x147: {  	[sflag:s8] =	ssyncadd.s32 $0xFFFFE000  }
0x148: {  	_ =	swait.ge [sflag:s16], $0x2000  }
0x149: {  	[sflag:s16] =	ssyncset.done $0x0  }
0x14a: {  	s4 =	sadd.s32 $0xFFFFF780, s29;
	[sflag:s16] =	ssyncadd.s32 $0xFFFFE000  }
0x14b: {  	[tilespmem:s3], [sflag:$0x1] =	stream.indirect.gather [spmem:s1], $0x40, s4, s6, $0xb8;
	[tilespmem:$0x19000] =	vst v63  }
0x14c: {  	s4 =	sadd.s32 $0xFFFFF800, s29;
	[sflag:s16] =	ssyncadd.s32 $0xFFFFE000  }
0x14d: {  	[tilespmem:s31], [sflag:$0x2] =	stream.indirect.gather [spmem:s1], $0x40, s4, s6, $0xb8;
	[tilespmem:$0x19000] =	vst v63  }
0x14e: {  	_ =	swait.ge [sflag:s9], $0x2000  }
0x14f: {  	[sflag:s9] =	ssyncset.done $0x0  }
0x150: {  	s4 =	sadd.s32 $0xFFFFFF80, s29;
	[sflag:s9] =	ssyncadd.s32 $0xFFFFE000  }
0x151: {  	[spmem:s1] =	stream.indirect.scatter.add.f32 [tilespmem:s3], [sflag:$0x3], $0x40, s4, s6, $0xb8;
	[tilespmem:$0x19000] =	vst v63  }
0x152: {  	_ =	swait.ge [sflag:s12], $0x2000  }
0x153: {  	[sflag:s12] =	ssyncset.done $0x0  }
0x154: {  	[sflag:s12] =	ssyncadd.s32 $0xFFFFE000  }
0x155: {  	[spmem:s1] =	stream.indirect.scatter.add.f32 [tilespmem:s31], [sflag:$0x4], $0x40, s29, s6, $0xb8;
	[tilespmem:$0x19000] =	vst v63  }
.Ltmp2:
0x156: {  	s29 =	smov.u32 s5;
	_ =	swait.ge [sflag:s8], $0x2000;
	(pc) =	sbr.rel @p0 .LBB2_7-.Ltmp2, $4  }
0x157: {  	[sflag:s8] =	ssyncset.done $0x0  }
0x158: {  	[sflag:s8] =	ssyncadd.s32 $0xFFFFE000  }
0x159: {  	s5 =	sadd.s32 $0x200, s5;
	s4 =	sadd.s32 $0xFFFFF680, s29;
	_ =	swait.ge [sflag:s16], $0x2000  }
0x15a: {  	[tilespmem:s3], [sflag:$0x1] =	stream.indirect.gather [spmem:s1], $0x40, s4, s6, $0xb8;
	[tilespmem:$0x19000] =	vst v63  }
0x15b: {  	[sflag:s16] =	ssyncset.done $0x0  }
0x15c: {  	[tilespmem:s31], [sflag:$0x2] =	stream.indirect.gather [spmem:s1], $0x40, s18, s6, $0xb8;
	[tilespmem:$0x19000] =	vst v63  }
0x15d: {  	_ =	swait.ge [sflag:s9], $0x2000  }
0x15e: {  	[sflag:s9] =	ssyncset.done $0x0  }
0x15f: {  	s4 =	sadd.s32 $0xFFFFFE80, s29;
	[sflag:s9] =	ssyncadd.s32 $0xFFFFE000  }
0x160: {  	[spmem:s1] =	stream.indirect.scatter.add.f32 [tilespmem:s3], [sflag:$0x3], $0x40, s4, s6, $0xb8;
	[tilespmem:$0x19000] =	vst v63  }
0x161: {  	_ =	swait.ge [sflag:s12], $0x2000  }
0x162: {  	[sflag:s12] =	ssyncset.done $0x0  }
0x163: {  	s30 =	sadd.s32 $0xFFFFFF00, s29;
	[sflag:s12] =	ssyncadd.s32 $0xFFFFE000  }
0x164: {  	[spmem:s1] =	stream.indirect.scatter.add.f32 [tilespmem:s31], [sflag:$0x4], $0x40, s30, s6, $0xb8;
	[tilespmem:$0x19000] =	vst v63  }
0x165: {  	_ =	swait.ge [sflag:s8], $0x2000  }
0x166: {  	[sflag:s8] =	ssyncset.done $0x0  }
0x167: {  	[sflag:s8] =	ssyncadd.s32 $0xFFFFE000  }
0x168: {  	_ =	swait.ge [sflag:s16], $0x2000  }
0x169: {  	[sflag:s16] =	ssyncset.done $0x0  }
0x16a: {  	s5 =	sadd.s32 $0xFFFFF780, s29;
	[sflag:s16] =	ssyncadd.s32 $0xFFFFE000  }
0x16b: {  	[tilespmem:s3], [sflag:$0x1] =	stream.indirect.gather [spmem:s1], $0x40, s5, s6, $0xb8;
	[tilespmem:$0x19000] =	vst v63  }
0x16c: {  	s18 =	sadd.s32 $0xFFFFF800, s29;
	[sflag:s16] =	ssyncadd.s32 $0xFFFFE000  }
0x16d: {  	[tilespmem:s31], [sflag:$0x2] =	stream.indirect.gather [spmem:s1], $0x40, s18, s6, $0xb8;
	[tilespmem:$0x19000] =	vst v63  }
0x16e: {  	_ =	swait.ge [sflag:s9], $0x2000  }
0x16f: {  	[sflag:s9] =	ssyncset.done $0x0  }
0x170: {  	s30 =	sadd.s32 $0xFFFFFF80, s29;
	[sflag:s9] =	ssyncadd.s32 $0xFFFFE000  }
0x171: {  	[spmem:s1] =	stream.indirect.scatter.add.f32 [tilespmem:s3], [sflag:$0x3], $0x40, s30, s6, $0xb8;
	[tilespmem:$0x19000] =	vst v63  }
0x172: {  	_ =	swait.ge [sflag:s12], $0x2000  }
0x173: {  	[sflag:s12] =	ssyncset.done $0x0  }
0x174: {  	s28 =	sadd.s32 $0x1, s28;
	[sflag:s12] =	ssyncadd.s32 $0xFFFFE000  }
0x175: {  	[spmem:s1] =	stream.indirect.scatter.add.f32 [tilespmem:s31], [sflag:$0x4], $0x40, s29, s6, $0xb8;
	[tilespmem:$0x19000] =	vst v63  }
0x176: {  	p0 =	sne.s32 s28, $0xA;
	_ =	swait.ge [sflag:s8], $0x2000  }
.Ltmp3:
0x177: {  	[sflag:s8] =	ssyncset.done $0x0;
	(pc) =	sbr.rel @p0 .LBB2_6-.Ltmp3, $4  }
0x178: {  	[sflag:s8] =	ssyncadd.s32 $0xFFFFE000  }
0x179: {  	_ =	swait.ge [sflag:s16], $0x2000  }
0x17a: {  	[sflag:s16] =	ssyncset.done $0x0  }
0x17b: {  	[sflag:s16] =	ssyncadd.s32 $0xFFFFE000  }
0x17c: {  	[bflag:$0x0] =	sbarrier.arrive $0xFFFF  }
0x17d: {  	s4 =	rddreg [dreg:$0x10]  }
0x17e: {  	[hbm:s4], [sflag:s20] =	dma.local [spmem:s14], $0x1400  }
0x17f: {  	_ =	swait.ge [sflag:s0], $0x1400  }
0x180: {  	s10 =	sadd.s32 $0x1, s10;
	s29 =	rddreg [dreg:$0xe]  }
0x181: {  	p0 =	sne.s32 s10, s29  }
.Ltmp4:
0x182: {  	_ = 	snop;
	(pc) =	sbr.rel @p0 .LBB2_1-.Ltmp4, $4  }
0x183: {  	[sflag:s0] =	ssyncset.done $0x0  }
0x184: {  	[sflag:s0] =	ssyncadd.s32 $0xFFFFEC00  }
0x185: {  	[bflag:$0x0] =	sbarrier.arrive $0xFFFF  }
0x186: {  	s30 =	smov.u32 s7;
	s7 =	smov.u32 s11  }
0x187: {  	_ =	sfence.sel $0x180000  }
0x188: {  	[bflag:$0x0] =	sbarrier.arrive $0xFFFF  }
0x189: {  	_ =	strace $0x9000004A  }
0x18a: {  	s0 =	stileid.u32;
	[bflag:$0x2] =	sbarrier.arrive $0xFFFF  }
0x18b: {  	p0 =	sne.s32 s0, $0x0;
	s0 =	rddreg [dreg:$0x2]  }
0x18c: {  	s0 =	sadd.s32 @!p0 $0x100000, s0  }
0x18d: {  	[sflag:s0] =	ssyncadd.tile.s32 @!p0 $0x1;
	_ =	shalt  }
.Lfunc_end2:
_tile_overlayer_lowered:
.L_overlay_start_2:
0x18e: {  	(tag) =	ssettag $0x2  }
0x18f: {  	s0 =	rddreg [dreg:$0x0];
	s2 =	stileid.u32  }
0x190: {  	s1 =	rddreg [dreg:$0x1];
	p0 =	sne.s32 s2, $0x0  }
0x191: {  	s3 =	rddreg [dreg:$0x2];
	[bflag:$0x3] =	sbarrier.arrive $0xFFFF;
	s2 =	simm.s32 @!p0 $0x1C05  }
0x192: {  	[timem:s3], [sflag:s2] =	dma.local @!p0 [hbm:s0], s1  }
0x193: {  	s0 =	simm.s32 @!p0 $0x5  }
0x194: {  	_ =	swait.ge @!p0 [sflag:s0], s1  }
0x195: {  	s1 =	ssub.s32 @!p0 $0x0, s1;
	[sflag:s0] =	ssyncset.done @!p0 $0x0  }
0x196: {  	[sflag:s0] =	ssyncadd.s32 @!p0 s1  }
0x197: {  	[bflag:$0x3] =	sbarrier.arrive $0xFFFF  }
0x198: {  	_ =	shalt  }

// kernel: kernel.14.cloned.1.call-start
scs
__scs_entry_jumppad:
0x0: {  	(pc) =	sbr.rel $0x88, $3  }
0x1: {  	(tag) =	ssettag $0x0;
	lr =	simm.s32 $0x1  }
0x2: {  	[smem:$0x3F98] =	sst lr;
	_ =	strace $0xD0000000  }
0x3: {  	_ = 	snop  }
0x4: {  	_ = 	snop  }
0x5: {  	_ = 	snop  }
0x6: {  	_ = 	snop  }
0x7: {  	_ = 	snop  }
__scs_overlays_trampoline_lowered:
0x8: {  	[smem:$0x3FA7] =	sst s0  }
0x9: {  	[smem:$0x3FA8] =	sst s1  }
0xa: {  	[smem:$0x3FA9] =	sst s2  }
0xb: {  	[smem:$0x3FAA] =	sst s3  }
0xc: {  	[smem:$0x3FAB] =	sst s4  }
0xd: {  	[smem:$0x3FAC] =	sst s5  }
0xe: {  	[smem:$0x3FAD] =	sst s6  }
0xf: {  	[smem:$0x3FAE] =	sst s7  }
0x10: {  	[smem:$0x3FAF] =	sst s8  }
0x11: {  	[smem:$0x3FB0] =	sst s9;
	s0 =	simm.s32 @!p0 $0x0  }
0x12: {  	s1 =	sld [smem:$0x3F96];
	s0 =	simm.s32 @p0 $0x1  }
0x13: {  	[smem:$0x3FB1] =	sst s0;
	s0 =	simm.s32 @!p1 $0x0  }
0x14: {  	s2 =	sld [smem:$0x3F95];
	s0 =	simm.s32 @p1 $0x1  }
0x15: {  	[smem:$0x3FB2] =	sst s0;
	s0 =	simm.s32 @!p2 $0x0  }
0x16: {  	s3 =	sld [smem:$0x3FDB];
	s0 =	simm.s32 @p2 $0x1  }
0x17: {  	s4 =	simm.s32 $0x1BF5;
	[smem:$0x3FB4] =	sst s0  }
0x18: {  	s0 =	sld [smem:$0x3F97];
	_ =	swait.ge [sflag:s4], $0x0  }
0x19: {  	s7 =	sld [smem:$0x3F98]  }
0x1a: {  	s8 =	sadd.s32 $0xFFFFE003, lr  }
0x1b: {  	s9 =	sadd.s32 $0xFFFFFEF7, lr;
	s5 =	simm.s32 $0xFFFFFFFF;
	p2 =	slt.u32 s8, $0xFFFFF086  }
0x1c: {  	p1 =	slt.u32 s9, $0xF7A;
	s5 =	simm.s32 @!p2 $0x0  }
0x1d: {  	s5 =	simm.s32 @p1 $0x1;
	p0 =	seq.s32 s7, s2  }
0x1e: {  	s7 =	smul.u32 @!p0 $0xF7A, s2;
	p2 =	seq.s32 @!p0 s5, $0x0  }
0x1f: {  	s9 =	smul.u32 $0xF7A, s1;
	s8 =	simm.s32 @!p0 $0x1BF5;
	p2 =	por !p2, p0  }
0x20: {  	[sflag:s8] =	ssyncset.s32 @!p0 $0xFFFFF086;
	s6 =	sadd.s32 @!p0 s3, s7;
	s7 =	simm.s32 @!p0 $0x108  }
0x21: {  	s3 =	sadd.s32 s3, s9;
	s6 =	sadd.s32 @!p0 $0x88, s6;
	s7 =	simm.s32 @p2 $0x1082  }
0x22: {  	[simem:s7], [sflag:s8] =	dma.local @!p0 [hbm:s6], $0xF7A  }
0x23: {  	s9 =	sor.u32 $0xD0000000, s2;
	s6 =	simm.s32 $0x108;
	_ =	swait.ge @!p0 [sflag:s8], $0x0  }
0x24: {  	s3 =	sadd.s32 $0x88, s3;
	s6 =	simm.s32 @!p1 $0x1082;
	[sflag:s4] =	ssyncset.s32 $0xFFFFF086  }
0x25: {  	[simem:s6], [sflag:s4] =	dma.local [hbm:s3], $0xF7A  }
0x26: {  	[smem:$0x3F98] =	sst s1;
	(tag) =	ssettag s2;
	_ =	strace s9  }
0x27: {  	s1 =	sld [smem:$0x3FA8]  }
0x28: {  	s2 =	sld [smem:$0x3FA9]  }
0x29: {  	s4 =	sld [smem:$0x3FAB]  }
0x2a: {  	p0 =	seq.s32 s5, $0x0;
	s5 =	sld [smem:$0x3FAC]  }
0x2b: {  	s6 =	sld [smem:$0x3FAD]  }
0x2c: {  	s7 =	sld [smem:$0x3FAE]  }
0x2d: {  	s3 =	simm.s32 $0x108;
	s8 =	sld [smem:$0x3FAF]  }
0x2e: {  	s3 =	simm.s32 @!p0 $0x1082;
	s9 =	sld [smem:$0x3FB0]  }
0x2f: {  	lr =	sadd.s32 s0, s3;
	s0 =	sld [smem:$0x3FA7]  }
0x30: {  	s3 =	sld [smem:$0x3FAA]  }
0x31: {  	[smem:$0x3FB3] =	sst s10  }
0x32: {  	s10 =	sld [smem:$0x3FB1];
	_ =	sdelay $0x3  }
0x33: {  	p0 =	seq.s32 s10, $0x1;
	s10 =	sld [smem:$0x3FB3];
	_ =	sdelay $0x3  }
0x34: {  	[smem:$0x3FB3] =	sst s10  }
0x35: {  	s10 =	sld [smem:$0x3FB2];
	_ =	sdelay $0x3  }
0x36: {  	p1 =	seq.s32 s10, $0x1;
	s10 =	sld [smem:$0x3FB3];
	_ =	sdelay $0x3  }
0x37: {  	[smem:$0x3FB3] =	sst s10  }
0x38: {  	s10 =	sld [smem:$0x3FB4]  }
0x39: {  	_ = 	snop;
	(pc) =	sbr.ind lr, $3  }
0x3a: {  	_ = 	snop  }
0x3b: {  	_ = 	snop  }
0x3c: {  	p2 =	seq.s32 s10, $0x1;
	s10 =	sld [smem:$0x3FB3]  }
0x3d: {  	_ =	shalt  }
0x3e: {  	_ =	shalt  }
0x3f: {  	_ =	shalt  }
0x40: {  	_ =	shalt  }
0x41: {  	_ =	shalt  }
0x42: {  	_ =	shalt  }
0x43: {  	_ =	shalt  }
0x44: {  	_ =	shalt  }
0x45: {  	_ =	shalt  }
0x46: {  	_ =	shalt  }
0x47: {  	_ =	shalt  }
0x48: {  	_ =	shalt  }
0x49: {  	_ =	shalt  }
0x4a: {  	_ =	shalt  }
0x4b: {  	_ =	shalt  }
0x4c: {  	_ =	shalt  }
0x4d: {  	_ =	shalt  }
0x4e: {  	_ =	shalt  }
0x4f: {  	_ =	shalt  }
0x50: {  	_ =	shalt  }
0x51: {  	_ =	shalt  }
0x52: {  	_ =	shalt  }
0x53: {  	_ =	shalt  }
0x54: {  	_ =	shalt  }
0x55: {  	_ =	shalt  }
0x56: {  	_ =	shalt  }
0x57: {  	_ =	shalt  }
0x58: {  	_ =	shalt  }
0x59: {  	_ =	shalt  }
0x5a: {  	_ =	shalt  }
0x5b: {  	_ =	shalt  }
0x5c: {  	_ =	shalt  }
0x5d: {  	_ =	shalt  }
0x5e: {  	_ =	shalt  }
0x5f: {  	_ =	shalt  }
0x60: {  	_ =	shalt  }
0x61: {  	_ =	shalt  }
0x62: {  	_ =	shalt  }
0x63: {  	_ =	shalt  }
0x64: {  	_ =	shalt  }
0x65: {  	_ =	shalt  }
0x66: {  	_ =	shalt  }
0x67: {  	_ =	shalt  }
0x68: {  	_ =	shalt  }
0x69: {  	_ =	shalt  }
0x6a: {  	_ =	shalt  }
0x6b: {  	_ =	shalt  }
0x6c: {  	_ =	shalt  }
0x6d: {  	_ =	shalt  }
0x6e: {  	_ =	shalt  }
0x6f: {  	_ =	shalt  }
0x70: {  	_ =	shalt  }
0x71: {  	_ =	shalt  }
0x72: {  	_ =	shalt  }
0x73: {  	_ =	shalt  }
0x74: {  	_ =	shalt  }
0x75: {  	_ =	shalt  }
0x76: {  	_ =	shalt  }
0x77: {  	_ =	shalt  }
0x78: {  	_ =	shalt  }
0x79: {  	_ =	shalt  }
0x7a: {  	_ =	shalt  }
0x7b: {  	_ =	shalt  }
0x7c: {  	_ =	shalt  }
0x7d: {  	_ =	shalt  }
0x7e: {  	_ =	shalt  }
0x7f: {  	_ =	shalt  }
0x80: {  	_ =	shalt  }
0x81: {  	_ =	shalt  }
0x82: {  	_ =	shalt  }
0x83: {  	_ =	shalt  }
0x84: {  	_ =	shalt  }
0x85: {  	_ =	shalt  }
0x86: {  	_ =	shalt  }
0x87: {  	_ =	shalt  }
.Lfunc_end0:
.L_simem_size_0:
called_computation.2_lowered:
.L_overlay_start_0:
0x88: {  	s2 =	sld [smem:$0x3FD9]  }
0x89: {  	s3 =	sld [smem:$0x3FFE];
	_ =	sdelay $0x1  }
0x8a: {  	s1 =	srdreg.scid  }
0x8b: {  	s0 =	sand.u32 $0x1, s1  }
0x8c: {  	s17 =	sshll.u32 s0, $0xA;
	s2 =	sadd.s32 s3, s2  }
0x8d: {  	s2 =	sadd.s32 s2, s17  }
0x8e: {  	[smem:$0x3FBF] =	sst s2  }
0x8f: {  	_ = 	snop  }
0x90: {  	s2 =	sld [smem:$0x3FD0];
	(tm) =	ssettm $0x1  }
0x91: {  	s18 =	sld [smem:$0x3FFB];
	_ =	sdelay $0x3  }
0x92: {  	_ =	strace s18  }
0x93: {  	s3 =	sld [smem:$0x3FFC];
	_ =	sdelay $0x3  }
0x94: {  	_ =	strace s3  }
0x95: {  	s3 =	sld [smem:$0x3FFD];
	_ =	sdelay $0x3  }
0x96: {  	_ =	strace s3  }
0x97: {  	_ =	strace $0x8FFFFFFF  }
0x98: {  	s19 =	sld [smem:$0x3FDB];
	_ =	sdelay $0x1  }
0x99: {  	s4 =	simm.s32 $_scs_section_size  }
0x9a: {  	s5 =	simm.s32 $_size__tile_overlayer_lowered;
	s6 =	simm.s32 $_tile_overlayer_lowered  }
0x9b: {  	s22 =	simm.s32 $0x1BFF;
	s21 =	sshll.u32 s6, $0x1;
	s3 =	sadd.s32 s4, s19  }
0x9c: {  	s7 =	simm.s32 $0x0;
	s20 =	sshll.u32 s5, $0x1;
	s5 =	sadd.s32 s21, s3  }
0x9d: {  	[timem:s7], [sflag:s22] =	dma.local [hbm:s5], s20  }
0x9e: {  	_ =	swait.ge [sflag:s22], s20  }
0x9f: {  	s4 =	ssub.s32 $0x0, s20;
	[sflag:s22] =	ssyncset.done $0x0  }
0xa0: {  	[sflag:s22] =	ssyncadd.s32 s4;
	_ =	sdelay $0x1  }
0xa1: {  	s23 =	simm.s32 $0x1B8B  }
0xa2: {  	_ =	swait.ge [sflag:s23], $0x1  }
0xa3: {  	[sflag:s23] =	ssyncset.done $0x0  }
0xa4: {  	s25 =	simm.s32 $0x1B8E;
	s24 =	sld [smem:$0x3FFE];
	[sflag:s23] =	ssyncadd.s32 $0xFFFFFFFF  }
0xa5: {  	s26 =	simm.s32 $execute0_lowered;
	[smem:$0x3FD2] =	sst s25  }
0xa6: {  	s5 =	sshll.u32 s26, $0x1;
	_ =	strace $0x8000004C;
	[dreg:$0x1] =	wrdreg $0xFFFFFFFF  }
0xa7: {  	s28 =	simm.s32 $_size_execute0_lowered;
	s3 =	sadd.s32 s3, s5;
	[dreg:$0x0] =	wrdreg $0x0  }
0xa8: {  	s5 =	sshll.u32 s28, $0x1;
	[dreg:$0x2] =	wrdreg s3  }
0xa9: {  	[dreg:$0x3] =	wrdreg s5  }
0xaa: {  	[dreg:$0x4] =	wrdreg $0xC0  }
0xab: {  	_ =	task [dreg:s7], $0x5FFFF  }
0xac: {  	[dreg:$0x1] =	wrdreg $0xFFFFFFFF  }
0xad: {  	[dreg:$0x0] =	wrdreg $0x60  }
0xae: {  	[dreg:$0x2] =	wrdreg s24  }
0xaf: {  	[dreg:$0x3] =	wrdreg s2  }
0xb0: {  	[dreg:$0x4] =	wrdreg $0x50000  }
0xb1: {  	[dreg:$0x5] =	wrdreg $0x9  }
0xb2: {  	_ =	task.clear_ibuf [dreg:s7], $0x6FFFF;
	_ =	strace $0x9000004C  }
0xb3: {  	s29 =	simm.s32 $0x9;
	_ =	strace $0x8000004E  }
0xb4: {  	_ =	swait.ge [sflag:s29], $0x1  }
0xb5: {  	[sflag:s29] =	ssyncadd.s32 $0xFFFFFFFF  }
0xb6: {  	_ =	strace $0x9000004E  }
0xb7: {  	_ =	sfence  }
0xb8: {  	s30 =	sld [smem:$0x0];
	_ =	sdelay $0x2  }
0xb9: {  	s31 =	sshll.u32 s1, $0xD;
	s1 =	sshrl.u32 s1, $0x2  }
0xba: {  	s3 =	sand.u32 $0x4000, s31;
	s1 =	sadd.s32 s1, s30  }
0xbb: {  	s0 =	sor.u32 s3, s0;
	s1 =	sshll.u32 s1, $0x11  }
0xbc: {  	s0 =	sor.u32 s1, s0  }
0xbd: {  	s0 =	sadd.s32 $0x8F2B, s0  }
0xbe: {  	[sflag:s0] =	ssyncadd.remote.s32 $0x1  }
0xbf: {  	_ =	sfence.sel $0xFFFF  }
0xc0: {  	[dreg:$0x0] =	wrdreg $0xFFFFFFFF;
	(pc) =	sbr.abs _section_cstart, $3  }
0xc1: {  	[dreg:$0x1] =	wrdreg $0xFFFFFFFF  }
0xc2: {  	_ =	task.clear_ibuf [dreg:s7], $0x2FFFF;
	_ =	strace $0x9FFFFFFF  }
0xc3: {  	(tm) =	ssettm $0x7FFFFFFF  }
tec
execute0_lowered:
.L_overlay_start_1:
0x0: {  	(tag) =	ssettag $0x1  }
0x1: {  	s0 =	rddreg [dreg:$0x0]  }
0x2: {  	s1 =	rddreg [dreg:$0x1]  }
0x3: {  	s2 =	rddreg [dreg:$0x2];
	s3 =	simm.s32 $0x0;
	s16 =	stileid.u32  }
0x4: {  	s4 =	srdreg.scid;
	s31 =	simm.s32 $0x3000;
	s5 =	smul.u32 $0xA000, s16  }
0x5: {  	[smem:$0x7FF] =	sst s3;
	s4 =	sand.u32 $0x1, s4;
	s14 =	smul.u32 $0x28000, s16  }
0x6: {  	s7 =	sadd.s32 $0x1A00, s0;
	s8 =	sadd.s32 $0x29A00, s0;
	s25 =	smul.u32 $0xA000, s4  }
0x7: {  	_ =	strace $0x8000004D;
	s6 =	ssub.s32 $0x2, s4;
	s26 =	smul.u32 $0x140000, s4  }
0x8: {  	s4 =	smul.u32 $0x28000, s4;
	s9 =	sshrl.u32 s6, $0x1;
	s17 =	sshrl.u32 s5, $0x3  }
0x9: {  	s21 =	sadd.s32 $0x2000, s5;
	s11 =	sadd.s32 $0x4000, s5;
	s13 =	sadd.s32 $0x6000, s5  }
0xa: {  	s29 =	sshrl.u32 s14, $0x2;
	s10 =	ssub.s32 s6, s9;
	s20 =	sadd.s32 s7, s17  }
0xb: {  	s6 =	sadd.s32 s5, s2;
	s12 =	sshrl.u32 s21, $0x3;
	s30 =	sadd.s32 s21, s2  }
0xc: {  	s22 =	sshrl.u32 s11, $0x3;
	s23 =	sadd.s32 s11, s2;
	s24 =	sshrl.u32 s13, $0x3  }
0xd: {  	s15 =	sadd.s32 s13, s2;
	s5 =	sadd.s32 $0x8000, s5;
	[dreg:$0x4] =	wrdreg s17  }
0xe: {  	s1 =	sadd.s32 s1, s25;
	s13 =	sshrl.u32 s26, $0x3;
	[dreg:$0x5] =	wrdreg s20  }
0xf: {  	s4 =	sadd.s32 s8, s4;
	s14 =	sadd.s32 s29, s2;
	[dreg:$0x6] =	wrdreg s12  }
0x10: {  	s25 =	sadd.s32 $0x1600, s0;
	s26 =	sadd.s32 $0x15A00, s0;
	[dreg:$0x8] =	wrdreg s22  }
0x11: {  	s11 =	simm.s32 $0x2;
	s12 =	sadd.s32 s7, s12;
	[dreg:$0xa] =	wrdreg s23  }
0x12: {  	s9 =	sadd.s32 s7, s22;
	[dreg:$0xb] =	wrdreg s24;
	s28 =	sshrl.u32 s5, $0x3  }
0x13: {  	s8 =	sadd.s32 s8, s13;
	s18 =	sadd.s32 s5, s2;
	s20 =	sadd.s32 $0xA0000, s14  }
0x14: {  	s21 =	sadd.s32 $0xA2000, s14;
	s22 =	sadd.s32 $0xA4000, s14;
	[dreg:$0x7] =	wrdreg s12  }
0x15: {  	s23 =	sadd.s32 $0xA6000, s14;
	s29 =	sadd.s32 s17, s4;
	[dreg:$0x9] =	wrdreg s9  }
0x16: {  	s5 =	simm.s32 $0x80;
	s9 =	sadd.s32 s7, s24;
	[dreg:$0xd] =	wrdreg s28  }
0x17: {  	s12 =	smul.u32 $0xA00, s16;
	s7 =	sadd.s32 s7, s28;
	[dreg:$0x10] =	wrdreg s29  }
0x18: {  	s24 =	sadd.s32 $0xA8000, s14;
	s16 =	sadd.s32 $0x14000, s8;
	[dreg:$0xc] =	wrdreg s9  }
0x19: {  	s28 =	smax.u32 s10, $0x1;
	s8 =	simm.s32 $0x1;
	[dreg:$0xe] =	wrdreg s7  }
0x1a: {  	s14 =	simm.s32 $0x3;
	s10 =	simm.s32 $0x0;
	[dreg:$0xf] =	wrdreg s28  }
0x1b: {  	s0 =	sadd.s32 s17, s16;
	s7 =	simm.s32 $0x4;
	s19 =	sadd.s32 s12, s1  }
0x1c: {  	[dreg:$0x11] =	wrdreg s0;
	s0 =	simm.s32 $0x5;
	s1 =	simm.s32 $0x1000  }
.LBB2_1:
0x1d: {  	s4 =	rddreg [dreg:$0x5]  }
0x1e: {  	[tilespmem:s31], [sflag:$0x5] =	stream.linear.gather [hbm4b:s4+s3], $0x2000, $0x38;
	[tilespmem:$0x19000] =	vst v63  }
0x1f: {  	_ =	swait.ge [sflag:s0], $0x2000  }
0x20: {  	[sflag:s0] =	ssyncset.done $0x0  }
0x21: {  	[sflag:s0] =	ssyncadd.s32 $0xFFFFE000  }
0x22: {  	[spmem:s6] =	stream.linear.scatter [tilespmem:s31], [sflag:$0x5], $0x2000, $0x38;
	[tilespmem:$0x19000] =	vst v63  }
0x23: {  	_ =	swait.ge [sflag:s0], $0x2000  }
0x24: {  	[sflag:s0] =	ssyncset.done $0x0  }
0x25: {  	s13 =	rddreg [dreg:$0x7];
	[sflag:s0] =	ssyncadd.s32 $0xFFFFE000  }
0x26: {  	[tilespmem:s31], [sflag:$0x5] =	stream.linear.gather [hbm4b:s13+s3], $0x2000, $0x38;
	[tilespmem:$0x19000] =	vst v63  }
0x27: {  	_ =	swait.ge [sflag:s0], $0x2000  }
0x28: {  	[sflag:s0] =	ssyncset.done $0x0  }
0x29: {  	[sflag:s0] =	ssyncadd.s32 $0xFFFFE000  }
0x2a: {  	[spmem:s30] =	stream.linear.scatter [tilespmem:s31], [sflag:$0x5], $0x2000, $0x38;
	[tilespmem:$0x19000] =	vst v63  }
0x2b: {  	_ =	swait.ge [sflag:s0], $0x2000  }
0x2c: {  	[sflag:s0] =	ssyncset.done $0x0  }
0x2d: {  	s16 =	rddreg [dreg:$0x9];
	[sflag:s0] =	ssyncadd.s32 $0xFFFFE000  }
0x2e: {  	[tilespmem:s31], [sflag:$0x5] =	stream.linear.gather [hbm4b:s16+s3], $0x2000, $0x38;
	[tilespmem:$0x19000] =	vst v63  }
0x2f: {  	_ =	swait.ge [sflag:s0], $0x2000  }
0x30: {  	[sflag:s0] =	ssyncset.done $0x0  }
0x31: {  	s17 =	rddreg [dreg:$0xa];
	[sflag:s0] =	ssyncadd.s32 $0xFFFFE000  }
0x32: {  	[spmem:s17] =	stream.linear.scatter [tilespmem:s31], [sflag:$0x5], $0x2000, $0x38;
	[tilespmem:$0x19000] =	vst v63  }
0x33: {  	_ =	swait.ge [sflag:s0], $0x2000  }
0x34: {  	[sflag:s0] =	ssyncset.done $0x0  }
0x35: {  	s28 =	rddreg [dreg:$0xc];
	[sflag:s0] =	ssyncadd.s32 $0xFFFFE000  }
0x36: {  	[tilespmem:s31], [sflag:$0x5] =	stream.linear.gather [hbm4b:s28+s3], $0x2000, $0x38;
	[tilespmem:$0x19000] =	vst v63  }
0x37: {  	_ =	swait.ge [sflag:s0], $0x2000  }
0x38: {  	[sflag:s0] =	ssyncset.done $0x0  }
0x39: {  	[sflag:s0] =	ssyncadd.s32 $0xFFFFE000  }
0x3a: {  	[spmem:s15] =	stream.linear.scatter [tilespmem:s31], [sflag:$0x5], $0x2000, $0x38;
	[tilespmem:$0x19000] =	vst v63  }
0x3b: {  	_ =	swait.ge [sflag:s0], $0x2000  }
0x3c: {  	[sflag:s0] =	ssyncset.done $0x0  }
0x3d: {  	s29 =	rddreg [dreg:$0xe];
	[sflag:s0] =	ssyncadd.s32 $0xFFFFE000  }
0x3e: {  	[tilespmem:s31], [sflag:$0x5] =	stream.linear.gather [hbm4b:s29+s3], $0x2000, $0x38;
	[tilespmem:$0x19000] =	vst v63  }
0x3f: {  	_ =	swait.ge [sflag:s0], $0x2000  }
0x40: {  	[sflag:s0] =	ssyncset.done $0x0  }
0x41: {  	[sflag:s0] =	ssyncadd.s32 $0xFFFFE000  }
0x42: {  	[spmem:s18] =	stream.linear.scatter [tilespmem:s31], [sflag:$0x5], $0x2000, $0x38;
	[tilespmem:$0x19000] =	vst v63  }
0x43: {  	_ =	swait.ge [sflag:s0], $0x2000  }
0x44: {  	[sflag:s0] =	ssyncset.done $0x0  }
0x45: {  	[sflag:s0] =	ssyncadd.s32 $0xFFFFE000  }
0x46: {  	[tilespmem:s1], [sflag:$0x5] =	stream.linear.gather [hbm4b:s25+s3], $0x2000, $0x38;
	[tilespmem:$0x19000] =	vst v63  }
0x47: {  	_ =	swait.ge [sflag:s0], $0x2000  }
0x48: {  	[sflag:s0] =	ssyncset.done $0x0  }
0x49: {  	[sflag:s0] =	ssyncadd.s32 $0xFFFFE000  }
0x4a: {  	[spmem:s20] =	stream.linear.scatter [tilespmem:s1], [sflag:$0x5], $0x2000, $0x38;
	[tilespmem:$0x19000] =	vst v63  }
0x4b: {  	_ =	swait.ge [sflag:s0], $0x2000  }
0x4c: {  	[sflag:s0] =	ssyncset.done $0x0  }
0x4d: {  	[sflag:s0] =	ssyncadd.s32 $0xFFFFE000  }
0x4e: {  	[spmem:s21] =	stream.linear.scatter [tilespmem:s1], [sflag:$0x5], $0x2000, $0x38;
	[tilespmem:$0x19000] =	vst v63  }
0x4f: {  	_ =	swait.ge [sflag:s0], $0x2000  }
0x50: {  	[sflag:s0] =	ssyncset.done $0x0  }
0x51: {  	[sflag:s0] =	ssyncadd.s32 $0xFFFFE000  }
0x52: {  	[spmem:s22] =	stream.linear.scatter [tilespmem:s1], [sflag:$0x5], $0x2000, $0x38;
	[tilespmem:$0x19000] =	vst v63  }
0x53: {  	_ =	swait.ge [sflag:s0], $0x2000  }
0x54: {  	[sflag:s0] =	ssyncset.done $0x0  }
0x55: {  	[sflag:s0] =	ssyncadd.s32 $0xFFFFE000  }
0x56: {  	[spmem:s23] =	stream.linear.scatter [tilespmem:s1], [sflag:$0x5], $0x2000, $0x38;
	[tilespmem:$0x19000] =	vst v63  }
0x57: {  	_ =	swait.ge [sflag:s0], $0x2000  }
0x58: {  	[sflag:s0] =	ssyncset.done $0x0  }
0x59: {  	[sflag:s0] =	ssyncadd.s32 $0xFFFFE000  }
0x5a: {  	[spmem:s24] =	stream.linear.scatter [tilespmem:s1], [sflag:$0x5], $0x2000, $0x38;
	[tilespmem:$0x19000] =	vst v63  }
0x5b: {  	_ =	swait.ge [sflag:s0], $0x2000  }
0x5c: {  	[sflag:s0] =	ssyncset.done $0x0  }
0x5d: {  	[sflag:s0] =	ssyncadd.s32 $0xFFFFE000  }
0x5e: {  	s13 =	simm.s32 $0x0;
	[bflag:$0x0] =	sbarrier.arrive $0xFFFF  }
.LBB2_2:
0x5f: {  	s4 =	sshll.u32 s13, $0x9  }
0x60: {  	s4 =	sadd.s32 s4, s19  }
0x61: {  	[tilespmem:s3], [sflag:$0x5] =	stream.linear.gather [hbm4b:s4+s3], $0x1000, $0x38;
	[tilespmem:$0x19000] =	vst v63  }
0x62: {  	_ =	swait.ge [sflag:s0], $0x1000  }
0x63: {  	[sflag:s0] =	ssyncset.done $0x0  }
0x64: {  	s17 =	simm.s32 $0x0;
	[sflag:s0] =	ssyncadd.s32 $0xFFFFF000  }
0x65: {  	[tilespmem:s1], [sflag:$0x1] =	stream.indirect.gather [spmem:s2], $0x40, s17, s5, $0xb8;
	[tilespmem:$0x19000] =	vst v63  }
0x66: {  	s9 =	simm.s32 $0x80  }
0x67: {  	[tilespmem:s31], [sflag:$0x2] =	stream.indirect.gather [spmem:s2], $0x40, s9, s5, $0xb8;
	[tilespmem:$0x19000] =	vst v63  }
0x68: {  	_ =	swait.ge [sflag:s8], $0x2000  }
0x69: {  	[sflag:s8] =	ssyncset.done $0x0  }
0x6a: {  	s12 =	simm.s32 $0x800;
	[sflag:s8] =	ssyncadd.s32 $0xFFFFE000  }
0x6b: {  	[spmem:s2] =	stream.indirect.scatter.add.f32 [tilespmem:s1], [sflag:$0x3], $0x40, s12, s5, $0xb8;
	[tilespmem:$0x19000] =	vst v63  }
0x6c: {  	_ =	swait.ge [sflag:s11], $0x2000  }
0x6d: {  	[sflag:s11] =	ssyncset.done $0x0  }
0x6e: {  	s16 =	simm.s32 $0x880;
	[sflag:s11] =	ssyncadd.s32 $0xFFFFE000  }
0x6f: {  	[spmem:s2] =	stream.indirect.scatter.add.f32 [tilespmem:s31], [sflag:$0x4], $0x40, s16, s5, $0xb8;
	[tilespmem:$0x19000] =	vst v63  }
0x70: {  	_ =	swait.ge [sflag:s14], $0x2000  }
0x71: {  	[sflag:s14] =	ssyncset.done $0x0  }
0x72: {  	[sflag:s14] =	ssyncadd.s32 $0xFFFFE000  }
0x73: {  	_ =	swait.ge [sflag:s7], $0x2000  }
0x74: {  	[sflag:s7] =	ssyncset.done $0x0  }
0x75: {  	s17 =	simm.s32 $0x100;
	[sflag:s7] =	ssyncadd.s32 $0xFFFFE000  }
0x76: {  	[tilespmem:s1], [sflag:$0x1] =	stream.indirect.gather [spmem:s2], $0x40, s17, s5, $0xb8;
	[tilespmem:$0x19000] =	vst v63  }
0x77: {  	s9 =	simm.s32 $0x180  }
0x78: {  	[tilespmem:s31], [sflag:$0x2] =	stream.indirect.gather [spmem:s2], $0x40, s9, s5, $0xb8;
	[tilespmem:$0x19000] =	vst v63  }
0x79: {  	_ =	swait.ge [sflag:s8], $0x2000  }
0x7a: {  	[sflag:s8] =	ssyncset.done $0x0  }
0x7b: {  	s12 =	simm.s32 $0x900;
	[sflag:s8] =	ssyncadd.s32 $0xFFFFE000  }
0x7c: {  	[spmem:s2] =	stream.indirect.scatter.add.f32 [tilespmem:s1], [sflag:$0x3], $0x40, s12, s5, $0xb8;
	[tilespmem:$0x19000] =	vst v63  }
0x7d: {  	_ =	swait.ge [sflag:s11], $0x2000  }
0x7e: {  	[sflag:s11] =	ssyncset.done $0x0  }
0x7f: {  	s16 =	simm.s32 $0x980;
	[sflag:s11] =	ssyncadd.s32 $0xFFFFE000  }
0x80: {  	[spmem:s2] =	stream.indirect.scatter.add.f32 [tilespmem:s31], [sflag:$0x4], $0x40, s16, s5, $0xb8;
	[tilespmem:$0x19000] =	vst v63  }
0x81: {  	_ =	swait.ge [sflag:s14], $0x2000  }
0x82: {  	[sflag:s14] =	ssyncset.done $0x0  }
0x83: {  	[sflag:s14] =	ssyncadd.s32 $0xFFFFE000  }
0x84: {  	s28 =	simm.s32 $0x280;
	s17 =	simm.s32 $0x200;
	_ =	swait.ge [sflag:s7], $0x2000  }
0x85: {  	[tilespmem:s1], [sflag:$0x1] =	stream.indirect.gather [spmem:s2], $0x40, s17, s5, $0xb8;
	[tilespmem:$0x19000] =	vst v63  }
0x86: {  	s29 =	simm.s32 $0xD80;
	s16 =	simm.s32 $0xB80;
	s17 =	simm.s32 $0x2  }
.LBB2_3:
0x87: {  	s4 =	sadd.s32 $0xFFFFF700, s29;
	s17 =	sadd.s32 $0x2, s17;
	[sflag:s7] =	ssyncset.done $0x0  }
0x88: {  	[tilespmem:s31], [sflag:$0x2] =	stream.indirect.gather [spmem:s2], $0x40, s28, s5, $0xb8;
	[tilespmem:$0x19000] =	vst v63  }
0x89: {  	p0 =	slt.u32 s17, $0x6;
	s28 =	smov.u32 s4;
	_ =	swait.ge [sflag:s8], $0x2000  }
0x8a: {  	[sflag:s8] =	ssyncset.done $0x0  }
0x8b: {  	s4 =	sadd.s32 $0xFFFFFE80, s16;
	[sflag:s8] =	ssyncadd.s32 $0xFFFFE000  }
0x8c: {  	[spmem:s2] =	stream.indirect.scatter.add.f32 [tilespmem:s1], [sflag:$0x3], $0x40, s4, s5, $0xb8;
	[tilespmem:$0x19000] =	vst v63  }
0x8d: {  	_ =	swait.ge [sflag:s11], $0x2000  }
0x8e: {  	[sflag:s11] =	ssyncset.done $0x0  }
0x8f: {  	s4 =	sadd.s32 $0xFFFFFF00, s16;
	[sflag:s11] =	ssyncadd.s32 $0xFFFFE000  }
0x90: {  	[spmem:s2] =	stream.indirect.scatter.add.f32 [tilespmem:s31], [sflag:$0x4], $0x40, s4, s5, $0xb8;
	[tilespmem:$0x19000] =	vst v63  }
0x91: {  	_ =	swait.ge [sflag:s14], $0x2000  }
0x92: {  	[sflag:s14] =	ssyncset.done $0x0  }
0x93: {  	[sflag:s14] =	ssyncadd.s32 $0xFFFFE000  }
0x94: {  	_ =	swait.ge [sflag:s7], $0x2000  }
0x95: {  	[sflag:s7] =	ssyncset.done $0x0  }
0x96: {  	s4 =	sadd.s32 $0xFFFFF780, s16;
	[sflag:s7] =	ssyncadd.s32 $0xFFFFE000  }
0x97: {  	[tilespmem:s1], [sflag:$0x1] =	stream.indirect.gather [spmem:s2], $0x40, s4, s5, $0xb8;
	[tilespmem:$0x19000] =	vst v63  }
0x98: {  	s4 =	sadd.s32 $0xFFFFF800, s16;
	[sflag:s7] =	ssyncadd.s32 $0xFFFFE000  }
0x99: {  	[tilespmem:s31], [sflag:$0x2] =	stream.indirect.gather [spmem:s2], $0x40, s4, s5, $0xb8;
	[tilespmem:$0x19000] =	vst v63  }
0x9a: {  	_ =	swait.ge [sflag:s8], $0x2000  }
0x9b: {  	[sflag:s8] =	ssyncset.done $0x0  }
0x9c: {  	s4 =	sadd.s32 $0xFFFFFF80, s16;
	[sflag:s8] =	ssyncadd.s32 $0xFFFFE000  }
0x9d: {  	[spmem:s2] =	stream.indirect.scatter.add.f32 [tilespmem:s1], [sflag:$0x3], $0x40, s4, s5, $0xb8;
	[tilespmem:$0x19000] =	vst v63  }
0x9e: {  	_ =	swait.ge [sflag:s11], $0x2000  }
0x9f: {  	[sflag:s11] =	ssyncset.done $0x0  }
0xa0: {  	[sflag:s11] =	ssyncadd.s32 $0xFFFFE000  }
0xa1: {  	[spmem:s2] =	stream.indirect.scatter.add.f32 [tilespmem:s31], [sflag:$0x4], $0x40, s16, s5, $0xb8;
	[tilespmem:$0x19000] =	vst v63  }
.Ltmp0:
0xa2: {  	s16 =	smov.u32 s29;
	_ =	swait.ge [sflag:s14], $0x2000;
	(pc) =	sbr.rel @p0 .LBB2_3-.Ltmp0, $4  }
0xa3: {  	[sflag:s14] =	ssyncset.done $0x0  }
0xa4: {  	[sflag:s14] =	ssyncadd.s32 $0xFFFFE000  }
0xa5: {  	s29 =	sadd.s32 $0x200, s29;
	s4 =	sadd.s32 $0xFFFFF680, s16;
	_ =	swait.ge [sflag:s7], $0x2000  }
0xa6: {  	[tilespmem:s1], [sflag:$0x1] =	stream.indirect.gather [spmem:s2], $0x40, s4, s5, $0xb8;
	[tilespmem:$0x19000] =	vst v63  }
0xa7: {  	[sflag:s7] =	ssyncset.done $0x0  }
0xa8: {  	[tilespmem:s31], [sflag:$0x2] =	stream.indirect.gather [spmem:s2], $0x40, s28, s5, $0xb8;
	[tilespmem:$0x19000] =	vst v63  }
0xa9: {  	_ =	swait.ge [sflag:s8], $0x2000  }
0xaa: {  	[sflag:s8] =	ssyncset.done $0x0  }
0xab: {  	s4 =	sadd.s32 $0xFFFFFE80, s16;
	[sflag:s8] =	ssyncadd.s32 $0xFFFFE000  }
0xac: {  	[spmem:s2] =	stream.indirect.scatter.add.f32 [tilespmem:s1], [sflag:$0x3], $0x40, s4, s5, $0xb8;
	[tilespmem:$0x19000] =	vst v63  }
0xad: {  	_ =	swait.ge [sflag:s11], $0x2000  }
0xae: {  	[sflag:s11] =	ssyncset.done $0x0  }
0xaf: {  	s12 =	sadd.s32 $0xFFFFFF00, s16;
	[sflag:s11] =	ssyncadd.s32 $0xFFFFE000  }
0xb0: {  	[spmem:s2] =	stream.indirect.scatter.add.f32 [tilespmem:s31], [sflag:$0x4], $0x40, s12, s5, $0xb8;
	[tilespmem:$0x19000] =	vst v63  }
0xb1: {  	_ =	swait.ge [sflag:s14], $0x2000  }
0xb2: {  	[sflag:s14] =	ssyncset.done $0x0  }
0xb3: {  	[sflag:s14] =	ssyncadd.s32 $0xFFFFE000  }
0xb4: {  	_ =	swait.ge [sflag:s7], $0x2000  }
0xb5: {  	[sflag:s7] =	ssyncset.done $0x0  }
0xb6: {  	s17 =	sadd.s32 $0xFFFFF780, s16;
	[sflag:s7] =	ssyncadd.s32 $0xFFFFE000  }
0xb7: {  	[tilespmem:s1], [sflag:$0x1] =	stream.indirect.gather [spmem:s2], $0x40, s17, s5, $0xb8;
	[tilespmem:$0x19000] =	vst v63  }
0xb8: {  	s28 =	sadd.s32 $0xFFFFF800, s16;
	[sflag:s7] =	ssyncadd.s32 $0xFFFFE000  }
0xb9: {  	[tilespmem:s31], [sflag:$0x2] =	stream.indirect.gather [spmem:s2], $0x40, s28, s5, $0xb8;
	[tilespmem:$0x19000] =	vst v63  }
0xba: {  	_ =	swait.ge [sflag:s8], $0x2000  }
0xbb: {  	[sflag:s8] =	ssyncset.done $0x0  }
0xbc: {  	s29 =	sadd.s32 $0xFFFFFF80, s16;
	[sflag:s8] =	ssyncadd.s32 $0xFFFFE000  }
0xbd: {  	[spmem:s2] =	stream.indirect.scatter.add.f32 [tilespmem:s1], [sflag:$0x3], $0x40, s29, s5, $0xb8;
	[tilespmem:$0x19000] =	vst v63  }
0xbe: {  	_ =	swait.ge [sflag:s11], $0x2000  }
0xbf: {  	[sflag:s11] =	ssyncset.done $0x0  }
0xc0: {  	s13 =	sadd.s32 $0x1, s13;
	[sflag:s11] =	ssyncadd.s32 $0xFFFFE000  }
0xc1: {  	[spmem:s2] =	stream.indirect.scatter.add.f32 [tilespmem:s31], [sflag:$0x4], $0x40, s16, s5, $0xb8;
	[tilespmem:$0x19000] =	vst v63  }
0xc2: {  	p0 =	sne.s32 s13, $0x5;
	_ =	swait.ge [sflag:s14], $0x2000  }
.Ltmp1:
0xc3: {  	[sflag:s14] =	ssyncset.done $0x0;
	(pc) =	sbr.rel @p0 .LBB2_2-.Ltmp1, $4  }
0xc4: {  	[sflag:s14] =	ssyncadd.s32 $0xFFFFE000  }
0xc5: {  	_ =	swait.ge [sflag:s7], $0x2000  }
0xc6: {  	[sflag:s7] =	ssyncset.done $0x0  }
0xc7: {  	[sflag:s7] =	ssyncadd.s32 $0xFFFFE000  }
0xc8: {  	s4 =	stileid.u32  }
0xc9: {  	[bflag:$0x0] =	sbarrier.arrive $0xFFFF;
	s4 =	sshll.u32 s4, $0x6  }
0xca: {  	s13 =	sshrl.u32 s20, $0x3;
	s16 =	rddreg [dreg:$0x10];
	s17 =	sor.u32 $0x1C05, s4  }
0xcb: {  	[hbm:s16], [sflag:s17] =	dma.local [spmem:s13], $0x1400  }
0xcc: {  	_ =	swait.ge [sflag:s0], $0x1400  }
0xcd: {  	[sflag:s0] =	ssyncset.done $0x0  }
0xce: {  	[sflag:s0] =	ssyncadd.s32 $0xFFFFEC00  }
0xcf: {  	[bflag:$0x0] =	sbarrier.arrive $0xFFFF  }
0xd0: {  	s28 =	rddreg [dreg:$0x4]  }
0xd1: {  	s16 =	simm.s32 $0x0;
	s4 =	sadd.s32 s28, s26  }
0xd2: {  	[tilespmem:s31], [sflag:$0x5] =	stream.linear.gather [hbm4b:s4+s16], $0x2000, $0x38;
	[tilespmem:$0x19000] =	vst v63  }
0xd3: {  	_ =	swait.ge [sflag:s0], $0x2000  }
0xd4: {  	[sflag:s0] =	ssyncset.done $0x0  }
0xd5: {  	[sflag:s0] =	ssyncadd.s32 $0xFFFFE000  }
0xd6: {  	[spmem:s6] =	stream.linear.scatter [tilespmem:s31], [sflag:$0x5], $0x2000, $0x38;
	[tilespmem:$0x19000] =	vst v63  }
0xd7: {  	_ =	swait.ge [sflag:s0], $0x2000  }
0xd8: {  	[sflag:s0] =	ssyncset.done $0x0;
	s29 =	rddreg [dreg:$0x6]  }
0xd9: {  	[sflag:s0] =	ssyncadd.s32 $0xFFFFE000;
	s4 =	sadd.s32 s29, s26  }
0xda: {  	[tilespmem:s31], [sflag:$0x5] =	stream.linear.gather [hbm4b:s4+s16], $0x2000, $0x38;
	[tilespmem:$0x19000] =	vst v63  }
0xdb: {  	_ =	swait.ge [sflag:s0], $0x2000  }
0xdc: {  	[sflag:s0] =	ssyncset.done $0x0  }
0xdd: {  	[sflag:s0] =	ssyncadd.s32 $0xFFFFE000  }
0xde: {  	[spmem:s30] =	stream.linear.scatter [tilespmem:s31], [sflag:$0x5], $0x2000, $0x38;
	[tilespmem:$0x19000] =	vst v63  }
0xdf: {  	_ =	swait.ge [sflag:s0], $0x2000  }
0xe0: {  	s9 =	smov.u32 s6;
	[sflag:s0] =	ssyncset.done $0x0;
	s6 =	rddreg [dreg:$0x8]  }
0xe1: {  	[sflag:s0] =	ssyncadd.s32 $0xFFFFE000;
	s4 =	sadd.s32 s6, s26  }
0xe2: {  	[tilespmem:s31], [sflag:$0x5] =	stream.linear.gather [hbm4b:s4+s16], $0x2000, $0x38;
	[tilespmem:$0x19000] =	vst v63  }
0xe3: {  	_ =	swait.ge [sflag:s0], $0x2000  }
0xe4: {  	[sflag:s0] =	ssyncset.done $0x0  }
0xe5: {  	s28 =	rddreg [dreg:$0xa];
	[sflag:s0] =	ssyncadd.s32 $0xFFFFE000  }
0xe6: {  	[spmem:s28] =	stream.linear.scatter [tilespmem:s31], [sflag:$0x5], $0x2000, $0x38;
	[tilespmem:$0x19000] =	vst v63  }
0xe7: {  	_ =	swait.ge [sflag:s0], $0x2000  }
0xe8: {  	[sflag:s0] =	ssyncset.done $0x0;
	s29 =	rddreg [dreg:$0xb]  }
0xe9: {  	[sflag:s0] =	ssyncadd.s32 $0xFFFFE000;
	s4 =	sadd.s32 s29, s26  }
0xea: {  	[tilespmem:s31], [sflag:$0x5] =	stream.linear.gather [hbm4b:s4+s16], $0x2000, $0x38;
	[tilespmem:$0x19000] =	vst v63  }
0xeb: {  	_ =	swait.ge [sflag:s0], $0x2000  }
0xec: {  	[sflag:s0] =	ssyncset.done $0x0  }
0xed: {  	[sflag:s0] =	ssyncadd.s32 $0xFFFFE000  }
0xee: {  	[spmem:s15] =	stream.linear.scatter [tilespmem:s31], [sflag:$0x5], $0x2000, $0x38;
	[tilespmem:$0x19000] =	vst v63  }
0xef: {  	_ =	swait.ge [sflag:s0], $0x2000  }
0xf0: {  	s12 =	smov.u32 s30;
	[sflag:s0] =	ssyncset.done $0x0;
	s30 =	rddreg [dreg:$0xd]  }
0xf1: {  	[sflag:s0] =	ssyncadd.s32 $0xFFFFE000;
	s4 =	sadd.s32 s30, s26  }
0xf2: {  	[tilespmem:s31], [sflag:$0x5] =	stream.linear.gather [hbm4b:s4+s16], $0x2000, $0x38;
	[tilespmem:$0x19000] =	vst v63  }
0xf3: {  	_ =	swait.ge [sflag:s0], $0x2000  }
0xf4: {  	[sflag:s0] =	ssyncset.done $0x0  }
0xf5: {  	[sflag:s0] =	ssyncadd.s32 $0xFFFFE000  }
0xf6: {  	[spmem:s18] =	stream.linear.scatter [tilespmem:s31], [sflag:$0x5], $0x2000, $0x38;
	[tilespmem:$0x19000] =	vst v63  }
0xf7: {  	_ =	swait.ge [sflag:s0], $0x2000  }
0xf8: {  	[sflag:s0] =	ssyncset.done $0x0  }
0xf9: {  	[sflag:s0] =	ssyncadd.s32 $0xFFFFE000  }
0xfa: {  	[tilespmem:s1], [sflag:$0x5] =	stream.linear.gather [hbm4b:s25+s16], $0x2000, $0x38;
	[tilespmem:$0x19000] =	vst v63  }
0xfb: {  	_ =	swait.ge [sflag:s0], $0x2000  }
0xfc: {  	[sflag:s0] =	ssyncset.done $0x0  }
0xfd: {  	[sflag:s0] =	ssyncadd.s32 $0xFFFFE000  }
0xfe: {  	[spmem:s20] =	stream.linear.scatter [tilespmem:s1], [sflag:$0x5], $0x2000, $0x38;
	[tilespmem:$0x19000] =	vst v63  }
0xff: {  	_ =	swait.ge [sflag:s0], $0x2000  }
0x100: {  	[sflag:s0] =	ssyncset.done $0x0  }
0x101: {  	[sflag:s0] =	ssyncadd.s32 $0xFFFFE000  }
0x102: {  	[spmem:s21] =	stream.linear.scatter [tilespmem:s1], [sflag:$0x5], $0x2000, $0x38;
	[tilespmem:$0x19000] =	vst v63  }
0x103: {  	_ =	swait.ge [sflag:s0], $0x2000  }
0x104: {  	[sflag:s0] =	ssyncset.done $0x0  }
0x105: {  	[sflag:s0] =	ssyncadd.s32 $0xFFFFE000  }
0x106: {  	[spmem:s22] =	stream.linear.scatter [tilespmem:s1], [sflag:$0x5], $0x2000, $0x38;
	[tilespmem:$0x19000] =	vst v63  }
0x107: {  	_ =	swait.ge [sflag:s0], $0x2000  }
0x108: {  	[sflag:s0] =	ssyncset.done $0x0  }
0x109: {  	[sflag:s0] =	ssyncadd.s32 $0xFFFFE000  }
0x10a: {  	[spmem:s23] =	stream.linear.scatter [tilespmem:s1], [sflag:$0x5], $0x2000, $0x38;
	[tilespmem:$0x19000] =	vst v63  }
0x10b: {  	_ =	swait.ge [sflag:s0], $0x2000  }
0x10c: {  	[sflag:s0] =	ssyncset.done $0x0  }
0x10d: {  	[sflag:s0] =	ssyncadd.s32 $0xFFFFE000  }
0x10e: {  	[spmem:s24] =	stream.linear.scatter [tilespmem:s1], [sflag:$0x5], $0x2000, $0x38;
	[tilespmem:$0x19000] =	vst v63  }
0x10f: {  	_ =	swait.ge [sflag:s0], $0x2000  }
0x110: {  	[sflag:s0] =	ssyncset.done $0x0  }
0x111: {  	[sflag:s0] =	ssyncadd.s32 $0xFFFFE000  }
0x112: {  	[bflag:$0x0] =	sbarrier.arrive $0xFFFF  }
.LBB2_6:
0x113: {  	s4 =	sshll.u32 s16, $0x9  }
0x114: {  	s4 =	sadd.s32 s4, s19  }
0x115: {  	[tilespmem:s3], [sflag:$0x5] =	stream.linear.gather [hbm4b:s4+s3], $0x1000, $0x38;
	[tilespmem:$0x19000] =	vst v63  }
0x116: {  	_ =	swait.ge [sflag:s0], $0x1000  }
0x117: {  	[sflag:s0] =	ssyncset.done $0x0  }
0x118: {  	s6 =	simm.s32 $0x0;
	[sflag:s0] =	ssyncadd.s32 $0xFFFFF000  }
0x119: {  	[tilespmem:s1], [sflag:$0x1] =	stream.indirect.gather [spmem:s2], $0x40, s6, s5, $0xb8;
	[tilespmem:$0x19000] =	vst v63  }
0x11a: {  	s6 =	simm.s32 $0x80  }
0x11b: {  	[tilespmem:s31], [sflag:$0x2] =	stream.indirect.gather [spmem:s2], $0x40, s6, s5, $0xb8;
	[tilespmem:$0x19000] =	vst v63  }
0x11c: {  	_ =	swait.ge [sflag:s8], $0x2000  }
0x11d: {  	[sflag:s8] =	ssyncset.done $0x0  }
0x11e: {  	s6 =	simm.s32 $0x800;
	[sflag:s8] =	ssyncadd.s32 $0xFFFFE000  }
0x11f: {  	[spmem:s2] =	stream.indirect.scatter.add.f32 [tilespmem:s1], [sflag:$0x3], $0x40, s6, s5, $0xb8;
	[tilespmem:$0x19000] =	vst v63  }
0x120: {  	_ =	swait.ge [sflag:s11], $0x2000  }
0x121: {  	[sflag:s11] =	ssyncset.done $0x0  }
0x122: {  	s6 =	simm.s32 $0x880;
	[sflag:s11] =	ssyncadd.s32 $0xFFFFE000  }
0x123: {  	[spmem:s2] =	stream.indirect.scatter.add.f32 [tilespmem:s31], [sflag:$0x4], $0x40, s6, s5, $0xb8;
	[tilespmem:$0x19000] =	vst v63  }
0x124: {  	_ =	swait.ge [sflag:s14], $0x2000  }
0x125: {  	[sflag:s14] =	ssyncset.done $0x0  }
0x126: {  	[sflag:s14] =	ssyncadd.s32 $0xFFFFE000  }
0x127: {  	_ =	swait.ge [sflag:s7], $0x2000  }
0x128: {  	[sflag:s7] =	ssyncset.done $0x0  }
0x129: {  	s6 =	simm.s32 $0x100;
	[sflag:s7] =	ssyncadd.s32 $0xFFFFE000  }
0x12a: {  	[tilespmem:s1], [sflag:$0x1] =	stream.indirect.gather [spmem:s2], $0x40, s6, s5, $0xb8;
	[tilespmem:$0x19000] =	vst v63  }
0x12b: {  	s6 =	simm.s32 $0x180  }
0x12c: {  	[tilespmem:s31], [sflag:$0x2] =	stream.indirect.gather [spmem:s2], $0x40, s6, s5, $0xb8;
	[tilespmem:$0x19000] =	vst v63  }
0x12d: {  	_ =	swait.ge [sflag:s8], $0x2000  }
0x12e: {  	[sflag:s8] =	ssyncset.done $0x0  }
0x12f: {  	s6 =	simm.s32 $0x900;
	[sflag:s8] =	ssyncadd.s32 $0xFFFFE000  }
0x130: {  	[spmem:s2] =	stream.indirect.scatter.add.f32 [tilespmem:s1], [sflag:$0x3], $0x40, s6, s5, $0xb8;
	[tilespmem:$0x19000] =	vst v63  }
0x131: {  	_ =	swait.ge [sflag:s11], $0x2000  }
0x132: {  	[sflag:s11] =	ssyncset.done $0x0  }
0x133: {  	s6 =	simm.s32 $0x980;
	[sflag:s11] =	ssyncadd.s32 $0xFFFFE000  }
0x134: {  	[spmem:s2] =	stream.indirect.scatter.add.f32 [tilespmem:s31], [sflag:$0x4], $0x40, s6, s5, $0xb8;
	[tilespmem:$0x19000] =	vst v63  }
0x135: {  	_ =	swait.ge [sflag:s14], $0x2000  }
0x136: {  	s28 =	simm.s32 $0xB80;
	[sflag:s14] =	ssyncset.done $0x0  }
0x137: {  	s30 =	simm.s32 $0x280;
	s29 =	simm.s32 $0x2;
	[sflag:s14] =	ssyncadd.s32 $0xFFFFE000  }
0x138: {  	s4 =	simm.s32 $0xD80;
	s6 =	simm.s32 $0x200;
	_ =	swait.ge [sflag:s7], $0x2000  }
0x139: {  	[tilespmem:s1], [sflag:$0x1] =	stream.indirect.gather [spmem:s2], $0x40, s6, s5, $0xb8;
	[tilespmem:$0x19000] =	vst v63  }
.LBB2_7:
0x13a: {  	s6 =	sadd.s32 $0xFFFFF700, s4;
	s29 =	sadd.s32 $0x2, s29;
	[sflag:s7] =	ssyncset.done $0x0  }
0x13b: {  	[tilespmem:s31], [sflag:$0x2] =	stream.indirect.gather [spmem:s2], $0x40, s30, s5, $0xb8;
	[tilespmem:$0x19000] =	vst v63  }
0x13c: {  	p0 =	slt.u32 s29, $0x6;
	s30 =	smov.u32 s6;
	_ =	swait.ge [sflag:s8], $0x2000  }
0x13d: {  	[sflag:s8] =	ssyncset.done $0x0  }
0x13e: {  	s6 =	sadd.s32 $0xFFFFFE80, s28;
	[sflag:s8] =	ssyncadd.s32 $0xFFFFE000  }
0x13f: {  	[spmem:s2] =	stream.indirect.scatter.add.f32 [tilespmem:s1], [sflag:$0x3], $0x40, s6, s5, $0xb8;
	[tilespmem:$0x19000] =	vst v63  }
0x140: {  	_ =	swait.ge [sflag:s11], $0x2000  }
0x141: {  	[sflag:s11] =	ssyncset.done $0x0  }
0x142: {  	s6 =	sadd.s32 $0xFFFFFF00, s28;
	[sflag:s11] =	ssyncadd.s32 $0xFFFFE000  }
0x143: {  	[spmem:s2] =	stream.indirect.scatter.add.f32 [tilespmem:s31], [sflag:$0x4], $0x40, s6, s5, $0xb8;
	[tilespmem:$0x19000] =	vst v63  }
0x144: {  	_ =	swait.ge [sflag:s14], $0x2000  }
0x145: {  	[sflag:s14] =	ssyncset.done $0x0  }
0x146: {  	[sflag:s14] =	ssyncadd.s32 $0xFFFFE000  }
0x147: {  	_ =	swait.ge [sflag:s7], $0x2000  }
0x148: {  	[sflag:s7] =	ssyncset.done $0x0  }
0x149: {  	s6 =	sadd.s32 $0xFFFFF780, s28;
	[sflag:s7] =	ssyncadd.s32 $0xFFFFE000  }
0x14a: {  	[tilespmem:s1], [sflag:$0x1] =	stream.indirect.gather [spmem:s2], $0x40, s6, s5, $0xb8;
	[tilespmem:$0x19000] =	vst v63  }
0x14b: {  	s6 =	sadd.s32 $0xFFFFF800, s28;
	[sflag:s7] =	ssyncadd.s32 $0xFFFFE000  }
0x14c: {  	[tilespmem:s31], [sflag:$0x2] =	stream.indirect.gather [spmem:s2], $0x40, s6, s5, $0xb8;
	[tilespmem:$0x19000] =	vst v63  }
0x14d: {  	_ =	swait.ge [sflag:s8], $0x2000  }
0x14e: {  	[sflag:s8] =	ssyncset.done $0x0  }
0x14f: {  	s6 =	sadd.s32 $0xFFFFFF80, s28;
	[sflag:s8] =	ssyncadd.s32 $0xFFFFE000  }
0x150: {  	[spmem:s2] =	stream.indirect.scatter.add.f32 [tilespmem:s1], [sflag:$0x3], $0x40, s6, s5, $0xb8;
	[tilespmem:$0x19000] =	vst v63  }
0x151: {  	_ =	swait.ge [sflag:s11], $0x2000  }
0x152: {  	[sflag:s11] =	ssyncset.done $0x0  }
0x153: {  	[sflag:s11] =	ssyncadd.s32 $0xFFFFE000  }
0x154: {  	[spmem:s2] =	stream.indirect.scatter.add.f32 [tilespmem:s31], [sflag:$0x4], $0x40, s28, s5, $0xb8;
	[tilespmem:$0x19000] =	vst v63  }
.Ltmp2:
0x155: {  	s28 =	smov.u32 s4;
	_ =	swait.ge [sflag:s14], $0x2000;
	(pc) =	sbr.rel @p0 .LBB2_7-.Ltmp2, $4  }
0x156: {  	[sflag:s14] =	ssyncset.done $0x0  }
0x157: {  	[sflag:s14] =	ssyncadd.s32 $0xFFFFE000  }
0x158: {  	s4 =	sadd.s32 $0x200, s4;
	s6 =	sadd.s32 $0xFFFFF680, s28;
	_ =	swait.ge [sflag:s7], $0x2000  }
0x159: {  	[tilespmem:s1], [sflag:$0x1] =	stream.indirect.gather [spmem:s2], $0x40, s6, s5, $0xb8;
	[tilespmem:$0x19000] =	vst v63  }
0x15a: {  	[sflag:s7] =	ssyncset.done $0x0  }
0x15b: {  	[tilespmem:s31], [sflag:$0x2] =	stream.indirect.gather [spmem:s2], $0x40, s30, s5, $0xb8;
	[tilespmem:$0x19000] =	vst v63  }
0x15c: {  	_ =	swait.ge [sflag:s8], $0x2000  }
0x15d: {  	[sflag:s8] =	ssyncset.done $0x0  }
0x15e: {  	s4 =	sadd.s32 $0xFFFFFE80, s28;
	[sflag:s8] =	ssyncadd.s32 $0xFFFFE000  }
0x15f: {  	[spmem:s2] =	stream.indirect.scatter.add.f32 [tilespmem:s1], [sflag:$0x3], $0x40, s4, s5, $0xb8;
	[tilespmem:$0x19000] =	vst v63  }
0x160: {  	_ =	swait.ge [sflag:s11], $0x2000  }
0x161: {  	[sflag:s11] =	ssyncset.done $0x0  }
0x162: {  	s30 =	sadd.s32 $0xFFFFFF00, s28;
	[sflag:s11] =	ssyncadd.s32 $0xFFFFE000  }
0x163: {  	[spmem:s2] =	stream.indirect.scatter.add.f32 [tilespmem:s31], [sflag:$0x4], $0x40, s30, s5, $0xb8;
	[tilespmem:$0x19000] =	vst v63  }
0x164: {  	_ =	swait.ge [sflag:s14], $0x2000  }
0x165: {  	[sflag:s14] =	ssyncset.done $0x0  }
0x166: {  	[sflag:s14] =	ssyncadd.s32 $0xFFFFE000  }
0x167: {  	_ =	swait.ge [sflag:s7], $0x2000  }
0x168: {  	[sflag:s7] =	ssyncset.done $0x0  }
0x169: {  	s6 =	sadd.s32 $0xFFFFF780, s28;
	[sflag:s7] =	ssyncadd.s32 $0xFFFFE000  }
0x16a: {  	[tilespmem:s1], [sflag:$0x1] =	stream.indirect.gather [spmem:s2], $0x40, s6, s5, $0xb8;
	[tilespmem:$0x19000] =	vst v63  }
0x16b: {  	s29 =	sadd.s32 $0xFFFFF800, s28;
	[sflag:s7] =	ssyncadd.s32 $0xFFFFE000  }
0x16c: {  	[tilespmem:s31], [sflag:$0x2] =	stream.indirect.gather [spmem:s2], $0x40, s29, s5, $0xb8;
	[tilespmem:$0x19000] =	vst v63  }
0x16d: {  	_ =	swait.ge [sflag:s8], $0x2000  }
0x16e: {  	[sflag:s8] =	ssyncset.done $0x0  }
0x16f: {  	s30 =	sadd.s32 $0xFFFFFF80, s28;
	[sflag:s8] =	ssyncadd.s32 $0xFFFFE000  }
0x170: {  	[spmem:s2] =	stream.indirect.scatter.add.f32 [tilespmem:s1], [sflag:$0x3], $0x40, s30, s5, $0xb8;
	[tilespmem:$0x19000] =	vst v63  }
0x171: {  	_ =	swait.ge [sflag:s11], $0x2000  }
0x172: {  	[sflag:s11] =	ssyncset.done $0x0  }
0x173: {  	s16 =	sadd.s32 $0x1, s16;
	[sflag:s11] =	ssyncadd.s32 $0xFFFFE000  }
0x174: {  	[spmem:s2] =	stream.indirect.scatter.add.f32 [tilespmem:s31], [sflag:$0x4], $0x40, s28, s5, $0xb8;
	[tilespmem:$0x19000] =	vst v63  }
0x175: {  	p0 =	sne.s32 s16, $0x5;
	_ =	swait.ge [sflag:s14], $0x2000  }
.Ltmp3:
0x176: {  	[sflag:s14] =	ssyncset.done $0x0;
	(pc) =	sbr.rel @p0 .LBB2_6-.Ltmp3, $4  }
0x177: {  	[sflag:s14] =	ssyncadd.s32 $0xFFFFE000  }
0x178: {  	_ =	swait.ge [sflag:s7], $0x2000  }
0x179: {  	[sflag:s7] =	ssyncset.done $0x0  }
0x17a: {  	[sflag:s7] =	ssyncadd.s32 $0xFFFFE000  }
0x17b: {  	[bflag:$0x0] =	sbarrier.arrive $0xFFFF  }
0x17c: {  	s4 =	rddreg [dreg:$0x11]  }
0x17d: {  	[hbm:s4], [sflag:s17] =	dma.local [spmem:s13], $0x1400  }
0x17e: {  	_ =	swait.ge [sflag:s0], $0x1400  }
0x17f: {  	s10 =	sadd.s32 $0x1, s10;
	s29 =	rddreg [dreg:$0xf]  }
0x180: {  	p0 =	sne.s32 s10, s29  }
.Ltmp4:
0x181: {  	_ = 	snop;
	(pc) =	sbr.rel @p0 .LBB2_1-.Ltmp4, $4  }
0x182: {  	[sflag:s0] =	ssyncset.done $0x0  }
0x183: {  	[sflag:s0] =	ssyncadd.s32 $0xFFFFEC00  }
0x184: {  	[bflag:$0x0] =	sbarrier.arrive $0xFFFF  }
0x185: {  	s6 =	smov.u32 s9;
	s30 =	smov.u32 s12  }
0x186: {  	_ =	sfence.sel $0x180000  }
0x187: {  	[bflag:$0x0] =	sbarrier.arrive $0xFFFF  }
0x188: {  	_ =	strace $0x9000004D  }
0x189: {  	s0 =	stileid.u32;
	[bflag:$0x2] =	sbarrier.arrive $0xFFFF  }
0x18a: {  	p0 =	sne.s32 s0, $0x0;
	s0 =	rddreg [dreg:$0x3]  }
0x18b: {  	s0 =	sadd.s32 @!p0 $0x100000, s0  }
0x18c: {  	[sflag:s0] =	ssyncadd.tile.s32 @!p0 $0x1;
	_ =	shalt  }
.Lfunc_end2:
_tile_overlayer_lowered:
.L_overlay_start_2:
0x18d: {  	(tag) =	ssettag $0x2  }
0x18e: {  	s0 =	rddreg [dreg:$0x0];
	s2 =	stileid.u32  }
0x18f: {  	s1 =	rddreg [dreg:$0x1];
	p0 =	sne.s32 s2, $0x0  }
0x190: {  	s3 =	rddreg [dreg:$0x2];
	[bflag:$0x3] =	sbarrier.arrive $0xFFFF;
	s2 =	simm.s32 @!p0 $0x1C05  }
0x191: {  	[timem:s3], [sflag:s2] =	dma.local @!p0 [hbm:s0], s1  }
0x192: {  	s0 =	simm.s32 @!p0 $0x5  }
0x193: {  	_ =	swait.ge @!p0 [sflag:s0], s1  }
0x194: {  	s1 =	ssub.s32 @!p0 $0x0, s1;
	[sflag:s0] =	ssyncset.done @!p0 $0x0  }
0x195: {  	[sflag:s0] =	ssyncadd.s32 @!p0 s1  }
0x196: {  	[bflag:$0x3] =	sbarrier.arrive $0xFFFF  }
0x197: {  	_ =	shalt  }

// kernel: kernel.8.cloned.1.call-start
scs
__scs_entry_jumppad:
0x0: {  	(pc) =	sbr.rel $0x88, $3  }
0x1: {  	(tag) =	ssettag $0x0;
	lr =	simm.s32 $0x1  }
0x2: {  	[smem:$0x3F98] =	sst lr;
	_ =	strace $0xD0000000  }
0x3: {  	_ = 	snop  }
0x4: {  	_ = 	snop  }
0x5: {  	_ = 	snop  }
0x6: {  	_ = 	snop  }
0x7: {  	_ = 	snop  }
__scs_overlays_trampoline_lowered:
0x8: {  	[smem:$0x3FA7] =	sst s0  }
0x9: {  	[smem:$0x3FA8] =	sst s1  }
0xa: {  	[smem:$0x3FA9] =	sst s2  }
0xb: {  	[smem:$0x3FAA] =	sst s3  }
0xc: {  	[smem:$0x3FAB] =	sst s4  }
0xd: {  	[smem:$0x3FAC] =	sst s5  }
0xe: {  	[smem:$0x3FAD] =	sst s6  }
0xf: {  	[smem:$0x3FAE] =	sst s7  }
0x10: {  	[smem:$0x3FAF] =	sst s8  }
0x11: {  	[smem:$0x3FB0] =	sst s9;
	s0 =	simm.s32 @!p0 $0x0  }
0x12: {  	s1 =	sld [smem:$0x3F96];
	s0 =	simm.s32 @p0 $0x1  }
0x13: {  	[smem:$0x3FB1] =	sst s0;
	s0 =	simm.s32 @!p1 $0x0  }
0x14: {  	s2 =	sld [smem:$0x3F95];
	s0 =	simm.s32 @p1 $0x1  }
0x15: {  	[smem:$0x3FB2] =	sst s0;
	s0 =	simm.s32 @!p2 $0x0  }
0x16: {  	s3 =	sld [smem:$0x3FDB];
	s0 =	simm.s32 @p2 $0x1  }
0x17: {  	s4 =	simm.s32 $0x1BF5;
	[smem:$0x3FB4] =	sst s0  }
0x18: {  	s0 =	sld [smem:$0x3F97];
	_ =	swait.ge [sflag:s4], $0x0  }
0x19: {  	s7 =	sld [smem:$0x3F98]  }
0x1a: {  	s8 =	sadd.s32 $0xFFFFE003, lr  }
0x1b: {  	s9 =	sadd.s32 $0xFFFFFEF7, lr;
	s5 =	simm.s32 $0xFFFFFFFF;
	p2 =	slt.u32 s8, $0xFFFFF086  }
0x1c: {  	p1 =	slt.u32 s9, $0xF7A;
	s5 =	simm.s32 @!p2 $0x0  }
0x1d: {  	s5 =	simm.s32 @p1 $0x1;
	p0 =	seq.s32 s7, s2  }
0x1e: {  	s7 =	smul.u32 @!p0 $0xF7A, s2;
	p2 =	seq.s32 @!p0 s5, $0x0  }
0x1f: {  	s9 =	smul.u32 $0xF7A, s1;
	s8 =	simm.s32 @!p0 $0x1BF5;
	p2 =	por !p2, p0  }
0x20: {  	[sflag:s8] =	ssyncset.s32 @!p0 $0xFFFFF086;
	s6 =	sadd.s32 @!p0 s3, s7;
	s7 =	simm.s32 @!p0 $0x108  }
0x21: {  	s3 =	sadd.s32 s3, s9;
	s6 =	sadd.s32 @!p0 $0x88, s6;
	s7 =	simm.s32 @p2 $0x1082  }
0x22: {  	[simem:s7], [sflag:s8] =	dma.local @!p0 [hbm:s6], $0xF7A  }
0x23: {  	s9 =	sor.u32 $0xD0000000, s2;
	s6 =	simm.s32 $0x108;
	_ =	swait.ge @!p0 [sflag:s8], $0x0  }
0x24: {  	s3 =	sadd.s32 $0x88, s3;
	s6 =	simm.s32 @!p1 $0x1082;
	[sflag:s4] =	ssyncset.s32 $0xFFFFF086  }
0x25: {  	[simem:s6], [sflag:s4] =	dma.local [hbm:s3], $0xF7A  }
0x26: {  	[smem:$0x3F98] =	sst s1;
	(tag) =	ssettag s2;
	_ =	strace s9  }
0x27: {  	s1 =	sld [smem:$0x3FA8]  }
0x28: {  	s2 =	sld [smem:$0x3FA9]  }
0x29: {  	s4 =	sld [smem:$0x3FAB]  }
0x2a: {  	p0 =	seq.s32 s5, $0x0;
	s5 =	sld [smem:$0x3FAC]  }
0x2b: {  	s6 =	sld [smem:$0x3FAD]  }
0x2c: {  	s7 =	sld [smem:$0x3FAE]  }
0x2d: {  	s3 =	simm.s32 $0x108;
	s8 =	sld [smem:$0x3FAF]  }
0x2e: {  	s3 =	simm.s32 @!p0 $0x1082;
	s9 =	sld [smem:$0x3FB0]  }
0x2f: {  	lr =	sadd.s32 s0, s3;
	s0 =	sld [smem:$0x3FA7]  }
0x30: {  	s3 =	sld [smem:$0x3FAA]  }
0x31: {  	[smem:$0x3FB3] =	sst s10  }
0x32: {  	s10 =	sld [smem:$0x3FB1];
	_ =	sdelay $0x3  }
0x33: {  	p0 =	seq.s32 s10, $0x1;
	s10 =	sld [smem:$0x3FB3];
	_ =	sdelay $0x3  }
0x34: {  	[smem:$0x3FB3] =	sst s10  }
0x35: {  	s10 =	sld [smem:$0x3FB2];
	_ =	sdelay $0x3  }
0x36: {  	p1 =	seq.s32 s10, $0x1;
	s10 =	sld [smem:$0x3FB3];
	_ =	sdelay $0x3  }
0x37: {  	[smem:$0x3FB3] =	sst s10  }
0x38: {  	s10 =	sld [smem:$0x3FB4]  }
0x39: {  	_ = 	snop;
	(pc) =	sbr.ind lr, $3  }
0x3a: {  	_ = 	snop  }
0x3b: {  	_ = 	snop  }
0x3c: {  	p2 =	seq.s32 s10, $0x1;
	s10 =	sld [smem:$0x3FB3]  }
0x3d: {  	_ =	shalt  }
0x3e: {  	_ =	shalt  }
0x3f: {  	_ =	shalt  }
0x40: {  	_ =	shalt  }
0x41: {  	_ =	shalt  }
0x42: {  	_ =	shalt  }
0x43: {  	_ =	shalt  }
0x44: {  	_ =	shalt  }
0x45: {  	_ =	shalt  }
0x46: {  	_ =	shalt  }
0x47: {  	_ =	shalt  }
0x48: {  	_ =	shalt  }
0x49: {  	_ =	shalt  }
0x4a: {  	_ =	shalt  }
0x4b: {  	_ =	shalt  }
0x4c: {  	_ =	shalt  }
0x4d: {  	_ =	shalt  }
0x4e: {  	_ =	shalt  }
0x4f: {  	_ =	shalt  }
0x50: {  	_ =	shalt  }
0x51: {  	_ =	shalt  }
0x52: {  	_ =	shalt  }
0x53: {  	_ =	shalt  }
0x54: {  	_ =	shalt  }
0x55: {  	_ =	shalt  }
0x56: {  	_ =	shalt  }
0x57: {  	_ =	shalt  }
0x58: {  	_ =	shalt  }
0x59: {  	_ =	shalt  }
0x5a: {  	_ =	shalt  }
0x5b: {  	_ =	shalt  }
0x5c: {  	_ =	shalt  }
0x5d: {  	_ =	shalt  }
0x5e: {  	_ =	shalt  }
0x5f: {  	_ =	shalt  }
0x60: {  	_ =	shalt  }
0x61: {  	_ =	shalt  }
0x62: {  	_ =	shalt  }
0x63: {  	_ =	shalt  }
0x64: {  	_ =	shalt  }
0x65: {  	_ =	shalt  }
0x66: {  	_ =	shalt  }
0x67: {  	_ =	shalt  }
0x68: {  	_ =	shalt  }
0x69: {  	_ =	shalt  }
0x6a: {  	_ =	shalt  }
0x6b: {  	_ =	shalt  }
0x6c: {  	_ =	shalt  }
0x6d: {  	_ =	shalt  }
0x6e: {  	_ =	shalt  }
0x6f: {  	_ =	shalt  }
0x70: {  	_ =	shalt  }
0x71: {  	_ =	shalt  }
0x72: {  	_ =	shalt  }
0x73: {  	_ =	shalt  }
0x74: {  	_ =	shalt  }
0x75: {  	_ =	shalt  }
0x76: {  	_ =	shalt  }
0x77: {  	_ =	shalt  }
0x78: {  	_ =	shalt  }
0x79: {  	_ =	shalt  }
0x7a: {  	_ =	shalt  }
0x7b: {  	_ =	shalt  }
0x7c: {  	_ =	shalt  }
0x7d: {  	_ =	shalt  }
0x7e: {  	_ =	shalt  }
0x7f: {  	_ =	shalt  }
0x80: {  	_ =	shalt  }
0x81: {  	_ =	shalt  }
0x82: {  	_ =	shalt  }
0x83: {  	_ =	shalt  }
0x84: {  	_ =	shalt  }
0x85: {  	_ =	shalt  }
0x86: {  	_ =	shalt  }
0x87: {  	_ =	shalt  }
.Lfunc_end0:
.L_simem_size_0:
called_computation_lowered:
.L_overlay_start_0:
0x88: {  	s2 =	sld [smem:$0x3FD9]  }
0x89: {  	s3 =	sld [smem:$0x3FFE];
	_ =	sdelay $0x1  }
0x8a: {  	s1 =	srdreg.scid  }
0x8b: {  	s0 =	sand.u32 $0x1, s1  }
0x8c: {  	s16 =	sshll.u32 s0, $0xA;
	s2 =	sadd.s32 s3, s2  }
0x8d: {  	s2 =	sadd.s32 s2, s16  }
0x8e: {  	[smem:$0x3FBF] =	sst s2  }
0x8f: {  	_ = 	snop  }
0x90: {  	(tm) =	ssettm $0x1  }
0x91: {  	s17 =	sld [smem:$0x3FFB];
	_ =	sdelay $0x3  }
0x92: {  	_ =	strace s17  }
0x93: {  	s2 =	sld [smem:$0x3FFC];
	_ =	sdelay $0x3  }
0x94: {  	_ =	strace s2  }
0x95: {  	s2 =	sld [smem:$0x3FFD];
	_ =	sdelay $0x3  }
0x96: {  	_ =	strace s2  }
0x97: {  	_ =	strace $0x8FFFFFFF  }
0x98: {  	s18 =	sld [smem:$0x3FDB];
	_ =	sdelay $0x1  }
0x99: {  	s19 =	simm.s32 $_scs_section_size  }
0x9a: {  	s4 =	simm.s32 $_size__tile_overlayer_lowered;
	s5 =	simm.s32 $_tile_overlayer_lowered  }
0x9b: {  	s22 =	simm.s32 $0x1BFF;
	s21 =	sshll.u32 s5, $0x1;
	s2 =	sadd.s32 s19, s18  }
0x9c: {  	s6 =	simm.s32 $0x0;
	s20 =	sshll.u32 s4, $0x1;
	s4 =	sadd.s32 s21, s2  }
0x9d: {  	[timem:s6], [sflag:s22] =	dma.local [hbm:s4], s20  }
0x9e: {  	_ =	swait.ge [sflag:s22], s20  }
0x9f: {  	s3 =	ssub.s32 $0x0, s20;
	[sflag:s22] =	ssyncset.done $0x0  }
0xa0: {  	[sflag:s22] =	ssyncadd.s32 s3;
	_ =	sdelay $0x1  }
0xa1: {  	s23 =	simm.s32 $0x1B8B  }
0xa2: {  	_ =	swait.ge [sflag:s23], $0x1  }
0xa3: {  	[sflag:s23] =	ssyncset.done $0x0  }
0xa4: {  	s25 =	simm.s32 $0x1B8E;
	s24 =	sld [smem:$0x3FFE];
	[sflag:s23] =	ssyncadd.s32 $0xFFFFFFFF  }
0xa5: {  	s26 =	simm.s32 $execute0_lowered;
	[smem:$0x3FD2] =	sst s25  }
0xa6: {  	s4 =	sshll.u32 s26, $0x1;
	_ =	strace $0x80000046;
	[dreg:$0x1] =	wrdreg $0xFFFFFFFF  }
0xa7: {  	s28 =	simm.s32 $_size_execute0_lowered;
	s2 =	sadd.s32 s2, s4;
	[dreg:$0x0] =	wrdreg $0x0  }
0xa8: {  	s4 =	sshll.u32 s28, $0x1;
	[dreg:$0x2] =	wrdreg s2  }
0xa9: {  	[dreg:$0x3] =	wrdreg s4  }
0xaa: {  	[dreg:$0x4] =	wrdreg $0xC0  }
0xab: {  	_ =	task [dreg:s6], $0x5FFFF  }
0xac: {  	[dreg:$0x1] =	wrdreg $0xFFFFFFFF  }
0xad: {  	[dreg:$0x0] =	wrdreg $0x60  }
0xae: {  	[dreg:$0x2] =	wrdreg s24  }
0xaf: {  	[dreg:$0x3] =	wrdreg $0x9  }
0xb0: {  	_ =	task.clear_ibuf [dreg:s6], $0x4FFFF;
	_ =	strace $0x90000046  }
0xb1: {  	s29 =	simm.s32 $0x9;
	_ =	strace $0x80000048  }
0xb2: {  	_ =	swait.ge [sflag:s29], $0x1  }
0xb3: {  	[sflag:s29] =	ssyncadd.s32 $0xFFFFFFFF  }
0xb4: {  	_ =	strace $0x90000048  }
0xb5: {  	_ =	sfence  }
0xb6: {  	s30 =	sld [smem:$0x0];
	_ =	sdelay $0x2  }
0xb7: {  	s31 =	sshll.u32 s1, $0xD;
	s1 =	sshrl.u32 s1, $0x2  }
0xb8: {  	s3 =	sand.u32 $0x4000, s31;
	s1 =	sadd.s32 s1, s30  }
0xb9: {  	s0 =	sor.u32 s3, s0;
	s1 =	sshll.u32 s1, $0x11  }
0xba: {  	s0 =	sor.u32 s1, s0  }
0xbb: {  	s0 =	sadd.s32 $0x8F2B, s0  }
0xbc: {  	[sflag:s0] =	ssyncadd.remote.s32 $0x1  }
0xbd: {  	_ =	sfence.sel $0xFFFF  }
0xbe: {  	[dreg:$0x0] =	wrdreg $0xFFFFFFFF;
	(pc) =	sbr.abs _section_cstart, $3  }
0xbf: {  	[dreg:$0x1] =	wrdreg $0xFFFFFFFF  }
0xc0: {  	_ =	task.clear_ibuf [dreg:s6], $0x2FFFF;
	_ =	strace $0x9FFFFFFF  }
0xc1: {  	(tm) =	ssettm $0x7FFFFFFF  }
tec
execute0_lowered:
.L_overlay_start_1:
0x0: {  	(tag) =	ssettag $0x1  }
0x1: {  	s1 =	srdreg.scid  }
0x2: {  	s4 =	sand.u32 $0x1, s1  }
0x3: {  	s3 =	rddreg [dreg:$0x0];
	s1 =	stileid.u32;
	s5 =	sshll.u32 s4, $0x4  }
0x4: {  	s0 =	rddreg [dreg:$0x1];
	s2 =	simm.s32 $0x0;
	s5 =	sor.u32 s1, s5  }
0x5: {  	s16 =	simm.s32 $0x0;
	[smem:$0x7FF] =	sst s2;
	s5 =	sshrl.u32 s5, $0x3  }
0x6: {  	s9 =	sadd.s32 $0x1600, s3;
	s10 =	sadd.s32 $0x28E00, s3;
	s7 =	smul.u32 $0x13C00, s5  }
0x7: {  	_ =	strace $0x80000047;
	s21 =	smul.u32 $0x14000, s5;
	s23 =	sor.u32 $0x4, s5  }
0x8: {  	s6 =	sshll.u32 s1, $0x7;
	s20 =	ssub.s32 $0x2, s4;
	s25 =	smul.u32 $0x13C00, s23  }
0x9: {  	s4 =	sshrl.u32 s20, $0x1;
	s13 =	sor.u32 $0x8, s5;
	s12 =	smul.u32 $0x14000, s23  }
0xa: {  	s8 =	sand.u32 $0x380, s6;
	s11 =	ssub.s32 s20, s4;
	s28 =	smul.u32 $0x13C00, s13  }
0xb: {  	s5 =	sor.u32 $0xC, s5;
	s11 =	smax.u32 s11, $0x1;
	s13 =	smul.u32 $0x14000, s13  }
0xc: {  	s14 =	smul.u32 $0x13C00, s5;
	s6 =	sor.u32 s8, s7;
	s24 =	sor.u32 s8, s21  }
0xd: {  	s15 =	smul.u32 $0x14000, s5;
	s22 =	sshrl.u32 s6, $0x3;
	s6 =	sshrl.u32 s24, $0x3  }
0xe: {  	s26 =	sor.u32 s8, s25;
	s12 =	sor.u32 s8, s12;
	s7 =	sor.u32 s8, s28  }
0xf: {  	s29 =	sor.u32 s8, s13;
	s30 =	sor.u32 s8, s14;
	s8 =	sor.u32 s8, s15  }
0x10: {  	s14 =	simm.s32 $0x1;
	s15 =	simm.s32 $0x2780;
	s3 =	sadd.s32 s9, s22  }
0x11: {  	s4 =	sadd.s32 s10, s6;
	s6 =	sshrl.u32 s26, $0x3;
	s12 =	sshrl.u32 s12, $0x3  }
0x12: {  	s7 =	sshrl.u32 s7, $0x3;
	s13 =	sshrl.u32 s30, $0x3;
	s31 =	sshrl.u32 s8, $0x3  }
0x13: {  	s5 =	sadd.s32 s9, s6;
	s6 =	sadd.s32 s10, s12;
	s7 =	sadd.s32 s9, s7  }
0x14: {  	s12 =	sshrl.u32 s29, $0x3;
	s9 =	sadd.s32 s9, s13;
	s13 =	simm.s32 $0x400  }
0x15: {  	v0 =	vimm.f32 $0.0e+00;
	v1 =	vimm.f32 $1.000000000e+00;
	s8 =	sadd.s32 s10, s12;
	s10 =	sadd.s32 s10, s31;
	s12 =	simm.s32 $0x80  }
.LBB2_1:
0x16: {  	[tilespmem:s2], [sflag:$0x1] =	stream.strided.gather [hbm4b:s3+s12], $0x2780, s13, s12, $0x38;
	[tilespmem:$0x4F80] =	vst v63  }
0x17: {  	_ =	swait.ge [sflag:s14], $0x2780  }
0x18: {  	[sflag:s14] =	ssyncset.done $0x0  }
0x19: {  	s17 =	simm.s32 $0x0;
	[sflag:s14] =	ssyncadd.s32 $0xFFFFD880  }
.LBB2_2:
0x1a: {  	p0 =	sne.s32 s17, $0x9FC0  }
.Ltmp0:
0x1b: {  	_ = 	snop;
	(pc) =	sbr.rel @p0 .LBB2_2-.Ltmp0, $3  }
0x1c: {  	_ =	sdelay $0x1  }
0x1d: {  	s18 =	sshra.s32 s17, $0x2  }
0x1e: {  	s17 =	sadd.s32 $0x40, s17;
	[tilespmem:s18+$0x2780] =	vst v0  }
0x1f: {  	s18 =	simm.s32 $0x0;
	s17 =	simm.s32 $0x40  }
.LBB2_4:
0x20: {  	p0 =	sne.s32 s17, $0x9DC0;
	v2 =	vld [tilespmem:s18+$0x0];
	_ =	sdelay $0x3  }
.Ltmp1:
0x21: {  	(pc) =	sbr.rel @p0 .LBB2_4-.Ltmp1, $2  }
0x22: {  	_ =	sdelay $0x2  }
0x23: {  	s18 =	sshra.s32 s17, $0x2;
	s17 =	sadd.s32 $0x40, s17;
	[tilespmem:v2+s15+$0x0] =	vst.idx.add.f32.msk $0xffff, v1  }
0x24: {  	v2 =	vld [tilespmem:s18+$0x0];
	_ =	sdelay $0x7  }
0x25: {  	[tilespmem:v2+s15+$0x0] =	vst.idx.add.f32.msk $0xffff, v1  }
0x26: {  	[hbm4b:s4+s12] =	stream.strided.scatter [tilespmem:s15], [sflag:$0x1], $0x2800, s13, s12, $0x38;
	[tilespmem:$0x4F80] =	vst v63  }
0x27: {  	_ =	swait.ge [sflag:s14], $0x2800  }
0x28: {  	[sflag:s14] =	ssyncset.done $0x0  }
0x29: {  	s17 =	simm.s32 $0x0;
	[sflag:s14] =	ssyncadd.s32 $0xFFFFD800  }
0x2a: {  	[tilespmem:s17], [sflag:$0x1] =	stream.strided.gather [hbm4b:s5+s12], $0x2780, s13, s12, $0x38;
	[tilespmem:$0x4F80] =	vst v63  }
0x2b: {  	_ =	swait.ge [sflag:s14], $0x2780  }
0x2c: {  	[sflag:s14] =	ssyncset.done $0x0  }
0x2d: {  	s18 =	simm.s32 $0x0;
	s17 =	simm.s32 $0x40;
	[sflag:s14] =	ssyncadd.s32 $0xFFFFD880  }
.LBB2_6:
0x2e: {  	p0 =	sne.s32 s17, $0x9FC0;
	[tilespmem:s18+$0x2780] =	vst v0;
	s18 =	smov.u32 s17;
	s17 =	sadd.s32 $0x40, s17  }
.Ltmp2:
0x2f: {  	(pc) =	sbr.rel @p0 .LBB2_6-.Ltmp2, $2  }
0x30: {  	_ =	sdelay $0x2  }
0x31: {  	s18 =	sshra.s32 s18, $0x2  }
0x32: {  	[tilespmem:s18+$0x2780] =	vst v0;
	s18 =	simm.s32 $0x0;
	s17 =	simm.s32 $0x40  }
.LBB2_8:
0x33: {  	p0 =	sne.s32 s17, $0x9DC0;
	v2 =	vld [tilespmem:s18+$0x0];
	_ =	sdelay $0x3  }
.Ltmp3:
0x34: {  	(pc) =	sbr.rel @p0 .LBB2_8-.Ltmp3, $2  }
0x35: {  	_ =	sdelay $0x2  }
0x36: {  	s18 =	sshra.s32 s17, $0x2;
	s17 =	sadd.s32 $0x40, s17;
	[tilespmem:v2+s15+$0x0] =	vst.idx.add.f32.msk $0xffff, v1  }
0x37: {  	v2 =	vld [tilespmem:s18+$0x0];
	_ =	sdelay $0x7  }
0x38: {  	[tilespmem:v2+s15+$0x0] =	vst.idx.add.f32.msk $0xffff, v1  }
0x39: {  	[hbm4b:s6+s12] =	stream.strided.scatter [tilespmem:s15], [sflag:$0x1], $0x2800, s13, s12, $0x38;
	[tilespmem:$0x4F80] =	vst v63  }
0x3a: {  	_ =	swait.ge [sflag:s14], $0x2800  }
0x3b: {  	[sflag:s14] =	ssyncset.done $0x0  }
0x3c: {  	s17 =	simm.s32 $0x0;
	[sflag:s14] =	ssyncadd.s32 $0xFFFFD800  }
0x3d: {  	[tilespmem:s17], [sflag:$0x1] =	stream.strided.gather [hbm4b:s7+s12], $0x2780, s13, s12, $0x38;
	[tilespmem:$0x4F80] =	vst v63  }
0x3e: {  	_ =	swait.ge [sflag:s14], $0x2780  }
0x3f: {  	[sflag:s14] =	ssyncset.done $0x0  }
0x40: {  	s18 =	simm.s32 $0x0;
	s17 =	simm.s32 $0x40;
	[sflag:s14] =	ssyncadd.s32 $0xFFFFD880  }
.LBB2_10:
0x41: {  	p0 =	sne.s32 s17, $0x9FC0;
	[tilespmem:s18+$0x2780] =	vst v0;
	s18 =	smov.u32 s17;
	s17 =	sadd.s32 $0x40, s17  }
.Ltmp4:
0x42: {  	(pc) =	sbr.rel @p0 .LBB2_10-.Ltmp4, $2  }
0x43: {  	_ =	sdelay $0x2  }
0x44: {  	s18 =	sshra.s32 s18, $0x2  }
0x45: {  	[tilespmem:s18+$0x2780] =	vst v0;
	s18 =	simm.s32 $0x0;
	s17 =	simm.s32 $0x40  }
.LBB2_12:
0x46: {  	p0 =	sne.s32 s17, $0x9DC0;
	v2 =	vld [tilespmem:s18+$0x0];
	_ =	sdelay $0x3  }
.Ltmp5:
0x47: {  	(pc) =	sbr.rel @p0 .LBB2_12-.Ltmp5, $2  }
0x48: {  	_ =	sdelay $0x2  }
0x49: {  	s18 =	sshra.s32 s17, $0x2;
	s17 =	sadd.s32 $0x40, s17;
	[tilespmem:v2+s15+$0x0] =	vst.idx.add.f32.msk $0xffff, v1  }
0x4a: {  	v2 =	vld [tilespmem:s18+$0x0];
	_ =	sdelay $0x7  }
0x4b: {  	[tilespmem:v2+s15+$0x0] =	vst.idx.add.f32.msk $0xffff, v1  }
0x4c: {  	[hbm4b:s8+s12] =	stream.strided.scatter [tilespmem:s15], [sflag:$0x1], $0x2800, s13, s12, $0x38;
	[tilespmem:$0x4F80] =	vst v63  }
0x4d: {  	_ =	swait.ge [sflag:s14], $0x2800  }
0x4e: {  	[sflag:s14] =	ssyncset.done $0x0  }
0x4f: {  	s17 =	simm.s32 $0x0;
	[sflag:s14] =	ssyncadd.s32 $0xFFFFD800  }
0x50: {  	[tilespmem:s17], [sflag:$0x1] =	stream.strided.gather [hbm4b:s9+s12], $0x2780, s13, s12, $0x38;
	[tilespmem:$0x4F80] =	vst v63  }
0x51: {  	_ =	swait.ge [sflag:s14], $0x2780  }
0x52: {  	[sflag:s14] =	ssyncset.done $0x0  }
0x53: {  	s18 =	simm.s32 $0x0;
	s17 =	simm.s32 $0x40;
	[sflag:s14] =	ssyncadd.s32 $0xFFFFD880  }
.LBB2_14:
0x54: {  	p0 =	sne.s32 s17, $0x9FC0;
	[tilespmem:s18+$0x2780] =	vst v0;
	s18 =	smov.u32 s17;
	s17 =	sadd.s32 $0x40, s17  }
.Ltmp6:
0x55: {  	(pc) =	sbr.rel @p0 .LBB2_14-.Ltmp6, $2  }
0x56: {  	_ =	sdelay $0x2  }
0x57: {  	s18 =	sshra.s32 s18, $0x2  }
0x58: {  	[tilespmem:s18+$0x2780] =	vst v0;
	s18 =	simm.s32 $0x0;
	s17 =	simm.s32 $0x40  }
.LBB2_16:
0x59: {  	p0 =	sne.s32 s17, $0x9DC0;
	v2 =	vld [tilespmem:s18+$0x0];
	_ =	sdelay $0x3  }
.Ltmp7:
0x5a: {  	(pc) =	sbr.rel @p0 .LBB2_16-.Ltmp7, $2  }
0x5b: {  	_ =	sdelay $0x2  }
0x5c: {  	s18 =	sshra.s32 s17, $0x2;
	s17 =	sadd.s32 $0x40, s17;
	[tilespmem:v2+s15+$0x0] =	vst.idx.add.f32.msk $0xffff, v1  }
0x5d: {  	v2 =	vld [tilespmem:s18+$0x0];
	_ =	sdelay $0x5  }
0x5e: {  	s16 =	sadd.s32 $0x1, s16  }
0x5f: {  	p0 =	sne.s32 s16, s11  }
.Ltmp8:
0x60: {  	[tilespmem:v2+s15+$0x0] =	vst.idx.add.f32.msk $0xffff, v1;
	(pc) =	sbr.rel @p0 .LBB2_1-.Ltmp8, $4  }
0x61: {  	[hbm4b:s10+s12] =	stream.strided.scatter [tilespmem:s15], [sflag:$0x1], $0x2800, s13, s12, $0x38;
	[tilespmem:$0x4F80] =	vst v63  }
0x62: {  	_ =	swait.ge [sflag:s14], $0x2800  }
0x63: {  	[sflag:s14] =	ssyncset.done $0x0  }
0x64: {  	[sflag:s14] =	ssyncadd.s32 $0xFFFFD800  }
0x65: {  	_ =	sfence.sel $0x180000  }
0x66: {  	[bflag:$0x0] =	sbarrier.arrive $0xFFFF  }
0x67: {  	p0 =	sne.s32 s1, $0x0;
	_ =	strace $0x90000047  }
0x68: {  	s0 =	sadd.s32 @!p0 $0x100000, s0;
	[bflag:$0x2] =	sbarrier.arrive $0xFFFF  }
0x69: {  	[sflag:s0] =	ssyncadd.tile.s32 @!p0 $0x1;
	_ =	shalt  }
.Lfunc_end2:
_tile_overlayer_lowered:
.L_overlay_start_2:
0x6a: {  	(tag) =	ssettag $0x2  }
0x6b: {  	s0 =	rddreg [dreg:$0x0];
	s2 =	stileid.u32  }
0x6c: {  	s1 =	rddreg [dreg:$0x1];
	p0 =	sne.s32 s2, $0x0  }
0x6d: {  	s3 =	rddreg [dreg:$0x2];
	[bflag:$0x3] =	sbarrier.arrive $0xFFFF;
	s2 =	simm.s32 @!p0 $0x1C01  }
0x6e: {  	[timem:s3], [sflag:s2] =	dma.local @!p0 [hbm:s0], s1  }
0x6f: {  	s0 =	simm.s32 @!p0 $0x1  }
0x70: {  	_ =	swait.ge @!p0 [sflag:s0], s1  }
0x71: {  	s1 =	ssub.s32 @!p0 $0x0, s1;
	[sflag:s0] =	ssyncset.done @!p0 $0x0  }
0x72: {  	[sflag:s0] =	ssyncadd.s32 @!p0 s1  }
0x73: {  	[bflag:$0x3] =	sbarrier.arrive $0xFFFF  }
0x74: {  	_ =	shalt  }

</sc_bundles>
